<compile_context>
chip_gen: v7x
topology: tpu7x:2x2x1
jax: 0.10.2.dev20260603
libtpu: 0.0.44.dev20260713+nightly
codegen_flags: <defaults>
</compile_context>

<pallas_src>
import functools

import jax
import jax.numpy as jnp
from jax import lax
from jax.experimental import pallas as pl
from jax.experimental.pallas import tpu as pltpu
from jax.experimental.pallas import tpu_sc as plsc

_NC = 2
_NS = 16
_NW = _NC * _NS


@jax.jit
def _sc_embedding_gather(idx_grp, table_pad):
    nw, bpw, s = idx_grp.shape
    dp = table_pad.shape[1]
    mesh = plsc.VectorSubcoreMesh(core_axis_name="c", subcore_axis_name="s")

    @functools.partial(
        pl.kernel,
        out_type=jax.ShapeDtypeStruct((nw * bpw, s, dp), jnp.float32),
        mesh=mesh,
        scratch_types=[
            pltpu.VMEM((bpw, s), jnp.int32),
            pltpu.VMEM((s, dp), jnp.float32),
            pltpu.VMEM((s, dp), jnp.float32),
            pltpu.SemaphoreType.DMA,
        ],
    )
    def k(idx_hbm, table_hbm, out_hbm, idx_v, buf0, buf1, sem):
        wid = lax.axis_index("s") * _NC + lax.axis_index("c")
        base = wid * bpw
        pltpu.sync_copy(idx_hbm.at[wid], idx_v)
        bufs = (buf0, buf1)
        pending = pltpu.async_copy(table_hbm.at[idx_v.at[0]], buf0, sem)
        for c in range(bpw):
            cur = bufs[c % 2]
            pending.wait()
            if c + 1 < bpw:
                pending = pltpu.async_copy(
                    table_hbm.at[idx_v.at[c + 1]], bufs[(c + 1) % 2], sem
                )
            pltpu.sync_copy(cur, out_hbm.at[base + c])

    return k(idx_grp, table_pad)


def kernel(input, embedding_matrix):
    b, s = input.shape
    v, d = embedding_matrix.shape
    dp = (d + 127) // 128 * 128
    idx_grp = input.reshape(_NW, b // _NW, s).astype(jnp.int32)
    table_pad = jnp.pad(embedding_matrix, ((0, 0), (0, dp - d)))
    out = _sc_embedding_gather(idx_grp, table_pad)
    return out[:, :, :d]

# --- scband reference (transcript-rebuilt; emitter-appended) ---
"""Pipeline reference for scband-simple-bigram-model-12463995093251 (READ-ONLY COPY).

The authoritative reference and input builder live on the scoring server;
editing this copy changes nothing except your own understanding.
"""

import jax, jax.numpy as jnp
import numpy as np

EMBED_SIZE = 1000
BATCH = 1024
SEQ = 50

def setup_inputs(seed: int = 0) -> dict:
    key = jax.random.key(seed)
    k_idx, k_tab = jax.random.split(key)
    input_ids = jax.random.randint(k_idx, (BATCH, SEQ), 0, EMBED_SIZE, dtype=jnp.int64) if jax.config.jax_enable_x64 else jax.random.randint(k_idx, (BATCH, SEQ), 0, EMBED_SIZE, dtype=jnp.int32)
    embedding_matrix = jax.random.normal(k_tab, (EMBED_SIZE, EMBED_SIZE), dtype=jnp.float32)
    return {"input": input_ids, "embedding_matrix": embedding_matrix}

def reference(input, embedding_matrix):
    # SimpleBigramModel.forward with output=None: logits = embedding(input)
    logits = jnp.take(embedding_matrix, input, axis=0)
    return logits

if __name__ == "__main__":
    import jax
    _d = setup_inputs()
    print(jax.jit(kernel)(*tuple(_d.values())))

</pallas_src>

<mosaic_0001>
#map = affine_map<(d0, d1) -> (0, 0, 0)>
#map1 = affine_map<(d0, d1) -> (0, 0)>
module attributes {stable_mosaic.version = 14 : i64} {
  func.func @k(%arg0: i32, %arg1: i32, %arg2: memref<32x32x50xi32, #tpu.memory_space<hbm>>, %arg3: memref<1000x1024xf32, #tpu.memory_space<hbm>>, %arg4: memref<1024x50x1024xf32, #tpu.memory_space<hbm>>, %arg5: memref<32x50xi32, #tpu.memory_space<vmem>>, %arg6: memref<50x1024xf32, #tpu.memory_space<vmem>>, %arg7: memref<50x1024xf32, #tpu.memory_space<vmem>>, %arg8: memref<!tpu.dma_semaphore, #tpu.memory_space<semaphore_mem>>) attributes {dimension_semantics = [#tpu.dimension_semantics<core_parallel>, #tpu.dimension_semantics<subcore_parallel>], iteration_bounds = array<i64: 2, 16>, scalar_prefetch = 0 : i64, scratch_operands = 4 : i64, tpu.core_type = #tpu.core_type<sc_vector_subcore>, window_params = [{transform_indices = #map}, {transform_indices = #map1}, {transform_indices = #map}]} {
    %mul3A = arith.constant 2 : i32
    %mul3A_0 = arith.muli %arg1, %mul3A : i32
    %add3A = arith.addi %mul3A_0, %arg0 : i32
    %mul3A_1 = arith.constant 32 : i32
    %mul3A_2 = arith.muli %add3A, %mul3A_1 : i32
    "tpu.region"() ({
      %run_scoped3A = tpu.sem_alloc : memref<!tpu.dma_semaphore, #tpu.memory_space<semaphore_mem>>
      %dma_start3A_513 = arith.constant 0 : i32
      %dma_start3A_514 = arith.constant 0 : i32
      %dma_start3A_515 = tpu.memref_slice %arg2[%add3A, %dma_start3A_513, %dma_start3A_514] : memref<32x32x50xi32, #tpu.memory_space<hbm>> -> memref<1x32x50xi32, #tpu.memory_space<hbm>>
      %dma_start3A_516 = tpu.memref_squeeze %dma_start3A_515 : memref<1x32x50xi32, #tpu.memory_space<hbm>> -> memref<32x50xi32, #tpu.memory_space<hbm>>
      %dma_start3A_517 = arith.constant 0 : i32
      %dma_start3A_518 = arith.constant 0 : i32
      %dma_start3A_519 = tpu.memref_slice %arg2[%add3A, %dma_start3A_517, %dma_start3A_518] : memref<32x32x50xi32, #tpu.memory_space<hbm>> -> memref<1x32x50xi32, #tpu.memory_space<hbm>>
      %dma_start3A_520 = tpu.memref_squeeze %dma_start3A_519 : memref<1x32x50xi32, #tpu.memory_space<hbm>> -> memref<32x50xi32, #tpu.memory_space<hbm>>
      tpu.enqueue_dma source(%dma_start3A_520 : memref<32x50xi32, #tpu.memory_space<hbm>>) target(%arg5 : memref<32x50xi32, #tpu.memory_space<vmem>>) target_semaphore(%run_scoped3A : memref<!tpu.dma_semaphore, #tpu.memory_space<semaphore_mem>>)
      %dma_wait3A_521 = arith.constant 0 : i32
      %dma_wait3A_522 = arith.constant 0 : i32
      %dma_wait3A_523 = tpu.memref_slice %arg2[%add3A, %dma_wait3A_521, %dma_wait3A_522] : memref<32x32x50xi32, #tpu.memory_space<hbm>> -> memref<1x32x50xi32, #tpu.memory_space<hbm>>
      %dma_wait3A_524 = tpu.memref_squeeze %dma_wait3A_523 : memref<1x32x50xi32, #tpu.memory_space<hbm>> -> memref<32x50xi32, #tpu.memory_space<hbm>>
      %dma_wait3A_525 = arith.constant 0 : i32
      %dma_wait3A_526 = arith.constant 0 : i32
      %dma_wait3A_527 = tpu.memref_slice %arg2[%add3A, %dma_wait3A_525, %dma_wait3A_526] : memref<32x32x50xi32, #tpu.memory_space<hbm>> -> memref<1x32x50xi32, #tpu.memory_space<hbm>>
      %dma_wait3A_528 = tpu.memref_squeeze %dma_wait3A_527 : memref<1x32x50xi32, #tpu.memory_space<hbm>> -> memref<32x50xi32, #tpu.memory_space<hbm>>
      tpu.wait_dma2 semaphore(%run_scoped3A : memref<!tpu.dma_semaphore, #tpu.memory_space<semaphore_mem>>) src(%dma_wait3A_528 : memref<32x50xi32, #tpu.memory_space<hbm>>) dst(%arg5 : memref<32x50xi32, #tpu.memory_space<vmem>>)
      tpu.yield
    }) : () -> ()
    %dma_start3A = arith.constant 0 : i32
    %dma_start3A_3 = arith.constant 0 : i32
    %dma_start3A_4 = tpu.memref_slice %arg5[%dma_start3A, %dma_start3A_3] : memref<32x50xi32, #tpu.memory_space<vmem>> -> memref<1x50xi32, #tpu.memory_space<vmem>>
    %dma_start3A_5 = tpu.memref_squeeze %dma_start3A_4 : memref<1x50xi32, #tpu.memory_space<vmem>> -> memref<50xi32, #tpu.memory_space<vmem>>
    %dma_start3A_6 = arith.constant 0 : i32
    %dma_start3A_7 = arith.constant 0 : i32
    %dma_start3A_8 = tpu.memref_slice %arg3[%dma_start3A_6, %dma_start3A_7] : memref<1000x1024xf32, #tpu.memory_space<hbm>> -> memref<1000x1024xf32, #tpu.memory_space<hbm>>
    tpu.enqueue_indirect_dma source(%dma_start3A_8 : memref<1000x1024xf32, #tpu.memory_space<hbm>>) target(%arg6 : memref<50x1024xf32, #tpu.memory_space<vmem>>) offsets(%dma_start3A_5 : memref<50xi32, #tpu.memory_space<vmem>>) semaphore(%arg8 : memref<!tpu.dma_semaphore, #tpu.memory_space<semaphore_mem>>)
    %dma_wait3A = arith.constant 0 : i32
    %dma_wait3A_9 = arith.constant 0 : i32
    %dma_wait3A_10 = tpu.memref_slice %arg5[%dma_wait3A, %dma_wait3A_9] : memref<32x50xi32, #tpu.memory_space<vmem>> -> memref<1x50xi32, #tpu.memory_space<vmem>>
    %dma_wait3A_11 = tpu.memref_squeeze %dma_wait3A_10 : memref<1x50xi32, #tpu.memory_space<vmem>> -> memref<50xi32, #tpu.memory_space<vmem>>
    %dma_wait3A_12 = arith.constant 0 : i32
    %dma_wait3A_13 = arith.constant 0 : i32
    %dma_wait3A_14 = tpu.memref_slice %arg3[%dma_wait3A_12, %dma_wait3A_13] : memref<1000x1024xf32, #tpu.memory_space<hbm>> -> memref<1000x1024xf32, #tpu.memory_space<hbm>>
    tpu.wait_indirect_dma semaphore(%arg8 : memref<!tpu.dma_semaphore, #tpu.memory_space<semaphore_mem>>) src(%dma_wait3A_14 : memref<1000x1024xf32, #tpu.memory_space<hbm>>) dst(%arg6 : memref<50x1024xf32, #tpu.memory_space<vmem>>)
    %dma_start3A_15 = arith.constant 1 : i32
    %dma_start3A_16 = arith.constant 0 : i32
    %dma_start3A_17 = tpu.memref_slice %arg5[%dma_start3A_15, %dma_start3A_16] : memref<32x50xi32, #tpu.memory_space<vmem>> -> memref<1x50xi32, #tpu.memory_space<vmem>>
    %dma_start3A_18 = tpu.memref_squeeze %dma_start3A_17 : memref<1x50xi32, #tpu.memory_space<vmem>> -> memref<50xi32, #tpu.memory_space<vmem>>
    %dma_start3A_19 = arith.constant 0 : i32
    %dma_start3A_20 = arith.constant 0 : i32
    %dma_start3A_21 = tpu.memref_slice %arg3[%dma_start3A_19, %dma_start3A_20] : memref<1000x1024xf32, #tpu.memory_space<hbm>> -> memref<1000x1024xf32, #tpu.memory_space<hbm>>
    tpu.enqueue_indirect_dma source(%dma_start3A_21 : memref<1000x1024xf32, #tpu.memory_space<hbm>>) target(%arg7 : memref<50x1024xf32, #tpu.memory_space<vmem>>) offsets(%dma_start3A_18 : memref<50xi32, #tpu.memory_space<vmem>>) semaphore(%arg8 : memref<!tpu.dma_semaphore, #tpu.memory_space<semaphore_mem>>)
    %add3A_22 = arith.constant 0 : i32
    %add3A_23 = arith.addi %mul3A_2, %add3A_22 : i32
    "tpu.region"() ({
      %run_scoped3A = tpu.sem_alloc : memref<!tpu.dma_semaphore, #tpu.memory_space<semaphore_mem>>
      %dma_start3A_513 = arith.constant 0 : i32
      %dma_start3A_514 = arith.constant 0 : i32
      %dma_start3A_515 = tpu.memref_slice %arg4[%add3A_23, %dma_start3A_513, %dma_start3A_514] : memref<1024x50x1024xf32, #tpu.memory_space<hbm>> -> memref<1x50x1024xf32, #tpu.memory_space<hbm>>
      %dma_start3A_516 = tpu.memref_squeeze %dma_start3A_515 : memref<1x50x1024xf32, #tpu.memory_space<hbm>> -> memref<50x1024xf32, #tpu.memory_space<hbm>>
      %dma_start3A_517 = arith.constant 0 : i32
      %dma_start3A_518 = arith.constant 0 : i32
      %dma_start3A_519 = tpu.memref_slice %arg4[%add3A_23, %dma_start3A_517, %dma_start3A_518] : memref<1024x50x1024xf32, #tpu.memory_space<hbm>> -> memref<1x50x1024xf32, #tpu.memory_space<hbm>>
      %dma_start3A_520 = tpu.memref_squeeze %dma_start3A_519 : memref<1x50x1024xf32, #tpu.memory_space<hbm>> -> memref<50x1024xf32, #tpu.memory_space<hbm>>
      tpu.enqueue_dma source(%arg6 : memref<50x1024xf32, #tpu.memory_space<vmem>>) target(%dma_start3A_520 : memref<50x1024xf32, #tpu.memory_space<hbm>>) target_semaphore(%run_scoped3A : memref<!tpu.dma_semaphore, #tpu.memory_space<semaphore_mem>>)
      %dma_wait3A_521 = arith.constant 0 : i32
      %dma_wait3A_522 = arith.constant 0 : i32
      %dma_wait3A_523 = tpu.memref_slice %arg4[%add3A_23, %dma_wait3A_521, %dma_wait3A_522] : memref<1024x50x1024xf32, #tpu.memory_space<hbm>> -> memref<1x50x1024xf32, #tpu.memory_space<hbm>>
      %dma_wait3A_524 = tpu.memref_squeeze %dma_wait3A_523 : memref<1x50x1024xf32, #tpu.memory_space<hbm>> -> memref<50x1024xf32, #tpu.memory_space<hbm>>
      %dma_wait3A_525 = arith.constant 0 : i32
      %dma_wait3A_526 = arith.constant 0 : i32
      %dma_wait3A_527 = tpu.memref_slice %arg4[%add3A_23, %dma_wait3A_525, %dma_wait3A_526] : memref<1024x50x1024xf32, #tpu.memory_space<hbm>> -> memref<1x50x1024xf32, #tpu.memory_space<hbm>>
      %dma_wait3A_528 = tpu.memref_squeeze %dma_wait3A_527 : memref<1x50x1024xf32, #tpu.memory_space<hbm>> -> memref<50x1024xf32, #tpu.memory_space<hbm>>
      tpu.wait_dma2 semaphore(%run_scoped3A : memref<!tpu.dma_semaphore, #tpu.memory_space<semaphore_mem>>) src(%arg6 : memref<50x1024xf32, #tpu.memory_space<vmem>>) dst(%dma_wait3A_528 : memref<50x1024xf32, #tpu.memory_space<hbm>>)
      tpu.yield
    }) : () -> ()
    %dma_wait3A_24 = arith.constant 1 : i32
    %dma_wait3A_25 = arith.constant 0 : i32
    %dma_wait3A_26 = tpu.memref_slice %arg5[%dma_wait3A_24, %dma_wait3A_25] : memref<32x50xi32, #tpu.memory_space<vmem>> -> memref<1x50xi32, #tpu.memory_space<vmem>>
    %dma_wait3A_27 = tpu.memref_squeeze %dma_wait3A_26 : memref<1x50xi32, #tpu.memory_space<vmem>> -> memref<50xi32, #tpu.memory_space<vmem>>
    %dma_wait3A_28 = arith.constant 0 : i32
    %dma_wait3A_29 = arith.constant 0 : i32
    %dma_wait3A_30 = tpu.memref_slice %arg3[%dma_wait3A_28, %dma_wait3A_29] : memref<1000x1024xf32, #tpu.memory_space<hbm>> -> memref<1000x1024xf32, #tpu.memory_space<hbm>>
    tpu.wait_indirect_dma semaphore(%arg8 : memref<!tpu.dma_semaphore, #tpu.memory_space<semaphore_mem>>) src(%dma_wait3A_30 : memref<1000x1024xf32, #tpu.memory_space<hbm>>) dst(%arg7 : memref<50x1024xf32, #tpu.memory_space<vmem>>)
    %dma_start3A_31 = arith.constant 2 : i32
    %dma_start3A_32 = arith.constant 0 : i32
    %dma_start3A_33 = tpu.memref_slice %arg5[%dma_start3A_31, %dma_start3A_32] : memref<32x50xi32, #tpu.memory_space<vmem>> -> memref<1x50xi32, #tpu.memory_space<vmem>>
    %dma_start3A_34 = tpu.memref_squeeze %dma_start3A_33 : memref<1x50xi32, #tpu.memory_space<vmem>> -> memref<50xi32, #tpu.memory_space<vmem>>
    %dma_start3A_35 = arith.constant 0 : i32
    %dma_start3A_36 = arith.constant 0 : i32
    %dma_start3A_37 = tpu.memref_slice %arg3[%dma_start3A_35, %dma_start3A_36] : memref<1000x1024xf32, #tpu.memory_space<hbm>> -> memref<1000x1024xf32, #tpu.memory_space<hbm>>
    tpu.enqueue_indirect_dma source(%dma_start3A_37 : memref<1000x1024xf32, #tpu.memory_space<hbm>>) target(%arg6 : memref<50x1024xf32, #tpu.memory_space<vmem>>) offsets(%dma_start3A_34 : memref<50xi32, #tpu.memory_space<vmem>>) semaphore(%arg8 : memref<!tpu.dma_semaphore, #tpu.memory_space<semaphore_mem>>)
    %add3A_38 = arith.constant 1 : i32
    %add3A_39 = arith.addi %mul3A_2, %add3A_38 : i32
    "tpu.region"() ({
      %run_scoped3A = tpu.sem_alloc : memref<!tpu.dma_semaphore, #tpu.memory_space<semaphore_mem>>
      %dma_start3A_513 = arith.constant 0 : i32
      %dma_start3A_514 = arith.constant 0 : i32
      %dma_start3A_515 = tpu.memref_slice %arg4[%add3A_39, %dma_start3A_513, %dma_start3A_514] : memref<1024x50x1024xf32, #tpu.memory_space<hbm>> -> memref<1x50x1024xf32, #tpu.memory_space<hbm>>
      %dma_start3A_516 = tpu.memref_squeeze %dma_start3A_515 : memref<1x50x1024xf32, #tpu.memory_space<hbm>> -> memref<50x1024xf32, #tpu.memory_space<hbm>>
      %dma_start3A_517 = arith.constant 0 : i32
      %dma_start3A_518 = arith.constant 0 : i32
      %dma_start3A_519 = tpu.memref_slice %arg4[%add3A_39, %dma_start3A_517, %dma_start3A_518] : memref<1024x50x1024xf32, #tpu.memory_space<hbm>> -> memref<1x50x1024xf32, #tpu.memory_space<hbm>>
      %dma_start3A_520 = tpu.memref_squeeze %dma_start3A_519 : memref<1x50x1024xf32, #tpu.memory_space<hbm>> -> memref<50x1024xf32, #tpu.memory_space<hbm>>
      tpu.enqueue_dma source(%arg7 : memref<50x1024xf32, #tpu.memory_space<vmem>>) target(%dma_start3A_520 : memref<50x1024xf32, #tpu.memory_space<hbm>>) target_semaphore(%run_scoped3A : memref<!tpu.dma_semaphore, #tpu.memory_space<semaphore_mem>>)
      %dma_wait3A_521 = arith.constant 0 : i32
      %dma_wait3A_522 = arith.constant 0 : i32
      %dma_wait3A_523 = tpu.memref_slice %arg4[%add3A_39, %dma_wait3A_521, %dma_wait3A_522] : memref<1024x50x1024xf32, #tpu.memory_space<hbm>> -> memref<1x50x1024xf32, #tpu.memory_space<hbm>>
      %dma_wait3A_524 = tpu.memref_squeeze %dma_wait3A_523 : memref<1x50x1024xf32, #tpu.memory_space<hbm>> -> memref<50x1024xf32, #tpu.memory_space<hbm>>
      %dma_wait3A_525 = arith.constant 0 : i32
      %dma_wait3A_526 = arith.constant 0 : i32
      %dma_wait3A_527 = tpu.memref_slice %arg4[%add3A_39, %dma_wait3A_525, %dma_wait3A_526] : memref<1024x50x1024xf32, #tpu.memory_space<hbm>> -> memref<1x50x1024xf32, #tpu.memory_space<hbm>>
      %dma_wait3A_528 = tpu.memref_squeeze %dma_wait3A_527 : memref<1x50x1024xf32, #tpu.memory_space<hbm>> -> memref<50x1024xf32, #tpu.memory_space<hbm>>
      tpu.wait_dma2 semaphore(%run_scoped3A : memref<!tpu.dma_semaphore, #tpu.memory_space<semaphore_mem>>) src(%arg7 : memref<50x1024xf32, #tpu.memory_space<vmem>>) dst(%dma_wait3A_528 : memref<50x1024xf32, #tpu.memory_space<hbm>>)
      tpu.yield
    }) : () -> ()
    %dma_wait3A_40 = arith.constant 2 : i32
    %dma_wait3A_41 = arith.constant 0 : i32
    %dma_wait3A_42 = tpu.memref_slice %arg5[%dma_wait3A_40, %dma_wait3A_41] : memref<32x50xi32, #tpu.memory_space<vmem>> -> memref<1x50xi32, #tpu.memory_space<vmem>>
    %dma_wait3A_43 = tpu.memref_squeeze %dma_wait3A_42 : memref<1x50xi32, #tpu.memory_space<vmem>> -> memref<50xi32, #tpu.memory_space<vmem>>
    %dma_wait3A_44 = arith.constant 0 : i32
    %dma_wait3A_45 = arith.constant 0 : i32
    %dma_wait3A_46 = tpu.memref_slice %arg3[%dma_wait3A_44, %dma_wait3A_45] : memref<1000x1024xf32, #tpu.memory_space<hbm>> -> memref<1000x1024xf32, #tpu.memory_space<hbm>>
    tpu.wait_indirect_dma semaphore(%arg8 : memref<!tpu.dma_semaphore, #tpu.memory_space<semaphore_mem>>) src(%dma_wait3A_46 : memref<1000x1024xf32, #tpu.memory_space<hbm>>) dst(%arg6 : memref<50x1024xf32, #tpu.memory_space<vmem>>)
    %dma_start3A_47 = arith.constant 3 : i32
    %dma_start3A_48 = arith.constant 0 : i32
    %dma_start3A_49 = tpu.memref_slice %arg5[%dma_start3A_47, %dma_start3A_48] : memref<32x50xi32, #tpu.memory_space<vmem>> -> memref<1x50xi32, #tpu.memory_space<vmem>>
    %dma_start3A_50 = tpu.memref_squeeze %dma_start3A_49 : memref<1x50xi32, #tpu.memory_space<vmem>> -> memref<50xi32, #tpu.memory_space<vmem>>
    %dma_start3A_51 = arith.constant 0 : i32
    %dma_start3A_52 = arith.constant 0 : i32
    %dma_start3A_53 = tpu.memref_slice %arg3[%dma_start3A_51, %dma_start3A_52] : memref<1000x1024xf32, #tpu.memory_space<hbm>> -> memref<1000x1024xf32, #tpu.memory_space<hbm>>
    tpu.enqueue_indirect_dma source(%dma_start3A_53 : memref<1000x1024xf32, #tpu.memory_space<hbm>>) target(%arg7 : memref<50x1024xf32, #tpu.memory_space<vmem>>) offsets(%dma_start3A_50 : memref<50xi32, #tpu.memory_space<vmem>>) semaphore(%arg8 : memref<!tpu.dma_semaphore, #tpu.memory_space<semaphore_mem>>)
    %add3A_54 = arith.constant 2 : i32
    %add3A_55 = arith.addi %mul3A_2, %add3A_54 : i32
    "tpu.region"() ({
      %run_scoped3A = tpu.sem_alloc : memref<!tpu.dma_semaphore, #tpu.memory_space<semaphore_mem>>
      %dma_start3A_513 = arith.constant 0 : i32
      %dma_start3A_514 = arith.constant 0 : i32
      %dma_start3A_515 = tpu.memref_slice %arg4[%add3A_55, %dma_start3A_513, %dma_start3A_514] : memref<1024x50x1024xf32, #tpu.memory_space<hbm>> -> memref<1x50x1024xf32, #tpu.memory_space<hbm>>
      %dma_start3A_516 = tpu.memref_squeeze %dma_start3A_515 : memref<1x50x1024xf32, #tpu.memory_space<hbm>> -> memref<50x1024xf32, #tpu.memory_space<hbm>>
      %dma_start3A_517 = arith.constant 0 : i32
      %dma_start3A_518 = arith.constant 0 : i32
      %dma_start3A_519 = tpu.memref_slice %arg4[%add3A_55, %dma_start3A_517, %dma_start3A_518] : memref<1024x50x1024xf32, #tpu.memory_space<hbm>> -> memref<1x50x1024xf32, #tpu.memory_space<hbm>>
      %dma_start3A_520 = tpu.memref_squeeze %dma_start3A_519 : memref<1x50x1024xf32, #tpu.memory_space<hbm>> -> memref<50x1024xf32, #tpu.memory_space<hbm>>
      tpu.enqueue_dma source(%arg6 : memref<50x1024xf32, #tpu.memory_space<vmem>>) target(%dma_start3A_520 : memref<50x1024xf32, #tpu.memory_space<hbm>>) target_semaphore(%run_scoped3A : memref<!tpu.dma_semaphore, #tpu.memory_space<semaphore_mem>>)
      %dma_wait3A_521 = arith.constant 0 : i32
      %dma_wait3A_522 = arith.constant 0 : i32
      %dma_wait3A_523 = tpu.memref_slice %arg4[%add3A_55, %dma_wait3A_521, %dma_wait3A_522] : memref<1024x50x1024xf32, #tpu.memory_space<hbm>> -> memref<1x50x1024xf32, #tpu.memory_space<hbm>>
      %dma_wait3A_524 = tpu.memref_squeeze %dma_wait3A_523 : memref<1x50x1024xf32, #tpu.memory_space<hbm>> -> memref<50x1024xf32, #tpu.memory_space<hbm>>
      %dma_wait3A_525 = arith.constant 0 : i32
      %dma_wait3A_526 = arith.constant 0 : i32
      %dma_wait3A_527 = tpu.memref_slice %arg4[%add3A_55, %dma_wait3A_525, %dma_wait3A_526] : memref<1024x50x1024xf32, #tpu.memory_space<hbm>> -> memref<1x50x1024xf32, #tpu.memory_space<hbm>>
      %dma_wait3A_528 = tpu.memref_squeeze %dma_wait3A_527 : memref<1x50x1024xf32, #tpu.memory_space<hbm>> -> memref<50x1024xf32, #tpu.memory_space<hbm>>
      tpu.wait_dma2 semaphore(%run_scoped3A : memref<!tpu.dma_semaphore, #tpu.memory_space<semaphore_mem>>) src(%arg6 : memref<50x1024xf32, #tpu.memory_space<vmem>>) dst(%dma_wait3A_528 : memref<50x1024xf32, #tpu.memory_space<hbm>>)
      tpu.yield
    }) : () -> ()
    %dma_wait3A_56 = arith.constant 3 : i32
    %dma_wait3A_57 = arith.constant 0 : i32
    %dma_wait3A_58 = tpu.memref_slice %arg5[%dma_wait3A_56, %dma_wait3A_57] : memref<32x50xi32, #tpu.memory_space<vmem>> -> memref<1x50xi32, #tpu.memory_space<vmem>>
    %dma_wait3A_59 = tpu.memref_squeeze %dma_wait3A_58 : memref<1x50xi32, #tpu.memory_space<vmem>> -> memref<50xi32, #tpu.memory_space<vmem>>
    %dma_wait3A_60 = arith.constant 0 : i32
    %dma_wait3A_61 = arith.constant 0 : i32
    %dma_wait3A_62 = tpu.memref_slice %arg3[%dma_wait3A_60, %dma_wait3A_61] : memref<1000x1024xf32, #tpu.memory_space<hbm>> -> memref<1000x1024xf32, #tpu.memory_space<hbm>>
    tpu.wait_indirect_dma semaphore(%arg8 : memref<!tpu.dma_semaphore, #tpu.memory_space<semaphore_mem>>) src(%dma_wait3A_62 : memref<1000x1024xf32, #tpu.memory_space<hbm>>) dst(%arg7 : memref<50x1024xf32, #tpu.memory_space<vmem>>)
    %dma_start3A_63 = arith.constant 4 : i32
    %dma_start3A_64 = arith.constant 0 : i32
    %dma_start3A_65 = tpu.memref_slice %arg5[%dma_start3A_63, %dma_start3A_64] : memref<32x50xi32, #tpu.memory_space<vmem>> -> memref<1x50xi32, #tpu.memory_space<vmem>>
    %dma_start3A_66 = tpu.memref_squeeze %dma_start3A_65 : memref<1x50xi32, #tpu.memory_space<vmem>> -> memref<50xi32, #tpu.memory_space<vmem>>
    %dma_start3A_67 = arith.constant 0 : i32
    %dma_start3A_68 = arith.constant 0 : i32
    %dma_start3A_69 = tpu.memref_slice %arg3[%dma_start3A_67, %dma_start3A_68] : memref<1000x1024xf32, #tpu.memory_space<hbm>> -> memref<1000x1024xf32, #tpu.memory_space<hbm>>
    tpu.enqueue_indirect_dma source(%dma_start3A_69 : memref<1000x1024xf32, #tpu.memory_space<hbm>>) target(%arg6 : memref<50x1024xf32, #tpu.memory_space<vmem>>) offsets(%dma_start3A_66 : memref<50xi32, #tpu.memory_space<vmem>>) semaphore(%arg8 : memref<!tpu.dma_semaphore, #tpu.memory_space<semaphore_mem>>)
    %add3A_70 = arith.constant 3 : i32
    %add3A_71 = arith.addi %mul3A_2, %add3A_70 : i32
    "tpu.region"() ({
      %run_scoped3A = tpu.sem_alloc : memref<!tpu.dma_semaphore, #tpu.memory_space<semaphore_mem>>
      %dma_start3A_513 = arith.constant 0 : i32
      %dma_start3A_514 = arith.constant 0 : i32
      %dma_start3A_515 = tpu.memref_slice %arg4[%add3A_71, %dma_start3A_513, %dma_start3A_514] : memref<1024x50x1024xf32, #tpu.memory_space<hbm>> -> memref<1x50x1024xf32, #tpu.memory_space<hbm>>
      %dma_start3A_516 = tpu.memref_squeeze %dma_start3A_515 : memref<1x50x1024xf32, #tpu.memory_space<hbm>> -> memref<50x1024xf32, #tpu.memory_space<hbm>>
      %dma_start3A_517 = arith.constant 0 : i32
      %dma_start3A_518 = arith.constant 0 : i32
      %dma_start3A_519 = tpu.memref_slice %arg4[%add3A_71, %dma_start3A_517, %dma_start3A_518] : memref<1024x50x1024xf32, #tpu.memory_space<hbm>> -> memref<1x50x1024xf32, #tpu.memory_space<hbm>>
      %dma_start3A_520 = tpu.memref_squeeze %dma_start3A_519 : memref<1x50x1024xf32, #tpu.memory_space<hbm>> -> memref<50x1024xf32, #tpu.memory_space<hbm>>
      tpu.enqueue_dma source(%arg7 : memref<50x1024xf32, #tpu.memory_space<vmem>>) target(%dma_start3A_520 : memref<50x1024xf32, #tpu.memory_space<hbm>>) target_semaphore(%run_scoped3A : memref<!tpu.dma_semaphore, #tpu.memory_space<semaphore_mem>>)
      %dma_wait3A_521 = arith.constant 0 : i32
      %dma_wait3A_522 = arith.constant 0 : i32
      %dma_wait3A_523 = tpu.memref_slice %arg4[%add3A_71, %dma_wait3A_521, %dma_wait3A_522] : memref<1024x50x1024xf32, #tpu.memory_space<hbm>> -> memref<1x50x1024xf32, #tpu.memory_space<hbm>>
      %dma_wait3A_524 = tpu.memref_squeeze %dma_wait3A_523 : memref<1x50x1024xf32, #tpu.memory_space<hbm>> -> memref<50x1024xf32, #tpu.memory_space<hbm>>
      %dma_wait3A_525 = arith.constant 0 : i32
      %dma_wait3A_526 = arith.constant 0 : i32
      %dma_wait3A_527 = tpu.memref_slice %arg4[%add3A_71, %dma_wait3A_525, %dma_wait3A_526] : memref<1024x50x1024xf32, #tpu.memory_space<hbm>> -> memref<1x50x1024xf32, #tpu.memory_space<hbm>>
      %dma_wait3A_528 = tpu.memref_squeeze %dma_wait3A_527 : memref<1x50x1024xf32, #tpu.memory_space<hbm>> -> memref<50x1024xf32, #tpu.memory_space<hbm>>
      tpu.wait_dma2 semaphore(%run_scoped3A : memref<!tpu.dma_semaphore, #tpu.memory_space<semaphore_mem>>) src(%arg7 : memref<50x1024xf32, #tpu.memory_space<vmem>>) dst(%dma_wait3A_528 : memref<50x1024xf32, #tpu.memory_space<hbm>>)
      tpu.yield
    }) : () -> ()
    %dma_wait3A_72 = arith.constant 4 : i32
    %dma_wait3A_73 = arith.constant 0 : i32
    %dma_wait3A_74 = tpu.memref_slice %arg5[%dma_wait3A_72, %dma_wait3A_73] : memref<32x50xi32, #tpu.memory_space<vmem>> -> memref<1x50xi32, #tpu.memory_space<vmem>>
    %dma_wait3A_75 = tpu.memref_squeeze %dma_wait3A_74 : memref<1x50xi32, #tpu.memory_space<vmem>> -> memref<50xi32, #tpu.memory_space<vmem>>
    %dma_wait3A_76 = arith.constant 0 : i32
    %dma_wait3A_77 = arith.constant 0 : i32
    %dma_wait3A_78 = tpu.memref_slice %arg3[%dma_wait3A_76, %dma_wait3A_77] : memref<1000x1024xf32, #tpu.memory_space<hbm>> -> memref<1000x1024xf32, #tpu.memory_space<hbm>>
    tpu.wait_indirect_dma semaphore(%arg8 : memref<!tpu.dma_semaphore, #tpu.memory_space<semaphore_mem>>) src(%dma_wait3A_78 : memref<1000x1024xf32, #tpu.memory_space<hbm>>) dst(%arg6 : memref<50x1024xf32, #tpu.memory_space<vmem>>)
    %dma_start3A_79 = arith.constant 5 : i32
    %dma_start3A_80 = arith.constant 0 : i32
    %dma_start3A_81 = tpu.memref_slice %arg5[%dma_start3A_79, %dma_start3A_80] : memref<32x50xi32, #tpu.memory_space<vmem>> -> memref<1x50xi32, #tpu.memory_space<vmem>>
    %dma_start3A_82 = tpu.memref_squeeze %dma_start3A_81 : memref<1x50xi32, #tpu.memory_space<vmem>> -> memref<50xi32, #tpu.memory_space<vmem>>
    %dma_start3A_83 = arith.constant 0 : i32
    %dma_start3A_84 = arith.constant 0 : i32
    %dma_start3A_85 = tpu.memref_slice %arg3[%dma_start3A_83, %dma_start3A_84] : memref<1000x1024xf32, #tpu.memory_space<hbm>> -> memref<1000x1024xf32, #tpu.memory_space<hbm>>
    tpu.enqueue_indirect_dma source(%dma_start3A_85 : memref<1000x1024xf32, #tpu.memory_space<hbm>>) target(%arg7 : memref<50x1024xf32, #tpu.memory_space<vmem>>) offsets(%dma_start3A_82 : memref<50xi32, #tpu.memory_space<vmem>>) semaphore(%arg8 : memref<!tpu.dma_semaphore, #tpu.memory_space<semaphore_mem>>)
    %add3A_86 = arith.constant 4 : i32
    %add3A_87 = arith.addi %mul3A_2, %add3A_86 : i32
    "tpu.region"() ({
      %run_scoped3A = tpu.sem_alloc : memref<!tpu.dma_semaphore, #tpu.memory_space<semaphore_mem>>
      %dma_start3A_513 = arith.constant 0 : i32
      %dma_start3A_514 = arith.constant 0 : i32
      %dma_start3A_515 = tpu.memref_slice %arg4[%add3A_87, %dma_start3A_513, %dma_start3A_514] : memref<1024x50x1024xf32, #tpu.memory_space<hbm>> -> memref<1x50x1024xf32, #tpu.memory_space<hbm>>
      %dma_start3A_516 = tpu.memref_squeeze %dma_start3A_515 : memref<1x50x1024xf32, #tpu.memory_space<hbm>> -> memref<50x1024xf32, #tpu.memory_space<hbm>>
      %dma_start3A_517 = arith.constant 0 : i32
      %dma_start3A_518 = arith.constant 0 : i32
      %dma_start3A_519 = tpu.memref_slice %arg4[%add3A_87, %dma_start3A_517, %dma_start3A_518] : memref<1024x50x1024xf32, #tpu.memory_space<hbm>> -> memref<1x50x1024xf32, #tpu.memory_space<hbm>>
      %dma_start3A_520 = tpu.memref_squeeze %dma_start3A_519 : memref<1x50x1024xf32, #tpu.memory_space<hbm>> -> memref<50x1024xf32, #tpu.memory_space<hbm>>
      tpu.enqueue_dma source(%arg6 : memref<50x1024xf32, #tpu.memory_space<vmem>>) target(%dma_start3A_520 : memref<50x1024xf32, #tpu.memory_space<hbm>>) target_semaphore(%run_scoped3A : memref<!tpu.dma_semaphore, #tpu.memory_space<semaphore_mem>>)
      %dma_wait3A_521 = arith.constant 0 : i32
      %dma_wait3A_522 = arith.constant 0 : i32
      %dma_wait3A_523 = tpu.memref_slice %arg4[%add3A_87, %dma_wait3A_521, %dma_wait3A_522] : memref<1024x50x1024xf32, #tpu.memory_space<hbm>> -> memref<1x50x1024xf32, #tpu.memory_space<hbm>>
      %dma_wait3A_524 = tpu.memref_squeeze %dma_wait3A_523 : memref<1x50x1024xf32, #tpu.memory_space<hbm>> -> memref<50x1024xf32, #tpu.memory_space<hbm>>
      %dma_wait3A_525 = arith.constant 0 : i32
      %dma_wait3A_526 = arith.constant 0 : i32
      %dma_wait3A_527 = tpu.memref_slice %arg4[%add3A_87, %dma_wait3A_525, %dma_wait3A_526] : memref<1024x50x1024xf32, #tpu.memory_space<hbm>> -> memref<1x50x1024xf32, #tpu.memory_space<hbm>>
      %dma_wait3A_528 = tpu.memref_squeeze %dma_wait3A_527 : memref<1x50x1024xf32, #tpu.memory_space<hbm>> -> memref<50x1024xf32, #tpu.memory_space<hbm>>
      tpu.wait_dma2 semaphore(%run_scoped3A : memref<!tpu.dma_semaphore, #tpu.memory_space<semaphore_mem>>) src(%arg6 : memref<50x1024xf32, #tpu.memory_space<vmem>>) dst(%dma_wait3A_528 : memref<50x1024xf32, #tpu.memory_space<hbm>>)
      tpu.yield
    }) : () -> ()
    %dma_wait3A_88 = arith.constant 5 : i32
    %dma_wait3A_89 = arith.constant 0 : i32
    %dma_wait3A_90 = tpu.memref_slice %arg5[%dma_wait3A_88, %dma_wait3A_89] : memref<32x50xi32, #tpu.memory_space<vmem>> -> memref<1x50xi32, #tpu.memory_space<vmem>>
    %dma_wait3A_91 = tpu.memref_squeeze %dma_wait3A_90 : memref<1x50xi32, #tpu.memory_space<vmem>> -> memref<50xi32, #tpu.memory_space<vmem>>
    %dma_wait3A_92 = arith.constant 0 : i32
    %dma_wait3A_93 = arith.constant 0 : i32
    %dma_wait3A_94 = tpu.memref_slice %arg3[%dma_wait3A_92, %dma_wait3A_93] : memref<1000x1024xf32, #tpu.memory_space<hbm>> -> memref<1000x1024xf32, #tpu.memory_space<hbm>>
    tpu.wait_indirect_dma semaphore(%arg8 : memref<!tpu.dma_semaphore, #tpu.memory_space<semaphore_mem>>) src(%dma_wait3A_94 : memref<1000x1024xf32, #tpu.memory_space<hbm>>) dst(%arg7 : memref<50x1024xf32, #tpu.memory_space<vmem>>)
    %dma_start3A_95 = arith.constant 6 : i32
    %dma_start3A_96 = arith.constant 0 : i32
    %dma_start3A_97 = tpu.memref_slice %arg5[%dma_start3A_95, %dma_start3A_96] : memref<32x50xi32, #tpu.memory_space<vmem>> -> memref<1x50xi32, #tpu.memory_space<vmem>>
    %dma_start3A_98 = tpu.memref_squeeze %dma_start3A_97 : memref<1x50xi32, #tpu.memory_space<vmem>> -> memref<50xi32, #tpu.memory_space<vmem>>
    %dma_start3A_99 = arith.constant 0 : i32
    %dma_start3A_100 = arith.constant 0 : i32
    %dma_start3A_101 = tpu.memref_slice %arg3[%dma_start3A_99, %dma_start3A_100] : memref<1000x1024xf32, #tpu.memory_space<hbm>> -> memref<1000x1024xf32, #tpu.memory_space<hbm>>
    tpu.enqueue_indirect_dma source(%dma_start3A_101 : memref<1000x1024xf32, #tpu.memory_space<hbm>>) target(%arg6 : memref<50x1024xf32, #tpu.memory_space<vmem>>) offsets(%dma_start3A_98 : memref<50xi32, #tpu.memory_space<vmem>>) semaphore(%arg8 : memref<!tpu.dma_semaphore, #tpu.memory_space<semaphore_mem>>)
    %add3A_102 = arith.constant 5 : i32
    %add3A_103 = arith.addi %mul3A_2, %add3A_102 : i32
    "tpu.region"() ({
      %run_scoped3A = tpu.sem_alloc : memref<!tpu.dma_semaphore, #tpu.memory_space<semaphore_mem>>
      %dma_start3A_513 = arith.constant 0 : i32
      %dma_start3A_514 = arith.constant 0 : i32
      %dma_start3A_515 = tpu.memref_slice %arg4[%add3A_103, %dma_start3A_513, %dma_start3A_514] : memref<1024x50x1024xf32, #tpu.memory_space<hbm>> -> memref<1x50x1024xf32, #tpu.memory_space<hbm>>
      %dma_start3A_516 = tpu.memref_squeeze %dma_start3A_515 : memref<1x50x1024xf32, #tpu.memory_space<hbm>> -> memref<50x1024xf32, #tpu.memory_space<hbm>>
      %dma_start3A_517 = arith.constant 0 : i32
      %dma_start3A_518 = arith.constant 0 : i32
      %dma_start3A_519 = tpu.memref_slice %arg4[%add3A_103, %dma_start3A_517, %dma_start3A_518] : memref<1024x50x1024xf32, #tpu.memory_space<hbm>> -> memref<1x50x1024xf32, #tpu.memory_space<hbm>>
      %dma_start3A_520 = tpu.memref_squeeze %dma_start3A_519 : memref<1x50x1024xf32, #tpu.memory_space<hbm>> -> memref<50x1024xf32, #tpu.memory_space<hbm>>
      tpu.enqueue_dma source(%arg7 : memref<50x1024xf32, #tpu.memory_space<vmem>>) target(%dma_start3A_520 : memref<50x1024xf32, #tpu.memory_space<hbm>>) target_semaphore(%run_scoped3A : memref<!tpu.dma_semaphore, #tpu.memory_space<semaphore_mem>>)
      %dma_wait3A_521 = arith.constant 0 : i32
      %dma_wait3A_522 = arith.constant 0 : i32
      %dma_wait3A_523 = tpu.memref_slice %arg4[%add3A_103, %dma_wait3A_521, %dma_wait3A_522] : memref<1024x50x1024xf32, #tpu.memory_space<hbm>> -> memref<1x50x1024xf32, #tpu.memory_space<hbm>>
      %dma_wait3A_524 = tpu.memref_squeeze %dma_wait3A_523 : memref<1x50x1024xf32, #tpu.memory_space<hbm>> -> memref<50x1024xf32, #tpu.memory_space<hbm>>
      %dma_wait3A_525 = arith.constant 0 : i32
      %dma_wait3A_526 = arith.constant 0 : i32
      %dma_wait3A_527 = tpu.memref_slice %arg4[%add3A_103, %dma_wait3A_525, %dma_wait3A_526] : memref<1024x50x1024xf32, #tpu.memory_space<hbm>> -> memref<1x50x1024xf32, #tpu.memory_space<hbm>>
      %dma_wait3A_528 = tpu.memref_squeeze %dma_wait3A_527 : memref<1x50x1024xf32, #tpu.memory_space<hbm>> -> memref<50x1024xf32, #tpu.memory_space<hbm>>
      tpu.wait_dma2 semaphore(%run_scoped3A : memref<!tpu.dma_semaphore, #tpu.memory_space<semaphore_mem>>) src(%arg7 : memref<50x1024xf32, #tpu.memory_space<vmem>>) dst(%dma_wait3A_528 : memref<50x1024xf32, #tpu.memory_space<hbm>>)
      tpu.yield
    }) : () -> ()
    %dma_wait3A_104 = arith.constant 6 : i32
    %dma_wait3A_105 = arith.constant 0 : i32
    %dma_wait3A_106 = tpu.memref_slice %arg5[%dma_wait3A_104, %dma_wait3A_105] : memref<32x50xi32, #tpu.memory_space<vmem>> -> memref<1x50xi32, #tpu.memory_space<vmem>>
    %dma_wait3A_107 = tpu.memref_squeeze %dma_wait3A_106 : memref<1x50xi32, #tpu.memory_space<vmem>> -> memref<50xi32, #tpu.memory_space<vmem>>
    %dma_wait3A_108 = arith.constant 0 : i32
    %dma_wait3A_109 = arith.constant 0 : i32
    %dma_wait3A_110 = tpu.memref_slice %arg3[%dma_wait3A_108, %dma_wait3A_109] : memref<1000x1024xf32, #tpu.memory_space<hbm>> -> memref<1000x1024xf32, #tpu.memory_space<hbm>>
    tpu.wait_indirect_dma semaphore(%arg8 : memref<!tpu.dma_semaphore, #tpu.memory_space<semaphore_mem>>) src(%dma_wait3A_110 : memref<1000x1024xf32, #tpu.memory_space<hbm>>) dst(%arg6 : memref<50x1024xf32, #tpu.memory_space<vmem>>)
    %dma_start3A_111 = arith.constant 7 : i32
    %dma_start3A_112 = arith.constant 0 : i32
    %dma_start3A_113 = tpu.memref_slice %arg5[%dma_start3A_111, %dma_start3A_112] : memref<32x50xi32, #tpu.memory_space<vmem>> -> memref<1x50xi32, #tpu.memory_space<vmem>>
    %dma_start3A_114 = tpu.memref_squeeze %dma_start3A_113 : memref<1x50xi32, #tpu.memory_space<vmem>> -> memref<50xi32, #tpu.memory_space<vmem>>
    %dma_start3A_115 = arith.constant 0 : i32
    %dma_start3A_116 = arith.constant 0 : i32
    %dma_start3A_117 = tpu.memref_slice %arg3[%dma_start3A_115, %dma_start3A_116] : memref<1000x1024xf32, #tpu.memory_space<hbm>> -> memref<1000x1024xf32, #tpu.memory_space<hbm>>
    tpu.enqueue_indirect_dma source(%dma_start3A_117 : memref<1000x1024xf32, #tpu.memory_space<hbm>>) target(%arg7 : memref<50x1024xf32, #tpu.memory_space<vmem>>) offsets(%dma_start3A_114 : memref<50xi32, #tpu.memory_space<vmem>>) semaphore(%arg8 : memref<!tpu.dma_semaphore, #tpu.memory_space<semaphore_mem>>)
    %add3A_118 = arith.constant 6 : i32
    %add3A_119 = arith.addi %mul3A_2, %add3A_118 : i32
    "tpu.region"() ({
      %run_scoped3A = tpu.sem_alloc : memref<!tpu.dma_semaphore, #tpu.memory_space<semaphore_mem>>
      %dma_start3A_513 = arith.constant 0 : i32
      %dma_start3A_514 = arith.constant 0 : i32
      %dma_start3A_515 = tpu.memref_slice %arg4[%add3A_119, %dma_start3A_513, %dma_start3A_514] : memref<1024x50x1024xf32, #tpu.memory_space<hbm>> -> memref<1x50x1024xf32, #tpu.memory_space<hbm>>
      %dma_start3A_516 = tpu.memref_squeeze %dma_start3A_515 : memref<1x50x1024xf32, #tpu.memory_space<hbm>> -> memref<50x1024xf32, #tpu.memory_space<hbm>>
      %dma_start3A_517 = arith.constant 0 : i32
      %dma_start3A_518 = arith.constant 0 : i32
      %dma_start3A_519 = tpu.memref_slice %arg4[%add3A_119, %dma_start3A_517, %dma_start3A_518] : memref<1024x50x1024xf32, #tpu.memory_space<hbm>> -> memref<1x50x1024xf32, #tpu.memory_space<hbm>>
      %dma_start3A_520 = tpu.memref_squeeze %dma_start3A_519 : memref<1x50x1024xf32, #tpu.memory_space<hbm>> -> memref<50x1024xf32, #tpu.memory_space<hbm>>
      tpu.enqueue_dma source(%arg6 : memref<50x1024xf32, #tpu.memory_space<vmem>>) target(%dma_start3A_520 : memref<50x1024xf32, #tpu.memory_space<hbm>>) target_semaphore(%run_scoped3A : memref<!tpu.dma_semaphore, #tpu.memory_space<semaphore_mem>>)
      %dma_wait3A_521 = arith.constant 0 : i32
      %dma_wait3A_522 = arith.constant 0 : i32
      %dma_wait3A_523 = tpu.memref_slice %arg4[%add3A_119, %dma_wait3A_521, %dma_wait3A_522] : memref<1024x50x1024xf32, #tpu.memory_space<hbm>> -> memref<1x50x1024xf32, #tpu.memory_space<hbm>>
      %dma_wait3A_524 = tpu.memref_squeeze %dma_wait3A_523 : memref<1x50x1024xf32, #tpu.memory_space<hbm>> -> memref<50x1024xf32, #tpu.memory_space<hbm>>
      %dma_wait3A_525 = arith.constant 0 : i32
      %dma_wait3A_526 = arith.constant 0 : i32
      %dma_wait3A_527 = tpu.memref_slice %arg4[%add3A_119, %dma_wait3A_525, %dma_wait3A_526] : memref<1024x50x1024xf32, #tpu.memory_space<hbm>> -> memref<1x50x1024xf32, #tpu.memory_space<hbm>>
      %dma_wait3A_528 = tpu.memref_squeeze %dma_wait3A_527 : memref<1x50x1024xf32, #tpu.memory_space<hbm>> -> memref<50x1024xf32, #tpu.memory_space<hbm>>
      tpu.wait_dma2 semaphore(%run_scoped3A : memref<!tpu.dma_semaphore, #tpu.memory_space<semaphore_mem>>) src(%arg6 : memref<50x1024xf32, #tpu.memory_space<vmem>>) dst(%dma_wait3A_528 : memref<50x1024xf32, #tpu.memory_space<hbm>>)
      tpu.yield
    }) : () -> ()
    %dma_wait3A_120 = arith.constant 7 : i32
    %dma_wait3A_121 = arith.constant 0 : i32
    %dma_wait3A_122 = tpu.memref_slice %arg5[%dma_wait3A_120, %dma_wait3A_121] : memref<32x50xi32, #tpu.memory_space<vmem>> -> memref<1x50xi32, #tpu.memory_space<vmem>>
    %dma_wait3A_123 = tpu.memref_squeeze %dma_wait3A_122 : memref<1x50xi32, #tpu.memory_space<vmem>> -> memref<50xi32, #tpu.memory_space<vmem>>
    %dma_wait3A_124 = arith.constant 0 : i32
    %dma_wait3A_125 = arith.constant 0 : i32
    %dma_wait3A_126 = tpu.memref_slice %arg3[%dma_wait3A_124, %dma_wait3A_125] : memref<1000x1024xf32, #tpu.memory_space<hbm>> -> memref<1000x1024xf32, #tpu.memory_space<hbm>>
    tpu.wait_indirect_dma semaphore(%arg8 : memref<!tpu.dma_semaphore, #tpu.memory_space<semaphore_mem>>) src(%dma_wait3A_126 : memref<1000x1024xf32, #tpu.memory_space<hbm>>) dst(%arg7 : memref<50x1024xf32, #tpu.memory_space<vmem>>)
    %dma_start3A_127 = arith.constant 8 : i32
    %dma_start3A_128 = arith.constant 0 : i32
    %dma_start3A_129 = tpu.memref_slice %arg5[%dma_start3A_127, %dma_start3A_128] : memref<32x50xi32, #tpu.memory_space<vmem>> -> memref<1x50xi32, #tpu.memory_space<vmem>>
    %dma_start3A_130 = tpu.memref_squeeze %dma_start3A_129 : memref<1x50xi32, #tpu.memory_space<vmem>> -> memref<50xi32, #tpu.memory_space<vmem>>
    %dma_start3A_131 = arith.constant 0 : i32
    %dma_start3A_132 = arith.constant 0 : i32
    %dma_start3A_133 = tpu.memref_slice %arg3[%dma_start3A_131, %dma_start3A_132] : memref<1000x1024xf32, #tpu.memory_space<hbm>> -> memref<1000x1024xf32, #tpu.memory_space<hbm>>
    tpu.enqueue_indirect_dma source(%dma_start3A_133 : memref<1000x1024xf32, #tpu.memory_space<hbm>>) target(%arg6 : memref<50x1024xf32, #tpu.memory_space<vmem>>) offsets(%dma_start3A_130 : memref<50xi32, #tpu.memory_space<vmem>>) semaphore(%arg8 : memref<!tpu.dma_semaphore, #tpu.memory_space<semaphore_mem>>)
    %add3A_134 = arith.constant 7 : i32
    %add3A_135 = arith.addi %mul3A_2, %add3A_134 : i32
    "tpu.region"() ({
      %run_scoped3A = tpu.sem_alloc : memref<!tpu.dma_semaphore, #tpu.memory_space<semaphore_mem>>
      %dma_start3A_513 = arith.constant 0 : i32
      %dma_start3A_514 = arith.constant 0 : i32
      %dma_start3A_515 = tpu.memref_slice %arg4[%add3A_135, %dma_start3A_513, %dma_start3A_514] : memref<1024x50x1024xf32, #tpu.memory_space<hbm>> -> memref<1x50x1024xf32, #tpu.memory_space<hbm>>
      %dma_start3A_516 = tpu.memref_squeeze %dma_start3A_515 : memref<1x50x1024xf32, #tpu.memory_space<hbm>> -> memref<50x1024xf32, #tpu.memory_space<hbm>>
      %dma_start3A_517 = arith.constant 0 : i32
      %dma_start3A_518 = arith.constant 0 : i32
      %dma_start3A_519 = tpu.memref_slice %arg4[%add3A_135, %dma_start3A_517, %dma_start3A_518] : memref<1024x50x1024xf32, #tpu.memory_space<hbm>> -> memref<1x50x1024xf32, #tpu.memory_space<hbm>>
      %dma_start3A_520 = tpu.memref_squeeze %dma_start3A_519 : memref<1x50x1024xf32, #tpu.memory_space<hbm>> -> memref<50x1024xf32, #tpu.memory_space<hbm>>
      tpu.enqueue_dma source(%arg7 : memref<50x1024xf32, #tpu.memory_space<vmem>>) target(%dma_start3A_520 : memref<50x1024xf32, #tpu.memory_space<hbm>>) target_semaphore(%run_scoped3A : memref<!tpu.dma_semaphore, #tpu.memory_space<semaphore_mem>>)
      %dma_wait3A_521 = arith.constant 0 : i32
      %dma_wait3A_522 = arith.constant 0 : i32
      %dma_wait3A_523 = tpu.memref_slice %arg4[%add3A_135, %dma_wait3A_521, %dma_wait3A_522] : memref<1024x50x1024xf32, #tpu.memory_space<hbm>> -> memref<1x50x1024xf32, #tpu.memory_space<hbm>>
      %dma_wait3A_524 = tpu.memref_squeeze %dma_wait3A_523 : memref<1x50x1024xf32, #tpu.memory_space<hbm>> -> memref<50x1024xf32, #tpu.memory_space<hbm>>
      %dma_wait3A_525 = arith.constant 0 : i32
      %dma_wait3A_526 = arith.constant 0 : i32
      %dma_wait3A_527 = tpu.memref_slice %arg4[%add3A_135, %dma_wait3A_525, %dma_wait3A_526] : memref<1024x50x1024xf32, #tpu.memory_space<hbm>> -> memref<1x50x1024xf32, #tpu.memory_space<hbm>>
      %dma_wait3A_528 = tpu.memref_squeeze %dma_wait3A_527 : memref<1x50x1024xf32, #tpu.memory_space<hbm>> -> memref<50x1024xf32, #tpu.memory_space<hbm>>
      tpu.wait_dma2 semaphore(%run_scoped3A : memref<!tpu.dma_semaphore, #tpu.memory_space<semaphore_mem>>) src(%arg7 : memref<50x1024xf32, #tpu.memory_space<vmem>>) dst(%dma_wait3A_528 : memref<50x1024xf32, #tpu.memory_space<hbm>>)
      tpu.yield
    }) : () -> ()
    %dma_wait3A_136 = arith.constant 8 : i32
    %dma_wait3A_137 = arith.constant 0 : i32
    %dma_wait3A_138 = tpu.memref_slice %arg5[%dma_wait3A_136, %dma_wait3A_137] : memref<32x50xi32, #tpu.memory_space<vmem>> -> memref<1x50xi32, #tpu.memory_space<vmem>>
    %dma_wait3A_139 = tpu.memref_squeeze %dma_wait3A_138 : memref<1x50xi32, #tpu.memory_space<vmem>> -> memref<50xi32, #tpu.memory_space<vmem>>
    %dma_wait3A_140 = arith.constant 0 : i32
    %dma_wait3A_141 = arith.constant 0 : i32
    %dma_wait3A_142 = tpu.memref_slice %arg3[%dma_wait3A_140, %dma_wait3A_141] : memref<1000x1024xf32, #tpu.memory_space<hbm>> -> memref<1000x1024xf32, #tpu.memory_space<hbm>>
    tpu.wait_indirect_dma semaphore(%arg8 : memref<!tpu.dma_semaphore, #tpu.memory_space<semaphore_mem>>) src(%dma_wait3A_142 : memref<1000x1024xf32, #tpu.memory_space<hbm>>) dst(%arg6 : memref<50x1024xf32, #tpu.memory_space<vmem>>)
    %dma_start3A_143 = arith.constant 9 : i32
    %dma_start3A_144 = arith.constant 0 : i32
    %dma_start3A_145 = tpu.memref_slice %arg5[%dma_start3A_143, %dma_start3A_144] : memref<32x50xi32, #tpu.memory_space<vmem>> -> memref<1x50xi32, #tpu.memory_space<vmem>>
    %dma_start3A_146 = tpu.memref_squeeze %dma_start3A_145 : memref<1x50xi32, #tpu.memory_space<vmem>> -> memref<50xi32, #tpu.memory_space<vmem>>
    %dma_start3A_147 = arith.constant 0 : i32
    %dma_start3A_148 = arith.constant 0 : i32
    %dma_start3A_149 = tpu.memref_slice %arg3[%dma_start3A_147, %dma_start3A_148] : memref<1000x1024xf32, #tpu.memory_space<hbm>> -> memref<1000x1024xf32, #tpu.memory_space<hbm>>
    tpu.enqueue_indirect_dma source(%dma_start3A_149 : memref<1000x1024xf32, #tpu.memory_space<hbm>>) target(%arg7 : memref<50x1024xf32, #tpu.memory_space<vmem>>) offsets(%dma_start3A_146 : memref<50xi32, #tpu.memory_space<vmem>>) semaphore(%arg8 : memref<!tpu.dma_semaphore, #tpu.memory_space<semaphore_mem>>)
    %add3A_150 = arith.constant 8 : i32
    %add3A_151 = arith.addi %mul3A_2, %add3A_150 : i32
    "tpu.region"() ({
      %run_scoped3A = tpu.sem_alloc : memref<!tpu.dma_semaphore, #tpu.memory_space<semaphore_mem>>
      %dma_start3A_513 = arith.constant 0 : i32
      %dma_start3A_514 = arith.constant 0 : i32
      %dma_start3A_515 = tpu.memref_slice %arg4[%add3A_151, %dma_start3A_513, %dma_start3A_514] : memref<1024x50x1024xf32, #tpu.memory_space<hbm>> -> memref<1x50x1024xf32, #tpu.memory_space<hbm>>
      %dma_start3A_516 = tpu.memref_squeeze %dma_start3A_515 : memref<1x50x1024xf32, #tpu.memory_space<hbm>> -> memref<50x1024xf32, #tpu.memory_space<hbm>>
      %dma_start3A_517 = arith.constant 0 : i32
      %dma_start3A_518 = arith.constant 0 : i32
      %dma_start3A_519 = tpu.memref_slice %arg4[%add3A_151, %dma_start3A_517, %dma_start3A_518] : memref<1024x50x1024xf32, #tpu.memory_space<hbm>> -> memref<1x50x1024xf32, #tpu.memory_space<hbm>>
      %dma_start3A_520 = tpu.memref_squeeze %dma_start3A_519 : memref<1x50x1024xf32, #tpu.memory_space<hbm>> -> memref<50x1024xf32, #tpu.memory_space<hbm>>
      tpu.enqueue_dma source(%arg6 : memref<50x1024xf32, #tpu.memory_space<vmem>>) target(%dma_start3A_520 : memref<50x1024xf32, #tpu.memory_space<hbm>>) target_semaphore(%run_scoped3A : memref<!tpu.dma_semaphore, #tpu.memory_space<semaphore_mem>>)
      %dma_wait3A_521 = arith.constant 0 : i32
      %dma_wait3A_522 = arith.constant 0 : i32
      %dma_wait3A_523 = tpu.memref_slice %arg4[%add3A_151, %dma_wait3A_521, %dma_wait3A_522] : memref<1024x50x1024xf32, #tpu.memory_space<hbm>> -> memref<1x50x1024xf32, #tpu.memory_space<hbm>>
      %dma_wait3A_524 = tpu.memref_squeeze %dma_wait3A_523 : memref<1x50x1024xf32, #tpu.memory_space<hbm>> -> memref<50x1024xf32, #tpu.memory_space<hbm>>
      %dma_wait3A_525 = arith.constant 0 : i32
      %dma_wait3A_526 = arith.constant 0 : i32
      %dma_wait3A_527 = tpu.memref_slice %arg4[%add3A_151, %dma_wait3A_525, %dma_wait3A_526] : memref<1024x50x1024xf32, #tpu.memory_space<hbm>> -> memref<1x50x1024xf32, #tpu.memory_space<hbm>>
      %dma_wait3A_528 = tpu.memref_squeeze %dma_wait3A_527 : memref<1x50x1024xf32, #tpu.memory_space<hbm>> -> memref<50x1024xf32, #tpu.memory_space<hbm>>
      tpu.wait_dma2 semaphore(%run_scoped3A : memref<!tpu.dma_semaphore, #tpu.memory_space<semaphore_mem>>) src(%arg6 : memref<50x1024xf32, #tpu.memory_space<vmem>>) dst(%dma_wait3A_528 : memref<50x1024xf32, #tpu.memory_space<hbm>>)
      tpu.yield
    }) : () -> ()
    %dma_wait3A_152 = arith.constant 9 : i32
    %dma_wait3A_153 = arith.constant 0 : i32
    %dma_wait3A_154 = tpu.memref_slice %arg5[%dma_wait3A_152, %dma_wait3A_153] : memref<32x50xi32, #tpu.memory_space<vmem>> -> memref<1x50xi32, #tpu.memory_space<vmem>>
    %dma_wait3A_155 = tpu.memref_squeeze %dma_wait3A_154 : memref<1x50xi32, #tpu.memory_space<vmem>> -> memref<50xi32, #tpu.memory_space<vmem>>
    %dma_wait3A_156 = arith.constant 0 : i32
    %dma_wait3A_157 = arith.constant 0 : i32
    %dma_wait3A_158 = tpu.memref_slice %arg3[%dma_wait3A_156, %dma_wait3A_157] : memref<1000x1024xf32, #tpu.memory_space<hbm>> -> memref<1000x1024xf32, #tpu.memory_space<hbm>>
    tpu.wait_indirect_dma semaphore(%arg8 : memref<!tpu.dma_semaphore, #tpu.memory_space<semaphore_mem>>) src(%dma_wait3A_158 : memref<1000x1024xf32, #tpu.memory_space<hbm>>) dst(%arg7 : memref<50x1024xf32, #tpu.memory_space<vmem>>)
    %dma_start3A_159 = arith.constant 10 : i32
    %dma_start3A_160 = arith.constant 0 : i32
    %dma_start3A_161 = tpu.memref_slice %arg5[%dma_start3A_159, %dma_start3A_160] : memref<32x50xi32, #tpu.memory_space<vmem>> -> memref<1x50xi32, #tpu.memory_space<vmem>>
    %dma_start3A_162 = tpu.memref_squeeze %dma_start3A_161 : memref<1x50xi32, #tpu.memory_space<vmem>> -> memref<50xi32, #tpu.memory_space<vmem>>
    %dma_start3A_163 = arith.constant 0 : i32
    %dma_start3A_164 = arith.constant 0 : i32
    %dma_start3A_165 = tpu.memref_slice %arg3[%dma_start3A_163, %dma_start3A_164] : memref<1000x1024xf32, #tpu.memory_space<hbm>> -> memref<1000x1024xf32, #tpu.memory_space<hbm>>
    tpu.enqueue_indirect_dma source(%dma_start3A_165 : memref<1000x1024xf32, #tpu.memory_space<hbm>>) target(%arg6 : memref<50x1024xf32, #tpu.memory_space<vmem>>) offsets(%dma_start3A_162 : memref<50xi32, #tpu.memory_space<vmem>>) semaphore(%arg8 : memref<!tpu.dma_semaphore, #tpu.memory_space<semaphore_mem>>)
    %add3A_166 = arith.constant 9 : i32
    %add3A_167 = arith.addi %mul3A_2, %add3A_166 : i32
    "tpu.region"() ({
      %run_scoped3A = tpu.sem_alloc : memref<!tpu.dma_semaphore, #tpu.memory_space<semaphore_mem>>
      %dma_start3A_513 = arith.constant 0 : i32
      %dma_start3A_514 = arith.constant 0 : i32
      %dma_start3A_515 = tpu.memref_slice %arg4[%add3A_167, %dma_start3A_513, %dma_start3A_514] : memref<1024x50x1024xf32, #tpu.memory_space<hbm>> -> memref<1x50x1024xf32, #tpu.memory_space<hbm>>
      %dma_start3A_516 = tpu.memref_squeeze %dma_start3A_515 : memref<1x50x1024xf32, #tpu.memory_space<hbm>> -> memref<50x1024xf32, #tpu.memory_space<hbm>>
      %dma_start3A_517 = arith.constant 0 : i32
      %dma_start3A_518 = arith.constant 0 : i32
      %dma_start3A_519 = tpu.memref_slice %arg4[%add3A_167, %dma_start3A_517, %dma_start3A_518] : memref<1024x50x1024xf32, #tpu.memory_space<hbm>> -> memref<1x50x1024xf32, #tpu.memory_space<hbm>>
      %dma_start3A_520 = tpu.memref_squeeze %dma_start3A_519 : memref<1x50x1024xf32, #tpu.memory_space<hbm>> -> memref<50x1024xf32, #tpu.memory_space<hbm>>
      tpu.enqueue_dma source(%arg7 : memref<50x1024xf32, #tpu.memory_space<vmem>>) target(%dma_start3A_520 : memref<50x1024xf32, #tpu.memory_space<hbm>>) target_semaphore(%run_scoped3A : memref<!tpu.dma_semaphore, #tpu.memory_space<semaphore_mem>>)
      %dma_wait3A_521 = arith.constant 0 : i32
      %dma_wait3A_522 = arith.constant 0 : i32
      %dma_wait3A_523 = tpu.memref_slice %arg4[%add3A_167, %dma_wait3A_521, %dma_wait3A_522] : memref<1024x50x1024xf32, #tpu.memory_space<hbm>> -> memref<1x50x1024xf32, #tpu.memory_space<hbm>>
      %dma_wait3A_524 = tpu.memref_squeeze %dma_wait3A_523 : memref<1x50x1024xf32, #tpu.memory_space<hbm>> -> memref<50x1024xf32, #tpu.memory_space<hbm>>
      %dma_wait3A_525 = arith.constant 0 : i32
      %dma_wait3A_526 = arith.constant 0 : i32
      %dma_wait3A_527 = tpu.memref_slice %arg4[%add3A_167, %dma_wait3A_525, %dma_wait3A_526] : memref<1024x50x1024xf32, #tpu.memory_space<hbm>> -> memref<1x50x1024xf32, #tpu.memory_space<hbm>>
      %dma_wait3A_528 = tpu.memref_squeeze %dma_wait3A_527 : memref<1x50x1024xf32, #tpu.memory_space<hbm>> -> memref<50x1024xf32, #tpu.memory_space<hbm>>
      tpu.wait_dma2 semaphore(%run_scoped3A : memref<!tpu.dma_semaphore, #tpu.memory_space<semaphore_mem>>) src(%arg7 : memref<50x1024xf32, #tpu.memory_space<vmem>>) dst(%dma_wait3A_528 : memref<50x1024xf32, #tpu.memory_space<hbm>>)
      tpu.yield
    }) : () -> ()
    %dma_wait3A_168 = arith.constant 10 : i32
    %dma_wait3A_169 = arith.constant 0 : i32
    %dma_wait3A_170 = tpu.memref_slice %arg5[%dma_wait3A_168, %dma_wait3A_169] : memref<32x50xi32, #tpu.memory_space<vmem>> -> memref<1x50xi32, #tpu.memory_space<vmem>>
    %dma_wait3A_171 = tpu.memref_squeeze %dma_wait3A_170 : memref<1x50xi32, #tpu.memory_space<vmem>> -> memref<50xi32, #tpu.memory_space<vmem>>
    %dma_wait3A_172 = arith.constant 0 : i32
    %dma_wait3A_173 = arith.constant 0 : i32
    %dma_wait3A_174 = tpu.memref_slice %arg3[%dma_wait3A_172, %dma_wait3A_173] : memref<1000x1024xf32, #tpu.memory_space<hbm>> -> memref<1000x1024xf32, #tpu.memory_space<hbm>>
    tpu.wait_indirect_dma semaphore(%arg8 : memref<!tpu.dma_semaphore, #tpu.memory_space<semaphore_mem>>) src(%dma_wait3A_174 : memref<1000x1024xf32, #tpu.memory_space<hbm>>) dst(%arg6 : memref<50x1024xf32, #tpu.memory_space<vmem>>)
    %dma_start3A_175 = arith.constant 11 : i32
    %dma_start3A_176 = arith.constant 0 : i32
    %dma_start3A_177 = tpu.memref_slice %arg5[%dma_start3A_175, %dma_start3A_176] : memref<32x50xi32, #tpu.memory_space<vmem>> -> memref<1x50xi32, #tpu.memory_space<vmem>>
    %dma_start3A_178 = tpu.memref_squeeze %dma_start3A_177 : memref<1x50xi32, #tpu.memory_space<vmem>> -> memref<50xi32, #tpu.memory_space<vmem>>
    %dma_start3A_179 = arith.constant 0 : i32
    %dma_start3A_180 = arith.constant 0 : i32
    %dma_start3A_181 = tpu.memref_slice %arg3[%dma_start3A_179, %dma_start3A_180] : memref<1000x1024xf32, #tpu.memory_space<hbm>> -> memref<1000x1024xf32, #tpu.memory_space<hbm>>
    tpu.enqueue_indirect_dma source(%dma_start3A_181 : memref<1000x1024xf32, #tpu.memory_space<hbm>>) target(%arg7 : memref<50x1024xf32, #tpu.memory_space<vmem>>) offsets(%dma_start3A_178 : memref<50xi32, #tpu.memory_space<vmem>>) semaphore(%arg8 : memref<!tpu.dma_semaphore, #tpu.memory_space<semaphore_mem>>)
    %add3A_182 = arith.constant 10 : i32
    %add3A_183 = arith.addi %mul3A_2, %add3A_182 : i32
    "tpu.region"() ({
      %run_scoped3A = tpu.sem_alloc : memref<!tpu.dma_semaphore, #tpu.memory_space<semaphore_mem>>
      %dma_start3A_513 = arith.constant 0 : i32
      %dma_start3A_514 = arith.constant 0 : i32
      %dma_start3A_515 = tpu.memref_slice %arg4[%add3A_183, %dma_start3A_513, %dma_start3A_514] : memref<1024x50x1024xf32, #tpu.memory_space<hbm>> -> memref<1x50x1024xf32, #tpu.memory_space<hbm>>
      %dma_start3A_516 = tpu.memref_squeeze %dma_start3A_515 : memref<1x50x1024xf32, #tpu.memory_space<hbm>> -> memref<50x1024xf32, #tpu.memory_space<hbm>>
      %dma_start3A_517 = arith.constant 0 : i32
      %dma_start3A_518 = arith.constant 0 : i32
      %dma_start3A_519 = tpu.memref_slice %arg4[%add3A_183, %dma_start3A_517, %dma_start3A_518] : memref<1024x50x1024xf32, #tpu.memory_space<hbm>> -> memref<1x50x1024xf32, #tpu.memory_space<hbm>>
      %dma_start3A_520 = tpu.memref_squeeze %dma_start3A_519 : memref<1x50x1024xf32, #tpu.memory_space<hbm>> -> memref<50x1024xf32, #tpu.memory_space<hbm>>
      tpu.enqueue_dma source(%arg6 : memref<50x1024xf32, #tpu.memory_space<vmem>>) target(%dma_start3A_520 : memref<50x1024xf32, #tpu.memory_space<hbm>>) target_semaphore(%run_scoped3A : memref<!tpu.dma_semaphore, #tpu.memory_space<semaphore_mem>>)
      %dma_wait3A_521 = arith.constant 0 : i32
      %dma_wait3A_522 = arith.constant 0 : i32
      %dma_wait3A_523 = tpu.memref_slice %arg4[%add3A_183, %dma_wait3A_521, %dma_wait3A_522] : memref<1024x50x1024xf32, #tpu.memory_space<hbm>> -> memref<1x50x1024xf32, #tpu.memory_space<hbm>>
      %dma_wait3A_524 = tpu.memref_squeeze %dma_wait3A_523 : memref<1x50x1024xf32, #tpu.memory_space<hbm>> -> memref<50x1024xf32, #tpu.memory_space<hbm>>
      %dma_wait3A_525 = arith.constant 0 : i32
      %dma_wait3A_526 = arith.constant 0 : i32
      %dma_wait3A_527 = tpu.memref_slice %arg4[%add3A_183, %dma_wait3A_525, %dma_wait3A_526] : memref<1024x50x1024xf32, #tpu.memory_space<hbm>> -> memref<1x50x1024xf32, #tpu.memory_space<hbm>>
      %dma_wait3A_528 = tpu.memref_squeeze %dma_wait3A_527 : memref<1x50x1024xf32, #tpu.memory_space<hbm>> -> memref<50x1024xf32, #tpu.memory_space<hbm>>
      tpu.wait_dma2 semaphore(%run_scoped3A : memref<!tpu.dma_semaphore, #tpu.memory_space<semaphore_mem>>) src(%arg6 : memref<50x1024xf32, #tpu.memory_space<vmem>>) dst(%dma_wait3A_528 : memref<50x1024xf32, #tpu.memory_space<hbm>>)
      tpu.yield
    }) : () -> ()
    %dma_wait3A_184 = arith.constant 11 : i32
    %dma_wait3A_185 = arith.constant 0 : i32
    %dma_wait3A_186 = tpu.memref_slice %arg5[%dma_wait3A_184, %dma_wait3A_185] : memref<32x50xi32, #tpu.memory_space<vmem>> -> memref<1x50xi32, #tpu.memory_space<vmem>>
    %dma_wait3A_187 = tpu.memref_squeeze %dma_wait3A_186 : memref<1x50xi32, #tpu.memory_space<vmem>> -> memref<50xi32, #tpu.memory_space<vmem>>
    %dma_wait3A_188 = arith.constant 0 : i32
    %dma_wait3A_189 = arith.constant 0 : i32
    %dma_wait3A_190 = tpu.memref_slice %arg3[%dma_wait3A_188, %dma_wait3A_189] : memref<1000x1024xf32, #tpu.memory_space<hbm>> -> memref<1000x1024xf32, #tpu.memory_space<hbm>>
    tpu.wait_indirect_dma semaphore(%arg8 : memref<!tpu.dma_semaphore, #tpu.memory_space<semaphore_mem>>) src(%dma_wait3A_190 : memref<1000x1024xf32, #tpu.memory_space<hbm>>) dst(%arg7 : memref<50x1024xf32, #tpu.memory_space<vmem>>)
    %dma_start3A_191 = arith.constant 12 : i32
    %dma_start3A_192 = arith.constant 0 : i32
    %dma_start3A_193 = tpu.memref_slice %arg5[%dma_start3A_191, %dma_start3A_192] : memref<32x50xi32, #tpu.memory_space<vmem>> -> memref<1x50xi32, #tpu.memory_space<vmem>>
    %dma_start3A_194 = tpu.memref_squeeze %dma_start3A_193 : memref<1x50xi32, #tpu.memory_space<vmem>> -> memref<50xi32, #tpu.memory_space<vmem>>
    %dma_start3A_195 = arith.constant 0 : i32
    %dma_start3A_196 = arith.constant 0 : i32
    %dma_start3A_197 = tpu.memref_slice %arg3[%dma_start3A_195, %dma_start3A_196] : memref<1000x1024xf32, #tpu.memory_space<hbm>> -> memref<1000x1024xf32, #tpu.memory_space<hbm>>
    tpu.enqueue_indirect_dma source(%dma_start3A_197 : memref<1000x1024xf32, #tpu.memory_space<hbm>>) target(%arg6 : memref<50x1024xf32, #tpu.memory_space<vmem>>) offsets(%dma_start3A_194 : memref<50xi32, #tpu.memory_space<vmem>>) semaphore(%arg8 : memref<!tpu.dma_semaphore, #tpu.memory_space<semaphore_mem>>)
    %add3A_198 = arith.constant 11 : i32
    %add3A_199 = arith.addi %mul3A_2, %add3A_198 : i32
    "tpu.region"() ({
      %run_scoped3A = tpu.sem_alloc : memref<!tpu.dma_semaphore, #tpu.memory_space<semaphore_mem>>
      %dma_start3A_513 = arith.constant 0 : i32
      %dma_start3A_514 = arith.constant 0 : i32
      %dma_start3A_515 = tpu.memref_slice %arg4[%add3A_199, %dma_start3A_513, %dma_start3A_514] : memref<1024x50x1024xf32, #tpu.memory_space<hbm>> -> memref<1x50x1024xf32, #tpu.memory_space<hbm>>
      %dma_start3A_516 = tpu.memref_squeeze %dma_start3A_515 : memref<1x50x1024xf32, #tpu.memory_space<hbm>> -> memref<50x1024xf32, #tpu.memory_space<hbm>>
      %dma_start3A_517 = arith.constant 0 : i32
      %dma_start3A_518 = arith.constant 0 : i32
      %dma_start3A_519 = tpu.memref_slice %arg4[%add3A_199, %dma_start3A_517, %dma_start3A_518] : memref<1024x50x1024xf32, #tpu.memory_space<hbm>> -> memref<1x50x1024xf32, #tpu.memory_space<hbm>>
      %dma_start3A_520 = tpu.memref_squeeze %dma_start3A_519 : memref<1x50x1024xf32, #tpu.memory_space<hbm>> -> memref<50x1024xf32, #tpu.memory_space<hbm>>
      tpu.enqueue_dma source(%arg7 : memref<50x1024xf32, #tpu.memory_space<vmem>>) target(%dma_start3A_520 : memref<50x1024xf32, #tpu.memory_space<hbm>>) target_semaphore(%run_scoped3A : memref<!tpu.dma_semaphore, #tpu.memory_space<semaphore_mem>>)
      %dma_wait3A_521 = arith.constant 0 : i32
      %dma_wait3A_522 = arith.constant 0 : i32
      %dma_wait3A_523 = tpu.memref_slice %arg4[%add3A_199, %dma_wait3A_521, %dma_wait3A_522] : memref<1024x50x1024xf32, #tpu.memory_space<hbm>> -> memref<1x50x1024xf32, #tpu.memory_space<hbm>>
      %dma_wait3A_524 = tpu.memref_squeeze %dma_wait3A_523 : memref<1x50x1024xf32, #tpu.memory_space<hbm>> -> memref<50x1024xf32, #tpu.memory_space<hbm>>
      %dma_wait3A_525 = arith.constant 0 : i32
      %dma_wait3A_526 = arith.constant 0 : i32
      %dma_wait3A_527 = tpu.memref_slice %arg4[%add3A_199, %dma_wait3A_525, %dma_wait3A_526] : memref<1024x50x1024xf32, #tpu.memory_space<hbm>> -> memref<1x50x1024xf32, #tpu.memory_space<hbm>>
      %dma_wait3A_528 = tpu.memref_squeeze %dma_wait3A_527 : memref<1x50x1024xf32, #tpu.memory_space<hbm>> -> memref<50x1024xf32, #tpu.memory_space<hbm>>
      tpu.wait_dma2 semaphore(%run_scoped3A : memref<!tpu.dma_semaphore, #tpu.memory_space<semaphore_mem>>) src(%arg7 : memref<50x1024xf32, #tpu.memory_space<vmem>>) dst(%dma_wait3A_528 : memref<50x1024xf32, #tpu.memory_space<hbm>>)
      tpu.yield
    }) : () -> ()
    %dma_wait3A_200 = arith.constant 12 : i32
    %dma_wait3A_201 = arith.constant 0 : i32
    %dma_wait3A_202 = tpu.memref_slice %arg5[%dma_wait3A_200, %dma_wait3A_201] : memref<32x50xi32, #tpu.memory_space<vmem>> -> memref<1x50xi32, #tpu.memory_space<vmem>>
    %dma_wait3A_203 = tpu.memref_squeeze %dma_wait3A_202 : memref<1x50xi32, #tpu.memory_space<vmem>> -> memref<50xi32, #tpu.memory_space<vmem>>
    %dma_wait3A_204 = arith.constant 0 : i32
    %dma_wait3A_205 = arith.constant 0 : i32
    %dma_wait3A_206 = tpu.memref_slice %arg3[%dma_wait3A_204, %dma_wait3A_205] : memref<1000x1024xf32, #tpu.memory_space<hbm>> -> memref<1000x1024xf32, #tpu.memory_space<hbm>>
    tpu.wait_indirect_dma semaphore(%arg8 : memref<!tpu.dma_semaphore, #tpu.memory_space<semaphore_mem>>) src(%dma_wait3A_206 : memref<1000x1024xf32, #tpu.memory_space<hbm>>) dst(%arg6 : memref<50x1024xf32, #tpu.memory_space<vmem>>)
    %dma_start3A_207 = arith.constant 13 : i32
    %dma_start3A_208 = arith.constant 0 : i32
    %dma_start3A_209 = tpu.memref_slice %arg5[%dma_start3A_207, %dma_start3A_208] : memref<32x50xi32, #tpu.memory_space<vmem>> -> memref<1x50xi32, #tpu.memory_space<vmem>>
    %dma_start3A_210 = tpu.memref_squeeze %dma_start3A_209 : memref<1x50xi32, #tpu.memory_space<vmem>> -> memref<50xi32, #tpu.memory_space<vmem>>
    %dma_start3A_211 = arith.constant 0 : i32
    %dma_start3A_212 = arith.constant 0 : i32
    %dma_start3A_213 = tpu.memref_slice %arg3[%dma_start3A_211, %dma_start3A_212] : memref<1000x1024xf32, #tpu.memory_space<hbm>> -> memref<1000x1024xf32, #tpu.memory_space<hbm>>
    tpu.enqueue_indirect_dma source(%dma_start3A_213 : memref<1000x1024xf32, #tpu.memory_space<hbm>>) target(%arg7 : memref<50x1024xf32, #tpu.memory_space<vmem>>) offsets(%dma_start3A_210 : memref<50xi32, #tpu.memory_space<vmem>>) semaphore(%arg8 : memref<!tpu.dma_semaphore, #tpu.memory_space<semaphore_mem>>)
    %add3A_214 = arith.constant 12 : i32
    %add3A_215 = arith.addi %mul3A_2, %add3A_214 : i32
    "tpu.region"() ({
      %run_scoped3A = tpu.sem_alloc : memref<!tpu.dma_semaphore, #tpu.memory_space<semaphore_mem>>
      %dma_start3A_513 = arith.constant 0 : i32
      %dma_start3A_514 = arith.constant 0 : i32
      %dma_start3A_515 = tpu.memref_slice %arg4[%add3A_215, %dma_start3A_513, %dma_start3A_514] : memref<1024x50x1024xf32, #tpu.memory_space<hbm>> -> memref<1x50x1024xf32, #tpu.memory_space<hbm>>
      %dma_start3A_516 = tpu.memref_squeeze %dma_start3A_515 : memref<1x50x1024xf32, #tpu.memory_space<hbm>> -> memref<50x1024xf32, #tpu.memory_space<hbm>>
      %dma_start3A_517 = arith.constant 0 : i32
      %dma_start3A_518 = arith.constant 0 : i32
      %dma_start3A_519 = tpu.memref_slice %arg4[%add3A_215, %dma_start3A_517, %dma_start3A_518] : memref<1024x50x1024xf32, #tpu.memory_space<hbm>> -> memref<1x50x1024xf32, #tpu.memory_space<hbm>>
      %dma_start3A_520 = tpu.memref_squeeze %dma_start3A_519 : memref<1x50x1024xf32, #tpu.memory_space<hbm>> -> memref<50x1024xf32, #tpu.memory_space<hbm>>
      tpu.enqueue_dma source(%arg6 : memref<50x1024xf32, #tpu.memory_space<vmem>>) target(%dma_start3A_520 : memref<50x1024xf32, #tpu.memory_space<hbm>>) target_semaphore(%run_scoped3A : memref<!tpu.dma_semaphore, #tpu.memory_space<semaphore_mem>>)
      %dma_wait3A_521 = arith.constant 0 : i32
      %dma_wait3A_522 = arith.constant 0 : i32
      %dma_wait3A_523 = tpu.memref_slice %arg4[%add3A_215, %dma_wait3A_521, %dma_wait3A_522] : memref<1024x50x1024xf32, #tpu.memory_space<hbm>> -> memref<1x50x1024xf32, #tpu.memory_space<hbm>>
      %dma_wait3A_524 = tpu.memref_squeeze %dma_wait3A_523 : memref<1x50x1024xf32, #tpu.memory_space<hbm>> -> memref<50x1024xf32, #tpu.memory_space<hbm>>
      %dma_wait3A_525 = arith.constant 0 : i32
      %dma_wait3A_526 = arith.constant 0 : i32
      %dma_wait3A_527 = tpu.memref_slice %arg4[%add3A_215, %dma_wait3A_525, %dma_wait3A_526] : memref<1024x50x1024xf32, #tpu.memory_space<hbm>> -> memref<1x50x1024xf32, #tpu.memory_space<hbm>>
      %dma_wait3A_528 = tpu.memref_squeeze %dma_wait3A_527 : memref<1x50x1024xf32, #tpu.memory_space<hbm>> -> memref<50x1024xf32, #tpu.memory_space<hbm>>
      tpu.wait_dma2 semaphore(%run_scoped3A : memref<!tpu.dma_semaphore, #tpu.memory_space<semaphore_mem>>) src(%arg6 : memref<50x1024xf32, #tpu.memory_space<vmem>>) dst(%dma_wait3A_528 : memref<50x1024xf32, #tpu.memory_space<hbm>>)
      tpu.yield
    }) : () -> ()
    %dma_wait3A_216 = arith.constant 13 : i32
    %dma_wait3A_217 = arith.constant 0 : i32
    %dma_wait3A_218 = tpu.memref_slice %arg5[%dma_wait3A_216, %dma_wait3A_217] : memref<32x50xi32, #tpu.memory_space<vmem>> -> memref<1x50xi32, #tpu.memory_space<vmem>>
    %dma_wait3A_219 = tpu.memref_squeeze %dma_wait3A_218 : memref<1x50xi32, #tpu.memory_space<vmem>> -> memref<50xi32, #tpu.memory_space<vmem>>
    %dma_wait3A_220 = arith.constant 0 : i32
    %dma_wait3A_221 = arith.constant 0 : i32
    %dma_wait3A_222 = tpu.memref_slice %arg3[%dma_wait3A_220, %dma_wait3A_221] : memref<1000x1024xf32, #tpu.memory_space<hbm>> -> memref<1000x1024xf32, #tpu.memory_space<hbm>>
    tpu.wait_indirect_dma semaphore(%arg8 : memref<!tpu.dma_semaphore, #tpu.memory_space<semaphore_mem>>) src(%dma_wait3A_222 : memref<1000x1024xf32, #tpu.memory_space<hbm>>) dst(%arg7 : memref<50x1024xf32, #tpu.memory_space<vmem>>)
    %dma_start3A_223 = arith.constant 14 : i32
    %dma_start3A_224 = arith.constant 0 : i32
    %dma_start3A_225 = tpu.memref_slice %arg5[%dma_start3A_223, %dma_start3A_224] : memref<32x50xi32, #tpu.memory_space<vmem>> -> memref<1x50xi32, #tpu.memory_space<vmem>>
    %dma_start3A_226 = tpu.memref_squeeze %dma_start3A_225 : memref<1x50xi32, #tpu.memory_space<vmem>> -> memref<50xi32, #tpu.memory_space<vmem>>
    %dma_start3A_227 = arith.constant 0 : i32
    %dma_start3A_228 = arith.constant 0 : i32
    %dma_start3A_229 = tpu.memref_slice %arg3[%dma_start3A_227, %dma_start3A_228] : memref<1000x1024xf32, #tpu.memory_space<hbm>> -> memref<1000x1024xf32, #tpu.memory_space<hbm>>
    tpu.enqueue_indirect_dma source(%dma_start3A_229 : memref<1000x1024xf32, #tpu.memory_space<hbm>>) target(%arg6 : memref<50x1024xf32, #tpu.memory_space<vmem>>) offsets(%dma_start3A_226 : memref<50xi32, #tpu.memory_space<vmem>>) semaphore(%arg8 : memref<!tpu.dma_semaphore, #tpu.memory_space<semaphore_mem>>)
    %add3A_230 = arith.constant 13 : i32
    %add3A_231 = arith.addi %mul3A_2, %add3A_230 : i32
    "tpu.region"() ({
      %run_scoped3A = tpu.sem_alloc : memref<!tpu.dma_semaphore, #tpu.memory_space<semaphore_mem>>
      %dma_start3A_513 = arith.constant 0 : i32
      %dma_start3A_514 = arith.constant 0 : i32
      %dma_start3A_515 = tpu.memref_slice %arg4[%add3A_231, %dma_start3A_513, %dma_start3A_514] : memref<1024x50x1024xf32, #tpu.memory_space<hbm>> -> memref<1x50x1024xf32, #tpu.memory_space<hbm>>
      %dma_start3A_516 = tpu.memref_squeeze %dma_start3A_515 : memref<1x50x1024xf32, #tpu.memory_space<hbm>> -> memref<50x1024xf32, #tpu.memory_space<hbm>>
      %dma_start3A_517 = arith.constant 0 : i32
      %dma_start3A_518 = arith.constant 0 : i32
      %dma_start3A_519 = tpu.memref_slice %arg4[%add3A_231, %dma_start3A_517, %dma_start3A_518] : memref<1024x50x1024xf32, #tpu.memory_space<hbm>> -> memref<1x50x1024xf32, #tpu.memory_space<hbm>>
      %dma_start3A_520 = tpu.memref_squeeze %dma_start3A_519 : memref<1x50x1024xf32, #tpu.memory_space<hbm>> -> memref<50x1024xf32, #tpu.memory_space<hbm>>
      tpu.enqueue_dma source(%arg7 : memref<50x1024xf32, #tpu.memory_space<vmem>>) target(%dma_start3A_520 : memref<50x1024xf32, #tpu.memory_space<hbm>>) target_semaphore(%run_scoped3A : memref<!tpu.dma_semaphore, #tpu.memory_space<semaphore_mem>>)
      %dma_wait3A_521 = arith.constant 0 : i32
      %dma_wait3A_522 = arith.constant 0 : i32
      %dma_wait3A_523 = tpu.memref_slice %arg4[%add3A_231, %dma_wait3A_521, %dma_wait3A_522] : memref<1024x50x1024xf32, #tpu.memory_space<hbm>> -> memref<1x50x1024xf32, #tpu.memory_space<hbm>>
      %dma_wait3A_524 = tpu.memref_squeeze %dma_wait3A_523 : memref<1x50x1024xf32, #tpu.memory_space<hbm>> -> memref<50x1024xf32, #tpu.memory_space<hbm>>
      %dma_wait3A_525 = arith.constant 0 : i32
      %dma_wait3A_526 = arith.constant 0 : i32
      %dma_wait3A_527 = tpu.memref_slice %arg4[%add3A_231, %dma_wait3A_525, %dma_wait3A_526] : memref<1024x50x1024xf32, #tpu.memory_space<hbm>> -> memref<1x50x1024xf32, #tpu.memory_space<hbm>>
      %dma_wait3A_528 = tpu.memref_squeeze %dma_wait3A_527 : memref<1x50x1024xf32, #tpu.memory_space<hbm>> -> memref<50x1024xf32, #tpu.memory_space<hbm>>
      tpu.wait_dma2 semaphore(%run_scoped3A : memref<!tpu.dma_semaphore, #tpu.memory_space<semaphore_mem>>) src(%arg7 : memref<50x1024xf32, #tpu.memory_space<vmem>>) dst(%dma_wait3A_528 : memref<50x1024xf32, #tpu.memory_space<hbm>>)
      tpu.yield
    }) : () -> ()
    %dma_wait3A_232 = arith.constant 14 : i32
    %dma_wait3A_233 = arith.constant 0 : i32
    %dma_wait3A_234 = tpu.memref_slice %arg5[%dma_wait3A_232, %dma_wait3A_233] : memref<32x50xi32, #tpu.memory_space<vmem>> -> memref<1x50xi32, #tpu.memory_space<vmem>>
    %dma_wait3A_235 = tpu.memref_squeeze %dma_wait3A_234 : memref<1x50xi32, #tpu.memory_space<vmem>> -> memref<50xi32, #tpu.memory_space<vmem>>
    %dma_wait3A_236 = arith.constant 0 : i32
    %dma_wait3A_237 = arith.constant 0 : i32
    %dma_wait3A_238 = tpu.memref_slice %arg3[%dma_wait3A_236, %dma_wait3A_237] : memref<1000x1024xf32, #tpu.memory_space<hbm>> -> memref<1000x1024xf32, #tpu.memory_space<hbm>>
    tpu.wait_indirect_dma semaphore(%arg8 : memref<!tpu.dma_semaphore, #tpu.memory_space<semaphore_mem>>) src(%dma_wait3A_238 : memref<1000x1024xf32, #tpu.memory_space<hbm>>) dst(%arg6 : memref<50x1024xf32, #tpu.memory_space<vmem>>)
    %dma_start3A_239 = arith.constant 15 : i32
    %dma_start3A_240 = arith.constant 0 : i32
    %dma_start3A_241 = tpu.memref_slice %arg5[%dma_start3A_239, %dma_start3A_240] : memref<32x50xi32, #tpu.memory_space<vmem>> -> memref<1x50xi32, #tpu.memory_space<vmem>>
    %dma_start3A_242 = tpu.memref_squeeze %dma_start3A_241 : memref<1x50xi32, #tpu.memory_space<vmem>> -> memref<50xi32, #tpu.memory_space<vmem>>
    %dma_start3A_243 = arith.constant 0 : i32
    %dma_start3A_244 = arith.constant 0 : i32
    %dma_start3A_245 = tpu.memref_slice %arg3[%dma_start3A_243, %dma_start3A_244] : memref<1000x1024xf32, #tpu.memory_space<hbm>> -> memref<1000x1024xf32, #tpu.memory_space<hbm>>
    tpu.enqueue_indirect_dma source(%dma_start3A_245 : memref<1000x1024xf32, #tpu.memory_space<hbm>>) target(%arg7 : memref<50x1024xf32, #tpu.memory_space<vmem>>) offsets(%dma_start3A_242 : memref<50xi32, #tpu.memory_space<vmem>>) semaphore(%arg8 : memref<!tpu.dma_semaphore, #tpu.memory_space<semaphore_mem>>)
    %add3A_246 = arith.constant 14 : i32
    %add3A_247 = arith.addi %mul3A_2, %add3A_246 : i32
    "tpu.region"() ({
      %run_scoped3A = tpu.sem_alloc : memref<!tpu.dma_semaphore, #tpu.memory_space<semaphore_mem>>
      %dma_start3A_513 = arith.constant 0 : i32
      %dma_start3A_514 = arith.constant 0 : i32
      %dma_start3A_515 = tpu.memref_slice %arg4[%add3A_247, %dma_start3A_513, %dma_start3A_514] : memref<1024x50x1024xf32, #tpu.memory_space<hbm>> -> memref<1x50x1024xf32, #tpu.memory_space<hbm>>
      %dma_start3A_516 = tpu.memref_squeeze %dma_start3A_515 : memref<1x50x1024xf32, #tpu.memory_space<hbm>> -> memref<50x1024xf32, #tpu.memory_space<hbm>>
      %dma_start3A_517 = arith.constant 0 : i32
      %dma_start3A_518 = arith.constant 0 : i32
      %dma_start3A_519 = tpu.memref_slice %arg4[%add3A_247, %dma_start3A_517, %dma_start3A_518] : memref<1024x50x1024xf32, #tpu.memory_space<hbm>> -> memref<1x50x1024xf32, #tpu.memory_space<hbm>>
      %dma_start3A_520 = tpu.memref_squeeze %dma_start3A_519 : memref<1x50x1024xf32, #tpu.memory_space<hbm>> -> memref<50x1024xf32, #tpu.memory_space<hbm>>
      tpu.enqueue_dma source(%arg6 : memref<50x1024xf32, #tpu.memory_space<vmem>>) target(%dma_start3A_520 : memref<50x1024xf32, #tpu.memory_space<hbm>>) target_semaphore(%run_scoped3A : memref<!tpu.dma_semaphore, #tpu.memory_space<semaphore_mem>>)
      %dma_wait3A_521 = arith.constant 0 : i32
      %dma_wait3A_522 = arith.constant 0 : i32
      %dma_wait3A_523 = tpu.memref_slice %arg4[%add3A_247, %dma_wait3A_521, %dma_wait3A_522] : memref<1024x50x1024xf32, #tpu.memory_space<hbm>> -> memref<1x50x1024xf32, #tpu.memory_space<hbm>>
      %dma_wait3A_524 = tpu.memref_squeeze %dma_wait3A_523 : memref<1x50x1024xf32, #tpu.memory_space<hbm>> -> memref<50x1024xf32, #tpu.memory_space<hbm>>
      %dma_wait3A_525 = arith.constant 0 : i32
      %dma_wait3A_526 = arith.constant 0 : i32
      %dma_wait3A_527 = tpu.memref_slice %arg4[%add3A_247, %dma_wait3A_525, %dma_wait3A_526] : memref<1024x50x1024xf32, #tpu.memory_space<hbm>> -> memref<1x50x1024xf32, #tpu.memory_space<hbm>>
      %dma_wait3A_528 = tpu.memref_squeeze %dma_wait3A_527 : memref<1x50x1024xf32, #tpu.memory_space<hbm>> -> memref<50x1024xf32, #tpu.memory_space<hbm>>
      tpu.wait_dma2 semaphore(%run_scoped3A : memref<!tpu.dma_semaphore, #tpu.memory_space<semaphore_mem>>) src(%arg6 : memref<50x1024xf32, #tpu.memory_space<vmem>>) dst(%dma_wait3A_528 : memref<50x1024xf32, #tpu.memory_space<hbm>>)
      tpu.yield
    }) : () -> ()
    %dma_wait3A_248 = arith.constant 15 : i32
    %dma_wait3A_249 = arith.constant 0 : i32
    %dma_wait3A_250 = tpu.memref_slice %arg5[%dma_wait3A_248, %dma_wait3A_249] : memref<32x50xi32, #tpu.memory_space<vmem>> -> memref<1x50xi32, #tpu.memory_space<vmem>>
    %dma_wait3A_251 = tpu.memref_squeeze %dma_wait3A_250 : memref<1x50xi32, #tpu.memory_space<vmem>> -> memref<50xi32, #tpu.memory_space<vmem>>
    %dma_wait3A_252 = arith.constant 0 : i32
    %dma_wait3A_253 = arith.constant 0 : i32
    %dma_wait3A_254 = tpu.memref_slice %arg3[%dma_wait3A_252, %dma_wait3A_253] : memref<1000x1024xf32, #tpu.memory_space<hbm>> -> memref<1000x1024xf32, #tpu.memory_space<hbm>>
    tpu.wait_indirect_dma semaphore(%arg8 : memref<!tpu.dma_semaphore, #tpu.memory_space<semaphore_mem>>) src(%dma_wait3A_254 : memref<1000x1024xf32, #tpu.memory_space<hbm>>) dst(%arg7 : memref<50x1024xf32, #tpu.memory_space<vmem>>)
    %dma_start3A_255 = arith.constant 16 : i32
    %dma_start3A_256 = arith.constant 0 : i32
    %dma_start3A_257 = tpu.memref_slice %arg5[%dma_start3A_255, %dma_start3A_256] : memref<32x50xi32, #tpu.memory_space<vmem>> -> memref<1x50xi32, #tpu.memory_space<vmem>>
    %dma_start3A_258 = tpu.memref_squeeze %dma_start3A_257 : memref<1x50xi32, #tpu.memory_space<vmem>> -> memref<50xi32, #tpu.memory_space<vmem>>
    %dma_start3A_259 = arith.constant 0 : i32
    %dma_start3A_260 = arith.constant 0 : i32
    %dma_start3A_261 = tpu.memref_slice %arg3[%dma_start3A_259, %dma_start3A_260] : memref<1000x1024xf32, #tpu.memory_space<hbm>> -> memref<1000x1024xf32, #tpu.memory_space<hbm>>
    tpu.enqueue_indirect_dma source(%dma_start3A_261 : memref<1000x1024xf32, #tpu.memory_space<hbm>>) target(%arg6 : memref<50x1024xf32, #tpu.memory_space<vmem>>) offsets(%dma_start3A_258 : memref<50xi32, #tpu.memory_space<vmem>>) semaphore(%arg8 : memref<!tpu.dma_semaphore, #tpu.memory_space<semaphore_mem>>)
    %add3A_262 = arith.constant 15 : i32
    %add3A_263 = arith.addi %mul3A_2, %add3A_262 : i32
    "tpu.region"() ({
      %run_scoped3A = tpu.sem_alloc : memref<!tpu.dma_semaphore, #tpu.memory_space<semaphore_mem>>
      %dma_start3A_513 = arith.constant 0 : i32
      %dma_start3A_514 = arith.constant 0 : i32
      %dma_start3A_515 = tpu.memref_slice %arg4[%add3A_263, %dma_start3A_513, %dma_start3A_514] : memref<1024x50x1024xf32, #tpu.memory_space<hbm>> -> memref<1x50x1024xf32, #tpu.memory_space<hbm>>
      %dma_start3A_516 = tpu.memref_squeeze %dma_start3A_515 : memref<1x50x1024xf32, #tpu.memory_space<hbm>> -> memref<50x1024xf32, #tpu.memory_space<hbm>>
      %dma_start3A_517 = arith.constant 0 : i32
      %dma_start3A_518 = arith.constant 0 : i32
      %dma_start3A_519 = tpu.memref_slice %arg4[%add3A_263, %dma_start3A_517, %dma_start3A_518] : memref<1024x50x1024xf32, #tpu.memory_space<hbm>> -> memref<1x50x1024xf32, #tpu.memory_space<hbm>>
      %dma_start3A_520 = tpu.memref_squeeze %dma_start3A_519 : memref<1x50x1024xf32, #tpu.memory_space<hbm>> -> memref<50x1024xf32, #tpu.memory_space<hbm>>
      tpu.enqueue_dma source(%arg7 : memref<50x1024xf32, #tpu.memory_space<vmem>>) target(%dma_start3A_520 : memref<50x1024xf32, #tpu.memory_space<hbm>>) target_semaphore(%run_scoped3A : memref<!tpu.dma_semaphore, #tpu.memory_space<semaphore_mem>>)
      %dma_wait3A_521 = arith.constant 0 : i32
      %dma_wait3A_522 = arith.constant 0 : i32
      %dma_wait3A_523 = tpu.memref_slice %arg4[%add3A_263, %dma_wait3A_521, %dma_wait3A_522] : memref<1024x50x1024xf32, #tpu.memory_space<hbm>> -> memref<1x50x1024xf32, #tpu.memory_space<hbm>>
      %dma_wait3A_524 = tpu.memref_squeeze %dma_wait3A_523 : memref<1x50x1024xf32, #tpu.memory_space<hbm>> -> memref<50x1024xf32, #tpu.memory_space<hbm>>
      %dma_wait3A_525 = arith.constant 0 : i32
      %dma_wait3A_526 = arith.constant 0 : i32
      %dma_wait3A_527 = tpu.memref_slice %arg4[%add3A_263, %dma_wait3A_525, %dma_wait3A_526] : memref<1024x50x1024xf32, #tpu.memory_space<hbm>> -> memref<1x50x1024xf32, #tpu.memory_space<hbm>>
      %dma_wait3A_528 = tpu.memref_squeeze %dma_wait3A_527 : memref<1x50x1024xf32, #tpu.memory_space<hbm>> -> memref<50x1024xf32, #tpu.memory_space<hbm>>
      tpu.wait_dma2 semaphore(%run_scoped3A : memref<!tpu.dma_semaphore, #tpu.memory_space<semaphore_mem>>) src(%arg7 : memref<50x1024xf32, #tpu.memory_space<vmem>>) dst(%dma_wait3A_528 : memref<50x1024xf32, #tpu.memory_space<hbm>>)
      tpu.yield
    }) : () -> ()
    %dma_wait3A_264 = arith.constant 16 : i32
    %dma_wait3A_265 = arith.constant 0 : i32
    %dma_wait3A_266 = tpu.memref_slice %arg5[%dma_wait3A_264, %dma_wait3A_265] : memref<32x50xi32, #tpu.memory_space<vmem>> -> memref<1x50xi32, #tpu.memory_space<vmem>>
    %dma_wait3A_267 = tpu.memref_squeeze %dma_wait3A_266 : memref<1x50xi32, #tpu.memory_space<vmem>> -> memref<50xi32, #tpu.memory_space<vmem>>
    %dma_wait3A_268 = arith.constant 0 : i32
    %dma_wait3A_269 = arith.constant 0 : i32
    %dma_wait3A_270 = tpu.memref_slice %arg3[%dma_wait3A_268, %dma_wait3A_269] : memref<1000x1024xf32, #tpu.memory_space<hbm>> -> memref<1000x1024xf32, #tpu.memory_space<hbm>>
    tpu.wait_indirect_dma semaphore(%arg8 : memref<!tpu.dma_semaphore, #tpu.memory_space<semaphore_mem>>) src(%dma_wait3A_270 : memref<1000x1024xf32, #tpu.memory_space<hbm>>) dst(%arg6 : memref<50x1024xf32, #tpu.memory_space<vmem>>)
    %dma_start3A_271 = arith.constant 17 : i32
    %dma_start3A_272 = arith.constant 0 : i32
    %dma_start3A_273 = tpu.memref_slice %arg5[%dma_start3A_271, %dma_start3A_272] : memref<32x50xi32, #tpu.memory_space<vmem>> -> memref<1x50xi32, #tpu.memory_space<vmem>>
    %dma_start3A_274 = tpu.memref_squeeze %dma_start3A_273 : memref<1x50xi32, #tpu.memory_space<vmem>> -> memref<50xi32, #tpu.memory_space<vmem>>
    %dma_start3A_275 = arith.constant 0 : i32
    %dma_start3A_276 = arith.constant 0 : i32
    %dma_start3A_277 = tpu.memref_slice %arg3[%dma_start3A_275, %dma_start3A_276] : memref<1000x1024xf32, #tpu.memory_space<hbm>> -> memref<1000x1024xf32, #tpu.memory_space<hbm>>
    tpu.enqueue_indirect_dma source(%dma_start3A_277 : memref<1000x1024xf32, #tpu.memory_space<hbm>>) target(%arg7 : memref<50x1024xf32, #tpu.memory_space<vmem>>) offsets(%dma_start3A_274 : memref<50xi32, #tpu.memory_space<vmem>>) semaphore(%arg8 : memref<!tpu.dma_semaphore, #tpu.memory_space<semaphore_mem>>)
    %add3A_278 = arith.constant 16 : i32
    %add3A_279 = arith.addi %mul3A_2, %add3A_278 : i32
    "tpu.region"() ({
      %run_scoped3A = tpu.sem_alloc : memref<!tpu.dma_semaphore, #tpu.memory_space<semaphore_mem>>
      %dma_start3A_513 = arith.constant 0 : i32
      %dma_start3A_514 = arith.constant 0 : i32
      %dma_start3A_515 = tpu.memref_slice %arg4[%add3A_279, %dma_start3A_513, %dma_start3A_514] : memref<1024x50x1024xf32, #tpu.memory_space<hbm>> -> memref<1x50x1024xf32, #tpu.memory_space<hbm>>
      %dma_start3A_516 = tpu.memref_squeeze %dma_start3A_515 : memref<1x50x1024xf32, #tpu.memory_space<hbm>> -> memref<50x1024xf32, #tpu.memory_space<hbm>>
      %dma_start3A_517 = arith.constant 0 : i32
      %dma_start3A_518 = arith.constant 0 : i32
      %dma_start3A_519 = tpu.memref_slice %arg4[%add3A_279, %dma_start3A_517, %dma_start3A_518] : memref<1024x50x1024xf32, #tpu.memory_space<hbm>> -> memref<1x50x1024xf32, #tpu.memory_space<hbm>>
      %dma_start3A_520 = tpu.memref_squeeze %dma_start3A_519 : memref<1x50x1024xf32, #tpu.memory_space<hbm>> -> memref<50x1024xf32, #tpu.memory_space<hbm>>
      tpu.enqueue_dma source(%arg6 : memref<50x1024xf32, #tpu.memory_space<vmem>>) target(%dma_start3A_520 : memref<50x1024xf32, #tpu.memory_space<hbm>>) target_semaphore(%run_scoped3A : memref<!tpu.dma_semaphore, #tpu.memory_space<semaphore_mem>>)
      %dma_wait3A_521 = arith.constant 0 : i32
      %dma_wait3A_522 = arith.constant 0 : i32
      %dma_wait3A_523 = tpu.memref_slice %arg4[%add3A_279, %dma_wait3A_521, %dma_wait3A_522] : memref<1024x50x1024xf32, #tpu.memory_space<hbm>> -> memref<1x50x1024xf32, #tpu.memory_space<hbm>>
      %dma_wait3A_524 = tpu.memref_squeeze %dma_wait3A_523 : memref<1x50x1024xf32, #tpu.memory_space<hbm>> -> memref<50x1024xf32, #tpu.memory_space<hbm>>
      %dma_wait3A_525 = arith.constant 0 : i32
      %dma_wait3A_526 = arith.constant 0 : i32
      %dma_wait3A_527 = tpu.memref_slice %arg4[%add3A_279, %dma_wait3A_525, %dma_wait3A_526] : memref<1024x50x1024xf32, #tpu.memory_space<hbm>> -> memref<1x50x1024xf32, #tpu.memory_space<hbm>>
      %dma_wait3A_528 = tpu.memref_squeeze %dma_wait3A_527 : memref<1x50x1024xf32, #tpu.memory_space<hbm>> -> memref<50x1024xf32, #tpu.memory_space<hbm>>
      tpu.wait_dma2 semaphore(%run_scoped3A : memref<!tpu.dma_semaphore, #tpu.memory_space<semaphore_mem>>) src(%arg6 : memref<50x1024xf32, #tpu.memory_space<vmem>>) dst(%dma_wait3A_528 : memref<50x1024xf32, #tpu.memory_space<hbm>>)
      tpu.yield
    }) : () -> ()
    %dma_wait3A_280 = arith.constant 17 : i32
    %dma_wait3A_281 = arith.constant 0 : i32
    %dma_wait3A_282 = tpu.memref_slice %arg5[%dma_wait3A_280, %dma_wait3A_281] : memref<32x50xi32, #tpu.memory_space<vmem>> -> memref<1x50xi32, #tpu.memory_space<vmem>>
    %dma_wait3A_283 = tpu.memref_squeeze %dma_wait3A_282 : memref<1x50xi32, #tpu.memory_space<vmem>> -> memref<50xi32, #tpu.memory_space<vmem>>
    %dma_wait3A_284 = arith.constant 0 : i32
    %dma_wait3A_285 = arith.constant 0 : i32
    %dma_wait3A_286 = tpu.memref_slice %arg3[%dma_wait3A_284, %dma_wait3A_285] : memref<1000x1024xf32, #tpu.memory_space<hbm>> -> memref<1000x1024xf32, #tpu.memory_space<hbm>>
    tpu.wait_indirect_dma semaphore(%arg8 : memref<!tpu.dma_semaphore, #tpu.memory_space<semaphore_mem>>) src(%dma_wait3A_286 : memref<1000x1024xf32, #tpu.memory_space<hbm>>) dst(%arg7 : memref<50x1024xf32, #tpu.memory_space<vmem>>)
    %dma_start3A_287 = arith.constant 18 : i32
    %dma_start3A_288 = arith.constant 0 : i32
    %dma_start3A_289 = tpu.memref_slice %arg5[%dma_start3A_287, %dma_start3A_288] : memref<32x50xi32, #tpu.memory_space<vmem>> -> memref<1x50xi32, #tpu.memory_space<vmem>>
    %dma_start3A_290 = tpu.memref_squeeze %dma_start3A_289 : memref<1x50xi32, #tpu.memory_space<vmem>> -> memref<50xi32, #tpu.memory_space<vmem>>
    %dma_start3A_291 = arith.constant 0 : i32
    %dma_start3A_292 = arith.constant 0 : i32
    %dma_start3A_293 = tpu.memref_slice %arg3[%dma_start3A_291, %dma_start3A_292] : memref<1000x1024xf32, #tpu.memory_space<hbm>> -> memref<1000x1024xf32, #tpu.memory_space<hbm>>
    tpu.enqueue_indirect_dma source(%dma_start3A_293 : memref<1000x1024xf32, #tpu.memory_space<hbm>>) target(%arg6 : memref<50x1024xf32, #tpu.memory_space<vmem>>) offsets(%dma_start3A_290 : memref<50xi32, #tpu.memory_space<vmem>>) semaphore(%arg8 : memref<!tpu.dma_semaphore, #tpu.memory_space<semaphore_mem>>)
    %add3A_294 = arith.constant 17 : i32
    %add3A_295 = arith.addi %mul3A_2, %add3A_294 : i32
    "tpu.region"() ({
      %run_scoped3A = tpu.sem_alloc : memref<!tpu.dma_semaphore, #tpu.memory_space<semaphore_mem>>
      %dma_start3A_513 = arith.constant 0 : i32
      %dma_start3A_514 = arith.constant 0 : i32
      %dma_start3A_515 = tpu.memref_slice %arg4[%add3A_295, %dma_start3A_513, %dma_start3A_514] : memref<1024x50x1024xf32, #tpu.memory_space<hbm>> -> memref<1x50x1024xf32, #tpu.memory_space<hbm>>
      %dma_start3A_516 = tpu.memref_squeeze %dma_start3A_515 : memref<1x50x1024xf32, #tpu.memory_space<hbm>> -> memref<50x1024xf32, #tpu.memory_space<hbm>>
      %dma_start3A_517 = arith.constant 0 : i32
      %dma_start3A_518 = arith.constant 0 : i32
      %dma_start3A_519 = tpu.memref_slice %arg4[%add3A_295, %dma_start3A_517, %dma_start3A_518] : memref<1024x50x1024xf32, #tpu.memory_space<hbm>> -> memref<1x50x1024xf32, #tpu.memory_space<hbm>>
      %dma_start3A_520 = tpu.memref_squeeze %dma_start3A_519 : memref<1x50x1024xf32, #tpu.memory_space<hbm>> -> memref<50x1024xf32, #tpu.memory_space<hbm>>
      tpu.enqueue_dma source(%arg7 : memref<50x1024xf32, #tpu.memory_space<vmem>>) target(%dma_start3A_520 : memref<50x1024xf32, #tpu.memory_space<hbm>>) target_semaphore(%run_scoped3A : memref<!tpu.dma_semaphore, #tpu.memory_space<semaphore_mem>>)
      %dma_wait3A_521 = arith.constant 0 : i32
      %dma_wait3A_522 = arith.constant 0 : i32
      %dma_wait3A_523 = tpu.memref_slice %arg4[%add3A_295, %dma_wait3A_521, %dma_wait3A_522] : memref<1024x50x1024xf32, #tpu.memory_space<hbm>> -> memref<1x50x1024xf32, #tpu.memory_space<hbm>>
      %dma_wait3A_524 = tpu.memref_squeeze %dma_wait3A_523 : memref<1x50x1024xf32, #tpu.memory_space<hbm>> -> memref<50x1024xf32, #tpu.memory_space<hbm>>
      %dma_wait3A_525 = arith.constant 0 : i32
      %dma_wait3A_526 = arith.constant 0 : i32
      %dma_wait3A_527 = tpu.memref_slice %arg4[%add3A_295, %dma_wait3A_525, %dma_wait3A_526] : memref<1024x50x1024xf32, #tpu.memory_space<hbm>> -> memref<1x50x1024xf32, #tpu.memory_space<hbm>>
      %dma_wait3A_528 = tpu.memref_squeeze %dma_wait3A_527 : memref<1x50x1024xf32, #tpu.memory_space<hbm>> -> memref<50x1024xf32, #tpu.memory_space<hbm>>
      tpu.wait_dma2 semaphore(%run_scoped3A : memref<!tpu.dma_semaphore, #tpu.memory_space<semaphore_mem>>) src(%arg7 : memref<50x1024xf32, #tpu.memory_space<vmem>>) dst(%dma_wait3A_528 : memref<50x1024xf32, #tpu.memory_space<hbm>>)
      tpu.yield
    }) : () -> ()
    %dma_wait3A_296 = arith.constant 18 : i32
    %dma_wait3A_297 = arith.constant 0 : i32
    %dma_wait3A_298 = tpu.memref_slice %arg5[%dma_wait3A_296, %dma_wait3A_297] : memref<32x50xi32, #tpu.memory_space<vmem>> -> memref<1x50xi32, #tpu.memory_space<vmem>>
    %dma_wait3A_299 = tpu.memref_squeeze %dma_wait3A_298 : memref<1x50xi32, #tpu.memory_space<vmem>> -> memref<50xi32, #tpu.memory_space<vmem>>
    %dma_wait3A_300 = arith.constant 0 : i32
    %dma_wait3A_301 = arith.constant 0 : i32
    %dma_wait3A_302 = tpu.memref_slice %arg3[%dma_wait3A_300, %dma_wait3A_301] : memref<1000x1024xf32, #tpu.memory_space<hbm>> -> memref<1000x1024xf32, #tpu.memory_space<hbm>>
    tpu.wait_indirect_dma semaphore(%arg8 : memref<!tpu.dma_semaphore, #tpu.memory_space<semaphore_mem>>) src(%dma_wait3A_302 : memref<1000x1024xf32, #tpu.memory_space<hbm>>) dst(%arg6 : memref<50x1024xf32, #tpu.memory_space<vmem>>)
    %dma_start3A_303 = arith.constant 19 : i32
    %dma_start3A_304 = arith.constant 0 : i32
    %dma_start3A_305 = tpu.memref_slice %arg5[%dma_start3A_303, %dma_start3A_304] : memref<32x50xi32, #tpu.memory_space<vmem>> -> memref<1x50xi32, #tpu.memory_space<vmem>>
    %dma_start3A_306 = tpu.memref_squeeze %dma_start3A_305 : memref<1x50xi32, #tpu.memory_space<vmem>> -> memref<50xi32, #tpu.memory_space<vmem>>
    %dma_start3A_307 = arith.constant 0 : i32
    %dma_start3A_308 = arith.constant 0 : i32
    %dma_start3A_309 = tpu.memref_slice %arg3[%dma_start3A_307, %dma_start3A_308] : memref<1000x1024xf32, #tpu.memory_space<hbm>> -> memref<1000x1024xf32, #tpu.memory_space<hbm>>
    tpu.enqueue_indirect_dma source(%dma_start3A_309 : memref<1000x1024xf32, #tpu.memory_space<hbm>>) target(%arg7 : memref<50x1024xf32, #tpu.memory_space<vmem>>) offsets(%dma_start3A_306 : memref<50xi32, #tpu.memory_space<vmem>>) semaphore(%arg8 : memref<!tpu.dma_semaphore, #tpu.memory_space<semaphore_mem>>)
    %add3A_310 = arith.constant 18 : i32
    %add3A_311 = arith.addi %mul3A_2, %add3A_310 : i32
    "tpu.region"() ({
      %run_scoped3A = tpu.sem_alloc : memref<!tpu.dma_semaphore, #tpu.memory_space<semaphore_mem>>
      %dma_start3A_513 = arith.constant 0 : i32
      %dma_start3A_514 = arith.constant 0 : i32
      %dma_start3A_515 = tpu.memref_slice %arg4[%add3A_311, %dma_start3A_513, %dma_start3A_514] : memref<1024x50x1024xf32, #tpu.memory_space<hbm>> -> memref<1x50x1024xf32, #tpu.memory_space<hbm>>
      %dma_start3A_516 = tpu.memref_squeeze %dma_start3A_515 : memref<1x50x1024xf32, #tpu.memory_space<hbm>> -> memref<50x1024xf32, #tpu.memory_space<hbm>>
      %dma_start3A_517 = arith.constant 0 : i32
      %dma_start3A_518 = arith.constant 0 : i32
      %dma_start3A_519 = tpu.memref_slice %arg4[%add3A_311, %dma_start3A_517, %dma_start3A_518] : memref<1024x50x1024xf32, #tpu.memory_space<hbm>> -> memref<1x50x1024xf32, #tpu.memory_space<hbm>>
      %dma_start3A_520 = tpu.memref_squeeze %dma_start3A_519 : memref<1x50x1024xf32, #tpu.memory_space<hbm>> -> memref<50x1024xf32, #tpu.memory_space<hbm>>
      tpu.enqueue_dma source(%arg6 : memref<50x1024xf32, #tpu.memory_space<vmem>>) target(%dma_start3A_520 : memref<50x1024xf32, #tpu.memory_space<hbm>>) target_semaphore(%run_scoped3A : memref<!tpu.dma_semaphore, #tpu.memory_space<semaphore_mem>>)
      %dma_wait3A_521 = arith.constant 0 : i32
      %dma_wait3A_522 = arith.constant 0 : i32
      %dma_wait3A_523 = tpu.memref_slice %arg4[%add3A_311, %dma_wait3A_521, %dma_wait3A_522] : memref<1024x50x1024xf32, #tpu.memory_space<hbm>> -> memref<1x50x1024xf32, #tpu.memory_space<hbm>>
      %dma_wait3A_524 = tpu.memref_squeeze %dma_wait3A_523 : memref<1x50x1024xf32, #tpu.memory_space<hbm>> -> memref<50x1024xf32, #tpu.memory_space<hbm>>
      %dma_wait3A_525 = arith.constant 0 : i32
      %dma_wait3A_526 = arith.constant 0 : i32
      %dma_wait3A_527 = tpu.memref_slice %arg4[%add3A_311, %dma_wait3A_525, %dma_wait3A_526] : memref<1024x50x1024xf32, #tpu.memory_space<hbm>> -> memref<1x50x1024xf32, #tpu.memory_space<hbm>>
      %dma_wait3A_528 = tpu.memref_squeeze %dma_wait3A_527 : memref<1x50x1024xf32, #tpu.memory_space<hbm>> -> memref<50x1024xf32, #tpu.memory_space<hbm>>
      tpu.wait_dma2 semaphore(%run_scoped3A : memref<!tpu.dma_semaphore, #tpu.memory_space<semaphore_mem>>) src(%arg6 : memref<50x1024xf32, #tpu.memory_space<vmem>>) dst(%dma_wait3A_528 : memref<50x1024xf32, #tpu.memory_space<hbm>>)
      tpu.yield
    }) : () -> ()
    %dma_wait3A_312 = arith.constant 19 : i32
    %dma_wait3A_313 = arith.constant 0 : i32
    %dma_wait3A_314 = tpu.memref_slice %arg5[%dma_wait3A_312, %dma_wait3A_313] : memref<32x50xi32, #tpu.memory_space<vmem>> -> memref<1x50xi32, #tpu.memory_space<vmem>>
    %dma_wait3A_315 = tpu.memref_squeeze %dma_wait3A_314 : memref<1x50xi32, #tpu.memory_space<vmem>> -> memref<50xi32, #tpu.memory_space<vmem>>
    %dma_wait3A_316 = arith.constant 0 : i32
    %dma_wait3A_317 = arith.constant 0 : i32
    %dma_wait3A_318 = tpu.memref_slice %arg3[%dma_wait3A_316, %dma_wait3A_317] : memref<1000x1024xf32, #tpu.memory_space<hbm>> -> memref<1000x1024xf32, #tpu.memory_space<hbm>>
    tpu.wait_indirect_dma semaphore(%arg8 : memref<!tpu.dma_semaphore, #tpu.memory_space<semaphore_mem>>) src(%dma_wait3A_318 : memref<1000x1024xf32, #tpu.memory_space<hbm>>) dst(%arg7 : memref<50x1024xf32, #tpu.memory_space<vmem>>)
    %dma_start3A_319 = arith.constant 20 : i32
    %dma_start3A_320 = arith.constant 0 : i32
    %dma_start3A_321 = tpu.memref_slice %arg5[%dma_start3A_319, %dma_start3A_320] : memref<32x50xi32, #tpu.memory_space<vmem>> -> memref<1x50xi32, #tpu.memory_space<vmem>>
    %dma_start3A_322 = tpu.memref_squeeze %dma_start3A_321 : memref<1x50xi32, #tpu.memory_space<vmem>> -> memref<50xi32, #tpu.memory_space<vmem>>
    %dma_start3A_323 = arith.constant 0 : i32
    %dma_start3A_324 = arith.constant 0 : i32
    %dma_start3A_325 = tpu.memref_slice %arg3[%dma_start3A_323, %dma_start3A_324] : memref<1000x1024xf32, #tpu.memory_space<hbm>> -> memref<1000x1024xf32, #tpu.memory_space<hbm>>
    tpu.enqueue_indirect_dma source(%dma_start3A_325 : memref<1000x1024xf32, #tpu.memory_space<hbm>>) target(%arg6 : memref<50x1024xf32, #tpu.memory_space<vmem>>) offsets(%dma_start3A_322 : memref<50xi32, #tpu.memory_space<vmem>>) semaphore(%arg8 : memref<!tpu.dma_semaphore, #tpu.memory_space<semaphore_mem>>)
    %add3A_326 = arith.constant 19 : i32
    %add3A_327 = arith.addi %mul3A_2, %add3A_326 : i32
    "tpu.region"() ({
      %run_scoped3A = tpu.sem_alloc : memref<!tpu.dma_semaphore, #tpu.memory_space<semaphore_mem>>
      %dma_start3A_513 = arith.constant 0 : i32
      %dma_start3A_514 = arith.constant 0 : i32
      %dma_start3A_515 = tpu.memref_slice %arg4[%add3A_327, %dma_start3A_513, %dma_start3A_514] : memref<1024x50x1024xf32, #tpu.memory_space<hbm>> -> memref<1x50x1024xf32, #tpu.memory_space<hbm>>
      %dma_start3A_516 = tpu.memref_squeeze %dma_start3A_515 : memref<1x50x1024xf32, #tpu.memory_space<hbm>> -> memref<50x1024xf32, #tpu.memory_space<hbm>>
      %dma_start3A_517 = arith.constant 0 : i32
      %dma_start3A_518 = arith.constant 0 : i32
      %dma_start3A_519 = tpu.memref_slice %arg4[%add3A_327, %dma_start3A_517, %dma_start3A_518] : memref<1024x50x1024xf32, #tpu.memory_space<hbm>> -> memref<1x50x1024xf32, #tpu.memory_space<hbm>>
      %dma_start3A_520 = tpu.memref_squeeze %dma_start3A_519 : memref<1x50x1024xf32, #tpu.memory_space<hbm>> -> memref<50x1024xf32, #tpu.memory_space<hbm>>
      tpu.enqueue_dma source(%arg7 : memref<50x1024xf32, #tpu.memory_space<vmem>>) target(%dma_start3A_520 : memref<50x1024xf32, #tpu.memory_space<hbm>>) target_semaphore(%run_scoped3A : memref<!tpu.dma_semaphore, #tpu.memory_space<semaphore_mem>>)
      %dma_wait3A_521 = arith.constant 0 : i32
      %dma_wait3A_522 = arith.constant 0 : i32
      %dma_wait3A_523 = tpu.memref_slice %arg4[%add3A_327, %dma_wait3A_521, %dma_wait3A_522] : memref<1024x50x1024xf32, #tpu.memory_space<hbm>> -> memref<1x50x1024xf32, #tpu.memory_space<hbm>>
      %dma_wait3A_524 = tpu.memref_squeeze %dma_wait3A_523 : memref<1x50x1024xf32, #tpu.memory_space<hbm>> -> memref<50x1024xf32, #tpu.memory_space<hbm>>
      %dma_wait3A_525 = arith.constant 0 : i32
      %dma_wait3A_526 = arith.constant 0 : i32
      %dma_wait3A_527 = tpu.memref_slice %arg4[%add3A_327, %dma_wait3A_525, %dma_wait3A_526] : memref<1024x50x1024xf32, #tpu.memory_space<hbm>> -> memref<1x50x1024xf32, #tpu.memory_space<hbm>>
      %dma_wait3A_528 = tpu.memref_squeeze %dma_wait3A_527 : memref<1x50x1024xf32, #tpu.memory_space<hbm>> -> memref<50x1024xf32, #tpu.memory_space<hbm>>
      tpu.wait_dma2 semaphore(%run_scoped3A : memref<!tpu.dma_semaphore, #tpu.memory_space<semaphore_mem>>) src(%arg7 : memref<50x1024xf32, #tpu.memory_space<vmem>>) dst(%dma_wait3A_528 : memref<50x1024xf32, #tpu.memory_space<hbm>>)
      tpu.yield
    }) : () -> ()
    %dma_wait3A_328 = arith.constant 20 : i32
    %dma_wait3A_329 = arith.constant 0 : i32
    %dma_wait3A_330 = tpu.memref_slice %arg5[%dma_wait3A_328, %dma_wait3A_329] : memref<32x50xi32, #tpu.memory_space<vmem>> -> memref<1x50xi32, #tpu.memory_space<vmem>>
    %dma_wait3A_331 = tpu.memref_squeeze %dma_wait3A_330 : memref<1x50xi32, #tpu.memory_space<vmem>> -> memref<50xi32, #tpu.memory_space<vmem>>
    %dma_wait3A_332 = arith.constant 0 : i32
    %dma_wait3A_333 = arith.constant 0 : i32
    %dma_wait3A_334 = tpu.memref_slice %arg3[%dma_wait3A_332, %dma_wait3A_333] : memref<1000x1024xf32, #tpu.memory_space<hbm>> -> memref<1000x1024xf32, #tpu.memory_space<hbm>>
    tpu.wait_indirect_dma semaphore(%arg8 : memref<!tpu.dma_semaphore, #tpu.memory_space<semaphore_mem>>) src(%dma_wait3A_334 : memref<1000x1024xf32, #tpu.memory_space<hbm>>) dst(%arg6 : memref<50x1024xf32, #tpu.memory_space<vmem>>)
    %dma_start3A_335 = arith.constant 21 : i32
    %dma_start3A_336 = arith.constant 0 : i32
    %dma_start3A_337 = tpu.memref_slice %arg5[%dma_start3A_335, %dma_start3A_336] : memref<32x50xi32, #tpu.memory_space<vmem>> -> memref<1x50xi32, #tpu.memory_space<vmem>>
    %dma_start3A_338 = tpu.memref_squeeze %dma_start3A_337 : memref<1x50xi32, #tpu.memory_space<vmem>> -> memref<50xi32, #tpu.memory_space<vmem>>
    %dma_start3A_339 = arith.constant 0 : i32
    %dma_start3A_340 = arith.constant 0 : i32
    %dma_start3A_341 = tpu.memref_slice %arg3[%dma_start3A_339, %dma_start3A_340] : memref<1000x1024xf32, #tpu.memory_space<hbm>> -> memref<1000x1024xf32, #tpu.memory_space<hbm>>
    tpu.enqueue_indirect_dma source(%dma_start3A_341 : memref<1000x1024xf32, #tpu.memory_space<hbm>>) target(%arg7 : memref<50x1024xf32, #tpu.memory_space<vmem>>) offsets(%dma_start3A_338 : memref<50xi32, #tpu.memory_space<vmem>>) semaphore(%arg8 : memref<!tpu.dma_semaphore, #tpu.memory_space<semaphore_mem>>)
    %add3A_342 = arith.constant 20 : i32
    %add3A_343 = arith.addi %mul3A_2, %add3A_342 : i32
    "tpu.region"() ({
      %run_scoped3A = tpu.sem_alloc : memref<!tpu.dma_semaphore, #tpu.memory_space<semaphore_mem>>
      %dma_start3A_513 = arith.constant 0 : i32
      %dma_start3A_514 = arith.constant 0 : i32
      %dma_start3A_515 = tpu.memref_slice %arg4[%add3A_343, %dma_start3A_513, %dma_start3A_514] : memref<1024x50x1024xf32, #tpu.memory_space<hbm>> -> memref<1x50x1024xf32, #tpu.memory_space<hbm>>
      %dma_start3A_516 = tpu.memref_squeeze %dma_start3A_515 : memref<1x50x1024xf32, #tpu.memory_space<hbm>> -> memref<50x1024xf32, #tpu.memory_space<hbm>>
      %dma_start3A_517 = arith.constant 0 : i32
      %dma_start3A_518 = arith.constant 0 : i32
      %dma_start3A_519 = tpu.memref_slice %arg4[%add3A_343, %dma_start3A_517, %dma_start3A_518] : memref<1024x50x1024xf32, #tpu.memory_space<hbm>> -> memref<1x50x1024xf32, #tpu.memory_space<hbm>>
      %dma_start3A_520 = tpu.memref_squeeze %dma_start3A_519 : memref<1x50x1024xf32, #tpu.memory_space<hbm>> -> memref<50x1024xf32, #tpu.memory_space<hbm>>
      tpu.enqueue_dma source(%arg6 : memref<50x1024xf32, #tpu.memory_space<vmem>>) target(%dma_start3A_520 : memref<50x1024xf32, #tpu.memory_space<hbm>>) target_semaphore(%run_scoped3A : memref<!tpu.dma_semaphore, #tpu.memory_space<semaphore_mem>>)
      %dma_wait3A_521 = arith.constant 0 : i32
      %dma_wait3A_522 = arith.constant 0 : i32
      %dma_wait3A_523 = tpu.memref_slice %arg4[%add3A_343, %dma_wait3A_521, %dma_wait3A_522] : memref<1024x50x1024xf32, #tpu.memory_space<hbm>> -> memref<1x50x1024xf32, #tpu.memory_space<hbm>>
      %dma_wait3A_524 = tpu.memref_squeeze %dma_wait3A_523 : memref<1x50x1024xf32, #tpu.memory_space<hbm>> -> memref<50x1024xf32, #tpu.memory_space<hbm>>
      %dma_wait3A_525 = arith.constant 0 : i32
      %dma_wait3A_526 = arith.constant 0 : i32
      %dma_wait3A_527 = tpu.memref_slice %arg4[%add3A_343, %dma_wait3A_525, %dma_wait3A_526] : memref<1024x50x1024xf32, #tpu.memory_space<hbm>> -> memref<1x50x1024xf32, #tpu.memory_space<hbm>>
      %dma_wait3A_528 = tpu.memref_squeeze %dma_wait3A_527 : memref<1x50x1024xf32, #tpu.memory_space<hbm>> -> memref<50x1024xf32, #tpu.memory_space<hbm>>
      tpu.wait_dma2 semaphore(%run_scoped3A : memref<!tpu.dma_semaphore, #tpu.memory_space<semaphore_mem>>) src(%arg6 : memref<50x1024xf32, #tpu.memory_space<vmem>>) dst(%dma_wait3A_528 : memref<50x1024xf32, #tpu.memory_space<hbm>>)
      tpu.yield
    }) : () -> ()
    %dma_wait3A_344 = arith.constant 21 : i32
    %dma_wait3A_345 = arith.constant 0 : i32
    %dma_wait3A_346 = tpu.memref_slice %arg5[%dma_wait3A_344, %dma_wait3A_345] : memref<32x50xi32, #tpu.memory_space<vmem>> -> memref<1x50xi32, #tpu.memory_space<vmem>>
    %dma_wait3A_347 = tpu.memref_squeeze %dma_wait3A_346 : memref<1x50xi32, #tpu.memory_space<vmem>> -> memref<50xi32, #tpu.memory_space<vmem>>
    %dma_wait3A_348 = arith.constant 0 : i32
    %dma_wait3A_349 = arith.constant 0 : i32
    %dma_wait3A_350 = tpu.memref_slice %arg3[%dma_wait3A_348, %dma_wait3A_349] : memref<1000x1024xf32, #tpu.memory_space<hbm>> -> memref<1000x1024xf32, #tpu.memory_space<hbm>>
    tpu.wait_indirect_dma semaphore(%arg8 : memref<!tpu.dma_semaphore, #tpu.memory_space<semaphore_mem>>) src(%dma_wait3A_350 : memref<1000x1024xf32, #tpu.memory_space<hbm>>) dst(%arg7 : memref<50x1024xf32, #tpu.memory_space<vmem>>)
    %dma_start3A_351 = arith.constant 22 : i32
    %dma_start3A_352 = arith.constant 0 : i32
    %dma_start3A_353 = tpu.memref_slice %arg5[%dma_start3A_351, %dma_start3A_352] : memref<32x50xi32, #tpu.memory_space<vmem>> -> memref<1x50xi32, #tpu.memory_space<vmem>>
    %dma_start3A_354 = tpu.memref_squeeze %dma_start3A_353 : memref<1x50xi32, #tpu.memory_space<vmem>> -> memref<50xi32, #tpu.memory_space<vmem>>
    %dma_start3A_355 = arith.constant 0 : i32
    %dma_start3A_356 = arith.constant 0 : i32
    %dma_start3A_357 = tpu.memref_slice %arg3[%dma_start3A_355, %dma_start3A_356] : memref<1000x1024xf32, #tpu.memory_space<hbm>> -> memref<1000x1024xf32, #tpu.memory_space<hbm>>
    tpu.enqueue_indirect_dma source(%dma_start3A_357 : memref<1000x1024xf32, #tpu.memory_space<hbm>>) target(%arg6 : memref<50x1024xf32, #tpu.memory_space<vmem>>) offsets(%dma_start3A_354 : memref<50xi32, #tpu.memory_space<vmem>>) semaphore(%arg8 : memref<!tpu.dma_semaphore, #tpu.memory_space<semaphore_mem>>)
    %add3A_358 = arith.constant 21 : i32
    %add3A_359 = arith.addi %mul3A_2, %add3A_358 : i32
    "tpu.region"() ({
      %run_scoped3A = tpu.sem_alloc : memref<!tpu.dma_semaphore, #tpu.memory_space<semaphore_mem>>
      %dma_start3A_513 = arith.constant 0 : i32
      %dma_start3A_514 = arith.constant 0 : i32
      %dma_start3A_515 = tpu.memref_slice %arg4[%add3A_359, %dma_start3A_513, %dma_start3A_514] : memref<1024x50x1024xf32, #tpu.memory_space<hbm>> -> memref<1x50x1024xf32, #tpu.memory_space<hbm>>
      %dma_start3A_516 = tpu.memref_squeeze %dma_start3A_515 : memref<1x50x1024xf32, #tpu.memory_space<hbm>> -> memref<50x1024xf32, #tpu.memory_space<hbm>>
      %dma_start3A_517 = arith.constant 0 : i32
      %dma_start3A_518 = arith.constant 0 : i32
      %dma_start3A_519 = tpu.memref_slice %arg4[%add3A_359, %dma_start3A_517, %dma_start3A_518] : memref<1024x50x1024xf32, #tpu.memory_space<hbm>> -> memref<1x50x1024xf32, #tpu.memory_space<hbm>>
      %dma_start3A_520 = tpu.memref_squeeze %dma_start3A_519 : memref<1x50x1024xf32, #tpu.memory_space<hbm>> -> memref<50x1024xf32, #tpu.memory_space<hbm>>
      tpu.enqueue_dma source(%arg7 : memref<50x1024xf32, #tpu.memory_space<vmem>>) target(%dma_start3A_520 : memref<50x1024xf32, #tpu.memory_space<hbm>>) target_semaphore(%run_scoped3A : memref<!tpu.dma_semaphore, #tpu.memory_space<semaphore_mem>>)
      %dma_wait3A_521 = arith.constant 0 : i32
      %dma_wait3A_522 = arith.constant 0 : i32
      %dma_wait3A_523 = tpu.memref_slice %arg4[%add3A_359, %dma_wait3A_521, %dma_wait3A_522] : memref<1024x50x1024xf32, #tpu.memory_space<hbm>> -> memref<1x50x1024xf32, #tpu.memory_space<hbm>>
      %dma_wait3A_524 = tpu.memref_squeeze %dma_wait3A_523 : memref<1x50x1024xf32, #tpu.memory_space<hbm>> -> memref<50x1024xf32, #tpu.memory_space<hbm>>
      %dma_wait3A_525 = arith.constant 0 : i32
      %dma_wait3A_526 = arith.constant 0 : i32
      %dma_wait3A_527 = tpu.memref_slice %arg4[%add3A_359, %dma_wait3A_525, %dma_wait3A_526] : memref<1024x50x1024xf32, #tpu.memory_space<hbm>> -> memref<1x50x1024xf32, #tpu.memory_space<hbm>>
      %dma_wait3A_528 = tpu.memref_squeeze %dma_wait3A_527 : memref<1x50x1024xf32, #tpu.memory_space<hbm>> -> memref<50x1024xf32, #tpu.memory_space<hbm>>
      tpu.wait_dma2 semaphore(%run_scoped3A : memref<!tpu.dma_semaphore, #tpu.memory_space<semaphore_mem>>) src(%arg7 : memref<50x1024xf32, #tpu.memory_space<vmem>>) dst(%dma_wait3A_528 : memref<50x1024xf32, #tpu.memory_space<hbm>>)
      tpu.yield
    }) : () -> ()
    %dma_wait3A_360 = arith.constant 22 : i32
    %dma_wait3A_361 = arith.constant 0 : i32
    %dma_wait3A_362 = tpu.memref_slice %arg5[%dma_wait3A_360, %dma_wait3A_361] : memref<32x50xi32, #tpu.memory_space<vmem>> -> memref<1x50xi32, #tpu.memory_space<vmem>>
    %dma_wait3A_363 = tpu.memref_squeeze %dma_wait3A_362 : memref<1x50xi32, #tpu.memory_space<vmem>> -> memref<50xi32, #tpu.memory_space<vmem>>
    %dma_wait3A_364 = arith.constant 0 : i32
    %dma_wait3A_365 = arith.constant 0 : i32
    %dma_wait3A_366 = tpu.memref_slice %arg3[%dma_wait3A_364, %dma_wait3A_365] : memref<1000x1024xf32, #tpu.memory_space<hbm>> -> memref<1000x1024xf32, #tpu.memory_space<hbm>>
    tpu.wait_indirect_dma semaphore(%arg8 : memref<!tpu.dma_semaphore, #tpu.memory_space<semaphore_mem>>) src(%dma_wait3A_366 : memref<1000x1024xf32, #tpu.memory_space<hbm>>) dst(%arg6 : memref<50x1024xf32, #tpu.memory_space<vmem>>)
    %dma_start3A_367 = arith.constant 23 : i32
    %dma_start3A_368 = arith.constant 0 : i32
    %dma_start3A_369 = tpu.memref_slice %arg5[%dma_start3A_367, %dma_start3A_368] : memref<32x50xi32, #tpu.memory_space<vmem>> -> memref<1x50xi32, #tpu.memory_space<vmem>>
    %dma_start3A_370 = tpu.memref_squeeze %dma_start3A_369 : memref<1x50xi32, #tpu.memory_space<vmem>> -> memref<50xi32, #tpu.memory_space<vmem>>
    %dma_start3A_371 = arith.constant 0 : i32
    %dma_start3A_372 = arith.constant 0 : i32
    %dma_start3A_373 = tpu.memref_slice %arg3[%dma_start3A_371, %dma_start3A_372] : memref<1000x1024xf32, #tpu.memory_space<hbm>> -> memref<1000x1024xf32, #tpu.memory_space<hbm>>
    tpu.enqueue_indirect_dma source(%dma_start3A_373 : memref<1000x1024xf32, #tpu.memory_space<hbm>>) target(%arg7 : memref<50x1024xf32, #tpu.memory_space<vmem>>) offsets(%dma_start3A_370 : memref<50xi32, #tpu.memory_space<vmem>>) semaphore(%arg8 : memref<!tpu.dma_semaphore, #tpu.memory_space<semaphore_mem>>)
    %add3A_374 = arith.constant 22 : i32
    %add3A_375 = arith.addi %mul3A_2, %add3A_374 : i32
    "tpu.region"() ({
      %run_scoped3A = tpu.sem_alloc : memref<!tpu.dma_semaphore, #tpu.memory_space<semaphore_mem>>
      %dma_start3A_513 = arith.constant 0 : i32
      %dma_start3A_514 = arith.constant 0 : i32
      %dma_start3A_515 = tpu.memref_slice %arg4[%add3A_375, %dma_start3A_513, %dma_start3A_514] : memref<1024x50x1024xf32, #tpu.memory_space<hbm>> -> memref<1x50x1024xf32, #tpu.memory_space<hbm>>
      %dma_start3A_516 = tpu.memref_squeeze %dma_start3A_515 : memref<1x50x1024xf32, #tpu.memory_space<hbm>> -> memref<50x1024xf32, #tpu.memory_space<hbm>>
      %dma_start3A_517 = arith.constant 0 : i32
      %dma_start3A_518 = arith.constant 0 : i32
      %dma_start3A_519 = tpu.memref_slice %arg4[%add3A_375, %dma_start3A_517, %dma_start3A_518] : memref<1024x50x1024xf32, #tpu.memory_space<hbm>> -> memref<1x50x1024xf32, #tpu.memory_space<hbm>>
      %dma_start3A_520 = tpu.memref_squeeze %dma_start3A_519 : memref<1x50x1024xf32, #tpu.memory_space<hbm>> -> memref<50x1024xf32, #tpu.memory_space<hbm>>
      tpu.enqueue_dma source(%arg6 : memref<50x1024xf32, #tpu.memory_space<vmem>>) target(%dma_start3A_520 : memref<50x1024xf32, #tpu.memory_space<hbm>>) target_semaphore(%run_scoped3A : memref<!tpu.dma_semaphore, #tpu.memory_space<semaphore_mem>>)
      %dma_wait3A_521 = arith.constant 0 : i32
      %dma_wait3A_522 = arith.constant 0 : i32
      %dma_wait3A_523 = tpu.memref_slice %arg4[%add3A_375, %dma_wait3A_521, %dma_wait3A_522] : memref<1024x50x1024xf32, #tpu.memory_space<hbm>> -> memref<1x50x1024xf32, #tpu.memory_space<hbm>>
      %dma_wait3A_524 = tpu.memref_squeeze %dma_wait3A_523 : memref<1x50x1024xf32, #tpu.memory_space<hbm>> -> memref<50x1024xf32, #tpu.memory_space<hbm>>
      %dma_wait3A_525 = arith.constant 0 : i32
      %dma_wait3A_526 = arith.constant 0 : i32
      %dma_wait3A_527 = tpu.memref_slice %arg4[%add3A_375, %dma_wait3A_525, %dma_wait3A_526] : memref<1024x50x1024xf32, #tpu.memory_space<hbm>> -> memref<1x50x1024xf32, #tpu.memory_space<hbm>>
      %dma_wait3A_528 = tpu.memref_squeeze %dma_wait3A_527 : memref<1x50x1024xf32, #tpu.memory_space<hbm>> -> memref<50x1024xf32, #tpu.memory_space<hbm>>
      tpu.wait_dma2 semaphore(%run_scoped3A : memref<!tpu.dma_semaphore, #tpu.memory_space<semaphore_mem>>) src(%arg6 : memref<50x1024xf32, #tpu.memory_space<vmem>>) dst(%dma_wait3A_528 : memref<50x1024xf32, #tpu.memory_space<hbm>>)
      tpu.yield
    }) : () -> ()
    %dma_wait3A_376 = arith.constant 23 : i32
    %dma_wait3A_377 = arith.constant 0 : i32
    %dma_wait3A_378 = tpu.memref_slice %arg5[%dma_wait3A_376, %dma_wait3A_377] : memref<32x50xi32, #tpu.memory_space<vmem>> -> memref<1x50xi32, #tpu.memory_space<vmem>>
    %dma_wait3A_379 = tpu.memref_squeeze %dma_wait3A_378 : memref<1x50xi32, #tpu.memory_space<vmem>> -> memref<50xi32, #tpu.memory_space<vmem>>
    %dma_wait3A_380 = arith.constant 0 : i32
    %dma_wait3A_381 = arith.constant 0 : i32
    %dma_wait3A_382 = tpu.memref_slice %arg3[%dma_wait3A_380, %dma_wait3A_381] : memref<1000x1024xf32, #tpu.memory_space<hbm>> -> memref<1000x1024xf32, #tpu.memory_space<hbm>>
    tpu.wait_indirect_dma semaphore(%arg8 : memref<!tpu.dma_semaphore, #tpu.memory_space<semaphore_mem>>) src(%dma_wait3A_382 : memref<1000x1024xf32, #tpu.memory_space<hbm>>) dst(%arg7 : memref<50x1024xf32, #tpu.memory_space<vmem>>)
    %dma_start3A_383 = arith.constant 24 : i32
    %dma_start3A_384 = arith.constant 0 : i32
    %dma_start3A_385 = tpu.memref_slice %arg5[%dma_start3A_383, %dma_start3A_384] : memref<32x50xi32, #tpu.memory_space<vmem>> -> memref<1x50xi32, #tpu.memory_space<vmem>>
    %dma_start3A_386 = tpu.memref_squeeze %dma_start3A_385 : memref<1x50xi32, #tpu.memory_space<vmem>> -> memref<50xi32, #tpu.memory_space<vmem>>
    %dma_start3A_387 = arith.constant 0 : i32
    %dma_start3A_388 = arith.constant 0 : i32
    %dma_start3A_389 = tpu.memref_slice %arg3[%dma_start3A_387, %dma_start3A_388] : memref<1000x1024xf32, #tpu.memory_space<hbm>> -> memref<1000x1024xf32, #tpu.memory_space<hbm>>
    tpu.enqueue_indirect_dma source(%dma_start3A_389 : memref<1000x1024xf32, #tpu.memory_space<hbm>>) target(%arg6 : memref<50x1024xf32, #tpu.memory_space<vmem>>) offsets(%dma_start3A_386 : memref<50xi32, #tpu.memory_space<vmem>>) semaphore(%arg8 : memref<!tpu.dma_semaphore, #tpu.memory_space<semaphore_mem>>)
    %add3A_390 = arith.constant 23 : i32
    %add3A_391 = arith.addi %mul3A_2, %add3A_390 : i32
    "tpu.region"() ({
      %run_scoped3A = tpu.sem_alloc : memref<!tpu.dma_semaphore, #tpu.memory_space<semaphore_mem>>
      %dma_start3A_513 = arith.constant 0 : i32
      %dma_start3A_514 = arith.constant 0 : i32
      %dma_start3A_515 = tpu.memref_slice %arg4[%add3A_391, %dma_start3A_513, %dma_start3A_514] : memref<1024x50x1024xf32, #tpu.memory_space<hbm>> -> memref<1x50x1024xf32, #tpu.memory_space<hbm>>
      %dma_start3A_516 = tpu.memref_squeeze %dma_start3A_515 : memref<1x50x1024xf32, #tpu.memory_space<hbm>> -> memref<50x1024xf32, #tpu.memory_space<hbm>>
      %dma_start3A_517 = arith.constant 0 : i32
      %dma_start3A_518 = arith.constant 0 : i32
      %dma_start3A_519 = tpu.memref_slice %arg4[%add3A_391, %dma_start3A_517, %dma_start3A_518] : memref<1024x50x1024xf32, #tpu.memory_space<hbm>> -> memref<1x50x1024xf32, #tpu.memory_space<hbm>>
      %dma_start3A_520 = tpu.memref_squeeze %dma_start3A_519 : memref<1x50x1024xf32, #tpu.memory_space<hbm>> -> memref<50x1024xf32, #tpu.memory_space<hbm>>
      tpu.enqueue_dma source(%arg7 : memref<50x1024xf32, #tpu.memory_space<vmem>>) target(%dma_start3A_520 : memref<50x1024xf32, #tpu.memory_space<hbm>>) target_semaphore(%run_scoped3A : memref<!tpu.dma_semaphore, #tpu.memory_space<semaphore_mem>>)
      %dma_wait3A_521 = arith.constant 0 : i32
      %dma_wait3A_522 = arith.constant 0 : i32
      %dma_wait3A_523 = tpu.memref_slice %arg4[%add3A_391, %dma_wait3A_521, %dma_wait3A_522] : memref<1024x50x1024xf32, #tpu.memory_space<hbm>> -> memref<1x50x1024xf32, #tpu.memory_space<hbm>>
      %dma_wait3A_524 = tpu.memref_squeeze %dma_wait3A_523 : memref<1x50x1024xf32, #tpu.memory_space<hbm>> -> memref<50x1024xf32, #tpu.memory_space<hbm>>
      %dma_wait3A_525 = arith.constant 0 : i32
      %dma_wait3A_526 = arith.constant 0 : i32
      %dma_wait3A_527 = tpu.memref_slice %arg4[%add3A_391, %dma_wait3A_525, %dma_wait3A_526] : memref<1024x50x1024xf32, #tpu.memory_space<hbm>> -> memref<1x50x1024xf32, #tpu.memory_space<hbm>>
      %dma_wait3A_528 = tpu.memref_squeeze %dma_wait3A_527 : memref<1x50x1024xf32, #tpu.memory_space<hbm>> -> memref<50x1024xf32, #tpu.memory_space<hbm>>
      tpu.wait_dma2 semaphore(%run_scoped3A : memref<!tpu.dma_semaphore, #tpu.memory_space<semaphore_mem>>) src(%arg7 : memref<50x1024xf32, #tpu.memory_space<vmem>>) dst(%dma_wait3A_528 : memref<50x1024xf32, #tpu.memory_space<hbm>>)
      tpu.yield
    }) : () -> ()
    %dma_wait3A_392 = arith.constant 24 : i32
    %dma_wait3A_393 = arith.constant 0 : i32
    %dma_wait3A_394 = tpu.memref_slice %arg5[%dma_wait3A_392, %dma_wait3A_393] : memref<32x50xi32, #tpu.memory_space<vmem>> -> memref<1x50xi32, #tpu.memory_space<vmem>>
    %dma_wait3A_395 = tpu.memref_squeeze %dma_wait3A_394 : memref<1x50xi32, #tpu.memory_space<vmem>> -> memref<50xi32, #tpu.memory_space<vmem>>
    %dma_wait3A_396 = arith.constant 0 : i32
    %dma_wait3A_397 = arith.constant 0 : i32
    %dma_wait3A_398 = tpu.memref_slice %arg3[%dma_wait3A_396, %dma_wait3A_397] : memref<1000x1024xf32, #tpu.memory_space<hbm>> -> memref<1000x1024xf32, #tpu.memory_space<hbm>>
    tpu.wait_indirect_dma semaphore(%arg8 : memref<!tpu.dma_semaphore, #tpu.memory_space<semaphore_mem>>) src(%dma_wait3A_398 : memref<1000x1024xf32, #tpu.memory_space<hbm>>) dst(%arg6 : memref<50x1024xf32, #tpu.memory_space<vmem>>)
    %dma_start3A_399 = arith.constant 25 : i32
    %dma_start3A_400 = arith.constant 0 : i32
    %dma_start3A_401 = tpu.memref_slice %arg5[%dma_start3A_399, %dma_start3A_400] : memref<32x50xi32, #tpu.memory_space<vmem>> -> memref<1x50xi32, #tpu.memory_space<vmem>>
    %dma_start3A_402 = tpu.memref_squeeze %dma_start3A_401 : memref<1x50xi32, #tpu.memory_space<vmem>> -> memref<50xi32, #tpu.memory_space<vmem>>
    %dma_start3A_403 = arith.constant 0 : i32
    %dma_start3A_404 = arith.constant 0 : i32
    %dma_start3A_405 = tpu.memref_slice %arg3[%dma_start3A_403, %dma_start3A_404] : memref<1000x1024xf32, #tpu.memory_space<hbm>> -> memref<1000x1024xf32, #tpu.memory_space<hbm>>
    tpu.enqueue_indirect_dma source(%dma_start3A_405 : memref<1000x1024xf32, #tpu.memory_space<hbm>>) target(%arg7 : memref<50x1024xf32, #tpu.memory_space<vmem>>) offsets(%dma_start3A_402 : memref<50xi32, #tpu.memory_space<vmem>>) semaphore(%arg8 : memref<!tpu.dma_semaphore, #tpu.memory_space<semaphore_mem>>)
    %add3A_406 = arith.constant 24 : i32
    %add3A_407 = arith.addi %mul3A_2, %add3A_406 : i32
    "tpu.region"() ({
      %run_scoped3A = tpu.sem_alloc : memref<!tpu.dma_semaphore, #tpu.memory_space<semaphore_mem>>
      %dma_start3A_513 = arith.constant 0 : i32
      %dma_start3A_514 = arith.constant 0 : i32
      %dma_start3A_515 = tpu.memref_slice %arg4[%add3A_407, %dma_start3A_513, %dma_start3A_514] : memref<1024x50x1024xf32, #tpu.memory_space<hbm>> -> memref<1x50x1024xf32, #tpu.memory_space<hbm>>
      %dma_start3A_516 = tpu.memref_squeeze %dma_start3A_515 : memref<1x50x1024xf32, #tpu.memory_space<hbm>> -> memref<50x1024xf32, #tpu.memory_space<hbm>>
      %dma_start3A_517 = arith.constant 0 : i32
      %dma_start3A_518 = arith.constant 0 : i32
      %dma_start3A_519 = tpu.memref_slice %arg4[%add3A_407, %dma_start3A_517, %dma_start3A_518] : memref<1024x50x1024xf32, #tpu.memory_space<hbm>> -> memref<1x50x1024xf32, #tpu.memory_space<hbm>>
      %dma_start3A_520 = tpu.memref_squeeze %dma_start3A_519 : memref<1x50x1024xf32, #tpu.memory_space<hbm>> -> memref<50x1024xf32, #tpu.memory_space<hbm>>
      tpu.enqueue_dma source(%arg6 : memref<50x1024xf32, #tpu.memory_space<vmem>>) target(%dma_start3A_520 : memref<50x1024xf32, #tpu.memory_space<hbm>>) target_semaphore(%run_scoped3A : memref<!tpu.dma_semaphore, #tpu.memory_space<semaphore_mem>>)
      %dma_wait3A_521 = arith.constant 0 : i32
      %dma_wait3A_522 = arith.constant 0 : i32
      %dma_wait3A_523 = tpu.memref_slice %arg4[%add3A_407, %dma_wait3A_521, %dma_wait3A_522] : memref<1024x50x1024xf32, #tpu.memory_space<hbm>> -> memref<1x50x1024xf32, #tpu.memory_space<hbm>>
      %dma_wait3A_524 = tpu.memref_squeeze %dma_wait3A_523 : memref<1x50x1024xf32, #tpu.memory_space<hbm>> -> memref<50x1024xf32, #tpu.memory_space<hbm>>
      %dma_wait3A_525 = arith.constant 0 : i32
      %dma_wait3A_526 = arith.constant 0 : i32
      %dma_wait3A_527 = tpu.memref_slice %arg4[%add3A_407, %dma_wait3A_525, %dma_wait3A_526] : memref<1024x50x1024xf32, #tpu.memory_space<hbm>> -> memref<1x50x1024xf32, #tpu.memory_space<hbm>>
      %dma_wait3A_528 = tpu.memref_squeeze %dma_wait3A_527 : memref<1x50x1024xf32, #tpu.memory_space<hbm>> -> memref<50x1024xf32, #tpu.memory_space<hbm>>
      tpu.wait_dma2 semaphore(%run_scoped3A : memref<!tpu.dma_semaphore, #tpu.memory_space<semaphore_mem>>) src(%arg6 : memref<50x1024xf32, #tpu.memory_space<vmem>>) dst(%dma_wait3A_528 : memref<50x1024xf32, #tpu.memory_space<hbm>>)
      tpu.yield
    }) : () -> ()
    %dma_wait3A_408 = arith.constant 25 : i32
    %dma_wait3A_409 = arith.constant 0 : i32
    %dma_wait3A_410 = tpu.memref_slice %arg5[%dma_wait3A_408, %dma_wait3A_409] : memref<32x50xi32, #tpu.memory_space<vmem>> -> memref<1x50xi32, #tpu.memory_space<vmem>>
    %dma_wait3A_411 = tpu.memref_squeeze %dma_wait3A_410 : memref<1x50xi32, #tpu.memory_space<vmem>> -> memref<50xi32, #tpu.memory_space<vmem>>
    %dma_wait3A_412 = arith.constant 0 : i32
    %dma_wait3A_413 = arith.constant 0 : i32
    %dma_wait3A_414 = tpu.memref_slice %arg3[%dma_wait3A_412, %dma_wait3A_413] : memref<1000x1024xf32, #tpu.memory_space<hbm>> -> memref<1000x1024xf32, #tpu.memory_space<hbm>>
    tpu.wait_indirect_dma semaphore(%arg8 : memref<!tpu.dma_semaphore, #tpu.memory_space<semaphore_mem>>) src(%dma_wait3A_414 : memref<1000x1024xf32, #tpu.memory_space<hbm>>) dst(%arg7 : memref<50x1024xf32, #tpu.memory_space<vmem>>)
    %dma_start3A_415 = arith.constant 26 : i32
    %dma_start3A_416 = arith.constant 0 : i32
    %dma_start3A_417 = tpu.memref_slice %arg5[%dma_start3A_415, %dma_start3A_416] : memref<32x50xi32, #tpu.memory_space<vmem>> -> memref<1x50xi32, #tpu.memory_space<vmem>>
    %dma_start3A_418 = tpu.memref_squeeze %dma_start3A_417 : memref<1x50xi32, #tpu.memory_space<vmem>> -> memref<50xi32, #tpu.memory_space<vmem>>
    %dma_start3A_419 = arith.constant 0 : i32
    %dma_start3A_420 = arith.constant 0 : i32
    %dma_start3A_421 = tpu.memref_slice %arg3[%dma_start3A_419, %dma_start3A_420] : memref<1000x1024xf32, #tpu.memory_space<hbm>> -> memref<1000x1024xf32, #tpu.memory_space<hbm>>
    tpu.enqueue_indirect_dma source(%dma_start3A_421 : memref<1000x1024xf32, #tpu.memory_space<hbm>>) target(%arg6 : memref<50x1024xf32, #tpu.memory_space<vmem>>) offsets(%dma_start3A_418 : memref<50xi32, #tpu.memory_space<vmem>>) semaphore(%arg8 : memref<!tpu.dma_semaphore, #tpu.memory_space<semaphore_mem>>)
    %add3A_422 = arith.constant 25 : i32
    %add3A_423 = arith.addi %mul3A_2, %add3A_422 : i32
    "tpu.region"() ({
      %run_scoped3A = tpu.sem_alloc : memref<!tpu.dma_semaphore, #tpu.memory_space<semaphore_mem>>
      %dma_start3A_513 = arith.constant 0 : i32
      %dma_start3A_514 = arith.constant 0 : i32
      %dma_start3A_515 = tpu.memref_slice %arg4[%add3A_423, %dma_start3A_513, %dma_start3A_514] : memref<1024x50x1024xf32, #tpu.memory_space<hbm>> -> memref<1x50x1024xf32, #tpu.memory_space<hbm>>
      %dma_start3A_516 = tpu.memref_squeeze %dma_start3A_515 : memref<1x50x1024xf32, #tpu.memory_space<hbm>> -> memref<50x1024xf32, #tpu.memory_space<hbm>>
      %dma_start3A_517 = arith.constant 0 : i32
      %dma_start3A_518 = arith.constant 0 : i32
      %dma_start3A_519 = tpu.memref_slice %arg4[%add3A_423, %dma_start3A_517, %dma_start3A_518] : memref<1024x50x1024xf32, #tpu.memory_space<hbm>> -> memref<1x50x1024xf32, #tpu.memory_space<hbm>>
      %dma_start3A_520 = tpu.memref_squeeze %dma_start3A_519 : memref<1x50x1024xf32, #tpu.memory_space<hbm>> -> memref<50x1024xf32, #tpu.memory_space<hbm>>
      tpu.enqueue_dma source(%arg7 : memref<50x1024xf32, #tpu.memory_space<vmem>>) target(%dma_start3A_520 : memref<50x1024xf32, #tpu.memory_space<hbm>>) target_semaphore(%run_scoped3A : memref<!tpu.dma_semaphore, #tpu.memory_space<semaphore_mem>>)
      %dma_wait3A_521 = arith.constant 0 : i32
      %dma_wait3A_522 = arith.constant 0 : i32
      %dma_wait3A_523 = tpu.memref_slice %arg4[%add3A_423, %dma_wait3A_521, %dma_wait3A_522] : memref<1024x50x1024xf32, #tpu.memory_space<hbm>> -> memref<1x50x1024xf32, #tpu.memory_space<hbm>>
      %dma_wait3A_524 = tpu.memref_squeeze %dma_wait3A_523 : memref<1x50x1024xf32, #tpu.memory_space<hbm>> -> memref<50x1024xf32, #tpu.memory_space<hbm>>
      %dma_wait3A_525 = arith.constant 0 : i32
      %dma_wait3A_526 = arith.constant 0 : i32
      %dma_wait3A_527 = tpu.memref_slice %arg4[%add3A_423, %dma_wait3A_525, %dma_wait3A_526] : memref<1024x50x1024xf32, #tpu.memory_space<hbm>> -> memref<1x50x1024xf32, #tpu.memory_space<hbm>>
      %dma_wait3A_528 = tpu.memref_squeeze %dma_wait3A_527 : memref<1x50x1024xf32, #tpu.memory_space<hbm>> -> memref<50x1024xf32, #tpu.memory_space<hbm>>
      tpu.wait_dma2 semaphore(%run_scoped3A : memref<!tpu.dma_semaphore, #tpu.memory_space<semaphore_mem>>) src(%arg7 : memref<50x1024xf32, #tpu.memory_space<vmem>>) dst(%dma_wait3A_528 : memref<50x1024xf32, #tpu.memory_space<hbm>>)
      tpu.yield
    }) : () -> ()
    %dma_wait3A_424 = arith.constant 26 : i32
    %dma_wait3A_425 = arith.constant 0 : i32
    %dma_wait3A_426 = tpu.memref_slice %arg5[%dma_wait3A_424, %dma_wait3A_425] : memref<32x50xi32, #tpu.memory_space<vmem>> -> memref<1x50xi32, #tpu.memory_space<vmem>>
    %dma_wait3A_427 = tpu.memref_squeeze %dma_wait3A_426 : memref<1x50xi32, #tpu.memory_space<vmem>> -> memref<50xi32, #tpu.memory_space<vmem>>
    %dma_wait3A_428 = arith.constant 0 : i32
    %dma_wait3A_429 = arith.constant 0 : i32
    %dma_wait3A_430 = tpu.memref_slice %arg3[%dma_wait3A_428, %dma_wait3A_429] : memref<1000x1024xf32, #tpu.memory_space<hbm>> -> memref<1000x1024xf32, #tpu.memory_space<hbm>>
    tpu.wait_indirect_dma semaphore(%arg8 : memref<!tpu.dma_semaphore, #tpu.memory_space<semaphore_mem>>) src(%dma_wait3A_430 : memref<1000x1024xf32, #tpu.memory_space<hbm>>) dst(%arg6 : memref<50x1024xf32, #tpu.memory_space<vmem>>)
    %dma_start3A_431 = arith.constant 27 : i32
    %dma_start3A_432 = arith.constant 0 : i32
    %dma_start3A_433 = tpu.memref_slice %arg5[%dma_start3A_431, %dma_start3A_432] : memref<32x50xi32, #tpu.memory_space<vmem>> -> memref<1x50xi32, #tpu.memory_space<vmem>>
    %dma_start3A_434 = tpu.memref_squeeze %dma_start3A_433 : memref<1x50xi32, #tpu.memory_space<vmem>> -> memref<50xi32, #tpu.memory_space<vmem>>
    %dma_start3A_435 = arith.constant 0 : i32
    %dma_start3A_436 = arith.constant 0 : i32
    %dma_start3A_437 = tpu.memref_slice %arg3[%dma_start3A_435, %dma_start3A_436] : memref<1000x1024xf32, #tpu.memory_space<hbm>> -> memref<1000x1024xf32, #tpu.memory_space<hbm>>
    tpu.enqueue_indirect_dma source(%dma_start3A_437 : memref<1000x1024xf32, #tpu.memory_space<hbm>>) target(%arg7 : memref<50x1024xf32, #tpu.memory_space<vmem>>) offsets(%dma_start3A_434 : memref<50xi32, #tpu.memory_space<vmem>>) semaphore(%arg8 : memref<!tpu.dma_semaphore, #tpu.memory_space<semaphore_mem>>)
    %add3A_438 = arith.constant 26 : i32
    %add3A_439 = arith.addi %mul3A_2, %add3A_438 : i32
    "tpu.region"() ({
      %run_scoped3A = tpu.sem_alloc : memref<!tpu.dma_semaphore, #tpu.memory_space<semaphore_mem>>
      %dma_start3A_513 = arith.constant 0 : i32
      %dma_start3A_514 = arith.constant 0 : i32
      %dma_start3A_515 = tpu.memref_slice %arg4[%add3A_439, %dma_start3A_513, %dma_start3A_514] : memref<1024x50x1024xf32, #tpu.memory_space<hbm>> -> memref<1x50x1024xf32, #tpu.memory_space<hbm>>
      %dma_start3A_516 = tpu.memref_squeeze %dma_start3A_515 : memref<1x50x1024xf32, #tpu.memory_space<hbm>> -> memref<50x1024xf32, #tpu.memory_space<hbm>>
      %dma_start3A_517 = arith.constant 0 : i32
      %dma_start3A_518 = arith.constant 0 : i32
      %dma_start3A_519 = tpu.memref_slice %arg4[%add3A_439, %dma_start3A_517, %dma_start3A_518] : memref<1024x50x1024xf32, #tpu.memory_space<hbm>> -> memref<1x50x1024xf32, #tpu.memory_space<hbm>>
      %dma_start3A_520 = tpu.memref_squeeze %dma_start3A_519 : memref<1x50x1024xf32, #tpu.memory_space<hbm>> -> memref<50x1024xf32, #tpu.memory_space<hbm>>
      tpu.enqueue_dma source(%arg6 : memref<50x1024xf32, #tpu.memory_space<vmem>>) target(%dma_start3A_520 : memref<50x1024xf32, #tpu.memory_space<hbm>>) target_semaphore(%run_scoped3A : memref<!tpu.dma_semaphore, #tpu.memory_space<semaphore_mem>>)
      %dma_wait3A_521 = arith.constant 0 : i32
      %dma_wait3A_522 = arith.constant 0 : i32
      %dma_wait3A_523 = tpu.memref_slice %arg4[%add3A_439, %dma_wait3A_521, %dma_wait3A_522] : memref<1024x50x1024xf32, #tpu.memory_space<hbm>> -> memref<1x50x1024xf32, #tpu.memory_space<hbm>>
      %dma_wait3A_524 = tpu.memref_squeeze %dma_wait3A_523 : memref<1x50x1024xf32, #tpu.memory_space<hbm>> -> memref<50x1024xf32, #tpu.memory_space<hbm>>
      %dma_wait3A_525 = arith.constant 0 : i32
      %dma_wait3A_526 = arith.constant 0 : i32
      %dma_wait3A_527 = tpu.memref_slice %arg4[%add3A_439, %dma_wait3A_525, %dma_wait3A_526] : memref<1024x50x1024xf32, #tpu.memory_space<hbm>> -> memref<1x50x1024xf32, #tpu.memory_space<hbm>>
      %dma_wait3A_528 = tpu.memref_squeeze %dma_wait3A_527 : memref<1x50x1024xf32, #tpu.memory_space<hbm>> -> memref<50x1024xf32, #tpu.memory_space<hbm>>
      tpu.wait_dma2 semaphore(%run_scoped3A : memref<!tpu.dma_semaphore, #tpu.memory_space<semaphore_mem>>) src(%arg6 : memref<50x1024xf32, #tpu.memory_space<vmem>>) dst(%dma_wait3A_528 : memref<50x1024xf32, #tpu.memory_space<hbm>>)
      tpu.yield
    }) : () -> ()
    %dma_wait3A_440 = arith.constant 27 : i32
    %dma_wait3A_441 = arith.constant 0 : i32
    %dma_wait3A_442 = tpu.memref_slice %arg5[%dma_wait3A_440, %dma_wait3A_441] : memref<32x50xi32, #tpu.memory_space<vmem>> -> memref<1x50xi32, #tpu.memory_space<vmem>>
    %dma_wait3A_443 = tpu.memref_squeeze %dma_wait3A_442 : memref<1x50xi32, #tpu.memory_space<vmem>> -> memref<50xi32, #tpu.memory_space<vmem>>
    %dma_wait3A_444 = arith.constant 0 : i32
    %dma_wait3A_445 = arith.constant 0 : i32
    %dma_wait3A_446 = tpu.memref_slice %arg3[%dma_wait3A_444, %dma_wait3A_445] : memref<1000x1024xf32, #tpu.memory_space<hbm>> -> memref<1000x1024xf32, #tpu.memory_space<hbm>>
    tpu.wait_indirect_dma semaphore(%arg8 : memref<!tpu.dma_semaphore, #tpu.memory_space<semaphore_mem>>) src(%dma_wait3A_446 : memref<1000x1024xf32, #tpu.memory_space<hbm>>) dst(%arg7 : memref<50x1024xf32, #tpu.memory_space<vmem>>)
    %dma_start3A_447 = arith.constant 28 : i32
    %dma_start3A_448 = arith.constant 0 : i32
    %dma_start3A_449 = tpu.memref_slice %arg5[%dma_start3A_447, %dma_start3A_448] : memref<32x50xi32, #tpu.memory_space<vmem>> -> memref<1x50xi32, #tpu.memory_space<vmem>>
    %dma_start3A_450 = tpu.memref_squeeze %dma_start3A_449 : memref<1x50xi32, #tpu.memory_space<vmem>> -> memref<50xi32, #tpu.memory_space<vmem>>
    %dma_start3A_451 = arith.constant 0 : i32
    %dma_start3A_452 = arith.constant 0 : i32
    %dma_start3A_453 = tpu.memref_slice %arg3[%dma_start3A_451, %dma_start3A_452] : memref<1000x1024xf32, #tpu.memory_space<hbm>> -> memref<1000x1024xf32, #tpu.memory_space<hbm>>
    tpu.enqueue_indirect_dma source(%dma_start3A_453 : memref<1000x1024xf32, #tpu.memory_space<hbm>>) target(%arg6 : memref<50x1024xf32, #tpu.memory_space<vmem>>) offsets(%dma_start3A_450 : memref<50xi32, #tpu.memory_space<vmem>>) semaphore(%arg8 : memref<!tpu.dma_semaphore, #tpu.memory_space<semaphore_mem>>)
    %add3A_454 = arith.constant 27 : i32
    %add3A_455 = arith.addi %mul3A_2, %add3A_454 : i32
    "tpu.region"() ({
      %run_scoped3A = tpu.sem_alloc : memref<!tpu.dma_semaphore, #tpu.memory_space<semaphore_mem>>
      %dma_start3A_513 = arith.constant 0 : i32
      %dma_start3A_514 = arith.constant 0 : i32
      %dma_start3A_515 = tpu.memref_slice %arg4[%add3A_455, %dma_start3A_513, %dma_start3A_514] : memref<1024x50x1024xf32, #tpu.memory_space<hbm>> -> memref<1x50x1024xf32, #tpu.memory_space<hbm>>
      %dma_start3A_516 = tpu.memref_squeeze %dma_start3A_515 : memref<1x50x1024xf32, #tpu.memory_space<hbm>> -> memref<50x1024xf32, #tpu.memory_space<hbm>>
      %dma_start3A_517 = arith.constant 0 : i32
      %dma_start3A_518 = arith.constant 0 : i32
      %dma_start3A_519 = tpu.memref_slice %arg4[%add3A_455, %dma_start3A_517, %dma_start3A_518] : memref<1024x50x1024xf32, #tpu.memory_space<hbm>> -> memref<1x50x1024xf32, #tpu.memory_space<hbm>>
      %dma_start3A_520 = tpu.memref_squeeze %dma_start3A_519 : memref<1x50x1024xf32, #tpu.memory_space<hbm>> -> memref<50x1024xf32, #tpu.memory_space<hbm>>
      tpu.enqueue_dma source(%arg7 : memref<50x1024xf32, #tpu.memory_space<vmem>>) target(%dma_start3A_520 : memref<50x1024xf32, #tpu.memory_space<hbm>>) target_semaphore(%run_scoped3A : memref<!tpu.dma_semaphore, #tpu.memory_space<semaphore_mem>>)
      %dma_wait3A_521 = arith.constant 0 : i32
      %dma_wait3A_522 = arith.constant 0 : i32
      %dma_wait3A_523 = tpu.memref_slice %arg4[%add3A_455, %dma_wait3A_521, %dma_wait3A_522] : memref<1024x50x1024xf32, #tpu.memory_space<hbm>> -> memref<1x50x1024xf32, #tpu.memory_space<hbm>>
      %dma_wait3A_524 = tpu.memref_squeeze %dma_wait3A_523 : memref<1x50x1024xf32, #tpu.memory_space<hbm>> -> memref<50x1024xf32, #tpu.memory_space<hbm>>
      %dma_wait3A_525 = arith.constant 0 : i32
      %dma_wait3A_526 = arith.constant 0 : i32
      %dma_wait3A_527 = tpu.memref_slice %arg4[%add3A_455, %dma_wait3A_525, %dma_wait3A_526] : memref<1024x50x1024xf32, #tpu.memory_space<hbm>> -> memref<1x50x1024xf32, #tpu.memory_space<hbm>>
      %dma_wait3A_528 = tpu.memref_squeeze %dma_wait3A_527 : memref<1x50x1024xf32, #tpu.memory_space<hbm>> -> memref<50x1024xf32, #tpu.memory_space<hbm>>
      tpu.wait_dma2 semaphore(%run_scoped3A : memref<!tpu.dma_semaphore, #tpu.memory_space<semaphore_mem>>) src(%arg7 : memref<50x1024xf32, #tpu.memory_space<vmem>>) dst(%dma_wait3A_528 : memref<50x1024xf32, #tpu.memory_space<hbm>>)
      tpu.yield
    }) : () -> ()
    %dma_wait3A_456 = arith.constant 28 : i32
    %dma_wait3A_457 = arith.constant 0 : i32
    %dma_wait3A_458 = tpu.memref_slice %arg5[%dma_wait3A_456, %dma_wait3A_457] : memref<32x50xi32, #tpu.memory_space<vmem>> -> memref<1x50xi32, #tpu.memory_space<vmem>>
    %dma_wait3A_459 = tpu.memref_squeeze %dma_wait3A_458 : memref<1x50xi32, #tpu.memory_space<vmem>> -> memref<50xi32, #tpu.memory_space<vmem>>
    %dma_wait3A_460 = arith.constant 0 : i32
    %dma_wait3A_461 = arith.constant 0 : i32
    %dma_wait3A_462 = tpu.memref_slice %arg3[%dma_wait3A_460, %dma_wait3A_461] : memref<1000x1024xf32, #tpu.memory_space<hbm>> -> memref<1000x1024xf32, #tpu.memory_space<hbm>>
    tpu.wait_indirect_dma semaphore(%arg8 : memref<!tpu.dma_semaphore, #tpu.memory_space<semaphore_mem>>) src(%dma_wait3A_462 : memref<1000x1024xf32, #tpu.memory_space<hbm>>) dst(%arg6 : memref<50x1024xf32, #tpu.memory_space<vmem>>)
    %dma_start3A_463 = arith.constant 29 : i32
    %dma_start3A_464 = arith.constant 0 : i32
    %dma_start3A_465 = tpu.memref_slice %arg5[%dma_start3A_463, %dma_start3A_464] : memref<32x50xi32, #tpu.memory_space<vmem>> -> memref<1x50xi32, #tpu.memory_space<vmem>>
    %dma_start3A_466 = tpu.memref_squeeze %dma_start3A_465 : memref<1x50xi32, #tpu.memory_space<vmem>> -> memref<50xi32, #tpu.memory_space<vmem>>
    %dma_start3A_467 = arith.constant 0 : i32
    %dma_start3A_468 = arith.constant 0 : i32
    %dma_start3A_469 = tpu.memref_slice %arg3[%dma_start3A_467, %dma_start3A_468] : memref<1000x1024xf32, #tpu.memory_space<hbm>> -> memref<1000x1024xf32, #tpu.memory_space<hbm>>
    tpu.enqueue_indirect_dma source(%dma_start3A_469 : memref<1000x1024xf32, #tpu.memory_space<hbm>>) target(%arg7 : memref<50x1024xf32, #tpu.memory_space<vmem>>) offsets(%dma_start3A_466 : memref<50xi32, #tpu.memory_space<vmem>>) semaphore(%arg8 : memref<!tpu.dma_semaphore, #tpu.memory_space<semaphore_mem>>)
    %add3A_470 = arith.constant 28 : i32
    %add3A_471 = arith.addi %mul3A_2, %add3A_470 : i32
    "tpu.region"() ({
      %run_scoped3A = tpu.sem_alloc : memref<!tpu.dma_semaphore, #tpu.memory_space<semaphore_mem>>
      %dma_start3A_513 = arith.constant 0 : i32
      %dma_start3A_514 = arith.constant 0 : i32
      %dma_start3A_515 = tpu.memref_slice %arg4[%add3A_471, %dma_start3A_513, %dma_start3A_514] : memref<1024x50x1024xf32, #tpu.memory_space<hbm>> -> memref<1x50x1024xf32, #tpu.memory_space<hbm>>
      %dma_start3A_516 = tpu.memref_squeeze %dma_start3A_515 : memref<1x50x1024xf32, #tpu.memory_space<hbm>> -> memref<50x1024xf32, #tpu.memory_space<hbm>>
      %dma_start3A_517 = arith.constant 0 : i32
      %dma_start3A_518 = arith.constant 0 : i32
      %dma_start3A_519 = tpu.memref_slice %arg4[%add3A_471, %dma_start3A_517, %dma_start3A_518] : memref<1024x50x1024xf32, #tpu.memory_space<hbm>> -> memref<1x50x1024xf32, #tpu.memory_space<hbm>>
      %dma_start3A_520 = tpu.memref_squeeze %dma_start3A_519 : memref<1x50x1024xf32, #tpu.memory_space<hbm>> -> memref<50x1024xf32, #tpu.memory_space<hbm>>
      tpu.enqueue_dma source(%arg6 : memref<50x1024xf32, #tpu.memory_space<vmem>>) target(%dma_start3A_520 : memref<50x1024xf32, #tpu.memory_space<hbm>>) target_semaphore(%run_scoped3A : memref<!tpu.dma_semaphore, #tpu.memory_space<semaphore_mem>>)
      %dma_wait3A_521 = arith.constant 0 : i32
      %dma_wait3A_522 = arith.constant 0 : i32
      %dma_wait3A_523 = tpu.memref_slice %arg4[%add3A_471, %dma_wait3A_521, %dma_wait3A_522] : memref<1024x50x1024xf32, #tpu.memory_space<hbm>> -> memref<1x50x1024xf32, #tpu.memory_space<hbm>>
      %dma_wait3A_524 = tpu.memref_squeeze %dma_wait3A_523 : memref<1x50x1024xf32, #tpu.memory_space<hbm>> -> memref<50x1024xf32, #tpu.memory_space<hbm>>
      %dma_wait3A_525 = arith.constant 0 : i32
      %dma_wait3A_526 = arith.constant 0 : i32
      %dma_wait3A_527 = tpu.memref_slice %arg4[%add3A_471, %dma_wait3A_525, %dma_wait3A_526] : memref<1024x50x1024xf32, #tpu.memory_space<hbm>> -> memref<1x50x1024xf32, #tpu.memory_space<hbm>>
      %dma_wait3A_528 = tpu.memref_squeeze %dma_wait3A_527 : memref<1x50x1024xf32, #tpu.memory_space<hbm>> -> memref<50x1024xf32, #tpu.memory_space<hbm>>
      tpu.wait_dma2 semaphore(%run_scoped3A : memref<!tpu.dma_semaphore, #tpu.memory_space<semaphore_mem>>) src(%arg6 : memref<50x1024xf32, #tpu.memory_space<vmem>>) dst(%dma_wait3A_528 : memref<50x1024xf32, #tpu.memory_space<hbm>>)
      tpu.yield
    }) : () -> ()
    %dma_wait3A_472 = arith.constant 29 : i32
    %dma_wait3A_473 = arith.constant 0 : i32
    %dma_wait3A_474 = tpu.memref_slice %arg5[%dma_wait3A_472, %dma_wait3A_473] : memref<32x50xi32, #tpu.memory_space<vmem>> -> memref<1x50xi32, #tpu.memory_space<vmem>>
    %dma_wait3A_475 = tpu.memref_squeeze %dma_wait3A_474 : memref<1x50xi32, #tpu.memory_space<vmem>> -> memref<50xi32, #tpu.memory_space<vmem>>
    %dma_wait3A_476 = arith.constant 0 : i32
    %dma_wait3A_477 = arith.constant 0 : i32
    %dma_wait3A_478 = tpu.memref_slice %arg3[%dma_wait3A_476, %dma_wait3A_477] : memref<1000x1024xf32, #tpu.memory_space<hbm>> -> memref<1000x1024xf32, #tpu.memory_space<hbm>>
    tpu.wait_indirect_dma semaphore(%arg8 : memref<!tpu.dma_semaphore, #tpu.memory_space<semaphore_mem>>) src(%dma_wait3A_478 : memref<1000x1024xf32, #tpu.memory_space<hbm>>) dst(%arg7 : memref<50x1024xf32, #tpu.memory_space<vmem>>)
    %dma_start3A_479 = arith.constant 30 : i32
    %dma_start3A_480 = arith.constant 0 : i32
    %dma_start3A_481 = tpu.memref_slice %arg5[%dma_start3A_479, %dma_start3A_480] : memref<32x50xi32, #tpu.memory_space<vmem>> -> memref<1x50xi32, #tpu.memory_space<vmem>>
    %dma_start3A_482 = tpu.memref_squeeze %dma_start3A_481 : memref<1x50xi32, #tpu.memory_space<vmem>> -> memref<50xi32, #tpu.memory_space<vmem>>
    %dma_start3A_483 = arith.constant 0 : i32
    %dma_start3A_484 = arith.constant 0 : i32
    %dma_start3A_485 = tpu.memref_slice %arg3[%dma_start3A_483, %dma_start3A_484] : memref<1000x1024xf32, #tpu.memory_space<hbm>> -> memref<1000x1024xf32, #tpu.memory_space<hbm>>
    tpu.enqueue_indirect_dma source(%dma_start3A_485 : memref<1000x1024xf32, #tpu.memory_space<hbm>>) target(%arg6 : memref<50x1024xf32, #tpu.memory_space<vmem>>) offsets(%dma_start3A_482 : memref<50xi32, #tpu.memory_space<vmem>>) semaphore(%arg8 : memref<!tpu.dma_semaphore, #tpu.memory_space<semaphore_mem>>)
    %add3A_486 = arith.constant 29 : i32
    %add3A_487 = arith.addi %mul3A_2, %add3A_486 : i32
    "tpu.region"() ({
      %run_scoped3A = tpu.sem_alloc : memref<!tpu.dma_semaphore, #tpu.memory_space<semaphore_mem>>
      %dma_start3A_513 = arith.constant 0 : i32
      %dma_start3A_514 = arith.constant 0 : i32
      %dma_start3A_515 = tpu.memref_slice %arg4[%add3A_487, %dma_start3A_513, %dma_start3A_514] : memref<1024x50x1024xf32, #tpu.memory_space<hbm>> -> memref<1x50x1024xf32, #tpu.memory_space<hbm>>
      %dma_start3A_516 = tpu.memref_squeeze %dma_start3A_515 : memref<1x50x1024xf32, #tpu.memory_space<hbm>> -> memref<50x1024xf32, #tpu.memory_space<hbm>>
      %dma_start3A_517 = arith.constant 0 : i32
      %dma_start3A_518 = arith.constant 0 : i32
      %dma_start3A_519 = tpu.memref_slice %arg4[%add3A_487, %dma_start3A_517, %dma_start3A_518] : memref<1024x50x1024xf32, #tpu.memory_space<hbm>> -> memref<1x50x1024xf32, #tpu.memory_space<hbm>>
      %dma_start3A_520 = tpu.memref_squeeze %dma_start3A_519 : memref<1x50x1024xf32, #tpu.memory_space<hbm>> -> memref<50x1024xf32, #tpu.memory_space<hbm>>
      tpu.enqueue_dma source(%arg7 : memref<50x1024xf32, #tpu.memory_space<vmem>>) target(%dma_start3A_520 : memref<50x1024xf32, #tpu.memory_space<hbm>>) target_semaphore(%run_scoped3A : memref<!tpu.dma_semaphore, #tpu.memory_space<semaphore_mem>>)
      %dma_wait3A_521 = arith.constant 0 : i32
      %dma_wait3A_522 = arith.constant 0 : i32
      %dma_wait3A_523 = tpu.memref_slice %arg4[%add3A_487, %dma_wait3A_521, %dma_wait3A_522] : memref<1024x50x1024xf32, #tpu.memory_space<hbm>> -> memref<1x50x1024xf32, #tpu.memory_space<hbm>>
      %dma_wait3A_524 = tpu.memref_squeeze %dma_wait3A_523 : memref<1x50x1024xf32, #tpu.memory_space<hbm>> -> memref<50x1024xf32, #tpu.memory_space<hbm>>
      %dma_wait3A_525 = arith.constant 0 : i32
      %dma_wait3A_526 = arith.constant 0 : i32
      %dma_wait3A_527 = tpu.memref_slice %arg4[%add3A_487, %dma_wait3A_525, %dma_wait3A_526] : memref<1024x50x1024xf32, #tpu.memory_space<hbm>> -> memref<1x50x1024xf32, #tpu.memory_space<hbm>>
      %dma_wait3A_528 = tpu.memref_squeeze %dma_wait3A_527 : memref<1x50x1024xf32, #tpu.memory_space<hbm>> -> memref<50x1024xf32, #tpu.memory_space<hbm>>
      tpu.wait_dma2 semaphore(%run_scoped3A : memref<!tpu.dma_semaphore, #tpu.memory_space<semaphore_mem>>) src(%arg7 : memref<50x1024xf32, #tpu.memory_space<vmem>>) dst(%dma_wait3A_528 : memref<50x1024xf32, #tpu.memory_space<hbm>>)
      tpu.yield
    }) : () -> ()
    %dma_wait3A_488 = arith.constant 30 : i32
    %dma_wait3A_489 = arith.constant 0 : i32
    %dma_wait3A_490 = tpu.memref_slice %arg5[%dma_wait3A_488, %dma_wait3A_489] : memref<32x50xi32, #tpu.memory_space<vmem>> -> memref<1x50xi32, #tpu.memory_space<vmem>>
    %dma_wait3A_491 = tpu.memref_squeeze %dma_wait3A_490 : memref<1x50xi32, #tpu.memory_space<vmem>> -> memref<50xi32, #tpu.memory_space<vmem>>
    %dma_wait3A_492 = arith.constant 0 : i32
    %dma_wait3A_493 = arith.constant 0 : i32
    %dma_wait3A_494 = tpu.memref_slice %arg3[%dma_wait3A_492, %dma_wait3A_493] : memref<1000x1024xf32, #tpu.memory_space<hbm>> -> memref<1000x1024xf32, #tpu.memory_space<hbm>>
    tpu.wait_indirect_dma semaphore(%arg8 : memref<!tpu.dma_semaphore, #tpu.memory_space<semaphore_mem>>) src(%dma_wait3A_494 : memref<1000x1024xf32, #tpu.memory_space<hbm>>) dst(%arg6 : memref<50x1024xf32, #tpu.memory_space<vmem>>)
    %dma_start3A_495 = arith.constant 31 : i32
    %dma_start3A_496 = arith.constant 0 : i32
    %dma_start3A_497 = tpu.memref_slice %arg5[%dma_start3A_495, %dma_start3A_496] : memref<32x50xi32, #tpu.memory_space<vmem>> -> memref<1x50xi32, #tpu.memory_space<vmem>>
    %dma_start3A_498 = tpu.memref_squeeze %dma_start3A_497 : memref<1x50xi32, #tpu.memory_space<vmem>> -> memref<50xi32, #tpu.memory_space<vmem>>
    %dma_start3A_499 = arith.constant 0 : i32
    %dma_start3A_500 = arith.constant 0 : i32
    %dma_start3A_501 = tpu.memref_slice %arg3[%dma_start3A_499, %dma_start3A_500] : memref<1000x1024xf32, #tpu.memory_space<hbm>> -> memref<1000x1024xf32, #tpu.memory_space<hbm>>
    tpu.enqueue_indirect_dma source(%dma_start3A_501 : memref<1000x1024xf32, #tpu.memory_space<hbm>>) target(%arg7 : memref<50x1024xf32, #tpu.memory_space<vmem>>) offsets(%dma_start3A_498 : memref<50xi32, #tpu.memory_space<vmem>>) semaphore(%arg8 : memref<!tpu.dma_semaphore, #tpu.memory_space<semaphore_mem>>)
    %add3A_502 = arith.constant 30 : i32
    %add3A_503 = arith.addi %mul3A_2, %add3A_502 : i32
    "tpu.region"() ({
      %run_scoped3A = tpu.sem_alloc : memref<!tpu.dma_semaphore, #tpu.memory_space<semaphore_mem>>
      %dma_start3A_513 = arith.constant 0 : i32
      %dma_start3A_514 = arith.constant 0 : i32
      %dma_start3A_515 = tpu.memref_slice %arg4[%add3A_503, %dma_start3A_513, %dma_start3A_514] : memref<1024x50x1024xf32, #tpu.memory_space<hbm>> -> memref<1x50x1024xf32, #tpu.memory_space<hbm>>
      %dma_start3A_516 = tpu.memref_squeeze %dma_start3A_515 : memref<1x50x1024xf32, #tpu.memory_space<hbm>> -> memref<50x1024xf32, #tpu.memory_space<hbm>>
      %dma_start3A_517 = arith.constant 0 : i32
      %dma_start3A_518 = arith.constant 0 : i32
      %dma_start3A_519 = tpu.memref_slice %arg4[%add3A_503, %dma_start3A_517, %dma_start3A_518] : memref<1024x50x1024xf32, #tpu.memory_space<hbm>> -> memref<1x50x1024xf32, #tpu.memory_space<hbm>>
      %dma_start3A_520 = tpu.memref_squeeze %dma_start3A_519 : memref<1x50x1024xf32, #tpu.memory_space<hbm>> -> memref<50x1024xf32, #tpu.memory_space<hbm>>
      tpu.enqueue_dma source(%arg6 : memref<50x1024xf32, #tpu.memory_space<vmem>>) target(%dma_start3A_520 : memref<50x1024xf32, #tpu.memory_space<hbm>>) target_semaphore(%run_scoped3A : memref<!tpu.dma_semaphore, #tpu.memory_space<semaphore_mem>>)
      %dma_wait3A_521 = arith.constant 0 : i32
      %dma_wait3A_522 = arith.constant 0 : i32
      %dma_wait3A_523 = tpu.memref_slice %arg4[%add3A_503, %dma_wait3A_521, %dma_wait3A_522] : memref<1024x50x1024xf32, #tpu.memory_space<hbm>> -> memref<1x50x1024xf32, #tpu.memory_space<hbm>>
      %dma_wait3A_524 = tpu.memref_squeeze %dma_wait3A_523 : memref<1x50x1024xf32, #tpu.memory_space<hbm>> -> memref<50x1024xf32, #tpu.memory_space<hbm>>
      %dma_wait3A_525 = arith.constant 0 : i32
      %dma_wait3A_526 = arith.constant 0 : i32
      %dma_wait3A_527 = tpu.memref_slice %arg4[%add3A_503, %dma_wait3A_525, %dma_wait3A_526] : memref<1024x50x1024xf32, #tpu.memory_space<hbm>> -> memref<1x50x1024xf32, #tpu.memory_space<hbm>>
      %dma_wait3A_528 = tpu.memref_squeeze %dma_wait3A_527 : memref<1x50x1024xf32, #tpu.memory_space<hbm>> -> memref<50x1024xf32, #tpu.memory_space<hbm>>
      tpu.wait_dma2 semaphore(%run_scoped3A : memref<!tpu.dma_semaphore, #tpu.memory_space<semaphore_mem>>) src(%arg6 : memref<50x1024xf32, #tpu.memory_space<vmem>>) dst(%dma_wait3A_528 : memref<50x1024xf32, #tpu.memory_space<hbm>>)
      tpu.yield
    }) : () -> ()
    %dma_wait3A_504 = arith.constant 31 : i32
    %dma_wait3A_505 = arith.constant 0 : i32
    %dma_wait3A_506 = tpu.memref_slice %arg5[%dma_wait3A_504, %dma_wait3A_505] : memref<32x50xi32, #tpu.memory_space<vmem>> -> memref<1x50xi32, #tpu.memory_space<vmem>>
    %dma_wait3A_507 = tpu.memref_squeeze %dma_wait3A_506 : memref<1x50xi32, #tpu.memory_space<vmem>> -> memref<50xi32, #tpu.memory_space<vmem>>
    %dma_wait3A_508 = arith.constant 0 : i32
    %dma_wait3A_509 = arith.constant 0 : i32
    %dma_wait3A_510 = tpu.memref_slice %arg3[%dma_wait3A_508, %dma_wait3A_509] : memref<1000x1024xf32, #tpu.memory_space<hbm>> -> memref<1000x1024xf32, #tpu.memory_space<hbm>>
    tpu.wait_indirect_dma semaphore(%arg8 : memref<!tpu.dma_semaphore, #tpu.memory_space<semaphore_mem>>) src(%dma_wait3A_510 : memref<1000x1024xf32, #tpu.memory_space<hbm>>) dst(%arg7 : memref<50x1024xf32, #tpu.memory_space<vmem>>)
    %add3A_511 = arith.constant 31 : i32
    %add3A_512 = arith.addi %mul3A_2, %add3A_511 : i32
    "tpu.region"() ({
      %run_scoped3A = tpu.sem_alloc : memref<!tpu.dma_semaphore, #tpu.memory_space<semaphore_mem>>
      %dma_start3A_513 = arith.constant 0 : i32
      %dma_start3A_514 = arith.constant 0 : i32
      %dma_start3A_515 = tpu.memref_slice %arg4[%add3A_512, %dma_start3A_513, %dma_start3A_514] : memref<1024x50x1024xf32, #tpu.memory_space<hbm>> -> memref<1x50x1024xf32, #tpu.memory_space<hbm>>
      %dma_start3A_516 = tpu.memref_squeeze %dma_start3A_515 : memref<1x50x1024xf32, #tpu.memory_space<hbm>> -> memref<50x1024xf32, #tpu.memory_space<hbm>>
      %dma_start3A_517 = arith.constant 0 : i32
      %dma_start3A_518 = arith.constant 0 : i32
      %dma_start3A_519 = tpu.memref_slice %arg4[%add3A_512, %dma_start3A_517, %dma_start3A_518] : memref<1024x50x1024xf32, #tpu.memory_space<hbm>> -> memref<1x50x1024xf32, #tpu.memory_space<hbm>>
      %dma_start3A_520 = tpu.memref_squeeze %dma_start3A_519 : memref<1x50x1024xf32, #tpu.memory_space<hbm>> -> memref<50x1024xf32, #tpu.memory_space<hbm>>
      tpu.enqueue_dma source(%arg7 : memref<50x1024xf32, #tpu.memory_space<vmem>>) target(%dma_start3A_520 : memref<50x1024xf32, #tpu.memory_space<hbm>>) target_semaphore(%run_scoped3A : memref<!tpu.dma_semaphore, #tpu.memory_space<semaphore_mem>>)
      %dma_wait3A_521 = arith.constant 0 : i32
      %dma_wait3A_522 = arith.constant 0 : i32
      %dma_wait3A_523 = tpu.memref_slice %arg4[%add3A_512, %dma_wait3A_521, %dma_wait3A_522] : memref<1024x50x1024xf32, #tpu.memory_space<hbm>> -> memref<1x50x1024xf32, #tpu.memory_space<hbm>>
      %dma_wait3A_524 = tpu.memref_squeeze %dma_wait3A_523 : memref<1x50x1024xf32, #tpu.memory_space<hbm>> -> memref<50x1024xf32, #tpu.memory_space<hbm>>
      %dma_wait3A_525 = arith.constant 0 : i32
      %dma_wait3A_526 = arith.constant 0 : i32
      %dma_wait3A_527 = tpu.memref_slice %arg4[%add3A_512, %dma_wait3A_525, %dma_wait3A_526] : memref<1024x50x1024xf32, #tpu.memory_space<hbm>> -> memref<1x50x1024xf32, #tpu.memory_space<hbm>>
      %dma_wait3A_528 = tpu.memref_squeeze %dma_wait3A_527 : memref<1x50x1024xf32, #tpu.memory_space<hbm>> -> memref<50x1024xf32, #tpu.memory_space<hbm>>
      tpu.wait_dma2 semaphore(%run_scoped3A : memref<!tpu.dma_semaphore, #tpu.memory_space<semaphore_mem>>) src(%arg7 : memref<50x1024xf32, #tpu.memory_space<vmem>>) dst(%dma_wait3A_528 : memref<50x1024xf32, #tpu.memory_space<hbm>>)
      tpu.yield
    }) : () -> ()
    return
  }
}

</mosaic_0001>

<sc_bundles>
// kernel: _sc_embedding_gather.3.cloned.1.call-start
scs
__scs_entry_jumppad:
0x0: {  	(pc) =	sbr.rel $0x88, $3  }
0x1: {  	(tag) =	ssettag $0x0;
	lr =	simm.s32 $0x1  }
0x2: {  	[smem:$0x3F9F] =	sst lr;
	_ =	strace $0xD0000000  }
0x3: {  	_ = 	snop  }
0x4: {  	_ = 	snop  }
0x5: {  	_ = 	snop  }
0x6: {  	_ = 	snop  }
0x7: {  	_ = 	snop  }
__scs_overlays_trampoline_lowered:
0x8: {  	[smem:$0x3FAE] =	sst s0  }
0x9: {  	[smem:$0x3FAF] =	sst s1  }
0xa: {  	[smem:$0x3FB0] =	sst s2  }
0xb: {  	[smem:$0x3FB1] =	sst s3  }
0xc: {  	[smem:$0x3FB2] =	sst s4  }
0xd: {  	[smem:$0x3FB3] =	sst s5  }
0xe: {  	[smem:$0x3FB4] =	sst s6  }
0xf: {  	[smem:$0x3FB5] =	sst s7  }
0x10: {  	[smem:$0x3FB6] =	sst s8  }
0x11: {  	[smem:$0x3FB7] =	sst s9;
	s0 =	simm.s32 @!p0 $0x0  }
0x12: {  	s1 =	sld [smem:$0x3F9D];
	s0 =	simm.s32 @p0 $0x1  }
0x13: {  	[smem:$0x3FB8] =	sst s0;
	s0 =	simm.s32 @!p1 $0x0  }
0x14: {  	s2 =	sld [smem:$0x3F9C];
	s0 =	simm.s32 @p1 $0x1  }
0x15: {  	[smem:$0x3FB9] =	sst s0;
	s0 =	simm.s32 @!p2 $0x0  }
0x16: {  	s3 =	sld [smem:$0x3FDB];
	s0 =	simm.s32 @p2 $0x1  }
0x17: {  	s4 =	simm.s32 $0x1BF5;
	[smem:$0x3FBB] =	sst s0  }
0x18: {  	s0 =	sld [smem:$0x3F9E];
	_ =	swait.ge [sflag:s4], $0x0  }
0x19: {  	s7 =	sld [smem:$0x3F9F]  }
0x1a: {  	s8 =	sadd.s32 $0xFFFFE003, lr  }
0x1b: {  	s9 =	sadd.s32 $0xFFFFFEF7, lr;
	s5 =	simm.s32 $0xFFFFFFFF;
	p2 =	slt.u32 s8, $0xFFFFF086  }
0x1c: {  	p1 =	slt.u32 s9, $0xF7A;
	s5 =	simm.s32 @!p2 $0x0  }
0x1d: {  	s5 =	simm.s32 @p1 $0x1;
	p0 =	seq.s32 s7, s2  }
0x1e: {  	s7 =	smul.u32 @!p0 $0xF7A, s2;
	p2 =	seq.s32 @!p0 s5, $0x0  }
0x1f: {  	s9 =	smul.u32 $0xF7A, s1;
	s8 =	simm.s32 @!p0 $0x1BF5;
	p2 =	por !p2, p0  }
0x20: {  	[sflag:s8] =	ssyncset.s32 @!p0 $0xFFFFF086;
	s6 =	sadd.s32 @!p0 s3, s7;
	s7 =	simm.s32 @!p0 $0x108  }
0x21: {  	s3 =	sadd.s32 s3, s9;
	s6 =	sadd.s32 @!p0 $0x88, s6;
	s7 =	simm.s32 @p2 $0x1082  }
0x22: {  	[simem:s7], [sflag:s8] =	dma.local @!p0 [hbm:s6], $0xF7A  }
0x23: {  	s9 =	sor.u32 $0xD0000000, s2;
	s6 =	simm.s32 $0x108;
	_ =	swait.ge @!p0 [sflag:s8], $0x0  }
0x24: {  	s3 =	sadd.s32 $0x88, s3;
	s6 =	simm.s32 @!p1 $0x1082;
	[sflag:s4] =	ssyncset.s32 $0xFFFFF086  }
0x25: {  	[simem:s6], [sflag:s4] =	dma.local [hbm:s3], $0xF7A  }
0x26: {  	[smem:$0x3F9F] =	sst s1;
	(tag) =	ssettag s2;
	_ =	strace s9  }
0x27: {  	s1 =	sld [smem:$0x3FAF]  }
0x28: {  	s2 =	sld [smem:$0x3FB0]  }
0x29: {  	s4 =	sld [smem:$0x3FB2]  }
0x2a: {  	p0 =	seq.s32 s5, $0x0;
	s5 =	sld [smem:$0x3FB3]  }
0x2b: {  	s6 =	sld [smem:$0x3FB4]  }
0x2c: {  	s7 =	sld [smem:$0x3FB5]  }
0x2d: {  	s3 =	simm.s32 $0x108;
	s8 =	sld [smem:$0x3FB6]  }
0x2e: {  	s3 =	simm.s32 @!p0 $0x1082;
	s9 =	sld [smem:$0x3FB7]  }
0x2f: {  	lr =	sadd.s32 s0, s3;
	s0 =	sld [smem:$0x3FAE]  }
0x30: {  	s3 =	sld [smem:$0x3FB1]  }
0x31: {  	[smem:$0x3FBA] =	sst s10  }
0x32: {  	s10 =	sld [smem:$0x3FB8];
	_ =	sdelay $0x3  }
0x33: {  	p0 =	seq.s32 s10, $0x1;
	s10 =	sld [smem:$0x3FBA];
	_ =	sdelay $0x3  }
0x34: {  	[smem:$0x3FBA] =	sst s10  }
0x35: {  	s10 =	sld [smem:$0x3FB9];
	_ =	sdelay $0x3  }
0x36: {  	p1 =	seq.s32 s10, $0x1;
	s10 =	sld [smem:$0x3FBA];
	_ =	sdelay $0x3  }
0x37: {  	[smem:$0x3FBA] =	sst s10  }
0x38: {  	s10 =	sld [smem:$0x3FBB]  }
0x39: {  	_ = 	snop;
	(pc) =	sbr.ind lr, $3  }
0x3a: {  	_ = 	snop  }
0x3b: {  	_ = 	snop  }
0x3c: {  	p2 =	seq.s32 s10, $0x1;
	s10 =	sld [smem:$0x3FBA]  }
0x3d: {  	_ =	shalt  }
0x3e: {  	_ =	shalt  }
0x3f: {  	_ =	shalt  }
0x40: {  	_ =	shalt  }
0x41: {  	_ =	shalt  }
0x42: {  	_ =	shalt  }
0x43: {  	_ =	shalt  }
0x44: {  	_ =	shalt  }
0x45: {  	_ =	shalt  }
0x46: {  	_ =	shalt  }
0x47: {  	_ =	shalt  }
0x48: {  	_ =	shalt  }
0x49: {  	_ =	shalt  }
0x4a: {  	_ =	shalt  }
0x4b: {  	_ =	shalt  }
0x4c: {  	_ =	shalt  }
0x4d: {  	_ =	shalt  }
0x4e: {  	_ =	shalt  }
0x4f: {  	_ =	shalt  }
0x50: {  	_ =	shalt  }
0x51: {  	_ =	shalt  }
0x52: {  	_ =	shalt  }
0x53: {  	_ =	shalt  }
0x54: {  	_ =	shalt  }
0x55: {  	_ =	shalt  }
0x56: {  	_ =	shalt  }
0x57: {  	_ =	shalt  }
0x58: {  	_ =	shalt  }
0x59: {  	_ =	shalt  }
0x5a: {  	_ =	shalt  }
0x5b: {  	_ =	shalt  }
0x5c: {  	_ =	shalt  }
0x5d: {  	_ =	shalt  }
0x5e: {  	_ =	shalt  }
0x5f: {  	_ =	shalt  }
0x60: {  	_ =	shalt  }
0x61: {  	_ =	shalt  }
0x62: {  	_ =	shalt  }
0x63: {  	_ =	shalt  }
0x64: {  	_ =	shalt  }
0x65: {  	_ =	shalt  }
0x66: {  	_ =	shalt  }
0x67: {  	_ =	shalt  }
0x68: {  	_ =	shalt  }
0x69: {  	_ =	shalt  }
0x6a: {  	_ =	shalt  }
0x6b: {  	_ =	shalt  }
0x6c: {  	_ =	shalt  }
0x6d: {  	_ =	shalt  }
0x6e: {  	_ =	shalt  }
0x6f: {  	_ =	shalt  }
0x70: {  	_ =	shalt  }
0x71: {  	_ =	shalt  }
0x72: {  	_ =	shalt  }
0x73: {  	_ =	shalt  }
0x74: {  	_ =	shalt  }
0x75: {  	_ =	shalt  }
0x76: {  	_ =	shalt  }
0x77: {  	_ =	shalt  }
0x78: {  	_ =	shalt  }
0x79: {  	_ =	shalt  }
0x7a: {  	_ =	shalt  }
0x7b: {  	_ =	shalt  }
0x7c: {  	_ =	shalt  }
0x7d: {  	_ =	shalt  }
0x7e: {  	_ =	shalt  }
0x7f: {  	_ =	shalt  }
0x80: {  	_ =	shalt  }
0x81: {  	_ =	shalt  }
0x82: {  	_ =	shalt  }
0x83: {  	_ =	shalt  }
0x84: {  	_ =	shalt  }
0x85: {  	_ =	shalt  }
0x86: {  	_ =	shalt  }
0x87: {  	_ =	shalt  }
.Lfunc_end0:
.L_simem_size_0:
called_computation_lowered:
.L_overlay_start_0:
0x88: {  	s2 =	sld [smem:$0x3FD9]  }
0x89: {  	s3 =	sld [smem:$0x3FFE];
	_ =	sdelay $0x1  }
0x8a: {  	s1 =	srdreg.scid  }
0x8b: {  	s0 =	sand.u32 $0x1, s1  }
0x8c: {  	s17 =	sshll.u32 s0, $0xA;
	s2 =	sadd.s32 s3, s2  }
0x8d: {  	s2 =	sadd.s32 s2, s17  }
0x8e: {  	[smem:$0x3FC6] =	sst s2  }
0x8f: {  	_ = 	snop  }
0x90: {  	s2 =	sld [smem:$0x3FC9]  }
0x91: {  	s18 =	sld [smem:$0x3FC8];
	(tm) =	ssettm $0x1  }
0x92: {  	s4 =	sld [smem:$0x3FFB];
	_ =	sdelay $0x3  }
0x93: {  	_ =	strace s4  }
0x94: {  	s4 =	sld [smem:$0x3FFC];
	_ =	sdelay $0x3  }
0x95: {  	_ =	strace s4  }
0x96: {  	s4 =	sld [smem:$0x3FFD];
	_ =	sdelay $0x3  }
0x97: {  	_ =	strace s4  }
0x98: {  	_ =	strace $0x8FFFFFFF  }
0x99: {  	s19 =	sld [smem:$0x3FDB];
	_ =	sdelay $0x1  }
0x9a: {  	s5 =	simm.s32 $_scs_section_size  }
0x9b: {  	s6 =	simm.s32 $_size__tile_overlayer_lowered;
	s7 =	simm.s32 $_tile_overlayer_lowered  }
0x9c: {  	s22 =	simm.s32 $0x1BFF;
	s21 =	sshll.u32 s7, $0x1;
	s4 =	sadd.s32 s5, s19  }
0x9d: {  	s8 =	simm.s32 $0x0;
	s20 =	sshll.u32 s6, $0x1;
	s6 =	sadd.s32 s21, s4  }
0x9e: {  	[timem:s8], [sflag:s22] =	dma.local [hbm:s6], s20  }
0x9f: {  	_ =	swait.ge [sflag:s22], s20  }
0xa0: {  	s5 =	ssub.s32 $0x0, s20;
	[sflag:s22] =	ssyncset.done $0x0  }
0xa1: {  	[sflag:s22] =	ssyncadd.s32 s5;
	_ =	sdelay $0x1  }
0xa2: {  	s23 =	simm.s32 $0x1B8B  }
0xa3: {  	_ =	swait.ge [sflag:s23], $0x1  }
0xa4: {  	[sflag:s23] =	ssyncset.done $0x0  }
0xa5: {  	s25 =	simm.s32 $0x1B8E;
	s24 =	sld [smem:$0x3FFE];
	[sflag:s23] =	ssyncadd.s32 $0xFFFFFFFF  }
0xa6: {  	s26 =	simm.s32 $execute0_lowered;
	[smem:$0x3FD2] =	sst s25  }
0xa7: {  	s6 =	sshll.u32 s26, $0x1;
	_ =	strace $0x80000046;
	[dreg:$0x1] =	wrdreg $0xFFFFFFFF  }
0xa8: {  	s28 =	simm.s32 $_size_execute0_lowered;
	s4 =	sadd.s32 s4, s6;
	[dreg:$0x0] =	wrdreg $0x0  }
0xa9: {  	s6 =	sshll.u32 s28, $0x1;
	[dreg:$0x2] =	wrdreg s4  }
0xaa: {  	[dreg:$0x3] =	wrdreg s6  }
0xab: {  	[dreg:$0x4] =	wrdreg $0xC0  }
0xac: {  	_ =	task [dreg:s8], $0x5FFFF  }
0xad: {  	[dreg:$0x1] =	wrdreg $0xFFFFFFFF  }
0xae: {  	[dreg:$0x0] =	wrdreg $0x60  }
0xaf: {  	[dreg:$0x2] =	wrdreg s2  }
0xb0: {  	[dreg:$0x3] =	wrdreg s18  }
0xb1: {  	[dreg:$0x4] =	wrdreg s24  }
0xb2: {  	[dreg:$0x5] =	wrdreg $0x9  }
0xb3: {  	_ =	task.clear_ibuf [dreg:s8], $0x6FFFF;
	_ =	strace $0x90000046  }
0xb4: {  	s29 =	simm.s32 $0x9;
	_ =	strace $0x80000048  }
0xb5: {  	_ =	swait.ge [sflag:s29], $0x1  }
0xb6: {  	[sflag:s29] =	ssyncadd.s32 $0xFFFFFFFF  }
0xb7: {  	_ =	strace $0x90000048  }
0xb8: {  	_ =	sfence  }
0xb9: {  	s30 =	sld [smem:$0x0];
	_ =	sdelay $0x2  }
0xba: {  	s31 =	sshll.u32 s1, $0xD;
	s1 =	sshrl.u32 s1, $0x2  }
0xbb: {  	s3 =	sand.u32 $0x4000, s31;
	s1 =	sadd.s32 s1, s30  }
0xbc: {  	s0 =	sor.u32 s3, s0;
	s1 =	sshll.u32 s1, $0x11  }
0xbd: {  	s0 =	sor.u32 s1, s0  }
0xbe: {  	s0 =	sadd.s32 $0x8F2B, s0  }
0xbf: {  	[sflag:s0] =	ssyncadd.remote.s32 $0x1  }
0xc0: {  	_ =	sfence.sel $0xFFFF  }
0xc1: {  	[dreg:$0x0] =	wrdreg $0xFFFFFFFF;
	(pc) =	sbr.abs _section_cstart, $3  }
0xc2: {  	[dreg:$0x1] =	wrdreg $0xFFFFFFFF  }
0xc3: {  	_ =	task.clear_ibuf [dreg:s8], $0x2FFFF;
	_ =	strace $0x9FFFFFFF  }
0xc4: {  	(tm) =	ssettm $0x7FFFFFFF  }
0xc5: {  	_ =	shalt  }
tec
execute0_lowered:
.L_overlay_start_1:
0x0: {  	(tag) =	ssettag $0x1  }
0x1: {  	s1 =	rddreg [dreg:$0x0]  }
0x2: {  	s0 =	srdreg.scid;
	s3 =	stileid.u32  }
0x3: {  	s2 =	rddreg [dreg:$0x1];
	s0 =	sand.u32 $0x1, s0;
	s3 =	sshll.u32 s3, $0x1  }
0x4: {  	s4 =	rddreg [dreg:$0x2];
	s5 =	sor.u32 s0, s3  }
0x5: {  	s3 =	simm.s32 $0x0;
	s6 =	smul.u32 $0x38000, s5;
	s7 =	sshll.u32 s5, $0x9  }
0x6: {  	s4 =	sadd.s32 $0x400, s4;
	[smem:$0x7FF] =	sst s3;
	s1 =	sadd.s32 s1, s7  }
0x7: {  	_ =	strace $0x80000047;
	s6 =	sadd.s32 s4, s6;
	[dreg:$0x4] =	wrdreg s1  }
0x8: {  	s5 =	smul.u32 $0x1C0000, s5;
	s25 =	sadd.s32 $0x1C00, s6;
	[smem:$0x7F9] =	sst s6  }
0x9: {  	s26 =	sadd.s32 $0x3800, s6;
	[dreg:$0x5] =	wrdreg s25  }
0xa: {  	s5 =	sshrl.u32 s5, $0x3;
	s28 =	sadd.s32 $0x5400, s6;
	[dreg:$0x6] =	wrdreg s26  }
0xb: {  	s29 =	sadd.s32 $0x7000, s6;
	s4 =	sadd.s32 s4, s5;
	[dreg:$0x7] =	wrdreg s28  }
0xc: {  	[dreg:$0x8] =	wrdreg s29;
	s30 =	sadd.s32 $0x8C00, s4  }
0xd: {  	s31 =	sadd.s32 $0xA800, s4;
	[dreg:$0x9] =	wrdreg s30  }
0xe: {  	s5 =	sadd.s32 $0xC400, s4;
	[dreg:$0xa] =	wrdreg s31  }
0xf: {  	s6 =	sadd.s32 $0xE000, s4;
	[dreg:$0xb] =	wrdreg s5  }
0x10: {  	s7 =	sadd.s32 $0xFC00, s4;
	[dreg:$0xc] =	wrdreg s6  }
0x11: {  	s8 =	sadd.s32 $0x11800, s4;
	[dreg:$0xd] =	wrdreg s7  }
0x12: {  	s9 =	sadd.s32 $0x13400, s4;
	[dreg:$0xe] =	wrdreg s8  }
0x13: {  	s10 =	sadd.s32 $0x15000, s4;
	[dreg:$0xf] =	wrdreg s9  }
0x14: {  	s11 =	sadd.s32 $0x16C00, s4;
	[dreg:$0x10] =	wrdreg s10  }
0x15: {  	s12 =	sadd.s32 $0x18800, s4;
	[dreg:$0x11] =	wrdreg s11  }
0x16: {  	s13 =	sadd.s32 $0x1A400, s4;
	[dreg:$0x12] =	wrdreg s12  }
0x17: {  	s14 =	sadd.s32 $0x1C000, s4;
	[dreg:$0x13] =	wrdreg s13  }
0x18: {  	s15 =	sadd.s32 $0x1DC00, s4;
	[dreg:$0x14] =	wrdreg s14  }
0x19: {  	s16 =	sadd.s32 $0x1F800, s4;
	[dreg:$0x15] =	wrdreg s15  }
0x1a: {  	s17 =	sadd.s32 $0x21400, s4;
	[dreg:$0x16] =	wrdreg s16  }
0x1b: {  	s18 =	sadd.s32 $0x23000, s4;
	[dreg:$0x17] =	wrdreg s17  }
0x1c: {  	s19 =	sadd.s32 $0x24C00, s4;
	[dreg:$0x18] =	wrdreg s18  }
0x1d: {  	s20 =	sadd.s32 $0x26800, s4;
	[dreg:$0x19] =	wrdreg s19  }
0x1e: {  	s21 =	sadd.s32 $0x28400, s4;
	[dreg:$0x1a] =	wrdreg s20  }
0x1f: {  	s22 =	sadd.s32 $0x2A000, s4;
	[dreg:$0x1b] =	wrdreg s21  }
0x20: {  	s0 =	ssub.s32 $0x2, s0;
	s23 =	sadd.s32 $0x2BC00, s4;
	[dreg:$0x1c] =	wrdreg s22  }
0x21: {  	s24 =	sadd.s32 $0x2D800, s4;
	s25 =	sshrl.u32 s0, $0x1;
	[dreg:$0x1d] =	wrdreg s23  }
0x22: {  	s26 =	sadd.s32 $0x2F400, s4;
	s28 =	sadd.s32 $0x31000, s4;
	[dreg:$0x1e] =	wrdreg s24  }
0x23: {  	s29 =	sadd.s32 $0x32C00, s4;
	s0 =	ssub.s32 s0, s25;
	[dreg:$0x1f] =	wrdreg s26  }
0x24: {  	s5 =	sadd.s32 $0x100, s2;
	[smem:$0x7FA] =	sst s28;
	s6 =	sadd.s32 $0x200, s2  }
0x25: {  	v2 =	vlaneseq.u32;
	vm1 =	vcmask $0x2720;
	vm2 =	vcmask $0x700;
	[smem:$0x7FB] =	sst s29;
	s30 =	sadd.s32 $0x34800, s4;
	s7 =	sadd.s32 $0x300, s2  }
0x26: {  	vm0 =	vmmov $0xffff;
	v0 =	vand.u32 $0x7, v2;
	v1 =	vshrl.u32 v2, $0x3;
	s31 =	sadd.s32 $0x36400, s4;
	s9 =	simm.s32 $0x2;
	[smem:$0x7FC] =	sst s30  }
0x27: {  	v2 =	vor.u32 $0x8, v2;
	vm1 =	vmor vm2, vm1;
	v1 =	vmul.u32 $0x8, v1;
	s14 =	simm.s32 $0x1;
	[smem:$0x7FD] =	sst s31;
	s21 =	smax.u32 s0, $0x1  }
.LBB2_1:
0x28: {  	[smem:$0x7F8] =	sst s21  }
0x29: {  	s16 =	rddreg [dreg:$0x4]  }
0x2a: {  	[tilespmem:s3], [sflag:$0x2] =	stream.linear.gather [hbm4b:s16+s3], $0x1000, $0x38;
	[tilespmem:$0x1D000] =	vst v63  }
0x2b: {  	_ =	swait.ge [sflag:s9], $0x1000  }
0x2c: {  	[sflag:s9] =	ssyncset.done $0x0  }
0x2d: {  	[sflag:s9] =	ssyncadd.s32 $0xFFFFF000  }
0x2e: {  	v3 =	vld [tilespmem:$0x0];
	_ =	sdelay $0x4  }
0x2f: {  	v4 =	vshll.u32 v3, $0x3  }
0x30: {  	v3 =	vand.u32 $0x7, v3;
	v4 =	vand.u32 $0xFFFFFFC0, v4  }
0x31: {  	v3 =	vor.u32 v3, v4  }
0x32: {  	v4 =	vperm.xlane v3, v0;
	_ =	sdelay $0x1  }
0x33: {  	v4 =	vadd.s32 v1, v4;
	_ =	sdelay $0x3  }
0x34: {  	s0 =	simm.s32 $0x1000  }
0x35: {  	[tilespmem:s0], [sflag:$0x1] =	stream.indirect_vreg.gather [hbm4b:s2+s3], $0x80, v4, vm0, $0xb8;
	[tilespmem:$0x1D000] =	vst v63  }
0x36: {  	s17 =	simm.s32 $0x1800;
	v3 =	vperm.xlane v3, v2  }
0x37: {  	[tilespmem:s17], [sflag:$0x1] =	stream.indirect_vreg.gather [hbm4b:s5+s3], $0x80, v4, vm0, $0xb8;
	[tilespmem:$0x1D000] =	vst v63  }
0x38: {  	s18 =	simm.s32 $0x2000;
	v3 =	vadd.s32 v1, v3  }
0x39: {  	[tilespmem:s18], [sflag:$0x1] =	stream.indirect_vreg.gather [hbm4b:s6+s3], $0x80, v4, vm0, $0xb8;
	[tilespmem:$0x1D000] =	vst v63  }
0x3a: {  	s19 =	simm.s32 $0x2800  }
0x3b: {  	[tilespmem:s19], [sflag:$0x1] =	stream.indirect_vreg.gather [hbm4b:s7+s3], $0x80, v4, vm0, $0xb8;
	[tilespmem:$0x1D000] =	vst v63  }
0x3c: {  	s21 =	simm.s32 $0x3000  }
0x3d: {  	[tilespmem:s21], [sflag:$0x1] =	stream.indirect_vreg.gather [hbm4b:s2+s3], $0x80, v3, vm0, $0xb8;
	[tilespmem:$0x1D000] =	vst v63  }
0x3e: {  	s22 =	simm.s32 $0x3800  }
0x3f: {  	[tilespmem:s22], [sflag:$0x1] =	stream.indirect_vreg.gather [hbm4b:s5+s3], $0x80, v3, vm0, $0xb8;
	[tilespmem:$0x1D000] =	vst v63  }
0x40: {  	s23 =	simm.s32 $0x4000  }
0x41: {  	[tilespmem:s23], [sflag:$0x1] =	stream.indirect_vreg.gather [hbm4b:s6+s3], $0x80, v3, vm0, $0xb8;
	[tilespmem:$0x1D000] =	vst v63  }
0x42: {  	s24 =	simm.s32 $0x4800  }
0x43: {  	[tilespmem:s24], [sflag:$0x1] =	stream.indirect_vreg.gather [hbm4b:s7+s3], $0x80, v3, vm0, $0xb8;
	[tilespmem:$0x1D000] =	vst v63  }
0x44: {  	v3 =	vld [tilespmem:$0x10];
	_ =	sdelay $0x4  }
0x45: {  	v49 =	vshll.u32 v3, $0x3  }
0x46: {  	v3 =	vand.u32 $0x7, v3;
	v4 =	vand.u32 $0xFFFFFFC0, v49  }
0x47: {  	v3 =	vor.u32 v3, v4  }
0x48: {  	v4 =	vperm.xlane v3, v0;
	_ =	sdelay $0x1  }
0x49: {  	v4 =	vadd.s32 v1, v4;
	_ =	sdelay $0x3  }
0x4a: {  	s25 =	simm.s32 $0x5000  }
0x4b: {  	[tilespmem:s25], [sflag:$0x1] =	stream.indirect_vreg.gather [hbm4b:s2+s3], $0x80, v4, vm0, $0xb8;
	[tilespmem:$0x1D000] =	vst v63  }
0x4c: {  	s26 =	simm.s32 $0x5800;
	v3 =	vperm.xlane v3, v2  }
0x4d: {  	[tilespmem:s26], [sflag:$0x1] =	stream.indirect_vreg.gather [hbm4b:s5+s3], $0x80, v4, vm0, $0xb8;
	[tilespmem:$0x1D000] =	vst v63  }
0x4e: {  	s28 =	simm.s32 $0x6000;
	v3 =	vadd.s32 v1, v3  }
0x4f: {  	[tilespmem:s28], [sflag:$0x1] =	stream.indirect_vreg.gather [hbm4b:s6+s3], $0x80, v4, vm0, $0xb8;
	[tilespmem:$0x1D000] =	vst v63  }
0x50: {  	s29 =	simm.s32 $0x6800  }
0x51: {  	[tilespmem:s29], [sflag:$0x1] =	stream.indirect_vreg.gather [hbm4b:s7+s3], $0x80, v4, vm0, $0xb8;
	[tilespmem:$0x1D000] =	vst v63  }
0x52: {  	s30 =	simm.s32 $0x7000  }
0x53: {  	[tilespmem:s30], [sflag:$0x1] =	stream.indirect_vreg.gather [hbm4b:s2+s3], $0x80, v3, vm0, $0xb8;
	[tilespmem:$0x1D000] =	vst v63  }
0x54: {  	s31 =	simm.s32 $0x7800  }
0x55: {  	[tilespmem:s31], [sflag:$0x1] =	stream.indirect_vreg.gather [hbm4b:s5+s3], $0x80, v3, vm0, $0xb8;
	[tilespmem:$0x1D000] =	vst v63  }
0x56: {  	s1 =	simm.s32 $0x8000  }
0x57: {  	[tilespmem:s1], [sflag:$0x1] =	stream.indirect_vreg.gather [hbm4b:s6+s3], $0x80, v3, vm0, $0xb8;
	[tilespmem:$0x1D000] =	vst v63  }
0x58: {  	s11 =	simm.s32 $0x8800  }
0x59: {  	[tilespmem:s11], [sflag:$0x1] =	stream.indirect_vreg.gather [hbm4b:s7+s3], $0x80, v3, vm0, $0xb8;
	[tilespmem:$0x1D000] =	vst v63  }
0x5a: {  	v3 =	vld [tilespmem:$0x20];
	_ =	sdelay $0x4  }
0x5b: {  	v50 =	vshll.u32 v3, $0x3  }
0x5c: {  	v3 =	vand.u32 $0x7, v3;
	v4 =	vand.u32 $0xFFFFFFC0, v50  }
0x5d: {  	v3 =	vor.u32 v3, v4  }
0x5e: {  	v4 =	vperm.xlane v3, v0;
	_ =	sdelay $0x1  }
0x5f: {  	v4 =	vadd.s32 v1, v4;
	_ =	sdelay $0x3  }
0x60: {  	s12 =	simm.s32 $0x9000  }
0x61: {  	[tilespmem:s12], [sflag:$0x1] =	stream.indirect_vreg.gather [hbm4b:s2+s3], $0x80, v4, vm0, $0xb8;
	[tilespmem:$0x1D000] =	vst v63  }
0x62: {  	s13 =	simm.s32 $0x9800;
	v3 =	vperm.xlane v3, v2  }
0x63: {  	[tilespmem:s13], [sflag:$0x1] =	stream.indirect_vreg.gather [hbm4b:s5+s3], $0x80, v4, vm0, $0xb8;
	[tilespmem:$0x1D000] =	vst v63  }
0x64: {  	s21 =	simm.s32 $0xA000;
	v3 =	vadd.s32 v1, v3  }
0x65: {  	[tilespmem:s21], [sflag:$0x1] =	stream.indirect_vreg.gather [hbm4b:s6+s3], $0x80, v4, vm0, $0xb8;
	[tilespmem:$0x1D000] =	vst v63  }
0x66: {  	s22 =	simm.s32 $0xA800  }
0x67: {  	[tilespmem:s22], [sflag:$0x1] =	stream.indirect_vreg.gather [hbm4b:s7+s3], $0x80, v4, vm0, $0xb8;
	[tilespmem:$0x1D000] =	vst v63  }
0x68: {  	s25 =	simm.s32 $0xB000  }
0x69: {  	[tilespmem:s25], [sflag:$0x1] =	stream.indirect_vreg.gather [hbm4b:s2+s3], $0x80, v3, vm0, $0xb8;
	[tilespmem:$0x1D000] =	vst v63  }
0x6a: {  	s1 =	simm.s32 $0xB800  }
0x6b: {  	[tilespmem:s1], [sflag:$0x1] =	stream.indirect_vreg.gather [hbm4b:s5+s3], $0x80, v3, vm0, $0xb8;
	[tilespmem:$0x1D000] =	vst v63  }
0x6c: {  	s11 =	simm.s32 $0xC000  }
0x6d: {  	[tilespmem:s11], [sflag:$0x1] =	stream.indirect_vreg.gather [hbm4b:s6+s3], $0x80, v3, vm0, $0xb8;
	[tilespmem:$0x1D000] =	vst v63  }
0x6e: {  	s12 =	simm.s32 $0xC800  }
0x6f: {  	[tilespmem:s12], [sflag:$0x1] =	stream.indirect_vreg.gather [hbm4b:s7+s3], $0x80, v3, vm0, $0xb8;
	[tilespmem:$0x1D000] =	vst v63  }
0x70: {  	v3 =	vld.msk [tilespmem:$0x30], $0x3;
	_ =	sdelay $0x4  }
0x71: {  	v51 =	vshll.u32 v3, $0x3  }
0x72: {  	v3 =	vand.u32 $0x7, v3;
	v4 =	vand.u32 $0xFFFFFFC0, v51  }
0x73: {  	v3 =	vor.u32 v3, v4  }
0x74: {  	v3 =	vperm.xlane v3, v0;
	_ =	sdelay $0x1  }
0x75: {  	v3 =	vadd.s32 v1, v3;
	_ =	sdelay $0x3  }
0x76: {  	s13 =	simm.s32 $0xD000  }
0x77: {  	[tilespmem:s13], [sflag:$0x1] =	stream.indirect_vreg.gather [hbm4b:s2+s3], $0x80, v3, vm1, $0xb8;
	[tilespmem:$0x1D000] =	vst v63  }
0x78: {  	s21 =	simm.s32 $0xD800  }
0x79: {  	[tilespmem:s21], [sflag:$0x1] =	stream.indirect_vreg.gather [hbm4b:s5+s3], $0x80, v3, vm1, $0xb8;
	[tilespmem:$0x1D000] =	vst v63  }
0x7a: {  	s22 =	simm.s32 $0xE000  }
0x7b: {  	[tilespmem:s22], [sflag:$0x1] =	stream.indirect_vreg.gather [hbm4b:s6+s3], $0x80, v3, vm1, $0xb8;
	[tilespmem:$0x1D000] =	vst v63  }
0x7c: {  	s25 =	simm.s32 $0xE800  }
0x7d: {  	[tilespmem:s25], [sflag:$0x1] =	stream.indirect_vreg.gather [hbm4b:s7+s3], $0x80, v3, vm1, $0xb8;
	[tilespmem:$0x1D000] =	vst v63  }
0x7e: {  	_ =	swait.ge [sflag:s14], $0xC800  }
0x7f: {  	[sflag:s14] =	ssyncset.done $0x0  }
0x80: {  	[sflag:s14] =	ssyncadd.s32 $0xFFFF3800  }
0x81: {  	v3 =	vld [tilespmem:$0x80];
	_ =	sdelay $0x4  }
0x82: {  	v52 =	vshll.u32 v3, $0x3  }
0x83: {  	v3 =	vand.u32 $0x7, v3;
	v4 =	vand.u32 $0xFFFFFFC0, v52  }
0x84: {  	v3 =	vor.u32 v3, v4  }
0x85: {  	v4 =	vperm.xlane v3, v0;
	_ =	sdelay $0x1  }
0x86: {  	v4 =	vadd.s32 v1, v4;
	_ =	sdelay $0x3  }
0x87: {  	s21 =	simm.s32 $0xF000  }
0x88: {  	[tilespmem:s21], [sflag:$0x1] =	stream.indirect_vreg.gather [hbm4b:s2+s3], $0x80, v4, vm0, $0xb8;
	[tilespmem:$0x1D000] =	vst v63  }
0x89: {  	s25 =	simm.s32 $0xF800;
	v3 =	vperm.xlane v3, v2  }
0x8a: {  	[tilespmem:s25], [sflag:$0x1] =	stream.indirect_vreg.gather [hbm4b:s5+s3], $0x80, v4, vm0, $0xb8;
	[tilespmem:$0x1D000] =	vst v63  }
0x8b: {  	v3 =	vadd.s32 v1, v3;
	s21 =	simm.s32 $0x10000  }
0x8c: {  	[tilespmem:s21], [sflag:$0x1] =	stream.indirect_vreg.gather [hbm4b:s6+s3], $0x80, v4, vm0, $0xb8;
	[tilespmem:$0x1D000] =	vst v63  }
0x8d: {  	s25 =	simm.s32 $0x10800  }
0x8e: {  	[tilespmem:s25], [sflag:$0x1] =	stream.indirect_vreg.gather [hbm4b:s7+s3], $0x80, v4, vm0, $0xb8;
	[tilespmem:$0x1D000] =	vst v63  }
0x8f: {  	s21 =	simm.s32 $0x11000  }
0x90: {  	[tilespmem:s21], [sflag:$0x1] =	stream.indirect_vreg.gather [hbm4b:s2+s3], $0x80, v3, vm0, $0xb8;
	[tilespmem:$0x1D000] =	vst v63  }
0x91: {  	s25 =	simm.s32 $0x11800  }
0x92: {  	[tilespmem:s25], [sflag:$0x1] =	stream.indirect_vreg.gather [hbm4b:s5+s3], $0x80, v3, vm0, $0xb8;
	[tilespmem:$0x1D000] =	vst v63  }
0x93: {  	s21 =	simm.s32 $0x12000  }
0x94: {  	[tilespmem:s21], [sflag:$0x1] =	stream.indirect_vreg.gather [hbm4b:s6+s3], $0x80, v3, vm0, $0xb8;
	[tilespmem:$0x1D000] =	vst v63  }
0x95: {  	s25 =	simm.s32 $0x12800  }
0x96: {  	[tilespmem:s25], [sflag:$0x1] =	stream.indirect_vreg.gather [hbm4b:s7+s3], $0x80, v3, vm0, $0xb8;
	[tilespmem:$0x1D000] =	vst v63  }
0x97: {  	v3 =	vld [tilespmem:$0x90];
	_ =	sdelay $0x4  }
0x98: {  	v53 =	vshll.u32 v3, $0x3  }
0x99: {  	v3 =	vand.u32 $0x7, v3;
	v4 =	vand.u32 $0xFFFFFFC0, v53  }
0x9a: {  	v3 =	vor.u32 v3, v4  }
0x9b: {  	v4 =	vperm.xlane v3, v0;
	_ =	sdelay $0x1  }
0x9c: {  	v4 =	vadd.s32 v1, v4;
	_ =	sdelay $0x3  }
0x9d: {  	s21 =	simm.s32 $0x13000  }
0x9e: {  	[tilespmem:s21], [sflag:$0x1] =	stream.indirect_vreg.gather [hbm4b:s2+s3], $0x80, v4, vm0, $0xb8;
	[tilespmem:$0x1D000] =	vst v63  }
0x9f: {  	s25 =	simm.s32 $0x13800;
	v3 =	vperm.xlane v3, v2  }
0xa0: {  	[tilespmem:s25], [sflag:$0x1] =	stream.indirect_vreg.gather [hbm4b:s5+s3], $0x80, v4, vm0, $0xb8;
	[tilespmem:$0x1D000] =	vst v63  }
0xa1: {  	v3 =	vadd.s32 v1, v3;
	s21 =	simm.s32 $0x14000  }
0xa2: {  	[tilespmem:s21], [sflag:$0x1] =	stream.indirect_vreg.gather [hbm4b:s6+s3], $0x80, v4, vm0, $0xb8;
	[tilespmem:$0x1D000] =	vst v63  }
0xa3: {  	s25 =	simm.s32 $0x14800  }
0xa4: {  	[tilespmem:s25], [sflag:$0x1] =	stream.indirect_vreg.gather [hbm4b:s7+s3], $0x80, v4, vm0, $0xb8;
	[tilespmem:$0x1D000] =	vst v63  }
0xa5: {  	s21 =	simm.s32 $0x15000  }
0xa6: {  	[tilespmem:s21], [sflag:$0x1] =	stream.indirect_vreg.gather [hbm4b:s2+s3], $0x80, v3, vm0, $0xb8;
	[tilespmem:$0x1D000] =	vst v63  }
0xa7: {  	s25 =	simm.s32 $0x15800  }
0xa8: {  	[tilespmem:s25], [sflag:$0x1] =	stream.indirect_vreg.gather [hbm4b:s5+s3], $0x80, v3, vm0, $0xb8;
	[tilespmem:$0x1D000] =	vst v63  }
0xa9: {  	s21 =	simm.s32 $0x16000  }
0xaa: {  	[tilespmem:s21], [sflag:$0x1] =	stream.indirect_vreg.gather [hbm4b:s6+s3], $0x80, v3, vm0, $0xb8;
	[tilespmem:$0x1D000] =	vst v63  }
0xab: {  	s25 =	simm.s32 $0x16800  }
0xac: {  	[tilespmem:s25], [sflag:$0x1] =	stream.indirect_vreg.gather [hbm4b:s7+s3], $0x80, v3, vm0, $0xb8;
	[tilespmem:$0x1D000] =	vst v63  }
0xad: {  	v3 =	vld [tilespmem:$0xA0];
	_ =	sdelay $0x4  }
0xae: {  	v54 =	vshll.u32 v3, $0x3  }
0xaf: {  	v3 =	vand.u32 $0x7, v3;
	v4 =	vand.u32 $0xFFFFFFC0, v54  }
0xb0: {  	v3 =	vor.u32 v3, v4  }
0xb1: {  	v4 =	vperm.xlane v3, v0;
	_ =	sdelay $0x1  }
0xb2: {  	v4 =	vadd.s32 v1, v4;
	_ =	sdelay $0x3  }
0xb3: {  	s21 =	simm.s32 $0x17000  }
0xb4: {  	[tilespmem:s21], [sflag:$0x1] =	stream.indirect_vreg.gather [hbm4b:s2+s3], $0x80, v4, vm0, $0xb8;
	[tilespmem:$0x1D000] =	vst v63  }
0xb5: {  	s25 =	simm.s32 $0x17800;
	v3 =	vperm.xlane v3, v2  }
0xb6: {  	[tilespmem:s25], [sflag:$0x1] =	stream.indirect_vreg.gather [hbm4b:s5+s3], $0x80, v4, vm0, $0xb8;
	[tilespmem:$0x1D000] =	vst v63  }
0xb7: {  	v3 =	vadd.s32 v1, v3;
	s21 =	simm.s32 $0x18000  }
0xb8: {  	[tilespmem:s21], [sflag:$0x1] =	stream.indirect_vreg.gather [hbm4b:s6+s3], $0x80, v4, vm0, $0xb8;
	[tilespmem:$0x1D000] =	vst v63  }
0xb9: {  	s25 =	simm.s32 $0x18800  }
0xba: {  	[tilespmem:s25], [sflag:$0x1] =	stream.indirect_vreg.gather [hbm4b:s7+s3], $0x80, v4, vm0, $0xb8;
	[tilespmem:$0x1D000] =	vst v63  }
0xbb: {  	s21 =	simm.s32 $0x19000  }
0xbc: {  	[tilespmem:s21], [sflag:$0x1] =	stream.indirect_vreg.gather [hbm4b:s2+s3], $0x80, v3, vm0, $0xb8;
	[tilespmem:$0x1D000] =	vst v63  }
0xbd: {  	s25 =	simm.s32 $0x19800  }
0xbe: {  	[tilespmem:s25], [sflag:$0x1] =	stream.indirect_vreg.gather [hbm4b:s5+s3], $0x80, v3, vm0, $0xb8;
	[tilespmem:$0x1D000] =	vst v63  }
0xbf: {  	s21 =	simm.s32 $0x1A000  }
0xc0: {  	[tilespmem:s21], [sflag:$0x1] =	stream.indirect_vreg.gather [hbm4b:s6+s3], $0x80, v3, vm0, $0xb8;
	[tilespmem:$0x1D000] =	vst v63  }
0xc1: {  	s25 =	simm.s32 $0x1A800  }
0xc2: {  	[tilespmem:s25], [sflag:$0x1] =	stream.indirect_vreg.gather [hbm4b:s7+s3], $0x80, v3, vm0, $0xb8;
	[tilespmem:$0x1D000] =	vst v63  }
0xc3: {  	v3 =	vld.msk [tilespmem:$0xB0], $0x3;
	_ =	sdelay $0x4  }
0xc4: {  	v55 =	vshll.u32 v3, $0x3  }
0xc5: {  	v3 =	vand.u32 $0x7, v3;
	v4 =	vand.u32 $0xFFFFFFC0, v55  }
0xc6: {  	v3 =	vor.u32 v3, v4  }
0xc7: {  	v3 =	vperm.xlane v3, v0;
	_ =	sdelay $0x1  }
0xc8: {  	v3 =	vadd.s32 v1, v3;
	_ =	sdelay $0x3  }
0xc9: {  	s21 =	simm.s32 $0x1B000  }
0xca: {  	[tilespmem:s21], [sflag:$0x1] =	stream.indirect_vreg.gather [hbm4b:s2+s3], $0x80, v3, vm1, $0xb8;
	[tilespmem:$0x1D000] =	vst v63  }
0xcb: {  	s21 =	simm.s32 $0x1B800  }
0xcc: {  	[tilespmem:s21], [sflag:$0x1] =	stream.indirect_vreg.gather [hbm4b:s5+s3], $0x80, v3, vm1, $0xb8;
	[tilespmem:$0x1D000] =	vst v63  }
0xcd: {  	s21 =	simm.s32 $0x1C000  }
0xce: {  	[tilespmem:s21], [sflag:$0x1] =	stream.indirect_vreg.gather [hbm4b:s6+s3], $0x80, v3, vm1, $0xb8;
	[tilespmem:$0x1D000] =	vst v63  }
0xcf: {  	s0 =	simm.s32 $0x1C800;
	s21 =	sld [smem:$0x7F9]  }
0xd0: {  	[tilespmem:s0], [sflag:$0x1] =	stream.indirect_vreg.gather [hbm4b:s7+s3], $0x80, v3, vm1, $0xb8;
	[tilespmem:$0x1D000] =	vst v63  }
0xd1: {  	s0 =	simm.s32 $0x1000  }
0xd2: {  	[hbm4b:s21+s3] =	stream.linear.scatter [tilespmem:s0], [sflag:$0x2], $0xE000, $0x38;
	[tilespmem:$0x1D000] =	vst v63  }
0xd3: {  	_ =	swait.ge [sflag:s9], $0xE000  }
0xd4: {  	[sflag:s9] =	ssyncset.done $0x0  }
0xd5: {  	[sflag:s9] =	ssyncadd.s32 $0xFFFF2000  }
0xd6: {  	_ =	swait.ge [sflag:s14], $0xC800  }
0xd7: {  	[sflag:s14] =	ssyncset.done $0x0  }
0xd8: {  	[sflag:s14] =	ssyncadd.s32 $0xFFFF3800  }
0xd9: {  	v3 =	vld [tilespmem:$0x100];
	_ =	sdelay $0x4  }
0xda: {  	v56 =	vshll.u32 v3, $0x3  }
0xdb: {  	v3 =	vand.u32 $0x7, v3;
	v4 =	vand.u32 $0xFFFFFFC0, v56  }
0xdc: {  	v3 =	vor.u32 v3, v4  }
0xdd: {  	v4 =	vperm.xlane v3, v0;
	_ =	sdelay $0x1  }
0xde: {  	v4 =	vadd.s32 v1, v4;
	_ =	sdelay $0x4  }
0xdf: {  	[tilespmem:s0], [sflag:$0x1] =	stream.indirect_vreg.gather [hbm4b:s2+s3], $0x80, v4, vm0, $0xb8;
	[tilespmem:$0x1D000] =	vst v63  }
0xe0: {  	s15 =	simm.s32 $0x1800;
	v3 =	vperm.xlane v3, v2  }
0xe1: {  	[tilespmem:s15], [sflag:$0x1] =	stream.indirect_vreg.gather [hbm4b:s5+s3], $0x80, v4, vm0, $0xb8;
	[tilespmem:$0x1D000] =	vst v63  }
0xe2: {  	s20 =	simm.s32 $0x2000;
	v3 =	vadd.s32 v1, v3  }
0xe3: {  	[tilespmem:s20], [sflag:$0x1] =	stream.indirect_vreg.gather [hbm4b:s6+s3], $0x80, v4, vm0, $0xb8;
	[tilespmem:$0x1D000] =	vst v63  }
0xe4: {  	s10 =	simm.s32 $0x2800  }
0xe5: {  	[tilespmem:s10], [sflag:$0x1] =	stream.indirect_vreg.gather [hbm4b:s7+s3], $0x80, v4, vm0, $0xb8;
	[tilespmem:$0x1D000] =	vst v63  }
0xe6: {  	s16 =	simm.s32 $0x3000  }
0xe7: {  	[tilespmem:s16], [sflag:$0x1] =	stream.indirect_vreg.gather [hbm4b:s2+s3], $0x80, v3, vm0, $0xb8;
	[tilespmem:$0x1D000] =	vst v63  }
0xe8: {  	s18 =	simm.s32 $0x3800  }
0xe9: {  	[tilespmem:s18], [sflag:$0x1] =	stream.indirect_vreg.gather [hbm4b:s5+s3], $0x80, v3, vm0, $0xb8;
	[tilespmem:$0x1D000] =	vst v63  }
0xea: {  	s23 =	simm.s32 $0x4000  }
0xeb: {  	[tilespmem:s23], [sflag:$0x1] =	stream.indirect_vreg.gather [hbm4b:s6+s3], $0x80, v3, vm0, $0xb8;
	[tilespmem:$0x1D000] =	vst v63  }
0xec: {  	s17 =	simm.s32 $0x4800  }
0xed: {  	[tilespmem:s17], [sflag:$0x1] =	stream.indirect_vreg.gather [hbm4b:s7+s3], $0x80, v3, vm0, $0xb8;
	[tilespmem:$0x1D000] =	vst v63  }
0xee: {  	v3 =	vld [tilespmem:$0x110];
	_ =	sdelay $0x4  }
0xef: {  	v57 =	vshll.u32 v3, $0x3  }
0xf0: {  	v3 =	vand.u32 $0x7, v3;
	v4 =	vand.u32 $0xFFFFFFC0, v57  }
0xf1: {  	v3 =	vor.u32 v3, v4  }
0xf2: {  	v4 =	vperm.xlane v3, v0;
	_ =	sdelay $0x1  }
0xf3: {  	v4 =	vadd.s32 v1, v4;
	_ =	sdelay $0x3  }
0xf4: {  	s4 =	simm.s32 $0x5000  }
0xf5: {  	[tilespmem:s4], [sflag:$0x1] =	stream.indirect_vreg.gather [hbm4b:s2+s3], $0x80, v4, vm0, $0xb8;
	[tilespmem:$0x1D000] =	vst v63  }
0xf6: {  	s8 =	simm.s32 $0x5800;
	v3 =	vperm.xlane v3, v2  }
0xf7: {  	[tilespmem:s8], [sflag:$0x1] =	stream.indirect_vreg.gather [hbm4b:s5+s3], $0x80, v4, vm0, $0xb8;
	[tilespmem:$0x1D000] =	vst v63  }
0xf8: {  	s24 =	simm.s32 $0x6000;
	v3 =	vadd.s32 v1, v3  }
0xf9: {  	[tilespmem:s24], [sflag:$0x1] =	stream.indirect_vreg.gather [hbm4b:s6+s3], $0x80, v4, vm0, $0xb8;
	[tilespmem:$0x1D000] =	vst v63  }
0xfa: {  	s26 =	simm.s32 $0x6800  }
0xfb: {  	[tilespmem:s26], [sflag:$0x1] =	stream.indirect_vreg.gather [hbm4b:s7+s3], $0x80, v4, vm0, $0xb8;
	[tilespmem:$0x1D000] =	vst v63  }
0xfc: {  	s28 =	simm.s32 $0x7000  }
0xfd: {  	[tilespmem:s28], [sflag:$0x1] =	stream.indirect_vreg.gather [hbm4b:s2+s3], $0x80, v3, vm0, $0xb8;
	[tilespmem:$0x1D000] =	vst v63  }
0xfe: {  	s19 =	simm.s32 $0x7800  }
0xff: {  	[tilespmem:s19], [sflag:$0x1] =	stream.indirect_vreg.gather [hbm4b:s5+s3], $0x80, v3, vm0, $0xb8;
	[tilespmem:$0x1D000] =	vst v63  }
0x100: {  	s28 =	simm.s32 $0x8000  }
0x101: {  	[tilespmem:s28], [sflag:$0x1] =	stream.indirect_vreg.gather [hbm4b:s6+s3], $0x80, v3, vm0, $0xb8;
	[tilespmem:$0x1D000] =	vst v63  }
0x102: {  	s29 =	simm.s32 $0x8800  }
0x103: {  	[tilespmem:s29], [sflag:$0x1] =	stream.indirect_vreg.gather [hbm4b:s7+s3], $0x80, v3, vm0, $0xb8;
	[tilespmem:$0x1D000] =	vst v63  }
0x104: {  	v3 =	vld [tilespmem:$0x120];
	_ =	sdelay $0x4  }
0x105: {  	v58 =	vshll.u32 v3, $0x3  }
0x106: {  	v3 =	vand.u32 $0x7, v3;
	v4 =	vand.u32 $0xFFFFFFC0, v58  }
0x107: {  	v3 =	vor.u32 v3, v4  }
0x108: {  	v4 =	vperm.xlane v3, v0;
	_ =	sdelay $0x1  }
0x109: {  	v4 =	vadd.s32 v1, v4;
	_ =	sdelay $0x3  }
0x10a: {  	s30 =	simm.s32 $0x9000  }
0x10b: {  	[tilespmem:s30], [sflag:$0x1] =	stream.indirect_vreg.gather [hbm4b:s2+s3], $0x80, v4, vm0, $0xb8;
	[tilespmem:$0x1D000] =	vst v63  }
0x10c: {  	s31 =	simm.s32 $0x9800;
	v3 =	vperm.xlane v3, v2  }
0x10d: {  	[tilespmem:s31], [sflag:$0x1] =	stream.indirect_vreg.gather [hbm4b:s5+s3], $0x80, v4, vm0, $0xb8;
	[tilespmem:$0x1D000] =	vst v63  }
0x10e: {  	v3 =	vadd.s32 v1, v3;
	s31 =	simm.s32 $0xA000  }
0x10f: {  	[tilespmem:s31], [sflag:$0x1] =	stream.indirect_vreg.gather [hbm4b:s6+s3], $0x80, v4, vm0, $0xb8;
	[tilespmem:$0x1D000] =	vst v63  }
0x110: {  	s30 =	simm.s32 $0xA800  }
0x111: {  	[tilespmem:s30], [sflag:$0x1] =	stream.indirect_vreg.gather [hbm4b:s7+s3], $0x80, v4, vm0, $0xb8;
	[tilespmem:$0x1D000] =	vst v63  }
0x112: {  	s17 =	simm.s32 $0xB000  }
0x113: {  	[tilespmem:s17], [sflag:$0x1] =	stream.indirect_vreg.gather [hbm4b:s2+s3], $0x80, v3, vm0, $0xb8;
	[tilespmem:$0x1D000] =	vst v63  }
0x114: {  	s29 =	simm.s32 $0xB800  }
0x115: {  	[tilespmem:s29], [sflag:$0x1] =	stream.indirect_vreg.gather [hbm4b:s5+s3], $0x80, v3, vm0, $0xb8;
	[tilespmem:$0x1D000] =	vst v63  }
0x116: {  	s15 =	simm.s32 $0xC000  }
0x117: {  	[tilespmem:s15], [sflag:$0x1] =	stream.indirect_vreg.gather [hbm4b:s6+s3], $0x80, v3, vm0, $0xb8;
	[tilespmem:$0x1D000] =	vst v63  }
0x118: {  	s1 =	simm.s32 $0xC800  }
0x119: {  	[tilespmem:s1], [sflag:$0x1] =	stream.indirect_vreg.gather [hbm4b:s7+s3], $0x80, v3, vm0, $0xb8;
	[tilespmem:$0x1D000] =	vst v63  }
0x11a: {  	v3 =	vld.msk [tilespmem:$0x130], $0x3;
	_ =	sdelay $0x4  }
0x11b: {  	v59 =	vshll.u32 v3, $0x3  }
0x11c: {  	v3 =	vand.u32 $0x7, v3;
	v4 =	vand.u32 $0xFFFFFFC0, v59  }
0x11d: {  	v3 =	vor.u32 v3, v4  }
0x11e: {  	v3 =	vperm.xlane v3, v0;
	_ =	sdelay $0x1  }
0x11f: {  	v3 =	vadd.s32 v1, v3;
	_ =	sdelay $0x3  }
0x120: {  	s11 =	simm.s32 $0xD000  }
0x121: {  	[tilespmem:s11], [sflag:$0x1] =	stream.indirect_vreg.gather [hbm4b:s2+s3], $0x80, v3, vm1, $0xb8;
	[tilespmem:$0x1D000] =	vst v63  }
0x122: {  	s12 =	simm.s32 $0xD800  }
0x123: {  	[tilespmem:s12], [sflag:$0x1] =	stream.indirect_vreg.gather [hbm4b:s5+s3], $0x80, v3, vm1, $0xb8;
	[tilespmem:$0x1D000] =	vst v63  }
0x124: {  	s13 =	simm.s32 $0xE000  }
0x125: {  	[tilespmem:s13], [sflag:$0x1] =	stream.indirect_vreg.gather [hbm4b:s6+s3], $0x80, v3, vm1, $0xb8;
	[tilespmem:$0x1D000] =	vst v63  }
0x126: {  	s22 =	simm.s32 $0xE800  }
0x127: {  	[tilespmem:s22], [sflag:$0x1] =	stream.indirect_vreg.gather [hbm4b:s7+s3], $0x80, v3, vm1, $0xb8;
	[tilespmem:$0x1D000] =	vst v63  }
0x128: {  	s18 =	rddreg [dreg:$0x5];
	s19 =	simm.s32 $0xF000  }
0x129: {  	[hbm4b:s18+s3] =	stream.linear.scatter [tilespmem:s19], [sflag:$0x2], $0xE000, $0x38;
	[tilespmem:$0x1D000] =	vst v63  }
0x12a: {  	_ =	swait.ge [sflag:s9], $0xE000  }
0x12b: {  	[sflag:s9] =	ssyncset.done $0x0  }
0x12c: {  	[sflag:s9] =	ssyncadd.s32 $0xFFFF2000  }
0x12d: {  	_ =	swait.ge [sflag:s14], $0xC800  }
0x12e: {  	[sflag:s14] =	ssyncset.done $0x0  }
0x12f: {  	[sflag:s14] =	ssyncadd.s32 $0xFFFF3800  }
0x130: {  	v3 =	vld [tilespmem:$0x180];
	_ =	sdelay $0x4  }
0x131: {  	v60 =	vshll.u32 v3, $0x3  }
0x132: {  	v3 =	vand.u32 $0x7, v3;
	v4 =	vand.u32 $0xFFFFFFC0, v60  }
0x133: {  	v3 =	vor.u32 v3, v4  }
0x134: {  	v4 =	vperm.xlane v3, v0;
	_ =	sdelay $0x1  }
0x135: {  	v4 =	vadd.s32 v1, v4;
	_ =	sdelay $0x4  }
0x136: {  	[tilespmem:s19], [sflag:$0x1] =	stream.indirect_vreg.gather [hbm4b:s2+s3], $0x80, v4, vm0, $0xb8;
	[tilespmem:$0x1D000] =	vst v63  }
0x137: {  	s20 =	simm.s32 $0xF800;
	v3 =	vperm.xlane v3, v2  }
0x138: {  	[tilespmem:s20], [sflag:$0x1] =	stream.indirect_vreg.gather [hbm4b:s5+s3], $0x80, v4, vm0, $0xb8;
	[tilespmem:$0x1D000] =	vst v63  }
0x139: {  	s21 =	simm.s32 $0x10000;
	v3 =	vadd.s32 v1, v3  }
0x13a: {  	[tilespmem:s21], [sflag:$0x1] =	stream.indirect_vreg.gather [hbm4b:s6+s3], $0x80, v4, vm0, $0xb8;
	[tilespmem:$0x1D000] =	vst v63  }
0x13b: {  	s1 =	simm.s32 $0x10800  }
0x13c: {  	[tilespmem:s1], [sflag:$0x1] =	stream.indirect_vreg.gather [hbm4b:s7+s3], $0x80, v4, vm0, $0xb8;
	[tilespmem:$0x1D000] =	vst v63  }
0x13d: {  	s4 =	simm.s32 $0x11000  }
0x13e: {  	[tilespmem:s4], [sflag:$0x1] =	stream.indirect_vreg.gather [hbm4b:s2+s3], $0x80, v3, vm0, $0xb8;
	[tilespmem:$0x1D000] =	vst v63  }
0x13f: {  	s8 =	simm.s32 $0x11800  }
0x140: {  	[tilespmem:s8], [sflag:$0x1] =	stream.indirect_vreg.gather [hbm4b:s5+s3], $0x80, v3, vm0, $0xb8;
	[tilespmem:$0x1D000] =	vst v63  }
0x141: {  	s10 =	simm.s32 $0x12000  }
0x142: {  	[tilespmem:s10], [sflag:$0x1] =	stream.indirect_vreg.gather [hbm4b:s6+s3], $0x80, v3, vm0, $0xb8;
	[tilespmem:$0x1D000] =	vst v63  }
0x143: {  	s22 =	simm.s32 $0x12800  }
0x144: {  	[tilespmem:s22], [sflag:$0x1] =	stream.indirect_vreg.gather [hbm4b:s7+s3], $0x80, v3, vm0, $0xb8;
	[tilespmem:$0x1D000] =	vst v63  }
0x145: {  	v3 =	vld [tilespmem:$0x190];
	_ =	sdelay $0x4  }
0x146: {  	v61 =	vshll.u32 v3, $0x3  }
0x147: {  	v3 =	vand.u32 $0x7, v3;
	v4 =	vand.u32 $0xFFFFFFC0, v61  }
0x148: {  	v3 =	vor.u32 v3, v4  }
0x149: {  	v4 =	vperm.xlane v3, v0;
	_ =	sdelay $0x1  }
0x14a: {  	v4 =	vadd.s32 v1, v4;
	_ =	sdelay $0x3  }
0x14b: {  	s23 =	simm.s32 $0x13000  }
0x14c: {  	[tilespmem:s23], [sflag:$0x1] =	stream.indirect_vreg.gather [hbm4b:s2+s3], $0x80, v4, vm0, $0xb8;
	[tilespmem:$0x1D000] =	vst v63  }
0x14d: {  	s24 =	simm.s32 $0x13800;
	v3 =	vperm.xlane v3, v2  }
0x14e: {  	[tilespmem:s24], [sflag:$0x1] =	stream.indirect_vreg.gather [hbm4b:s5+s3], $0x80, v4, vm0, $0xb8;
	[tilespmem:$0x1D000] =	vst v63  }
0x14f: {  	s11 =	simm.s32 $0x14000;
	v3 =	vadd.s32 v1, v3  }
0x150: {  	[tilespmem:s11], [sflag:$0x1] =	stream.indirect_vreg.gather [hbm4b:s6+s3], $0x80, v4, vm0, $0xb8;
	[tilespmem:$0x1D000] =	vst v63  }
0x151: {  	s12 =	simm.s32 $0x14800  }
0x152: {  	[tilespmem:s12], [sflag:$0x1] =	stream.indirect_vreg.gather [hbm4b:s7+s3], $0x80, v4, vm0, $0xb8;
	[tilespmem:$0x1D000] =	vst v63  }
0x153: {  	s13 =	simm.s32 $0x15000  }
0x154: {  	[tilespmem:s13], [sflag:$0x1] =	stream.indirect_vreg.gather [hbm4b:s2+s3], $0x80, v3, vm0, $0xb8;
	[tilespmem:$0x1D000] =	vst v63  }
0x155: {  	s16 =	simm.s32 $0x15800  }
0x156: {  	[tilespmem:s16], [sflag:$0x1] =	stream.indirect_vreg.gather [hbm4b:s5+s3], $0x80, v3, vm0, $0xb8;
	[tilespmem:$0x1D000] =	vst v63  }
0x157: {  	s18 =	simm.s32 $0x16000  }
0x158: {  	[tilespmem:s18], [sflag:$0x1] =	stream.indirect_vreg.gather [hbm4b:s6+s3], $0x80, v3, vm0, $0xb8;
	[tilespmem:$0x1D000] =	vst v63  }
0x159: {  	s26 =	simm.s32 $0x16800  }
0x15a: {  	[tilespmem:s26], [sflag:$0x1] =	stream.indirect_vreg.gather [hbm4b:s7+s3], $0x80, v3, vm0, $0xb8;
	[tilespmem:$0x1D000] =	vst v63  }
0x15b: {  	v3 =	vld [tilespmem:$0x1A0];
	_ =	sdelay $0x4  }
0x15c: {  	v62 =	vshll.u32 v3, $0x3  }
0x15d: {  	v3 =	vand.u32 $0x7, v3;
	v4 =	vand.u32 $0xFFFFFFC0, v62  }
0x15e: {  	v3 =	vor.u32 v3, v4  }
0x15f: {  	v4 =	vperm.xlane v3, v0;
	_ =	sdelay $0x1  }
0x160: {  	v4 =	vadd.s32 v1, v4;
	_ =	sdelay $0x3  }
0x161: {  	s19 =	simm.s32 $0x17000  }
0x162: {  	[tilespmem:s19], [sflag:$0x1] =	stream.indirect_vreg.gather [hbm4b:s2+s3], $0x80, v4, vm0, $0xb8;
	[tilespmem:$0x1D000] =	vst v63  }
0x163: {  	s20 =	simm.s32 $0x17800;
	v3 =	vperm.xlane v3, v2  }
0x164: {  	[tilespmem:s20], [sflag:$0x1] =	stream.indirect_vreg.gather [hbm4b:s5+s3], $0x80, v4, vm0, $0xb8;
	[tilespmem:$0x1D000] =	vst v63  }
0x165: {  	v3 =	vadd.s32 v1, v3;
	s19 =	simm.s32 $0x18000  }
0x166: {  	[tilespmem:s19], [sflag:$0x1] =	stream.indirect_vreg.gather [hbm4b:s6+s3], $0x80, v4, vm0, $0xb8;
	[tilespmem:$0x1D000] =	vst v63  }
0x167: {  	s20 =	simm.s32 $0x18800  }
0x168: {  	[tilespmem:s20], [sflag:$0x1] =	stream.indirect_vreg.gather [hbm4b:s7+s3], $0x80, v4, vm0, $0xb8;
	[tilespmem:$0x1D000] =	vst v63  }
0x169: {  	s22 =	simm.s32 $0x19000  }
0x16a: {  	[tilespmem:s22], [sflag:$0x1] =	stream.indirect_vreg.gather [hbm4b:s2+s3], $0x80, v3, vm0, $0xb8;
	[tilespmem:$0x1D000] =	vst v63  }
0x16b: {  	s23 =	simm.s32 $0x19800  }
0x16c: {  	[tilespmem:s23], [sflag:$0x1] =	stream.indirect_vreg.gather [hbm4b:s5+s3], $0x80, v3, vm0, $0xb8;
	[tilespmem:$0x1D000] =	vst v63  }
0x16d: {  	s24 =	simm.s32 $0x1A000  }
0x16e: {  	[tilespmem:s24], [sflag:$0x1] =	stream.indirect_vreg.gather [hbm4b:s6+s3], $0x80, v3, vm0, $0xb8;
	[tilespmem:$0x1D000] =	vst v63  }
0x16f: {  	s25 =	simm.s32 $0x1A800  }
0x170: {  	[tilespmem:s25], [sflag:$0x1] =	stream.indirect_vreg.gather [hbm4b:s7+s3], $0x80, v3, vm0, $0xb8;
	[tilespmem:$0x1D000] =	vst v63  }
0x171: {  	v3 =	vld.msk [tilespmem:$0x1B0], $0x3;
	_ =	sdelay $0x4  }
0x172: {  	v63 =	vshll.u32 v3, $0x3  }
0x173: {  	v3 =	vand.u32 $0x7, v3;
	v4 =	vand.u32 $0xFFFFFFC0, v63  }
0x174: {  	v3 =	vor.u32 v3, v4  }
0x175: {  	v3 =	vperm.xlane v3, v0;
	_ =	sdelay $0x1  }
0x176: {  	v3 =	vadd.s32 v1, v3;
	_ =	sdelay $0x3  }
0x177: {  	s25 =	simm.s32 $0x1B000  }
0x178: {  	[tilespmem:s25], [sflag:$0x1] =	stream.indirect_vreg.gather [hbm4b:s2+s3], $0x80, v3, vm1, $0xb8;
	[tilespmem:$0x1D000] =	vst v63  }
0x179: {  	s26 =	simm.s32 $0x1B800  }
0x17a: {  	[tilespmem:s26], [sflag:$0x1] =	stream.indirect_vreg.gather [hbm4b:s5+s3], $0x80, v3, vm1, $0xb8;
	[tilespmem:$0x1D000] =	vst v63  }
0x17b: {  	s21 =	simm.s32 $0x1C000  }
0x17c: {  	[tilespmem:s21], [sflag:$0x1] =	stream.indirect_vreg.gather [hbm4b:s6+s3], $0x80, v3, vm1, $0xb8;
	[tilespmem:$0x1D000] =	vst v63  }
0x17d: {  	s0 =	simm.s32 $0x1C800  }
0x17e: {  	[tilespmem:s0], [sflag:$0x1] =	stream.indirect_vreg.gather [hbm4b:s7+s3], $0x80, v3, vm1, $0xb8;
	[tilespmem:$0x1D000] =	vst v63  }
0x17f: {  	s21 =	rddreg [dreg:$0x6];
	s0 =	simm.s32 $0x1000  }
0x180: {  	[hbm4b:s21+s3] =	stream.linear.scatter [tilespmem:s0], [sflag:$0x2], $0xE000, $0x38;
	[tilespmem:$0x1D000] =	vst v63  }
0x181: {  	_ =	swait.ge [sflag:s9], $0xE000  }
0x182: {  	[sflag:s9] =	ssyncset.done $0x0  }
0x183: {  	[sflag:s9] =	ssyncadd.s32 $0xFFFF2000  }
0x184: {  	_ =	swait.ge [sflag:s14], $0xC800  }
0x185: {  	[sflag:s14] =	ssyncset.done $0x0  }
0x186: {  	[sflag:s14] =	ssyncadd.s32 $0xFFFF3800  }
0x187: {  	v3 =	vld [tilespmem:$0x200];
	_ =	sdelay $0x4  }
0x188: {  	v8 =	vshll.u32 v3, $0x3  }
0x189: {  	v3 =	vand.u32 $0x7, v3;
	v4 =	vand.u32 $0xFFFFFFC0, v8  }
0x18a: {  	v3 =	vor.u32 v3, v4  }
0x18b: {  	v4 =	vperm.xlane v3, v0;
	_ =	sdelay $0x1  }
0x18c: {  	v4 =	vadd.s32 v1, v4;
	_ =	sdelay $0x4  }
0x18d: {  	[tilespmem:s0], [sflag:$0x1] =	stream.indirect_vreg.gather [hbm4b:s2+s3], $0x80, v4, vm0, $0xb8;
	[tilespmem:$0x1D000] =	vst v63  }
0x18e: {  	s21 =	simm.s32 $0x1800;
	v3 =	vperm.xlane v3, v2  }
0x18f: {  	[tilespmem:s21], [sflag:$0x1] =	stream.indirect_vreg.gather [hbm4b:s5+s3], $0x80, v4, vm0, $0xb8;
	[tilespmem:$0x1D000] =	vst v63  }
0x190: {  	v3 =	vadd.s32 v1, v3;
	s21 =	simm.s32 $0x2000  }
0x191: {  	[tilespmem:s21], [sflag:$0x1] =	stream.indirect_vreg.gather [hbm4b:s6+s3], $0x80, v4, vm0, $0xb8;
	[tilespmem:$0x1D000] =	vst v63  }
0x192: {  	s21 =	simm.s32 $0x2800  }
0x193: {  	[tilespmem:s21], [sflag:$0x1] =	stream.indirect_vreg.gather [hbm4b:s7+s3], $0x80, v4, vm0, $0xb8;
	[tilespmem:$0x1D000] =	vst v63  }
0x194: {  	s21 =	simm.s32 $0x3000  }
0x195: {  	[tilespmem:s21], [sflag:$0x1] =	stream.indirect_vreg.gather [hbm4b:s2+s3], $0x80, v3, vm0, $0xb8;
	[tilespmem:$0x1D000] =	vst v63  }
0x196: {  	s21 =	simm.s32 $0x3800  }
0x197: {  	[tilespmem:s21], [sflag:$0x1] =	stream.indirect_vreg.gather [hbm4b:s5+s3], $0x80, v3, vm0, $0xb8;
	[tilespmem:$0x1D000] =	vst v63  }
0x198: {  	s21 =	simm.s32 $0x4000  }
0x199: {  	[tilespmem:s21], [sflag:$0x1] =	stream.indirect_vreg.gather [hbm4b:s6+s3], $0x80, v3, vm0, $0xb8;
	[tilespmem:$0x1D000] =	vst v63  }
0x19a: {  	s21 =	simm.s32 $0x4800  }
0x19b: {  	[tilespmem:s21], [sflag:$0x1] =	stream.indirect_vreg.gather [hbm4b:s7+s3], $0x80, v3, vm0, $0xb8;
	[tilespmem:$0x1D000] =	vst v63  }
0x19c: {  	v3 =	vld [tilespmem:$0x210];
	_ =	sdelay $0x4  }
0x19d: {  	v9 =	vshll.u32 v3, $0x3  }
0x19e: {  	v3 =	vand.u32 $0x7, v3;
	v4 =	vand.u32 $0xFFFFFFC0, v9  }
0x19f: {  	v3 =	vor.u32 v3, v4  }
0x1a0: {  	v4 =	vperm.xlane v3, v0;
	_ =	sdelay $0x1  }
0x1a1: {  	v4 =	vadd.s32 v1, v4;
	_ =	sdelay $0x3  }
0x1a2: {  	s21 =	simm.s32 $0x5000  }
0x1a3: {  	[tilespmem:s21], [sflag:$0x1] =	stream.indirect_vreg.gather [hbm4b:s2+s3], $0x80, v4, vm0, $0xb8;
	[tilespmem:$0x1D000] =	vst v63  }
0x1a4: {  	v3 =	vperm.xlane v3, v2;
	s21 =	simm.s32 $0x5800  }
0x1a5: {  	[tilespmem:s21], [sflag:$0x1] =	stream.indirect_vreg.gather [hbm4b:s5+s3], $0x80, v4, vm0, $0xb8;
	[tilespmem:$0x1D000] =	vst v63  }
0x1a6: {  	v3 =	vadd.s32 v1, v3;
	s21 =	simm.s32 $0x6000  }
0x1a7: {  	[tilespmem:s21], [sflag:$0x1] =	stream.indirect_vreg.gather [hbm4b:s6+s3], $0x80, v4, vm0, $0xb8;
	[tilespmem:$0x1D000] =	vst v63  }
0x1a8: {  	s21 =	simm.s32 $0x6800  }
0x1a9: {  	[tilespmem:s21], [sflag:$0x1] =	stream.indirect_vreg.gather [hbm4b:s7+s3], $0x80, v4, vm0, $0xb8;
	[tilespmem:$0x1D000] =	vst v63  }
0x1aa: {  	s21 =	simm.s32 $0x7000  }
0x1ab: {  	[tilespmem:s21], [sflag:$0x1] =	stream.indirect_vreg.gather [hbm4b:s2+s3], $0x80, v3, vm0, $0xb8;
	[tilespmem:$0x1D000] =	vst v63  }
0x1ac: {  	s21 =	simm.s32 $0x7800  }
0x1ad: {  	[tilespmem:s21], [sflag:$0x1] =	stream.indirect_vreg.gather [hbm4b:s5+s3], $0x80, v3, vm0, $0xb8;
	[tilespmem:$0x1D000] =	vst v63  }
0x1ae: {  	_ = 	snop  }
0x1af: {  	[tilespmem:s28], [sflag:$0x1] =	stream.indirect_vreg.gather [hbm4b:s6+s3], $0x80, v3, vm0, $0xb8;
	[tilespmem:$0x1D000] =	vst v63  }
0x1b0: {  	s28 =	simm.s32 $0x8800  }
0x1b1: {  	[tilespmem:s28], [sflag:$0x1] =	stream.indirect_vreg.gather [hbm4b:s7+s3], $0x80, v3, vm0, $0xb8;
	[tilespmem:$0x1D000] =	vst v63  }
0x1b2: {  	v3 =	vld [tilespmem:$0x220];
	_ =	sdelay $0x4  }
0x1b3: {  	v10 =	vshll.u32 v3, $0x3  }
0x1b4: {  	v3 =	vand.u32 $0x7, v3;
	v4 =	vand.u32 $0xFFFFFFC0, v10  }
0x1b5: {  	v3 =	vor.u32 v3, v4  }
0x1b6: {  	v4 =	vperm.xlane v3, v0;
	_ =	sdelay $0x1  }
0x1b7: {  	v4 =	vadd.s32 v1, v4;
	_ =	sdelay $0x3  }
0x1b8: {  	s21 =	simm.s32 $0x9000  }
0x1b9: {  	[tilespmem:s21], [sflag:$0x1] =	stream.indirect_vreg.gather [hbm4b:s2+s3], $0x80, v4, vm0, $0xb8;
	[tilespmem:$0x1D000] =	vst v63  }
0x1ba: {  	s28 =	simm.s32 $0x9800;
	v3 =	vperm.xlane v3, v2  }
0x1bb: {  	[tilespmem:s28], [sflag:$0x1] =	stream.indirect_vreg.gather [hbm4b:s5+s3], $0x80, v4, vm0, $0xb8;
	[tilespmem:$0x1D000] =	vst v63  }
0x1bc: {  	v3 =	vadd.s32 v1, v3  }
0x1bd: {  	[tilespmem:s31], [sflag:$0x1] =	stream.indirect_vreg.gather [hbm4b:s6+s3], $0x80, v4, vm0, $0xb8;
	[tilespmem:$0x1D000] =	vst v63  }
0x1be: {  	_ = 	snop  }
0x1bf: {  	[tilespmem:s30], [sflag:$0x1] =	stream.indirect_vreg.gather [hbm4b:s7+s3], $0x80, v4, vm0, $0xb8;
	[tilespmem:$0x1D000] =	vst v63  }
0x1c0: {  	_ = 	snop  }
0x1c1: {  	[tilespmem:s17], [sflag:$0x1] =	stream.indirect_vreg.gather [hbm4b:s2+s3], $0x80, v3, vm0, $0xb8;
	[tilespmem:$0x1D000] =	vst v63  }
0x1c2: {  	_ = 	snop  }
0x1c3: {  	[tilespmem:s29], [sflag:$0x1] =	stream.indirect_vreg.gather [hbm4b:s5+s3], $0x80, v3, vm0, $0xb8;
	[tilespmem:$0x1D000] =	vst v63  }
0x1c4: {  	_ = 	snop  }
0x1c5: {  	[tilespmem:s15], [sflag:$0x1] =	stream.indirect_vreg.gather [hbm4b:s6+s3], $0x80, v3, vm0, $0xb8;
	[tilespmem:$0x1D000] =	vst v63  }
0x1c6: {  	s0 =	simm.s32 $0xC800  }
0x1c7: {  	[tilespmem:s0], [sflag:$0x1] =	stream.indirect_vreg.gather [hbm4b:s7+s3], $0x80, v3, vm0, $0xb8;
	[tilespmem:$0x1D000] =	vst v63  }
0x1c8: {  	v3 =	vld.msk [tilespmem:$0x230], $0x3;
	_ =	sdelay $0x4  }
0x1c9: {  	v11 =	vshll.u32 v3, $0x3  }
0x1ca: {  	v3 =	vand.u32 $0x7, v3;
	v4 =	vand.u32 $0xFFFFFFC0, v11  }
0x1cb: {  	v3 =	vor.u32 v3, v4  }
0x1cc: {  	v3 =	vperm.xlane v3, v0;
	_ =	sdelay $0x1  }
0x1cd: {  	v3 =	vadd.s32 v1, v3;
	_ =	sdelay $0x3  }
0x1ce: {  	s15 =	simm.s32 $0xD000  }
0x1cf: {  	[tilespmem:s15], [sflag:$0x1] =	stream.indirect_vreg.gather [hbm4b:s2+s3], $0x80, v3, vm1, $0xb8;
	[tilespmem:$0x1D000] =	vst v63  }
0x1d0: {  	s17 =	simm.s32 $0xD800  }
0x1d1: {  	[tilespmem:s17], [sflag:$0x1] =	stream.indirect_vreg.gather [hbm4b:s5+s3], $0x80, v3, vm1, $0xb8;
	[tilespmem:$0x1D000] =	vst v63  }
0x1d2: {  	s28 =	simm.s32 $0xE000  }
0x1d3: {  	[tilespmem:s28], [sflag:$0x1] =	stream.indirect_vreg.gather [hbm4b:s6+s3], $0x80, v3, vm1, $0xb8;
	[tilespmem:$0x1D000] =	vst v63  }
0x1d4: {  	s31 =	simm.s32 $0xE800  }
0x1d5: {  	[tilespmem:s31], [sflag:$0x1] =	stream.indirect_vreg.gather [hbm4b:s7+s3], $0x80, v3, vm1, $0xb8;
	[tilespmem:$0x1D000] =	vst v63  }
0x1d6: {  	s21 =	rddreg [dreg:$0x7];
	s30 =	simm.s32 $0xF000  }
0x1d7: {  	[hbm4b:s21+s3] =	stream.linear.scatter [tilespmem:s30], [sflag:$0x2], $0xE000, $0x38;
	[tilespmem:$0x1D000] =	vst v63  }
0x1d8: {  	_ =	swait.ge [sflag:s9], $0xE000  }
0x1d9: {  	[sflag:s9] =	ssyncset.done $0x0  }
0x1da: {  	[sflag:s9] =	ssyncadd.s32 $0xFFFF2000  }
0x1db: {  	_ =	swait.ge [sflag:s14], $0xC800  }
0x1dc: {  	[sflag:s14] =	ssyncset.done $0x0  }
0x1dd: {  	[sflag:s14] =	ssyncadd.s32 $0xFFFF3800  }
0x1de: {  	v3 =	vld [tilespmem:$0x280];
	_ =	sdelay $0x4  }
0x1df: {  	v12 =	vshll.u32 v3, $0x3  }
0x1e0: {  	v3 =	vand.u32 $0x7, v3;
	v4 =	vand.u32 $0xFFFFFFC0, v12  }
0x1e1: {  	v3 =	vor.u32 v3, v4  }
0x1e2: {  	v4 =	vperm.xlane v3, v0;
	_ =	sdelay $0x1  }
0x1e3: {  	v4 =	vadd.s32 v1, v4;
	_ =	sdelay $0x4  }
0x1e4: {  	[tilespmem:s30], [sflag:$0x1] =	stream.indirect_vreg.gather [hbm4b:s2+s3], $0x80, v4, vm0, $0xb8;
	[tilespmem:$0x1D000] =	vst v63  }
0x1e5: {  	s29 =	simm.s32 $0xF800;
	v3 =	vperm.xlane v3, v2  }
0x1e6: {  	[tilespmem:s29], [sflag:$0x1] =	stream.indirect_vreg.gather [hbm4b:s5+s3], $0x80, v4, vm0, $0xb8;
	[tilespmem:$0x1D000] =	vst v63  }
0x1e7: {  	s31 =	simm.s32 $0x10000;
	v3 =	vadd.s32 v1, v3  }
0x1e8: {  	[tilespmem:s31], [sflag:$0x1] =	stream.indirect_vreg.gather [hbm4b:s6+s3], $0x80, v4, vm0, $0xb8;
	[tilespmem:$0x1D000] =	vst v63  }
0x1e9: {  	_ = 	snop  }
0x1ea: {  	[tilespmem:s1], [sflag:$0x1] =	stream.indirect_vreg.gather [hbm4b:s7+s3], $0x80, v4, vm0, $0xb8;
	[tilespmem:$0x1D000] =	vst v63  }
0x1eb: {  	_ = 	snop  }
0x1ec: {  	[tilespmem:s4], [sflag:$0x1] =	stream.indirect_vreg.gather [hbm4b:s2+s3], $0x80, v3, vm0, $0xb8;
	[tilespmem:$0x1D000] =	vst v63  }
0x1ed: {  	_ = 	snop  }
0x1ee: {  	[tilespmem:s8], [sflag:$0x1] =	stream.indirect_vreg.gather [hbm4b:s5+s3], $0x80, v3, vm0, $0xb8;
	[tilespmem:$0x1D000] =	vst v63  }
0x1ef: {  	_ = 	snop  }
0x1f0: {  	[tilespmem:s10], [sflag:$0x1] =	stream.indirect_vreg.gather [hbm4b:s6+s3], $0x80, v3, vm0, $0xb8;
	[tilespmem:$0x1D000] =	vst v63  }
0x1f1: {  	s4 =	simm.s32 $0x12800  }
0x1f2: {  	[tilespmem:s4], [sflag:$0x1] =	stream.indirect_vreg.gather [hbm4b:s7+s3], $0x80, v3, vm0, $0xb8;
	[tilespmem:$0x1D000] =	vst v63  }
0x1f3: {  	v3 =	vld [tilespmem:$0x290];
	_ =	sdelay $0x4  }
0x1f4: {  	v13 =	vshll.u32 v3, $0x3  }
0x1f5: {  	v3 =	vand.u32 $0x7, v3;
	v4 =	vand.u32 $0xFFFFFFC0, v13  }
0x1f6: {  	v3 =	vor.u32 v3, v4  }
0x1f7: {  	v4 =	vperm.xlane v3, v0;
	_ =	sdelay $0x1  }
0x1f8: {  	v4 =	vadd.s32 v1, v4;
	_ =	sdelay $0x3  }
0x1f9: {  	s31 =	simm.s32 $0x13000  }
0x1fa: {  	[tilespmem:s31], [sflag:$0x1] =	stream.indirect_vreg.gather [hbm4b:s2+s3], $0x80, v4, vm0, $0xb8;
	[tilespmem:$0x1D000] =	vst v63  }
0x1fb: {  	s30 =	simm.s32 $0x13800;
	v3 =	vperm.xlane v3, v2  }
0x1fc: {  	[tilespmem:s30], [sflag:$0x1] =	stream.indirect_vreg.gather [hbm4b:s5+s3], $0x80, v4, vm0, $0xb8;
	[tilespmem:$0x1D000] =	vst v63  }
0x1fd: {  	v3 =	vadd.s32 v1, v3  }
0x1fe: {  	[tilespmem:s11], [sflag:$0x1] =	stream.indirect_vreg.gather [hbm4b:s6+s3], $0x80, v4, vm0, $0xb8;
	[tilespmem:$0x1D000] =	vst v63  }
0x1ff: {  	_ = 	snop  }
0x200: {  	[tilespmem:s12], [sflag:$0x1] =	stream.indirect_vreg.gather [hbm4b:s7+s3], $0x80, v4, vm0, $0xb8;
	[tilespmem:$0x1D000] =	vst v63  }
0x201: {  	_ = 	snop  }
0x202: {  	[tilespmem:s13], [sflag:$0x1] =	stream.indirect_vreg.gather [hbm4b:s2+s3], $0x80, v3, vm0, $0xb8;
	[tilespmem:$0x1D000] =	vst v63  }
0x203: {  	_ = 	snop  }
0x204: {  	[tilespmem:s16], [sflag:$0x1] =	stream.indirect_vreg.gather [hbm4b:s5+s3], $0x80, v3, vm0, $0xb8;
	[tilespmem:$0x1D000] =	vst v63  }
0x205: {  	_ = 	snop  }
0x206: {  	[tilespmem:s18], [sflag:$0x1] =	stream.indirect_vreg.gather [hbm4b:s6+s3], $0x80, v3, vm0, $0xb8;
	[tilespmem:$0x1D000] =	vst v63  }
0x207: {  	s8 =	simm.s32 $0x16800  }
0x208: {  	[tilespmem:s8], [sflag:$0x1] =	stream.indirect_vreg.gather [hbm4b:s7+s3], $0x80, v3, vm0, $0xb8;
	[tilespmem:$0x1D000] =	vst v63  }
0x209: {  	v3 =	vld [tilespmem:$0x2A0];
	_ =	sdelay $0x4  }
0x20a: {  	v14 =	vshll.u32 v3, $0x3  }
0x20b: {  	v3 =	vand.u32 $0x7, v3;
	v4 =	vand.u32 $0xFFFFFFC0, v14  }
0x20c: {  	v3 =	vor.u32 v3, v4  }
0x20d: {  	v4 =	vperm.xlane v3, v0;
	_ =	sdelay $0x1  }
0x20e: {  	v4 =	vadd.s32 v1, v4;
	_ =	sdelay $0x3  }
0x20f: {  	s12 =	simm.s32 $0x17000  }
0x210: {  	[tilespmem:s12], [sflag:$0x1] =	stream.indirect_vreg.gather [hbm4b:s2+s3], $0x80, v4, vm0, $0xb8;
	[tilespmem:$0x1D000] =	vst v63  }
0x211: {  	s13 =	simm.s32 $0x17800;
	v3 =	vperm.xlane v3, v2  }
0x212: {  	[tilespmem:s13], [sflag:$0x1] =	stream.indirect_vreg.gather [hbm4b:s5+s3], $0x80, v4, vm0, $0xb8;
	[tilespmem:$0x1D000] =	vst v63  }
0x213: {  	v3 =	vadd.s32 v1, v3  }
0x214: {  	[tilespmem:s19], [sflag:$0x1] =	stream.indirect_vreg.gather [hbm4b:s6+s3], $0x80, v4, vm0, $0xb8;
	[tilespmem:$0x1D000] =	vst v63  }
0x215: {  	_ = 	snop  }
0x216: {  	[tilespmem:s20], [sflag:$0x1] =	stream.indirect_vreg.gather [hbm4b:s7+s3], $0x80, v4, vm0, $0xb8;
	[tilespmem:$0x1D000] =	vst v63  }
0x217: {  	_ = 	snop  }
0x218: {  	[tilespmem:s22], [sflag:$0x1] =	stream.indirect_vreg.gather [hbm4b:s2+s3], $0x80, v3, vm0, $0xb8;
	[tilespmem:$0x1D000] =	vst v63  }
0x219: {  	_ = 	snop  }
0x21a: {  	[tilespmem:s23], [sflag:$0x1] =	stream.indirect_vreg.gather [hbm4b:s5+s3], $0x80, v3, vm0, $0xb8;
	[tilespmem:$0x1D000] =	vst v63  }
0x21b: {  	_ = 	snop  }
0x21c: {  	[tilespmem:s24], [sflag:$0x1] =	stream.indirect_vreg.gather [hbm4b:s6+s3], $0x80, v3, vm0, $0xb8;
	[tilespmem:$0x1D000] =	vst v63  }
0x21d: {  	s10 =	simm.s32 $0x1A800  }
0x21e: {  	[tilespmem:s10], [sflag:$0x1] =	stream.indirect_vreg.gather [hbm4b:s7+s3], $0x80, v3, vm0, $0xb8;
	[tilespmem:$0x1D000] =	vst v63  }
0x21f: {  	v3 =	vld.msk [tilespmem:$0x2B0], $0x3;
	_ =	sdelay $0x4  }
0x220: {  	v15 =	vshll.u32 v3, $0x3  }
0x221: {  	v3 =	vand.u32 $0x7, v3;
	v4 =	vand.u32 $0xFFFFFFC0, v15  }
0x222: {  	v3 =	vor.u32 v3, v4  }
0x223: {  	v3 =	vperm.xlane v3, v0;
	_ =	sdelay $0x1  }
0x224: {  	v3 =	vadd.s32 v1, v3;
	_ =	sdelay $0x4  }
0x225: {  	[tilespmem:s25], [sflag:$0x1] =	stream.indirect_vreg.gather [hbm4b:s2+s3], $0x80, v3, vm1, $0xb8;
	[tilespmem:$0x1D000] =	vst v63  }
0x226: {  	_ = 	snop  }
0x227: {  	[tilespmem:s26], [sflag:$0x1] =	stream.indirect_vreg.gather [hbm4b:s5+s3], $0x80, v3, vm1, $0xb8;
	[tilespmem:$0x1D000] =	vst v63  }
0x228: {  	s1 =	simm.s32 $0x1C000  }
0x229: {  	[tilespmem:s1], [sflag:$0x1] =	stream.indirect_vreg.gather [hbm4b:s6+s3], $0x80, v3, vm1, $0xb8;
	[tilespmem:$0x1D000] =	vst v63  }
0x22a: {  	s11 =	simm.s32 $0x1C800;
	s21 =	rddreg [dreg:$0x8]  }
0x22b: {  	[tilespmem:s11], [sflag:$0x1] =	stream.indirect_vreg.gather [hbm4b:s7+s3], $0x80, v3, vm1, $0xb8;
	[tilespmem:$0x1D000] =	vst v63  }
0x22c: {  	s22 =	simm.s32 $0x1000  }
0x22d: {  	[hbm4b:s21+s3] =	stream.linear.scatter [tilespmem:s22], [sflag:$0x2], $0xE000, $0x38;
	[tilespmem:$0x1D000] =	vst v63  }
0x22e: {  	_ =	swait.ge [sflag:s9], $0xE000  }
0x22f: {  	[sflag:s9] =	ssyncset.done $0x0  }
0x230: {  	[sflag:s9] =	ssyncadd.s32 $0xFFFF2000  }
0x231: {  	_ =	swait.ge [sflag:s14], $0xC800  }
0x232: {  	[sflag:s14] =	ssyncset.done $0x0  }
0x233: {  	[sflag:s14] =	ssyncadd.s32 $0xFFFF3800  }
0x234: {  	v3 =	vld [tilespmem:$0x300];
	_ =	sdelay $0x4  }
0x235: {  	v16 =	vshll.u32 v3, $0x3  }
0x236: {  	v3 =	vand.u32 $0x7, v3;
	v4 =	vand.u32 $0xFFFFFFC0, v16  }
0x237: {  	v3 =	vor.u32 v3, v4  }
0x238: {  	v4 =	vperm.xlane v3, v0;
	_ =	sdelay $0x1  }
0x239: {  	v4 =	vadd.s32 v1, v4;
	_ =	sdelay $0x4  }
0x23a: {  	[tilespmem:s22], [sflag:$0x1] =	stream.indirect_vreg.gather [hbm4b:s2+s3], $0x80, v4, vm0, $0xb8;
	[tilespmem:$0x1D000] =	vst v63  }
0x23b: {  	s23 =	simm.s32 $0x1800;
	v3 =	vperm.xlane v3, v2  }
0x23c: {  	[tilespmem:s23], [sflag:$0x1] =	stream.indirect_vreg.gather [hbm4b:s5+s3], $0x80, v4, vm0, $0xb8;
	[tilespmem:$0x1D000] =	vst v63  }
0x23d: {  	s16 =	simm.s32 $0x2000;
	v3 =	vadd.s32 v1, v3  }
0x23e: {  	[tilespmem:s16], [sflag:$0x1] =	stream.indirect_vreg.gather [hbm4b:s6+s3], $0x80, v4, vm0, $0xb8;
	[tilespmem:$0x1D000] =	vst v63  }
0x23f: {  	s18 =	simm.s32 $0x2800  }
0x240: {  	[tilespmem:s18], [sflag:$0x1] =	stream.indirect_vreg.gather [hbm4b:s7+s3], $0x80, v4, vm0, $0xb8;
	[tilespmem:$0x1D000] =	vst v63  }
0x241: {  	s19 =	simm.s32 $0x3000  }
0x242: {  	[tilespmem:s19], [sflag:$0x1] =	stream.indirect_vreg.gather [hbm4b:s2+s3], $0x80, v3, vm0, $0xb8;
	[tilespmem:$0x1D000] =	vst v63  }
0x243: {  	s20 =	simm.s32 $0x3800  }
0x244: {  	[tilespmem:s20], [sflag:$0x1] =	stream.indirect_vreg.gather [hbm4b:s5+s3], $0x80, v3, vm0, $0xb8;
	[tilespmem:$0x1D000] =	vst v63  }
0x245: {  	s22 =	simm.s32 $0x4000  }
0x246: {  	[tilespmem:s22], [sflag:$0x1] =	stream.indirect_vreg.gather [hbm4b:s6+s3], $0x80, v3, vm0, $0xb8;
	[tilespmem:$0x1D000] =	vst v63  }
0x247: {  	s24 =	simm.s32 $0x4800  }
0x248: {  	[tilespmem:s24], [sflag:$0x1] =	stream.indirect_vreg.gather [hbm4b:s7+s3], $0x80, v3, vm0, $0xb8;
	[tilespmem:$0x1D000] =	vst v63  }
0x249: {  	v3 =	vld [tilespmem:$0x310];
	_ =	sdelay $0x4  }
0x24a: {  	v17 =	vshll.u32 v3, $0x3  }
0x24b: {  	v3 =	vand.u32 $0x7, v3;
	v4 =	vand.u32 $0xFFFFFFC0, v17  }
0x24c: {  	v3 =	vor.u32 v3, v4  }
0x24d: {  	v4 =	vperm.xlane v3, v0;
	_ =	sdelay $0x1  }
0x24e: {  	v4 =	vadd.s32 v1, v4;
	_ =	sdelay $0x3  }
0x24f: {  	s25 =	simm.s32 $0x5000  }
0x250: {  	[tilespmem:s25], [sflag:$0x1] =	stream.indirect_vreg.gather [hbm4b:s2+s3], $0x80, v4, vm0, $0xb8;
	[tilespmem:$0x1D000] =	vst v63  }
0x251: {  	s26 =	simm.s32 $0x5800;
	v3 =	vperm.xlane v3, v2  }
0x252: {  	[tilespmem:s26], [sflag:$0x1] =	stream.indirect_vreg.gather [hbm4b:s5+s3], $0x80, v4, vm0, $0xb8;
	[tilespmem:$0x1D000] =	vst v63  }
0x253: {  	s23 =	simm.s32 $0x6000;
	v3 =	vadd.s32 v1, v3  }
0x254: {  	[tilespmem:s23], [sflag:$0x1] =	stream.indirect_vreg.gather [hbm4b:s6+s3], $0x80, v4, vm0, $0xb8;
	[tilespmem:$0x1D000] =	vst v63  }
0x255: {  	s24 =	simm.s32 $0x6800  }
0x256: {  	[tilespmem:s24], [sflag:$0x1] =	stream.indirect_vreg.gather [hbm4b:s7+s3], $0x80, v4, vm0, $0xb8;
	[tilespmem:$0x1D000] =	vst v63  }
0x257: {  	s25 =	simm.s32 $0x7000  }
0x258: {  	[tilespmem:s25], [sflag:$0x1] =	stream.indirect_vreg.gather [hbm4b:s2+s3], $0x80, v3, vm0, $0xb8;
	[tilespmem:$0x1D000] =	vst v63  }
0x259: {  	s26 =	simm.s32 $0x7800  }
0x25a: {  	[tilespmem:s26], [sflag:$0x1] =	stream.indirect_vreg.gather [hbm4b:s5+s3], $0x80, v3, vm0, $0xb8;
	[tilespmem:$0x1D000] =	vst v63  }
0x25b: {  	s21 =	simm.s32 $0x8000  }
0x25c: {  	[tilespmem:s21], [sflag:$0x1] =	stream.indirect_vreg.gather [hbm4b:s6+s3], $0x80, v3, vm0, $0xb8;
	[tilespmem:$0x1D000] =	vst v63  }
0x25d: {  	s21 =	simm.s32 $0x8800  }
0x25e: {  	[tilespmem:s21], [sflag:$0x1] =	stream.indirect_vreg.gather [hbm4b:s7+s3], $0x80, v3, vm0, $0xb8;
	[tilespmem:$0x1D000] =	vst v63  }
0x25f: {  	v3 =	vld [tilespmem:$0x320];
	_ =	sdelay $0x4  }
0x260: {  	v18 =	vshll.u32 v3, $0x3  }
0x261: {  	v3 =	vand.u32 $0x7, v3;
	v4 =	vand.u32 $0xFFFFFFC0, v18  }
0x262: {  	v3 =	vor.u32 v3, v4  }
0x263: {  	v4 =	vperm.xlane v3, v0;
	_ =	sdelay $0x1  }
0x264: {  	v4 =	vadd.s32 v1, v4;
	_ =	sdelay $0x3  }
0x265: {  	s21 =	simm.s32 $0x9000  }
0x266: {  	[tilespmem:s21], [sflag:$0x1] =	stream.indirect_vreg.gather [hbm4b:s2+s3], $0x80, v4, vm0, $0xb8;
	[tilespmem:$0x1D000] =	vst v63  }
0x267: {  	v3 =	vperm.xlane v3, v2;
	s21 =	simm.s32 $0x9800  }
0x268: {  	[tilespmem:s21], [sflag:$0x1] =	stream.indirect_vreg.gather [hbm4b:s5+s3], $0x80, v4, vm0, $0xb8;
	[tilespmem:$0x1D000] =	vst v63  }
0x269: {  	v3 =	vadd.s32 v1, v3;
	s21 =	simm.s32 $0xA000  }
0x26a: {  	[tilespmem:s21], [sflag:$0x1] =	stream.indirect_vreg.gather [hbm4b:s6+s3], $0x80, v4, vm0, $0xb8;
	[tilespmem:$0x1D000] =	vst v63  }
0x26b: {  	s21 =	simm.s32 $0xA800  }
0x26c: {  	[tilespmem:s21], [sflag:$0x1] =	stream.indirect_vreg.gather [hbm4b:s7+s3], $0x80, v4, vm0, $0xb8;
	[tilespmem:$0x1D000] =	vst v63  }
0x26d: {  	s21 =	simm.s32 $0xB000  }
0x26e: {  	[tilespmem:s21], [sflag:$0x1] =	stream.indirect_vreg.gather [hbm4b:s2+s3], $0x80, v3, vm0, $0xb8;
	[tilespmem:$0x1D000] =	vst v63  }
0x26f: {  	s21 =	simm.s32 $0xB800  }
0x270: {  	[tilespmem:s21], [sflag:$0x1] =	stream.indirect_vreg.gather [hbm4b:s5+s3], $0x80, v3, vm0, $0xb8;
	[tilespmem:$0x1D000] =	vst v63  }
0x271: {  	s21 =	simm.s32 $0xC000  }
0x272: {  	[tilespmem:s21], [sflag:$0x1] =	stream.indirect_vreg.gather [hbm4b:s6+s3], $0x80, v3, vm0, $0xb8;
	[tilespmem:$0x1D000] =	vst v63  }
0x273: {  	_ = 	snop  }
0x274: {  	[tilespmem:s0], [sflag:$0x1] =	stream.indirect_vreg.gather [hbm4b:s7+s3], $0x80, v3, vm0, $0xb8;
	[tilespmem:$0x1D000] =	vst v63  }
0x275: {  	v3 =	vld.msk [tilespmem:$0x330], $0x3;
	_ =	sdelay $0x4  }
0x276: {  	v19 =	vshll.u32 v3, $0x3  }
0x277: {  	v3 =	vand.u32 $0x7, v3;
	v4 =	vand.u32 $0xFFFFFFC0, v19  }
0x278: {  	v3 =	vor.u32 v3, v4  }
0x279: {  	v3 =	vperm.xlane v3, v0;
	_ =	sdelay $0x1  }
0x27a: {  	v3 =	vadd.s32 v1, v3;
	_ =	sdelay $0x4  }
0x27b: {  	[tilespmem:s15], [sflag:$0x1] =	stream.indirect_vreg.gather [hbm4b:s2+s3], $0x80, v3, vm1, $0xb8;
	[tilespmem:$0x1D000] =	vst v63  }
0x27c: {  	_ = 	snop  }
0x27d: {  	[tilespmem:s17], [sflag:$0x1] =	stream.indirect_vreg.gather [hbm4b:s5+s3], $0x80, v3, vm1, $0xb8;
	[tilespmem:$0x1D000] =	vst v63  }
0x27e: {  	_ = 	snop  }
0x27f: {  	[tilespmem:s28], [sflag:$0x1] =	stream.indirect_vreg.gather [hbm4b:s6+s3], $0x80, v3, vm1, $0xb8;
	[tilespmem:$0x1D000] =	vst v63  }
0x280: {  	s0 =	simm.s32 $0xE800  }
0x281: {  	[tilespmem:s0], [sflag:$0x1] =	stream.indirect_vreg.gather [hbm4b:s7+s3], $0x80, v3, vm1, $0xb8;
	[tilespmem:$0x1D000] =	vst v63  }
0x282: {  	s17 =	rddreg [dreg:$0x9];
	s28 =	simm.s32 $0xF000  }
0x283: {  	[hbm4b:s17+s3] =	stream.linear.scatter [tilespmem:s28], [sflag:$0x2], $0xE000, $0x38;
	[tilespmem:$0x1D000] =	vst v63  }
0x284: {  	_ =	swait.ge [sflag:s9], $0xE000  }
0x285: {  	[sflag:s9] =	ssyncset.done $0x0  }
0x286: {  	[sflag:s9] =	ssyncadd.s32 $0xFFFF2000  }
0x287: {  	_ =	swait.ge [sflag:s14], $0xC800  }
0x288: {  	[sflag:s14] =	ssyncset.done $0x0  }
0x289: {  	[sflag:s14] =	ssyncadd.s32 $0xFFFF3800  }
0x28a: {  	v3 =	vld [tilespmem:$0x380];
	_ =	sdelay $0x4  }
0x28b: {  	v20 =	vshll.u32 v3, $0x3  }
0x28c: {  	v3 =	vand.u32 $0x7, v3;
	v4 =	vand.u32 $0xFFFFFFC0, v20  }
0x28d: {  	v3 =	vor.u32 v3, v4  }
0x28e: {  	v4 =	vperm.xlane v3, v0;
	_ =	sdelay $0x1  }
0x28f: {  	v4 =	vadd.s32 v1, v4;
	_ =	sdelay $0x4  }
0x290: {  	[tilespmem:s28], [sflag:$0x1] =	stream.indirect_vreg.gather [hbm4b:s2+s3], $0x80, v4, vm0, $0xb8;
	[tilespmem:$0x1D000] =	vst v63  }
0x291: {  	v3 =	vperm.xlane v3, v2  }
0x292: {  	[tilespmem:s29], [sflag:$0x1] =	stream.indirect_vreg.gather [hbm4b:s5+s3], $0x80, v4, vm0, $0xb8;
	[tilespmem:$0x1D000] =	vst v63  }
0x293: {  	s15 =	simm.s32 $0x10000;
	v3 =	vadd.s32 v1, v3  }
0x294: {  	[tilespmem:s15], [sflag:$0x1] =	stream.indirect_vreg.gather [hbm4b:s6+s3], $0x80, v4, vm0, $0xb8;
	[tilespmem:$0x1D000] =	vst v63  }
0x295: {  	s17 =	simm.s32 $0x10800  }
0x296: {  	[tilespmem:s17], [sflag:$0x1] =	stream.indirect_vreg.gather [hbm4b:s7+s3], $0x80, v4, vm0, $0xb8;
	[tilespmem:$0x1D000] =	vst v63  }
0x297: {  	s28 =	simm.s32 $0x11000  }
0x298: {  	[tilespmem:s28], [sflag:$0x1] =	stream.indirect_vreg.gather [hbm4b:s2+s3], $0x80, v3, vm0, $0xb8;
	[tilespmem:$0x1D000] =	vst v63  }
0x299: {  	s29 =	simm.s32 $0x11800  }
0x29a: {  	[tilespmem:s29], [sflag:$0x1] =	stream.indirect_vreg.gather [hbm4b:s5+s3], $0x80, v3, vm0, $0xb8;
	[tilespmem:$0x1D000] =	vst v63  }
0x29b: {  	s21 =	simm.s32 $0x12000  }
0x29c: {  	[tilespmem:s21], [sflag:$0x1] =	stream.indirect_vreg.gather [hbm4b:s6+s3], $0x80, v3, vm0, $0xb8;
	[tilespmem:$0x1D000] =	vst v63  }
0x29d: {  	_ = 	snop  }
0x29e: {  	[tilespmem:s4], [sflag:$0x1] =	stream.indirect_vreg.gather [hbm4b:s7+s3], $0x80, v3, vm0, $0xb8;
	[tilespmem:$0x1D000] =	vst v63  }
0x29f: {  	v3 =	vld [tilespmem:$0x390];
	_ =	sdelay $0x4  }
0x2a0: {  	v21 =	vshll.u32 v3, $0x3  }
0x2a1: {  	v3 =	vand.u32 $0x7, v3;
	v4 =	vand.u32 $0xFFFFFFC0, v21  }
0x2a2: {  	v3 =	vor.u32 v3, v4  }
0x2a3: {  	v4 =	vperm.xlane v3, v0;
	_ =	sdelay $0x1  }
0x2a4: {  	v4 =	vadd.s32 v1, v4;
	_ =	sdelay $0x4  }
0x2a5: {  	[tilespmem:s31], [sflag:$0x1] =	stream.indirect_vreg.gather [hbm4b:s2+s3], $0x80, v4, vm0, $0xb8;
	[tilespmem:$0x1D000] =	vst v63  }
0x2a6: {  	v3 =	vperm.xlane v3, v2  }
0x2a7: {  	[tilespmem:s30], [sflag:$0x1] =	stream.indirect_vreg.gather [hbm4b:s5+s3], $0x80, v4, vm0, $0xb8;
	[tilespmem:$0x1D000] =	vst v63  }
0x2a8: {  	s4 =	simm.s32 $0x14000;
	v3 =	vadd.s32 v1, v3  }
0x2a9: {  	[tilespmem:s4], [sflag:$0x1] =	stream.indirect_vreg.gather [hbm4b:s6+s3], $0x80, v4, vm0, $0xb8;
	[tilespmem:$0x1D000] =	vst v63  }
0x2aa: {  	s30 =	simm.s32 $0x14800  }
0x2ab: {  	[tilespmem:s30], [sflag:$0x1] =	stream.indirect_vreg.gather [hbm4b:s7+s3], $0x80, v4, vm0, $0xb8;
	[tilespmem:$0x1D000] =	vst v63  }
0x2ac: {  	s31 =	simm.s32 $0x15000  }
0x2ad: {  	[tilespmem:s31], [sflag:$0x1] =	stream.indirect_vreg.gather [hbm4b:s2+s3], $0x80, v3, vm0, $0xb8;
	[tilespmem:$0x1D000] =	vst v63  }
0x2ae: {  	s21 =	simm.s32 $0x15800  }
0x2af: {  	[tilespmem:s21], [sflag:$0x1] =	stream.indirect_vreg.gather [hbm4b:s5+s3], $0x80, v3, vm0, $0xb8;
	[tilespmem:$0x1D000] =	vst v63  }
0x2b0: {  	s21 =	simm.s32 $0x16000  }
0x2b1: {  	[tilespmem:s21], [sflag:$0x1] =	stream.indirect_vreg.gather [hbm4b:s6+s3], $0x80, v3, vm0, $0xb8;
	[tilespmem:$0x1D000] =	vst v63  }
0x2b2: {  	_ = 	snop  }
0x2b3: {  	[tilespmem:s8], [sflag:$0x1] =	stream.indirect_vreg.gather [hbm4b:s7+s3], $0x80, v3, vm0, $0xb8;
	[tilespmem:$0x1D000] =	vst v63  }
0x2b4: {  	v3 =	vld [tilespmem:$0x3A0];
	_ =	sdelay $0x4  }
0x2b5: {  	v22 =	vshll.u32 v3, $0x3  }
0x2b6: {  	v3 =	vand.u32 $0x7, v3;
	v4 =	vand.u32 $0xFFFFFFC0, v22  }
0x2b7: {  	v3 =	vor.u32 v3, v4  }
0x2b8: {  	v4 =	vperm.xlane v3, v0;
	_ =	sdelay $0x1  }
0x2b9: {  	v4 =	vadd.s32 v1, v4;
	_ =	sdelay $0x4  }
0x2ba: {  	[tilespmem:s12], [sflag:$0x1] =	stream.indirect_vreg.gather [hbm4b:s2+s3], $0x80, v4, vm0, $0xb8;
	[tilespmem:$0x1D000] =	vst v63  }
0x2bb: {  	v3 =	vperm.xlane v3, v2  }
0x2bc: {  	[tilespmem:s13], [sflag:$0x1] =	stream.indirect_vreg.gather [hbm4b:s5+s3], $0x80, v4, vm0, $0xb8;
	[tilespmem:$0x1D000] =	vst v63  }
0x2bd: {  	s8 =	simm.s32 $0x18000;
	v3 =	vadd.s32 v1, v3  }
0x2be: {  	[tilespmem:s8], [sflag:$0x1] =	stream.indirect_vreg.gather [hbm4b:s6+s3], $0x80, v4, vm0, $0xb8;
	[tilespmem:$0x1D000] =	vst v63  }
0x2bf: {  	s12 =	simm.s32 $0x18800  }
0x2c0: {  	[tilespmem:s12], [sflag:$0x1] =	stream.indirect_vreg.gather [hbm4b:s7+s3], $0x80, v4, vm0, $0xb8;
	[tilespmem:$0x1D000] =	vst v63  }
0x2c1: {  	s13 =	simm.s32 $0x19000  }
0x2c2: {  	[tilespmem:s13], [sflag:$0x1] =	stream.indirect_vreg.gather [hbm4b:s2+s3], $0x80, v3, vm0, $0xb8;
	[tilespmem:$0x1D000] =	vst v63  }
0x2c3: {  	s21 =	simm.s32 $0x19800  }
0x2c4: {  	[tilespmem:s21], [sflag:$0x1] =	stream.indirect_vreg.gather [hbm4b:s5+s3], $0x80, v3, vm0, $0xb8;
	[tilespmem:$0x1D000] =	vst v63  }
0x2c5: {  	s21 =	simm.s32 $0x1A000  }
0x2c6: {  	[tilespmem:s21], [sflag:$0x1] =	stream.indirect_vreg.gather [hbm4b:s6+s3], $0x80, v3, vm0, $0xb8;
	[tilespmem:$0x1D000] =	vst v63  }
0x2c7: {  	_ = 	snop  }
0x2c8: {  	[tilespmem:s10], [sflag:$0x1] =	stream.indirect_vreg.gather [hbm4b:s7+s3], $0x80, v3, vm0, $0xb8;
	[tilespmem:$0x1D000] =	vst v63  }
0x2c9: {  	v3 =	vld.msk [tilespmem:$0x3B0], $0x3;
	_ =	sdelay $0x4  }
0x2ca: {  	v23 =	vshll.u32 v3, $0x3  }
0x2cb: {  	v3 =	vand.u32 $0x7, v3;
	v4 =	vand.u32 $0xFFFFFFC0, v23  }
0x2cc: {  	v3 =	vor.u32 v3, v4  }
0x2cd: {  	v3 =	vperm.xlane v3, v0;
	_ =	sdelay $0x1  }
0x2ce: {  	v3 =	vadd.s32 v1, v3;
	_ =	sdelay $0x3  }
0x2cf: {  	s10 =	simm.s32 $0x1B000  }
0x2d0: {  	[tilespmem:s10], [sflag:$0x1] =	stream.indirect_vreg.gather [hbm4b:s2+s3], $0x80, v3, vm1, $0xb8;
	[tilespmem:$0x1D000] =	vst v63  }
0x2d1: {  	s21 =	simm.s32 $0x1B800  }
0x2d2: {  	[tilespmem:s21], [sflag:$0x1] =	stream.indirect_vreg.gather [hbm4b:s5+s3], $0x80, v3, vm1, $0xb8;
	[tilespmem:$0x1D000] =	vst v63  }
0x2d3: {  	_ = 	snop  }
0x2d4: {  	[tilespmem:s1], [sflag:$0x1] =	stream.indirect_vreg.gather [hbm4b:s6+s3], $0x80, v3, vm1, $0xb8;
	[tilespmem:$0x1D000] =	vst v63  }
0x2d5: {  	_ = 	snop  }
0x2d6: {  	[tilespmem:s11], [sflag:$0x1] =	stream.indirect_vreg.gather [hbm4b:s7+s3], $0x80, v3, vm1, $0xb8;
	[tilespmem:$0x1D000] =	vst v63  }
0x2d7: {  	s1 =	rddreg [dreg:$0xa];
	s11 =	simm.s32 $0x1000  }
0x2d8: {  	[hbm4b:s1+s3] =	stream.linear.scatter [tilespmem:s11], [sflag:$0x2], $0xE000, $0x38;
	[tilespmem:$0x1D000] =	vst v63  }
0x2d9: {  	_ =	swait.ge [sflag:s9], $0xE000  }
0x2da: {  	[sflag:s9] =	ssyncset.done $0x0  }
0x2db: {  	[sflag:s9] =	ssyncadd.s32 $0xFFFF2000  }
0x2dc: {  	_ =	swait.ge [sflag:s14], $0xC800  }
0x2dd: {  	[sflag:s14] =	ssyncset.done $0x0  }
0x2de: {  	[sflag:s14] =	ssyncadd.s32 $0xFFFF3800  }
0x2df: {  	v3 =	vld [tilespmem:$0x400];
	_ =	sdelay $0x4  }
0x2e0: {  	v24 =	vshll.u32 v3, $0x3  }
0x2e1: {  	v3 =	vand.u32 $0x7, v3;
	v4 =	vand.u32 $0xFFFFFFC0, v24  }
0x2e2: {  	v3 =	vor.u32 v3, v4  }
0x2e3: {  	v4 =	vperm.xlane v3, v0;
	_ =	sdelay $0x1  }
0x2e4: {  	v4 =	vadd.s32 v1, v4;
	_ =	sdelay $0x4  }
0x2e5: {  	[tilespmem:s11], [sflag:$0x1] =	stream.indirect_vreg.gather [hbm4b:s2+s3], $0x80, v4, vm0, $0xb8;
	[tilespmem:$0x1D000] =	vst v63  }
0x2e6: {  	v3 =	vperm.xlane v3, v2;
	s11 =	simm.s32 $0x1800  }
0x2e7: {  	[tilespmem:s11], [sflag:$0x1] =	stream.indirect_vreg.gather [hbm4b:s5+s3], $0x80, v4, vm0, $0xb8;
	[tilespmem:$0x1D000] =	vst v63  }
0x2e8: {  	v3 =	vadd.s32 v1, v3  }
0x2e9: {  	[tilespmem:s16], [sflag:$0x1] =	stream.indirect_vreg.gather [hbm4b:s6+s3], $0x80, v4, vm0, $0xb8;
	[tilespmem:$0x1D000] =	vst v63  }
0x2ea: {  	_ = 	snop  }
0x2eb: {  	[tilespmem:s18], [sflag:$0x1] =	stream.indirect_vreg.gather [hbm4b:s7+s3], $0x80, v4, vm0, $0xb8;
	[tilespmem:$0x1D000] =	vst v63  }
0x2ec: {  	_ = 	snop  }
0x2ed: {  	[tilespmem:s19], [sflag:$0x1] =	stream.indirect_vreg.gather [hbm4b:s2+s3], $0x80, v3, vm0, $0xb8;
	[tilespmem:$0x1D000] =	vst v63  }
0x2ee: {  	_ = 	snop  }
0x2ef: {  	[tilespmem:s20], [sflag:$0x1] =	stream.indirect_vreg.gather [hbm4b:s5+s3], $0x80, v3, vm0, $0xb8;
	[tilespmem:$0x1D000] =	vst v63  }
0x2f0: {  	_ = 	snop  }
0x2f1: {  	[tilespmem:s22], [sflag:$0x1] =	stream.indirect_vreg.gather [hbm4b:s6+s3], $0x80, v3, vm0, $0xb8;
	[tilespmem:$0x1D000] =	vst v63  }
0x2f2: {  	s19 =	simm.s32 $0x4800  }
0x2f3: {  	[tilespmem:s19], [sflag:$0x1] =	stream.indirect_vreg.gather [hbm4b:s7+s3], $0x80, v3, vm0, $0xb8;
	[tilespmem:$0x1D000] =	vst v63  }
0x2f4: {  	v3 =	vld [tilespmem:$0x410];
	_ =	sdelay $0x4  }
0x2f5: {  	v25 =	vshll.u32 v3, $0x3  }
0x2f6: {  	v3 =	vand.u32 $0x7, v3;
	v4 =	vand.u32 $0xFFFFFFC0, v25  }
0x2f7: {  	v3 =	vor.u32 v3, v4  }
0x2f8: {  	v4 =	vperm.xlane v3, v0;
	_ =	sdelay $0x1  }
0x2f9: {  	v4 =	vadd.s32 v1, v4;
	_ =	sdelay $0x3  }
0x2fa: {  	s20 =	simm.s32 $0x5000  }
0x2fb: {  	[tilespmem:s20], [sflag:$0x1] =	stream.indirect_vreg.gather [hbm4b:s2+s3], $0x80, v4, vm0, $0xb8;
	[tilespmem:$0x1D000] =	vst v63  }
0x2fc: {  	s21 =	simm.s32 $0x5800;
	v3 =	vperm.xlane v3, v2  }
0x2fd: {  	[tilespmem:s21], [sflag:$0x1] =	stream.indirect_vreg.gather [hbm4b:s5+s3], $0x80, v4, vm0, $0xb8;
	[tilespmem:$0x1D000] =	vst v63  }
0x2fe: {  	v3 =	vadd.s32 v1, v3  }
0x2ff: {  	[tilespmem:s23], [sflag:$0x1] =	stream.indirect_vreg.gather [hbm4b:s6+s3], $0x80, v4, vm0, $0xb8;
	[tilespmem:$0x1D000] =	vst v63  }
0x300: {  	_ = 	snop  }
0x301: {  	[tilespmem:s24], [sflag:$0x1] =	stream.indirect_vreg.gather [hbm4b:s7+s3], $0x80, v4, vm0, $0xb8;
	[tilespmem:$0x1D000] =	vst v63  }
0x302: {  	_ = 	snop  }
0x303: {  	[tilespmem:s25], [sflag:$0x1] =	stream.indirect_vreg.gather [hbm4b:s2+s3], $0x80, v3, vm0, $0xb8;
	[tilespmem:$0x1D000] =	vst v63  }
0x304: {  	_ = 	snop  }
0x305: {  	[tilespmem:s26], [sflag:$0x1] =	stream.indirect_vreg.gather [hbm4b:s5+s3], $0x80, v3, vm0, $0xb8;
	[tilespmem:$0x1D000] =	vst v63  }
0x306: {  	s22 =	simm.s32 $0x8000  }
0x307: {  	[tilespmem:s22], [sflag:$0x1] =	stream.indirect_vreg.gather [hbm4b:s6+s3], $0x80, v3, vm0, $0xb8;
	[tilespmem:$0x1D000] =	vst v63  }
0x308: {  	s23 =	simm.s32 $0x8800  }
0x309: {  	[tilespmem:s23], [sflag:$0x1] =	stream.indirect_vreg.gather [hbm4b:s7+s3], $0x80, v3, vm0, $0xb8;
	[tilespmem:$0x1D000] =	vst v63  }
0x30a: {  	v3 =	vld [tilespmem:$0x420];
	_ =	sdelay $0x4  }
0x30b: {  	v26 =	vshll.u32 v3, $0x3  }
0x30c: {  	v3 =	vand.u32 $0x7, v3;
	v4 =	vand.u32 $0xFFFFFFC0, v26  }
0x30d: {  	v3 =	vor.u32 v3, v4  }
0x30e: {  	v4 =	vperm.xlane v3, v0;
	_ =	sdelay $0x1  }
0x30f: {  	v4 =	vadd.s32 v1, v4;
	_ =	sdelay $0x3  }
0x310: {  	s24 =	simm.s32 $0x9000  }
0x311: {  	[tilespmem:s24], [sflag:$0x1] =	stream.indirect_vreg.gather [hbm4b:s2+s3], $0x80, v4, vm0, $0xb8;
	[tilespmem:$0x1D000] =	vst v63  }
0x312: {  	s25 =	simm.s32 $0x9800;
	v3 =	vperm.xlane v3, v2  }
0x313: {  	[tilespmem:s25], [sflag:$0x1] =	stream.indirect_vreg.gather [hbm4b:s5+s3], $0x80, v4, vm0, $0xb8;
	[tilespmem:$0x1D000] =	vst v63  }
0x314: {  	s26 =	simm.s32 $0xA000;
	v3 =	vadd.s32 v1, v3  }
0x315: {  	[tilespmem:s26], [sflag:$0x1] =	stream.indirect_vreg.gather [hbm4b:s6+s3], $0x80, v4, vm0, $0xb8;
	[tilespmem:$0x1D000] =	vst v63  }
0x316: {  	s11 =	simm.s32 $0xA800  }
0x317: {  	[tilespmem:s11], [sflag:$0x1] =	stream.indirect_vreg.gather [hbm4b:s7+s3], $0x80, v4, vm0, $0xb8;
	[tilespmem:$0x1D000] =	vst v63  }
0x318: {  	s16 =	simm.s32 $0xB000  }
0x319: {  	[tilespmem:s16], [sflag:$0x1] =	stream.indirect_vreg.gather [hbm4b:s2+s3], $0x80, v3, vm0, $0xb8;
	[tilespmem:$0x1D000] =	vst v63  }
0x31a: {  	s18 =	simm.s32 $0xB800  }
0x31b: {  	[tilespmem:s18], [sflag:$0x1] =	stream.indirect_vreg.gather [hbm4b:s5+s3], $0x80, v3, vm0, $0xb8;
	[tilespmem:$0x1D000] =	vst v63  }
0x31c: {  	s19 =	simm.s32 $0xC000  }
0x31d: {  	[tilespmem:s19], [sflag:$0x1] =	stream.indirect_vreg.gather [hbm4b:s6+s3], $0x80, v3, vm0, $0xb8;
	[tilespmem:$0x1D000] =	vst v63  }
0x31e: {  	s20 =	simm.s32 $0xC800  }
0x31f: {  	[tilespmem:s20], [sflag:$0x1] =	stream.indirect_vreg.gather [hbm4b:s7+s3], $0x80, v3, vm0, $0xb8;
	[tilespmem:$0x1D000] =	vst v63  }
0x320: {  	v3 =	vld.msk [tilespmem:$0x430], $0x3;
	_ =	sdelay $0x4  }
0x321: {  	v27 =	vshll.u32 v3, $0x3  }
0x322: {  	v3 =	vand.u32 $0x7, v3;
	v4 =	vand.u32 $0xFFFFFFC0, v27  }
0x323: {  	v3 =	vor.u32 v3, v4  }
0x324: {  	v3 =	vperm.xlane v3, v0;
	_ =	sdelay $0x1  }
0x325: {  	v3 =	vadd.s32 v1, v3;
	_ =	sdelay $0x3  }
0x326: {  	s1 =	simm.s32 $0xD000  }
0x327: {  	[tilespmem:s1], [sflag:$0x1] =	stream.indirect_vreg.gather [hbm4b:s2+s3], $0x80, v3, vm1, $0xb8;
	[tilespmem:$0x1D000] =	vst v63  }
0x328: {  	s21 =	simm.s32 $0xD800  }
0x329: {  	[tilespmem:s21], [sflag:$0x1] =	stream.indirect_vreg.gather [hbm4b:s5+s3], $0x80, v3, vm1, $0xb8;
	[tilespmem:$0x1D000] =	vst v63  }
0x32a: {  	s22 =	simm.s32 $0xE000  }
0x32b: {  	[tilespmem:s22], [sflag:$0x1] =	stream.indirect_vreg.gather [hbm4b:s6+s3], $0x80, v3, vm1, $0xb8;
	[tilespmem:$0x1D000] =	vst v63  }
0x32c: {  	_ = 	snop  }
0x32d: {  	[tilespmem:s0], [sflag:$0x1] =	stream.indirect_vreg.gather [hbm4b:s7+s3], $0x80, v3, vm1, $0xb8;
	[tilespmem:$0x1D000] =	vst v63  }
0x32e: {  	s23 =	rddreg [dreg:$0xb];
	s24 =	simm.s32 $0xF000  }
0x32f: {  	[hbm4b:s23+s3] =	stream.linear.scatter [tilespmem:s24], [sflag:$0x2], $0xE000, $0x38;
	[tilespmem:$0x1D000] =	vst v63  }
0x330: {  	_ =	swait.ge [sflag:s9], $0xE000  }
0x331: {  	[sflag:s9] =	ssyncset.done $0x0  }
0x332: {  	[sflag:s9] =	ssyncadd.s32 $0xFFFF2000  }
0x333: {  	_ =	swait.ge [sflag:s14], $0xC800  }
0x334: {  	[sflag:s14] =	ssyncset.done $0x0  }
0x335: {  	[sflag:s14] =	ssyncadd.s32 $0xFFFF3800  }
0x336: {  	v3 =	vld [tilespmem:$0x480];
	_ =	sdelay $0x4  }
0x337: {  	v28 =	vshll.u32 v3, $0x3  }
0x338: {  	v3 =	vand.u32 $0x7, v3;
	v4 =	vand.u32 $0xFFFFFFC0, v28  }
0x339: {  	v3 =	vor.u32 v3, v4  }
0x33a: {  	v4 =	vperm.xlane v3, v0;
	_ =	sdelay $0x1  }
0x33b: {  	v4 =	vadd.s32 v1, v4;
	_ =	sdelay $0x4  }
0x33c: {  	[tilespmem:s24], [sflag:$0x1] =	stream.indirect_vreg.gather [hbm4b:s2+s3], $0x80, v4, vm0, $0xb8;
	[tilespmem:$0x1D000] =	vst v63  }
0x33d: {  	s11 =	simm.s32 $0xF800;
	v3 =	vperm.xlane v3, v2  }
0x33e: {  	[tilespmem:s11], [sflag:$0x1] =	stream.indirect_vreg.gather [hbm4b:s5+s3], $0x80, v4, vm0, $0xb8;
	[tilespmem:$0x1D000] =	vst v63  }
0x33f: {  	v3 =	vadd.s32 v1, v3  }
0x340: {  	[tilespmem:s15], [sflag:$0x1] =	stream.indirect_vreg.gather [hbm4b:s6+s3], $0x80, v4, vm0, $0xb8;
	[tilespmem:$0x1D000] =	vst v63  }
0x341: {  	_ = 	snop  }
0x342: {  	[tilespmem:s17], [sflag:$0x1] =	stream.indirect_vreg.gather [hbm4b:s7+s3], $0x80, v4, vm0, $0xb8;
	[tilespmem:$0x1D000] =	vst v63  }
0x343: {  	_ = 	snop  }
0x344: {  	[tilespmem:s28], [sflag:$0x1] =	stream.indirect_vreg.gather [hbm4b:s2+s3], $0x80, v3, vm0, $0xb8;
	[tilespmem:$0x1D000] =	vst v63  }
0x345: {  	_ = 	snop  }
0x346: {  	[tilespmem:s29], [sflag:$0x1] =	stream.indirect_vreg.gather [hbm4b:s5+s3], $0x80, v3, vm0, $0xb8;
	[tilespmem:$0x1D000] =	vst v63  }
0x347: {  	s25 =	simm.s32 $0x12000  }
0x348: {  	[tilespmem:s25], [sflag:$0x1] =	stream.indirect_vreg.gather [hbm4b:s6+s3], $0x80, v3, vm0, $0xb8;
	[tilespmem:$0x1D000] =	vst v63  }
0x349: {  	s0 =	simm.s32 $0x12800  }
0x34a: {  	[tilespmem:s0], [sflag:$0x1] =	stream.indirect_vreg.gather [hbm4b:s7+s3], $0x80, v3, vm0, $0xb8;
	[tilespmem:$0x1D000] =	vst v63  }
0x34b: {  	v3 =	vld [tilespmem:$0x490];
	_ =	sdelay $0x4  }
0x34c: {  	v29 =	vshll.u32 v3, $0x3  }
0x34d: {  	v3 =	vand.u32 $0x7, v3;
	v4 =	vand.u32 $0xFFFFFFC0, v29  }
0x34e: {  	v3 =	vor.u32 v3, v4  }
0x34f: {  	v4 =	vperm.xlane v3, v0;
	_ =	sdelay $0x1  }
0x350: {  	v4 =	vadd.s32 v1, v4;
	_ =	sdelay $0x3  }
0x351: {  	s17 =	simm.s32 $0x13000  }
0x352: {  	[tilespmem:s17], [sflag:$0x1] =	stream.indirect_vreg.gather [hbm4b:s2+s3], $0x80, v4, vm0, $0xb8;
	[tilespmem:$0x1D000] =	vst v63  }
0x353: {  	s18 =	simm.s32 $0x13800;
	v3 =	vperm.xlane v3, v2  }
0x354: {  	[tilespmem:s18], [sflag:$0x1] =	stream.indirect_vreg.gather [hbm4b:s5+s3], $0x80, v4, vm0, $0xb8;
	[tilespmem:$0x1D000] =	vst v63  }
0x355: {  	v3 =	vadd.s32 v1, v3  }
0x356: {  	[tilespmem:s4], [sflag:$0x1] =	stream.indirect_vreg.gather [hbm4b:s6+s3], $0x80, v4, vm0, $0xb8;
	[tilespmem:$0x1D000] =	vst v63  }
0x357: {  	_ = 	snop  }
0x358: {  	[tilespmem:s30], [sflag:$0x1] =	stream.indirect_vreg.gather [hbm4b:s7+s3], $0x80, v4, vm0, $0xb8;
	[tilespmem:$0x1D000] =	vst v63  }
0x359: {  	_ = 	snop  }
0x35a: {  	[tilespmem:s31], [sflag:$0x1] =	stream.indirect_vreg.gather [hbm4b:s2+s3], $0x80, v3, vm0, $0xb8;
	[tilespmem:$0x1D000] =	vst v63  }
0x35b: {  	s26 =	simm.s32 $0x15800  }
0x35c: {  	[tilespmem:s26], [sflag:$0x1] =	stream.indirect_vreg.gather [hbm4b:s5+s3], $0x80, v3, vm0, $0xb8;
	[tilespmem:$0x1D000] =	vst v63  }
0x35d: {  	s28 =	simm.s32 $0x16000  }
0x35e: {  	[tilespmem:s28], [sflag:$0x1] =	stream.indirect_vreg.gather [hbm4b:s6+s3], $0x80, v3, vm0, $0xb8;
	[tilespmem:$0x1D000] =	vst v63  }
0x35f: {  	s4 =	simm.s32 $0x16800  }
0x360: {  	[tilespmem:s4], [sflag:$0x1] =	stream.indirect_vreg.gather [hbm4b:s7+s3], $0x80, v3, vm0, $0xb8;
	[tilespmem:$0x1D000] =	vst v63  }
0x361: {  	v3 =	vld [tilespmem:$0x4A0];
	_ =	sdelay $0x4  }
0x362: {  	v30 =	vshll.u32 v3, $0x3  }
0x363: {  	v3 =	vand.u32 $0x7, v3;
	v4 =	vand.u32 $0xFFFFFFC0, v30  }
0x364: {  	v3 =	vor.u32 v3, v4  }
0x365: {  	v4 =	vperm.xlane v3, v0;
	_ =	sdelay $0x1  }
0x366: {  	v4 =	vadd.s32 v1, v4;
	_ =	sdelay $0x3  }
0x367: {  	s23 =	simm.s32 $0x17000  }
0x368: {  	[tilespmem:s23], [sflag:$0x1] =	stream.indirect_vreg.gather [hbm4b:s2+s3], $0x80, v4, vm0, $0xb8;
	[tilespmem:$0x1D000] =	vst v63  }
0x369: {  	s24 =	simm.s32 $0x17800;
	v3 =	vperm.xlane v3, v2  }
0x36a: {  	[tilespmem:s24], [sflag:$0x1] =	stream.indirect_vreg.gather [hbm4b:s5+s3], $0x80, v4, vm0, $0xb8;
	[tilespmem:$0x1D000] =	vst v63  }
0x36b: {  	v3 =	vadd.s32 v1, v3  }
0x36c: {  	[tilespmem:s8], [sflag:$0x1] =	stream.indirect_vreg.gather [hbm4b:s6+s3], $0x80, v4, vm0, $0xb8;
	[tilespmem:$0x1D000] =	vst v63  }
0x36d: {  	_ = 	snop  }
0x36e: {  	[tilespmem:s12], [sflag:$0x1] =	stream.indirect_vreg.gather [hbm4b:s7+s3], $0x80, v4, vm0, $0xb8;
	[tilespmem:$0x1D000] =	vst v63  }
0x36f: {  	_ = 	snop  }
0x370: {  	[tilespmem:s13], [sflag:$0x1] =	stream.indirect_vreg.gather [hbm4b:s2+s3], $0x80, v3, vm0, $0xb8;
	[tilespmem:$0x1D000] =	vst v63  }
0x371: {  	s29 =	simm.s32 $0x19800  }
0x372: {  	[tilespmem:s29], [sflag:$0x1] =	stream.indirect_vreg.gather [hbm4b:s5+s3], $0x80, v3, vm0, $0xb8;
	[tilespmem:$0x1D000] =	vst v63  }
0x373: {  	s30 =	simm.s32 $0x1A000  }
0x374: {  	[tilespmem:s30], [sflag:$0x1] =	stream.indirect_vreg.gather [hbm4b:s6+s3], $0x80, v3, vm0, $0xb8;
	[tilespmem:$0x1D000] =	vst v63  }
0x375: {  	s25 =	simm.s32 $0x1A800  }
0x376: {  	[tilespmem:s25], [sflag:$0x1] =	stream.indirect_vreg.gather [hbm4b:s7+s3], $0x80, v3, vm0, $0xb8;
	[tilespmem:$0x1D000] =	vst v63  }
0x377: {  	v3 =	vld.msk [tilespmem:$0x4B0], $0x3;
	_ =	sdelay $0x4  }
0x378: {  	v31 =	vshll.u32 v3, $0x3  }
0x379: {  	v3 =	vand.u32 $0x7, v3;
	v4 =	vand.u32 $0xFFFFFFC0, v31  }
0x37a: {  	v3 =	vor.u32 v3, v4  }
0x37b: {  	v3 =	vperm.xlane v3, v0;
	_ =	sdelay $0x1  }
0x37c: {  	v3 =	vadd.s32 v1, v3;
	_ =	sdelay $0x4  }
0x37d: {  	[tilespmem:s10], [sflag:$0x1] =	stream.indirect_vreg.gather [hbm4b:s2+s3], $0x80, v3, vm1, $0xb8;
	[tilespmem:$0x1D000] =	vst v63  }
0x37e: {  	s31 =	simm.s32 $0x1B800  }
0x37f: {  	[tilespmem:s31], [sflag:$0x1] =	stream.indirect_vreg.gather [hbm4b:s5+s3], $0x80, v3, vm1, $0xb8;
	[tilespmem:$0x1D000] =	vst v63  }
0x380: {  	s16 =	simm.s32 $0x1C000  }
0x381: {  	[tilespmem:s16], [sflag:$0x1] =	stream.indirect_vreg.gather [hbm4b:s6+s3], $0x80, v3, vm1, $0xb8;
	[tilespmem:$0x1D000] =	vst v63  }
0x382: {  	s15 =	simm.s32 $0x1C800  }
0x383: {  	[tilespmem:s15], [sflag:$0x1] =	stream.indirect_vreg.gather [hbm4b:s7+s3], $0x80, v3, vm1, $0xb8;
	[tilespmem:$0x1D000] =	vst v63  }
0x384: {  	s8 =	rddreg [dreg:$0xc];
	s10 =	simm.s32 $0x1000  }
0x385: {  	[hbm4b:s8+s3] =	stream.linear.scatter [tilespmem:s10], [sflag:$0x2], $0xE000, $0x38;
	[tilespmem:$0x1D000] =	vst v63  }
0x386: {  	_ =	swait.ge [sflag:s9], $0xE000  }
0x387: {  	[sflag:s9] =	ssyncset.done $0x0  }
0x388: {  	[sflag:s9] =	ssyncadd.s32 $0xFFFF2000  }
0x389: {  	_ =	swait.ge [sflag:s14], $0xC800  }
0x38a: {  	[sflag:s14] =	ssyncset.done $0x0  }
0x38b: {  	[sflag:s14] =	ssyncadd.s32 $0xFFFF3800  }
0x38c: {  	v3 =	vld [tilespmem:$0x500];
	_ =	sdelay $0x4  }
0x38d: {  	v32 =	vshll.u32 v3, $0x3  }
0x38e: {  	v3 =	vand.u32 $0x7, v3;
	v4 =	vand.u32 $0xFFFFFFC0, v32  }
0x38f: {  	v3 =	vor.u32 v3, v4  }
0x390: {  	v4 =	vperm.xlane v3, v0;
	_ =	sdelay $0x1  }
0x391: {  	v4 =	vadd.s32 v1, v4;
	_ =	sdelay $0x4  }
0x392: {  	[tilespmem:s10], [sflag:$0x1] =	stream.indirect_vreg.gather [hbm4b:s2+s3], $0x80, v4, vm0, $0xb8;
	[tilespmem:$0x1D000] =	vst v63  }
0x393: {  	s12 =	simm.s32 $0x1800;
	v3 =	vperm.xlane v3, v2  }
0x394: {  	[tilespmem:s12], [sflag:$0x1] =	stream.indirect_vreg.gather [hbm4b:s5+s3], $0x80, v4, vm0, $0xb8;
	[tilespmem:$0x1D000] =	vst v63  }
0x395: {  	s19 =	simm.s32 $0x2000;
	v3 =	vadd.s32 v1, v3  }
0x396: {  	[tilespmem:s19], [sflag:$0x1] =	stream.indirect_vreg.gather [hbm4b:s6+s3], $0x80, v4, vm0, $0xb8;
	[tilespmem:$0x1D000] =	vst v63  }
0x397: {  	s20 =	simm.s32 $0x2800  }
0x398: {  	[tilespmem:s20], [sflag:$0x1] =	stream.indirect_vreg.gather [hbm4b:s7+s3], $0x80, v4, vm0, $0xb8;
	[tilespmem:$0x1D000] =	vst v63  }
0x399: {  	s22 =	simm.s32 $0x3000  }
0x39a: {  	[tilespmem:s22], [sflag:$0x1] =	stream.indirect_vreg.gather [hbm4b:s2+s3], $0x80, v3, vm0, $0xb8;
	[tilespmem:$0x1D000] =	vst v63  }
0x39b: {  	s26 =	simm.s32 $0x3800  }
0x39c: {  	[tilespmem:s26], [sflag:$0x1] =	stream.indirect_vreg.gather [hbm4b:s5+s3], $0x80, v3, vm0, $0xb8;
	[tilespmem:$0x1D000] =	vst v63  }
0x39d: {  	s13 =	simm.s32 $0x4000  }
0x39e: {  	[tilespmem:s13], [sflag:$0x1] =	stream.indirect_vreg.gather [hbm4b:s6+s3], $0x80, v3, vm0, $0xb8;
	[tilespmem:$0x1D000] =	vst v63  }
0x39f: {  	s21 =	simm.s32 $0x4800  }
0x3a0: {  	[tilespmem:s21], [sflag:$0x1] =	stream.indirect_vreg.gather [hbm4b:s7+s3], $0x80, v3, vm0, $0xb8;
	[tilespmem:$0x1D000] =	vst v63  }
0x3a1: {  	v3 =	vld [tilespmem:$0x510];
	_ =	sdelay $0x4  }
0x3a2: {  	v33 =	vshll.u32 v3, $0x3  }
0x3a3: {  	v3 =	vand.u32 $0x7, v3;
	v4 =	vand.u32 $0xFFFFFFC0, v33  }
0x3a4: {  	v3 =	vor.u32 v3, v4  }
0x3a5: {  	v4 =	vperm.xlane v3, v0;
	_ =	sdelay $0x1  }
0x3a6: {  	v4 =	vadd.s32 v1, v4;
	_ =	sdelay $0x3  }
0x3a7: {  	s10 =	simm.s32 $0x5000  }
0x3a8: {  	[tilespmem:s10], [sflag:$0x1] =	stream.indirect_vreg.gather [hbm4b:s2+s3], $0x80, v4, vm0, $0xb8;
	[tilespmem:$0x1D000] =	vst v63  }
0x3a9: {  	s12 =	simm.s32 $0x5800;
	v3 =	vperm.xlane v3, v2  }
0x3aa: {  	[tilespmem:s12], [sflag:$0x1] =	stream.indirect_vreg.gather [hbm4b:s5+s3], $0x80, v4, vm0, $0xb8;
	[tilespmem:$0x1D000] =	vst v63  }
0x3ab: {  	s28 =	simm.s32 $0x6000;
	v3 =	vadd.s32 v1, v3  }
0x3ac: {  	[tilespmem:s28], [sflag:$0x1] =	stream.indirect_vreg.gather [hbm4b:s6+s3], $0x80, v4, vm0, $0xb8;
	[tilespmem:$0x1D000] =	vst v63  }
0x3ad: {  	s29 =	simm.s32 $0x6800  }
0x3ae: {  	[tilespmem:s29], [sflag:$0x1] =	stream.indirect_vreg.gather [hbm4b:s7+s3], $0x80, v4, vm0, $0xb8;
	[tilespmem:$0x1D000] =	vst v63  }
0x3af: {  	s30 =	simm.s32 $0x7000  }
0x3b0: {  	[tilespmem:s30], [sflag:$0x1] =	stream.indirect_vreg.gather [hbm4b:s2+s3], $0x80, v3, vm0, $0xb8;
	[tilespmem:$0x1D000] =	vst v63  }
0x3b1: {  	s31 =	simm.s32 $0x7800  }
0x3b2: {  	[tilespmem:s31], [sflag:$0x1] =	stream.indirect_vreg.gather [hbm4b:s5+s3], $0x80, v3, vm0, $0xb8;
	[tilespmem:$0x1D000] =	vst v63  }
0x3b3: {  	s13 =	simm.s32 $0x8000  }
0x3b4: {  	[tilespmem:s13], [sflag:$0x1] =	stream.indirect_vreg.gather [hbm4b:s6+s3], $0x80, v3, vm0, $0xb8;
	[tilespmem:$0x1D000] =	vst v63  }
0x3b5: {  	s21 =	simm.s32 $0x8800  }
0x3b6: {  	[tilespmem:s21], [sflag:$0x1] =	stream.indirect_vreg.gather [hbm4b:s7+s3], $0x80, v3, vm0, $0xb8;
	[tilespmem:$0x1D000] =	vst v63  }
0x3b7: {  	v3 =	vld [tilespmem:$0x520];
	_ =	sdelay $0x4  }
0x3b8: {  	v34 =	vshll.u32 v3, $0x3  }
0x3b9: {  	v3 =	vand.u32 $0x7, v3;
	v4 =	vand.u32 $0xFFFFFFC0, v34  }
0x3ba: {  	v3 =	vor.u32 v3, v4  }
0x3bb: {  	v4 =	vperm.xlane v3, v0;
	_ =	sdelay $0x1  }
0x3bc: {  	v4 =	vadd.s32 v1, v4;
	_ =	sdelay $0x3  }
0x3bd: {  	s28 =	simm.s32 $0x9000  }
0x3be: {  	[tilespmem:s28], [sflag:$0x1] =	stream.indirect_vreg.gather [hbm4b:s2+s3], $0x80, v4, vm0, $0xb8;
	[tilespmem:$0x1D000] =	vst v63  }
0x3bf: {  	s29 =	simm.s32 $0x9800;
	v3 =	vperm.xlane v3, v2  }
0x3c0: {  	[tilespmem:s29], [sflag:$0x1] =	stream.indirect_vreg.gather [hbm4b:s5+s3], $0x80, v4, vm0, $0xb8;
	[tilespmem:$0x1D000] =	vst v63  }
0x3c1: {  	s30 =	simm.s32 $0xA000;
	v3 =	vadd.s32 v1, v3  }
0x3c2: {  	[tilespmem:s30], [sflag:$0x1] =	stream.indirect_vreg.gather [hbm4b:s6+s3], $0x80, v4, vm0, $0xb8;
	[tilespmem:$0x1D000] =	vst v63  }
0x3c3: {  	s31 =	simm.s32 $0xA800  }
0x3c4: {  	[tilespmem:s31], [sflag:$0x1] =	stream.indirect_vreg.gather [hbm4b:s7+s3], $0x80, v4, vm0, $0xb8;
	[tilespmem:$0x1D000] =	vst v63  }
0x3c5: {  	s13 =	simm.s32 $0xB000  }
0x3c6: {  	[tilespmem:s13], [sflag:$0x1] =	stream.indirect_vreg.gather [hbm4b:s2+s3], $0x80, v3, vm0, $0xb8;
	[tilespmem:$0x1D000] =	vst v63  }
0x3c7: {  	s21 =	simm.s32 $0xB800  }
0x3c8: {  	[tilespmem:s21], [sflag:$0x1] =	stream.indirect_vreg.gather [hbm4b:s5+s3], $0x80, v3, vm0, $0xb8;
	[tilespmem:$0x1D000] =	vst v63  }
0x3c9: {  	s28 =	simm.s32 $0xC000  }
0x3ca: {  	[tilespmem:s28], [sflag:$0x1] =	stream.indirect_vreg.gather [hbm4b:s6+s3], $0x80, v3, vm0, $0xb8;
	[tilespmem:$0x1D000] =	vst v63  }
0x3cb: {  	s8 =	simm.s32 $0xC800  }
0x3cc: {  	[tilespmem:s8], [sflag:$0x1] =	stream.indirect_vreg.gather [hbm4b:s7+s3], $0x80, v3, vm0, $0xb8;
	[tilespmem:$0x1D000] =	vst v63  }
0x3cd: {  	v3 =	vld.msk [tilespmem:$0x530], $0x3;
	_ =	sdelay $0x4  }
0x3ce: {  	v35 =	vshll.u32 v3, $0x3  }
0x3cf: {  	v3 =	vand.u32 $0x7, v3;
	v4 =	vand.u32 $0xFFFFFFC0, v35  }
0x3d0: {  	v3 =	vor.u32 v3, v4  }
0x3d1: {  	v3 =	vperm.xlane v3, v0;
	_ =	sdelay $0x1  }
0x3d2: {  	v3 =	vadd.s32 v1, v3;
	_ =	sdelay $0x4  }
0x3d3: {  	[tilespmem:s1], [sflag:$0x1] =	stream.indirect_vreg.gather [hbm4b:s2+s3], $0x80, v3, vm1, $0xb8;
	[tilespmem:$0x1D000] =	vst v63  }
0x3d4: {  	s1 =	simm.s32 $0xD800  }
0x3d5: {  	[tilespmem:s1], [sflag:$0x1] =	stream.indirect_vreg.gather [hbm4b:s5+s3], $0x80, v3, vm1, $0xb8;
	[tilespmem:$0x1D000] =	vst v63  }
0x3d6: {  	s13 =	simm.s32 $0xE000  }
0x3d7: {  	[tilespmem:s13], [sflag:$0x1] =	stream.indirect_vreg.gather [hbm4b:s6+s3], $0x80, v3, vm1, $0xb8;
	[tilespmem:$0x1D000] =	vst v63  }
0x3d8: {  	s30 =	simm.s32 $0xE800  }
0x3d9: {  	[tilespmem:s30], [sflag:$0x1] =	stream.indirect_vreg.gather [hbm4b:s7+s3], $0x80, v3, vm1, $0xb8;
	[tilespmem:$0x1D000] =	vst v63  }
0x3da: {  	s29 =	rddreg [dreg:$0xd];
	s31 =	simm.s32 $0xF000  }
0x3db: {  	[hbm4b:s29+s3] =	stream.linear.scatter [tilespmem:s31], [sflag:$0x2], $0xE000, $0x38;
	[tilespmem:$0x1D000] =	vst v63  }
0x3dc: {  	_ =	swait.ge [sflag:s9], $0xE000  }
0x3dd: {  	[sflag:s9] =	ssyncset.done $0x0  }
0x3de: {  	[sflag:s9] =	ssyncadd.s32 $0xFFFF2000  }
0x3df: {  	_ =	swait.ge [sflag:s14], $0xC800  }
0x3e0: {  	[sflag:s14] =	ssyncset.done $0x0  }
0x3e1: {  	[sflag:s14] =	ssyncadd.s32 $0xFFFF3800  }
0x3e2: {  	v3 =	vld [tilespmem:$0x580];
	_ =	sdelay $0x4  }
0x3e3: {  	v36 =	vshll.u32 v3, $0x3  }
0x3e4: {  	v3 =	vand.u32 $0x7, v3;
	v4 =	vand.u32 $0xFFFFFFC0, v36  }
0x3e5: {  	v3 =	vor.u32 v3, v4  }
0x3e6: {  	v4 =	vperm.xlane v3, v0;
	_ =	sdelay $0x1  }
0x3e7: {  	v4 =	vadd.s32 v1, v4;
	_ =	sdelay $0x4  }
0x3e8: {  	[tilespmem:s31], [sflag:$0x1] =	stream.indirect_vreg.gather [hbm4b:s2+s3], $0x80, v4, vm0, $0xb8;
	[tilespmem:$0x1D000] =	vst v63  }
0x3e9: {  	v3 =	vperm.xlane v3, v2  }
0x3ea: {  	[tilespmem:s11], [sflag:$0x1] =	stream.indirect_vreg.gather [hbm4b:s5+s3], $0x80, v4, vm0, $0xb8;
	[tilespmem:$0x1D000] =	vst v63  }
0x3eb: {  	s28 =	simm.s32 $0x10000;
	v3 =	vadd.s32 v1, v3  }
0x3ec: {  	[tilespmem:s28], [sflag:$0x1] =	stream.indirect_vreg.gather [hbm4b:s6+s3], $0x80, v4, vm0, $0xb8;
	[tilespmem:$0x1D000] =	vst v63  }
0x3ed: {  	s29 =	simm.s32 $0x10800  }
0x3ee: {  	[tilespmem:s29], [sflag:$0x1] =	stream.indirect_vreg.gather [hbm4b:s7+s3], $0x80, v4, vm0, $0xb8;
	[tilespmem:$0x1D000] =	vst v63  }
0x3ef: {  	s30 =	simm.s32 $0x11000  }
0x3f0: {  	[tilespmem:s30], [sflag:$0x1] =	stream.indirect_vreg.gather [hbm4b:s2+s3], $0x80, v3, vm0, $0xb8;
	[tilespmem:$0x1D000] =	vst v63  }
0x3f1: {  	s31 =	simm.s32 $0x11800  }
0x3f2: {  	[tilespmem:s31], [sflag:$0x1] =	stream.indirect_vreg.gather [hbm4b:s5+s3], $0x80, v3, vm0, $0xb8;
	[tilespmem:$0x1D000] =	vst v63  }
0x3f3: {  	s21 =	simm.s32 $0x12000  }
0x3f4: {  	[tilespmem:s21], [sflag:$0x1] =	stream.indirect_vreg.gather [hbm4b:s6+s3], $0x80, v3, vm0, $0xb8;
	[tilespmem:$0x1D000] =	vst v63  }
0x3f5: {  	_ = 	snop  }
0x3f6: {  	[tilespmem:s0], [sflag:$0x1] =	stream.indirect_vreg.gather [hbm4b:s7+s3], $0x80, v3, vm0, $0xb8;
	[tilespmem:$0x1D000] =	vst v63  }
0x3f7: {  	v3 =	vld [tilespmem:$0x590];
	_ =	sdelay $0x4  }
0x3f8: {  	v37 =	vshll.u32 v3, $0x3  }
0x3f9: {  	v3 =	vand.u32 $0x7, v3;
	v4 =	vand.u32 $0xFFFFFFC0, v37  }
0x3fa: {  	v3 =	vor.u32 v3, v4  }
0x3fb: {  	v4 =	vperm.xlane v3, v0;
	_ =	sdelay $0x1  }
0x3fc: {  	v4 =	vadd.s32 v1, v4;
	_ =	sdelay $0x4  }
0x3fd: {  	[tilespmem:s17], [sflag:$0x1] =	stream.indirect_vreg.gather [hbm4b:s2+s3], $0x80, v4, vm0, $0xb8;
	[tilespmem:$0x1D000] =	vst v63  }
0x3fe: {  	v3 =	vperm.xlane v3, v2  }
0x3ff: {  	[tilespmem:s18], [sflag:$0x1] =	stream.indirect_vreg.gather [hbm4b:s5+s3], $0x80, v4, vm0, $0xb8;
	[tilespmem:$0x1D000] =	vst v63  }
0x400: {  	v3 =	vadd.s32 v1, v3;
	s17 =	simm.s32 $0x14000  }
0x401: {  	[tilespmem:s17], [sflag:$0x1] =	stream.indirect_vreg.gather [hbm4b:s6+s3], $0x80, v4, vm0, $0xb8;
	[tilespmem:$0x1D000] =	vst v63  }
0x402: {  	s18 =	simm.s32 $0x14800  }
0x403: {  	[tilespmem:s18], [sflag:$0x1] =	stream.indirect_vreg.gather [hbm4b:s7+s3], $0x80, v4, vm0, $0xb8;
	[tilespmem:$0x1D000] =	vst v63  }
0x404: {  	s21 =	simm.s32 $0x15000  }
0x405: {  	[tilespmem:s21], [sflag:$0x1] =	stream.indirect_vreg.gather [hbm4b:s2+s3], $0x80, v3, vm0, $0xb8;
	[tilespmem:$0x1D000] =	vst v63  }
0x406: {  	s11 =	simm.s32 $0x15800  }
0x407: {  	[tilespmem:s11], [sflag:$0x1] =	stream.indirect_vreg.gather [hbm4b:s5+s3], $0x80, v3, vm0, $0xb8;
	[tilespmem:$0x1D000] =	vst v63  }
0x408: {  	s17 =	simm.s32 $0x16000  }
0x409: {  	[tilespmem:s17], [sflag:$0x1] =	stream.indirect_vreg.gather [hbm4b:s6+s3], $0x80, v3, vm0, $0xb8;
	[tilespmem:$0x1D000] =	vst v63  }
0x40a: {  	_ = 	snop  }
0x40b: {  	[tilespmem:s4], [sflag:$0x1] =	stream.indirect_vreg.gather [hbm4b:s7+s3], $0x80, v3, vm0, $0xb8;
	[tilespmem:$0x1D000] =	vst v63  }
0x40c: {  	v3 =	vld [tilespmem:$0x5A0];
	_ =	sdelay $0x4  }
0x40d: {  	v38 =	vshll.u32 v3, $0x3  }
0x40e: {  	v3 =	vand.u32 $0x7, v3;
	v4 =	vand.u32 $0xFFFFFFC0, v38  }
0x40f: {  	v3 =	vor.u32 v3, v4  }
0x410: {  	v4 =	vperm.xlane v3, v0;
	_ =	sdelay $0x1  }
0x411: {  	v4 =	vadd.s32 v1, v4;
	_ =	sdelay $0x4  }
0x412: {  	[tilespmem:s23], [sflag:$0x1] =	stream.indirect_vreg.gather [hbm4b:s2+s3], $0x80, v4, vm0, $0xb8;
	[tilespmem:$0x1D000] =	vst v63  }
0x413: {  	v3 =	vperm.xlane v3, v2  }
0x414: {  	[tilespmem:s24], [sflag:$0x1] =	stream.indirect_vreg.gather [hbm4b:s5+s3], $0x80, v4, vm0, $0xb8;
	[tilespmem:$0x1D000] =	vst v63  }
0x415: {  	v3 =	vadd.s32 v1, v3;
	s23 =	simm.s32 $0x18000  }
0x416: {  	[tilespmem:s23], [sflag:$0x1] =	stream.indirect_vreg.gather [hbm4b:s6+s3], $0x80, v4, vm0, $0xb8;
	[tilespmem:$0x1D000] =	vst v63  }
0x417: {  	s24 =	simm.s32 $0x18800  }
0x418: {  	[tilespmem:s24], [sflag:$0x1] =	stream.indirect_vreg.gather [hbm4b:s7+s3], $0x80, v4, vm0, $0xb8;
	[tilespmem:$0x1D000] =	vst v63  }
0x419: {  	s4 =	simm.s32 $0x19000  }
0x41a: {  	[tilespmem:s4], [sflag:$0x1] =	stream.indirect_vreg.gather [hbm4b:s2+s3], $0x80, v3, vm0, $0xb8;
	[tilespmem:$0x1D000] =	vst v63  }
0x41b: {  	s18 =	simm.s32 $0x19800  }
0x41c: {  	[tilespmem:s18], [sflag:$0x1] =	stream.indirect_vreg.gather [hbm4b:s5+s3], $0x80, v3, vm0, $0xb8;
	[tilespmem:$0x1D000] =	vst v63  }
0x41d: {  	s21 =	simm.s32 $0x1A000  }
0x41e: {  	[tilespmem:s21], [sflag:$0x1] =	stream.indirect_vreg.gather [hbm4b:s6+s3], $0x80, v3, vm0, $0xb8;
	[tilespmem:$0x1D000] =	vst v63  }
0x41f: {  	_ = 	snop  }
0x420: {  	[tilespmem:s25], [sflag:$0x1] =	stream.indirect_vreg.gather [hbm4b:s7+s3], $0x80, v3, vm0, $0xb8;
	[tilespmem:$0x1D000] =	vst v63  }
0x421: {  	v3 =	vld.msk [tilespmem:$0x5B0], $0x3;
	_ =	sdelay $0x4  }
0x422: {  	v39 =	vshll.u32 v3, $0x3  }
0x423: {  	v3 =	vand.u32 $0x7, v3;
	v4 =	vand.u32 $0xFFFFFFC0, v39  }
0x424: {  	v3 =	vor.u32 v3, v4  }
0x425: {  	v3 =	vperm.xlane v3, v0;
	_ =	sdelay $0x1  }
0x426: {  	v3 =	vadd.s32 v1, v3;
	_ =	sdelay $0x3  }
0x427: {  	s25 =	simm.s32 $0x1B000  }
0x428: {  	[tilespmem:s25], [sflag:$0x1] =	stream.indirect_vreg.gather [hbm4b:s2+s3], $0x80, v3, vm1, $0xb8;
	[tilespmem:$0x1D000] =	vst v63  }
0x429: {  	s11 =	simm.s32 $0x1B800  }
0x42a: {  	[tilespmem:s11], [sflag:$0x1] =	stream.indirect_vreg.gather [hbm4b:s5+s3], $0x80, v3, vm1, $0xb8;
	[tilespmem:$0x1D000] =	vst v63  }
0x42b: {  	_ = 	snop  }
0x42c: {  	[tilespmem:s16], [sflag:$0x1] =	stream.indirect_vreg.gather [hbm4b:s6+s3], $0x80, v3, vm1, $0xb8;
	[tilespmem:$0x1D000] =	vst v63  }
0x42d: {  	_ = 	snop  }
0x42e: {  	[tilespmem:s15], [sflag:$0x1] =	stream.indirect_vreg.gather [hbm4b:s7+s3], $0x80, v3, vm1, $0xb8;
	[tilespmem:$0x1D000] =	vst v63  }
0x42f: {  	s17 =	rddreg [dreg:$0xe];
	s18 =	simm.s32 $0x1000  }
0x430: {  	[hbm4b:s17+s3] =	stream.linear.scatter [tilespmem:s18], [sflag:$0x2], $0xE000, $0x38;
	[tilespmem:$0x1D000] =	vst v63  }
0x431: {  	_ =	swait.ge [sflag:s9], $0xE000  }
0x432: {  	[sflag:s9] =	ssyncset.done $0x0  }
0x433: {  	[sflag:s9] =	ssyncadd.s32 $0xFFFF2000  }
0x434: {  	_ =	swait.ge [sflag:s14], $0xC800  }
0x435: {  	[sflag:s14] =	ssyncset.done $0x0  }
0x436: {  	[sflag:s14] =	ssyncadd.s32 $0xFFFF3800  }
0x437: {  	v3 =	vld [tilespmem:$0x600];
	_ =	sdelay $0x4  }
0x438: {  	v40 =	vshll.u32 v3, $0x3  }
0x439: {  	v3 =	vand.u32 $0x7, v3;
	v4 =	vand.u32 $0xFFFFFFC0, v40  }
0x43a: {  	v3 =	vor.u32 v3, v4  }
0x43b: {  	v4 =	vperm.xlane v3, v0;
	_ =	sdelay $0x1  }
0x43c: {  	v4 =	vadd.s32 v1, v4;
	_ =	sdelay $0x4  }
0x43d: {  	[tilespmem:s18], [sflag:$0x1] =	stream.indirect_vreg.gather [hbm4b:s2+s3], $0x80, v4, vm0, $0xb8;
	[tilespmem:$0x1D000] =	vst v63  }
0x43e: {  	s15 =	simm.s32 $0x1800;
	v3 =	vperm.xlane v3, v2  }
0x43f: {  	[tilespmem:s15], [sflag:$0x1] =	stream.indirect_vreg.gather [hbm4b:s5+s3], $0x80, v4, vm0, $0xb8;
	[tilespmem:$0x1D000] =	vst v63  }
0x440: {  	v3 =	vadd.s32 v1, v3  }
0x441: {  	[tilespmem:s19], [sflag:$0x1] =	stream.indirect_vreg.gather [hbm4b:s6+s3], $0x80, v4, vm0, $0xb8;
	[tilespmem:$0x1D000] =	vst v63  }
0x442: {  	_ = 	snop  }
0x443: {  	[tilespmem:s20], [sflag:$0x1] =	stream.indirect_vreg.gather [hbm4b:s7+s3], $0x80, v4, vm0, $0xb8;
	[tilespmem:$0x1D000] =	vst v63  }
0x444: {  	_ = 	snop  }
0x445: {  	[tilespmem:s22], [sflag:$0x1] =	stream.indirect_vreg.gather [hbm4b:s2+s3], $0x80, v3, vm0, $0xb8;
	[tilespmem:$0x1D000] =	vst v63  }
0x446: {  	_ = 	snop  }
0x447: {  	[tilespmem:s26], [sflag:$0x1] =	stream.indirect_vreg.gather [hbm4b:s5+s3], $0x80, v3, vm0, $0xb8;
	[tilespmem:$0x1D000] =	vst v63  }
0x448: {  	s26 =	simm.s32 $0x4000  }
0x449: {  	[tilespmem:s26], [sflag:$0x1] =	stream.indirect_vreg.gather [hbm4b:s6+s3], $0x80, v3, vm0, $0xb8;
	[tilespmem:$0x1D000] =	vst v63  }
0x44a: {  	s16 =	simm.s32 $0x4800  }
0x44b: {  	[tilespmem:s16], [sflag:$0x1] =	stream.indirect_vreg.gather [hbm4b:s7+s3], $0x80, v3, vm0, $0xb8;
	[tilespmem:$0x1D000] =	vst v63  }
0x44c: {  	v3 =	vld [tilespmem:$0x610];
	_ =	sdelay $0x4  }
0x44d: {  	v41 =	vshll.u32 v3, $0x3  }
0x44e: {  	v3 =	vand.u32 $0x7, v3;
	v4 =	vand.u32 $0xFFFFFFC0, v41  }
0x44f: {  	v3 =	vor.u32 v3, v4  }
0x450: {  	v4 =	vperm.xlane v3, v0;
	_ =	sdelay $0x1  }
0x451: {  	v4 =	vadd.s32 v1, v4;
	_ =	sdelay $0x4  }
0x452: {  	[tilespmem:s10], [sflag:$0x1] =	stream.indirect_vreg.gather [hbm4b:s2+s3], $0x80, v4, vm0, $0xb8;
	[tilespmem:$0x1D000] =	vst v63  }
0x453: {  	v3 =	vperm.xlane v3, v2  }
0x454: {  	[tilespmem:s12], [sflag:$0x1] =	stream.indirect_vreg.gather [hbm4b:s5+s3], $0x80, v4, vm0, $0xb8;
	[tilespmem:$0x1D000] =	vst v63  }
0x455: {  	s19 =	simm.s32 $0x6000;
	v3 =	vadd.s32 v1, v3  }
0x456: {  	[tilespmem:s19], [sflag:$0x1] =	stream.indirect_vreg.gather [hbm4b:s6+s3], $0x80, v4, vm0, $0xb8;
	[tilespmem:$0x1D000] =	vst v63  }
0x457: {  	s20 =	simm.s32 $0x6800  }
0x458: {  	[tilespmem:s20], [sflag:$0x1] =	stream.indirect_vreg.gather [hbm4b:s7+s3], $0x80, v4, vm0, $0xb8;
	[tilespmem:$0x1D000] =	vst v63  }
0x459: {  	s10 =	simm.s32 $0x7000  }
0x45a: {  	[tilespmem:s10], [sflag:$0x1] =	stream.indirect_vreg.gather [hbm4b:s2+s3], $0x80, v3, vm0, $0xb8;
	[tilespmem:$0x1D000] =	vst v63  }
0x45b: {  	s11 =	simm.s32 $0x7800  }
0x45c: {  	[tilespmem:s11], [sflag:$0x1] =	stream.indirect_vreg.gather [hbm4b:s5+s3], $0x80, v3, vm0, $0xb8;
	[tilespmem:$0x1D000] =	vst v63  }
0x45d: {  	s19 =	simm.s32 $0x8000  }
0x45e: {  	[tilespmem:s19], [sflag:$0x1] =	stream.indirect_vreg.gather [hbm4b:s6+s3], $0x80, v3, vm0, $0xb8;
	[tilespmem:$0x1D000] =	vst v63  }
0x45f: {  	s12 =	simm.s32 $0x8800  }
0x460: {  	[tilespmem:s12], [sflag:$0x1] =	stream.indirect_vreg.gather [hbm4b:s7+s3], $0x80, v3, vm0, $0xb8;
	[tilespmem:$0x1D000] =	vst v63  }
0x461: {  	v3 =	vld [tilespmem:$0x620];
	_ =	sdelay $0x4  }
0x462: {  	v42 =	vshll.u32 v3, $0x3  }
0x463: {  	v3 =	vand.u32 $0x7, v3;
	v4 =	vand.u32 $0xFFFFFFC0, v42  }
0x464: {  	v3 =	vor.u32 v3, v4  }
0x465: {  	v4 =	vperm.xlane v3, v0;
	_ =	sdelay $0x1  }
0x466: {  	v4 =	vadd.s32 v1, v4;
	_ =	sdelay $0x3  }
0x467: {  	s17 =	simm.s32 $0x9000  }
0x468: {  	[tilespmem:s17], [sflag:$0x1] =	stream.indirect_vreg.gather [hbm4b:s2+s3], $0x80, v4, vm0, $0xb8;
	[tilespmem:$0x1D000] =	vst v63  }
0x469: {  	s18 =	simm.s32 $0x9800;
	v3 =	vperm.xlane v3, v2  }
0x46a: {  	[tilespmem:s18], [sflag:$0x1] =	stream.indirect_vreg.gather [hbm4b:s5+s3], $0x80, v4, vm0, $0xb8;
	[tilespmem:$0x1D000] =	vst v63  }
0x46b: {  	s20 =	simm.s32 $0xA000;
	v3 =	vadd.s32 v1, v3  }
0x46c: {  	[tilespmem:s20], [sflag:$0x1] =	stream.indirect_vreg.gather [hbm4b:s6+s3], $0x80, v4, vm0, $0xb8;
	[tilespmem:$0x1D000] =	vst v63  }
0x46d: {  	s22 =	simm.s32 $0xA800  }
0x46e: {  	[tilespmem:s22], [sflag:$0x1] =	stream.indirect_vreg.gather [hbm4b:s7+s3], $0x80, v4, vm0, $0xb8;
	[tilespmem:$0x1D000] =	vst v63  }
0x46f: {  	s21 =	simm.s32 $0xB000  }
0x470: {  	[tilespmem:s21], [sflag:$0x1] =	stream.indirect_vreg.gather [hbm4b:s2+s3], $0x80, v3, vm0, $0xb8;
	[tilespmem:$0x1D000] =	vst v63  }
0x471: {  	s21 =	simm.s32 $0xB800  }
0x472: {  	[tilespmem:s21], [sflag:$0x1] =	stream.indirect_vreg.gather [hbm4b:s5+s3], $0x80, v3, vm0, $0xb8;
	[tilespmem:$0x1D000] =	vst v63  }
0x473: {  	s21 =	simm.s32 $0xC000  }
0x474: {  	[tilespmem:s21], [sflag:$0x1] =	stream.indirect_vreg.gather [hbm4b:s6+s3], $0x80, v3, vm0, $0xb8;
	[tilespmem:$0x1D000] =	vst v63  }
0x475: {  	_ = 	snop  }
0x476: {  	[tilespmem:s8], [sflag:$0x1] =	stream.indirect_vreg.gather [hbm4b:s7+s3], $0x80, v3, vm0, $0xb8;
	[tilespmem:$0x1D000] =	vst v63  }
0x477: {  	v3 =	vld.msk [tilespmem:$0x630], $0x3;
	_ =	sdelay $0x4  }
0x478: {  	v43 =	vshll.u32 v3, $0x3  }
0x479: {  	v3 =	vand.u32 $0x7, v3;
	v4 =	vand.u32 $0xFFFFFFC0, v43  }
0x47a: {  	v3 =	vor.u32 v3, v4  }
0x47b: {  	v3 =	vperm.xlane v3, v0;
	_ =	sdelay $0x1  }
0x47c: {  	v3 =	vadd.s32 v1, v3;
	_ =	sdelay $0x3  }
0x47d: {  	s21 =	simm.s32 $0xD000  }
0x47e: {  	[tilespmem:s21], [sflag:$0x1] =	stream.indirect_vreg.gather [hbm4b:s2+s3], $0x80, v3, vm1, $0xb8;
	[tilespmem:$0x1D000] =	vst v63  }
0x47f: {  	_ = 	snop  }
0x480: {  	[tilespmem:s1], [sflag:$0x1] =	stream.indirect_vreg.gather [hbm4b:s5+s3], $0x80, v3, vm1, $0xb8;
	[tilespmem:$0x1D000] =	vst v63  }
0x481: {  	_ = 	snop  }
0x482: {  	[tilespmem:s13], [sflag:$0x1] =	stream.indirect_vreg.gather [hbm4b:s6+s3], $0x80, v3, vm1, $0xb8;
	[tilespmem:$0x1D000] =	vst v63  }
0x483: {  	s8 =	simm.s32 $0xE800  }
0x484: {  	[tilespmem:s8], [sflag:$0x1] =	stream.indirect_vreg.gather [hbm4b:s7+s3], $0x80, v3, vm1, $0xb8;
	[tilespmem:$0x1D000] =	vst v63  }
0x485: {  	s1 =	rddreg [dreg:$0xf];
	s13 =	simm.s32 $0xF000  }
0x486: {  	[hbm4b:s1+s3] =	stream.linear.scatter [tilespmem:s13], [sflag:$0x2], $0xE000, $0x38;
	[tilespmem:$0x1D000] =	vst v63  }
0x487: {  	_ =	swait.ge [sflag:s9], $0xE000  }
0x488: {  	[sflag:s9] =	ssyncset.done $0x0  }
0x489: {  	[sflag:s9] =	ssyncadd.s32 $0xFFFF2000  }
0x48a: {  	_ =	swait.ge [sflag:s14], $0xC800  }
0x48b: {  	[sflag:s14] =	ssyncset.done $0x0  }
0x48c: {  	[sflag:s14] =	ssyncadd.s32 $0xFFFF3800  }
0x48d: {  	v3 =	vld [tilespmem:$0x680];
	_ =	sdelay $0x4  }
0x48e: {  	v44 =	vshll.u32 v3, $0x3  }
0x48f: {  	v3 =	vand.u32 $0x7, v3;
	v4 =	vand.u32 $0xFFFFFFC0, v44  }
0x490: {  	v3 =	vor.u32 v3, v4  }
0x491: {  	v4 =	vperm.xlane v3, v0;
	_ =	sdelay $0x1  }
0x492: {  	v4 =	vadd.s32 v1, v4;
	_ =	sdelay $0x4  }
0x493: {  	[tilespmem:s13], [sflag:$0x1] =	stream.indirect_vreg.gather [hbm4b:s2+s3], $0x80, v4, vm0, $0xb8;
	[tilespmem:$0x1D000] =	vst v63  }
0x494: {  	s21 =	simm.s32 $0xF800;
	v3 =	vperm.xlane v3, v2  }
0x495: {  	[tilespmem:s21], [sflag:$0x1] =	stream.indirect_vreg.gather [hbm4b:s5+s3], $0x80, v4, vm0, $0xb8;
	[tilespmem:$0x1D000] =	vst v63  }
0x496: {  	v3 =	vadd.s32 v1, v3  }
0x497: {  	[tilespmem:s28], [sflag:$0x1] =	stream.indirect_vreg.gather [hbm4b:s6+s3], $0x80, v4, vm0, $0xb8;
	[tilespmem:$0x1D000] =	vst v63  }
0x498: {  	_ = 	snop  }
0x499: {  	[tilespmem:s29], [sflag:$0x1] =	stream.indirect_vreg.gather [hbm4b:s7+s3], $0x80, v4, vm0, $0xb8;
	[tilespmem:$0x1D000] =	vst v63  }
0x49a: {  	_ = 	snop  }
0x49b: {  	[tilespmem:s30], [sflag:$0x1] =	stream.indirect_vreg.gather [hbm4b:s2+s3], $0x80, v3, vm0, $0xb8;
	[tilespmem:$0x1D000] =	vst v63  }
0x49c: {  	_ = 	snop  }
0x49d: {  	[tilespmem:s31], [sflag:$0x1] =	stream.indirect_vreg.gather [hbm4b:s5+s3], $0x80, v3, vm0, $0xb8;
	[tilespmem:$0x1D000] =	vst v63  }
0x49e: {  	s1 =	simm.s32 $0x12000  }
0x49f: {  	[tilespmem:s1], [sflag:$0x1] =	stream.indirect_vreg.gather [hbm4b:s6+s3], $0x80, v3, vm0, $0xb8;
	[tilespmem:$0x1D000] =	vst v63  }
0x4a0: {  	s0 =	simm.s32 $0x12800  }
0x4a1: {  	[tilespmem:s0], [sflag:$0x1] =	stream.indirect_vreg.gather [hbm4b:s7+s3], $0x80, v3, vm0, $0xb8;
	[tilespmem:$0x1D000] =	vst v63  }
0x4a2: {  	v3 =	vld [tilespmem:$0x690];
	_ =	sdelay $0x4  }
0x4a3: {  	v45 =	vshll.u32 v3, $0x3  }
0x4a4: {  	v3 =	vand.u32 $0x7, v3;
	v4 =	vand.u32 $0xFFFFFFC0, v45  }
0x4a5: {  	v3 =	vor.u32 v3, v4  }
0x4a6: {  	v4 =	vperm.xlane v3, v0;
	_ =	sdelay $0x1  }
0x4a7: {  	v4 =	vadd.s32 v1, v4;
	_ =	sdelay $0x3  }
0x4a8: {  	s31 =	simm.s32 $0x13000  }
0x4a9: {  	[tilespmem:s31], [sflag:$0x1] =	stream.indirect_vreg.gather [hbm4b:s2+s3], $0x80, v4, vm0, $0xb8;
	[tilespmem:$0x1D000] =	vst v63  }
0x4aa: {  	s13 =	simm.s32 $0x13800;
	v3 =	vperm.xlane v3, v2  }
0x4ab: {  	[tilespmem:s13], [sflag:$0x1] =	stream.indirect_vreg.gather [hbm4b:s5+s3], $0x80, v4, vm0, $0xb8;
	[tilespmem:$0x1D000] =	vst v63  }
0x4ac: {  	s8 =	simm.s32 $0x14000;
	v3 =	vadd.s32 v1, v3  }
0x4ad: {  	[tilespmem:s8], [sflag:$0x1] =	stream.indirect_vreg.gather [hbm4b:s6+s3], $0x80, v4, vm0, $0xb8;
	[tilespmem:$0x1D000] =	vst v63  }
0x4ae: {  	s21 =	simm.s32 $0x14800  }
0x4af: {  	[tilespmem:s21], [sflag:$0x1] =	stream.indirect_vreg.gather [hbm4b:s7+s3], $0x80, v4, vm0, $0xb8;
	[tilespmem:$0x1D000] =	vst v63  }
0x4b0: {  	s28 =	simm.s32 $0x15000  }
0x4b1: {  	[tilespmem:s28], [sflag:$0x1] =	stream.indirect_vreg.gather [hbm4b:s2+s3], $0x80, v3, vm0, $0xb8;
	[tilespmem:$0x1D000] =	vst v63  }
0x4b2: {  	s29 =	simm.s32 $0x15800  }
0x4b3: {  	[tilespmem:s29], [sflag:$0x1] =	stream.indirect_vreg.gather [hbm4b:s5+s3], $0x80, v3, vm0, $0xb8;
	[tilespmem:$0x1D000] =	vst v63  }
0x4b4: {  	s30 =	simm.s32 $0x16000  }
0x4b5: {  	[tilespmem:s30], [sflag:$0x1] =	stream.indirect_vreg.gather [hbm4b:s6+s3], $0x80, v3, vm0, $0xb8;
	[tilespmem:$0x1D000] =	vst v63  }
0x4b6: {  	s1 =	simm.s32 $0x16800  }
0x4b7: {  	[tilespmem:s1], [sflag:$0x1] =	stream.indirect_vreg.gather [hbm4b:s7+s3], $0x80, v3, vm0, $0xb8;
	[tilespmem:$0x1D000] =	vst v63  }
0x4b8: {  	v3 =	vld [tilespmem:$0x6A0];
	_ =	sdelay $0x4  }
0x4b9: {  	v46 =	vshll.u32 v3, $0x3  }
0x4ba: {  	v3 =	vand.u32 $0x7, v3;
	v4 =	vand.u32 $0xFFFFFFC0, v46  }
0x4bb: {  	v3 =	vor.u32 v3, v4  }
0x4bc: {  	v4 =	vperm.xlane v3, v0;
	_ =	sdelay $0x1  }
0x4bd: {  	v4 =	vadd.s32 v1, v4;
	_ =	sdelay $0x3  }
0x4be: {  	s29 =	simm.s32 $0x17000  }
0x4bf: {  	[tilespmem:s29], [sflag:$0x1] =	stream.indirect_vreg.gather [hbm4b:s2+s3], $0x80, v4, vm0, $0xb8;
	[tilespmem:$0x1D000] =	vst v63  }
0x4c0: {  	s30 =	simm.s32 $0x17800;
	v3 =	vperm.xlane v3, v2  }
0x4c1: {  	[tilespmem:s30], [sflag:$0x1] =	stream.indirect_vreg.gather [hbm4b:s5+s3], $0x80, v4, vm0, $0xb8;
	[tilespmem:$0x1D000] =	vst v63  }
0x4c2: {  	v3 =	vadd.s32 v1, v3  }
0x4c3: {  	[tilespmem:s23], [sflag:$0x1] =	stream.indirect_vreg.gather [hbm4b:s6+s3], $0x80, v4, vm0, $0xb8;
	[tilespmem:$0x1D000] =	vst v63  }
0x4c4: {  	_ = 	snop  }
0x4c5: {  	[tilespmem:s24], [sflag:$0x1] =	stream.indirect_vreg.gather [hbm4b:s7+s3], $0x80, v4, vm0, $0xb8;
	[tilespmem:$0x1D000] =	vst v63  }
0x4c6: {  	_ = 	snop  }
0x4c7: {  	[tilespmem:s4], [sflag:$0x1] =	stream.indirect_vreg.gather [hbm4b:s2+s3], $0x80, v3, vm0, $0xb8;
	[tilespmem:$0x1D000] =	vst v63  }
0x4c8: {  	s8 =	simm.s32 $0x19800  }
0x4c9: {  	[tilespmem:s8], [sflag:$0x1] =	stream.indirect_vreg.gather [hbm4b:s5+s3], $0x80, v3, vm0, $0xb8;
	[tilespmem:$0x1D000] =	vst v63  }
0x4ca: {  	s21 =	simm.s32 $0x1A000  }
0x4cb: {  	[tilespmem:s21], [sflag:$0x1] =	stream.indirect_vreg.gather [hbm4b:s6+s3], $0x80, v3, vm0, $0xb8;
	[tilespmem:$0x1D000] =	vst v63  }
0x4cc: {  	s4 =	simm.s32 $0x1A800  }
0x4cd: {  	[tilespmem:s4], [sflag:$0x1] =	stream.indirect_vreg.gather [hbm4b:s7+s3], $0x80, v3, vm0, $0xb8;
	[tilespmem:$0x1D000] =	vst v63  }
0x4ce: {  	v3 =	vld.msk [tilespmem:$0x6B0], $0x3;
	_ =	sdelay $0x4  }
0x4cf: {  	v47 =	vshll.u32 v3, $0x3  }
0x4d0: {  	v3 =	vand.u32 $0x7, v3;
	v4 =	vand.u32 $0xFFFFFFC0, v47  }
0x4d1: {  	v3 =	vor.u32 v3, v4  }
0x4d2: {  	v3 =	vperm.xlane v3, v0;
	_ =	sdelay $0x1  }
0x4d3: {  	v3 =	vadd.s32 v1, v3;
	_ =	sdelay $0x4  }
0x4d4: {  	[tilespmem:s25], [sflag:$0x1] =	stream.indirect_vreg.gather [hbm4b:s2+s3], $0x80, v3, vm1, $0xb8;
	[tilespmem:$0x1D000] =	vst v63  }
0x4d5: {  	s23 =	simm.s32 $0x1B800  }
0x4d6: {  	[tilespmem:s23], [sflag:$0x1] =	stream.indirect_vreg.gather [hbm4b:s5+s3], $0x80, v3, vm1, $0xb8;
	[tilespmem:$0x1D000] =	vst v63  }
0x4d7: {  	s28 =	simm.s32 $0x1C000  }
0x4d8: {  	[tilespmem:s28], [sflag:$0x1] =	stream.indirect_vreg.gather [hbm4b:s6+s3], $0x80, v3, vm1, $0xb8;
	[tilespmem:$0x1D000] =	vst v63  }
0x4d9: {  	s25 =	simm.s32 $0x1C800  }
0x4da: {  	[tilespmem:s25], [sflag:$0x1] =	stream.indirect_vreg.gather [hbm4b:s7+s3], $0x80, v3, vm1, $0xb8;
	[tilespmem:$0x1D000] =	vst v63  }
0x4db: {  	s24 =	rddreg [dreg:$0x10];
	s8 =	simm.s32 $0x1000  }
0x4dc: {  	[hbm4b:s24+s3] =	stream.linear.scatter [tilespmem:s8], [sflag:$0x2], $0xE000, $0x38;
	[tilespmem:$0x1D000] =	vst v63  }
0x4dd: {  	_ =	swait.ge [sflag:s9], $0xE000  }
0x4de: {  	[sflag:s9] =	ssyncset.done $0x0  }
0x4df: {  	[sflag:s9] =	ssyncadd.s32 $0xFFFF2000  }
0x4e0: {  	_ =	swait.ge [sflag:s14], $0xC800  }
0x4e1: {  	[sflag:s14] =	ssyncset.done $0x0  }
0x4e2: {  	[sflag:s14] =	ssyncadd.s32 $0xFFFF3800  }
0x4e3: {  	v3 =	vld [tilespmem:$0x700];
	_ =	sdelay $0x4  }
0x4e4: {  	v48 =	vshll.u32 v3, $0x3  }
0x4e5: {  	v3 =	vand.u32 $0x7, v3;
	v4 =	vand.u32 $0xFFFFFFC0, v48  }
0x4e6: {  	v3 =	vor.u32 v3, v4  }
0x4e7: {  	v4 =	vperm.xlane v3, v0;
	_ =	sdelay $0x1  }
0x4e8: {  	v4 =	vadd.s32 v1, v4;
	_ =	sdelay $0x4  }
0x4e9: {  	[tilespmem:s8], [sflag:$0x1] =	stream.indirect_vreg.gather [hbm4b:s2+s3], $0x80, v4, vm0, $0xb8;
	[tilespmem:$0x1D000] =	vst v63  }
0x4ea: {  	v3 =	vperm.xlane v3, v2  }
0x4eb: {  	[tilespmem:s15], [sflag:$0x1] =	stream.indirect_vreg.gather [hbm4b:s5+s3], $0x80, v4, vm0, $0xb8;
	[tilespmem:$0x1D000] =	vst v63  }
0x4ec: {  	s24 =	simm.s32 $0x2000;
	v3 =	vadd.s32 v1, v3  }
0x4ed: {  	[tilespmem:s24], [sflag:$0x1] =	stream.indirect_vreg.gather [hbm4b:s6+s3], $0x80, v4, vm0, $0xb8;
	[tilespmem:$0x1D000] =	vst v63  }
0x4ee: {  	s15 =	simm.s32 $0x2800  }
0x4ef: {  	[tilespmem:s15], [sflag:$0x1] =	stream.indirect_vreg.gather [hbm4b:s7+s3], $0x80, v4, vm0, $0xb8;
	[tilespmem:$0x1D000] =	vst v63  }
0x4f0: {  	s21 =	simm.s32 $0x3000  }
0x4f1: {  	[tilespmem:s21], [sflag:$0x1] =	stream.indirect_vreg.gather [hbm4b:s2+s3], $0x80, v3, vm0, $0xb8;
	[tilespmem:$0x1D000] =	vst v63  }
0x4f2: {  	s23 =	simm.s32 $0x3800  }
0x4f3: {  	[tilespmem:s23], [sflag:$0x1] =	stream.indirect_vreg.gather [hbm4b:s5+s3], $0x80, v3, vm0, $0xb8;
	[tilespmem:$0x1D000] =	vst v63  }
0x4f4: {  	_ = 	snop  }
0x4f5: {  	[tilespmem:s26], [sflag:$0x1] =	stream.indirect_vreg.gather [hbm4b:s6+s3], $0x80, v3, vm0, $0xb8;
	[tilespmem:$0x1D000] =	vst v63  }
0x4f6: {  	_ = 	snop  }
0x4f7: {  	[tilespmem:s16], [sflag:$0x1] =	stream.indirect_vreg.gather [hbm4b:s7+s3], $0x80, v3, vm0, $0xb8;
	[tilespmem:$0x1D000] =	vst v63  }
0x4f8: {  	v3 =	vld [tilespmem:$0x710];
	_ =	sdelay $0x4  }
0x4f9: {  	v49 =	vshll.u32 v3, $0x3  }
0x4fa: {  	v3 =	vand.u32 $0x7, v3;
	v4 =	vand.u32 $0xFFFFFFC0, v49  }
0x4fb: {  	v3 =	vor.u32 v3, v4  }
0x4fc: {  	v4 =	vperm.xlane v3, v0;
	_ =	sdelay $0x1  }
0x4fd: {  	v4 =	vadd.s32 v1, v4;
	_ =	sdelay $0x3  }
0x4fe: {  	s16 =	simm.s32 $0x5000  }
0x4ff: {  	[tilespmem:s16], [sflag:$0x1] =	stream.indirect_vreg.gather [hbm4b:s2+s3], $0x80, v4, vm0, $0xb8;
	[tilespmem:$0x1D000] =	vst v63  }
0x500: {  	s23 =	simm.s32 $0x5800;
	v3 =	vperm.xlane v3, v2  }
0x501: {  	[tilespmem:s23], [sflag:$0x1] =	stream.indirect_vreg.gather [hbm4b:s5+s3], $0x80, v4, vm0, $0xb8;
	[tilespmem:$0x1D000] =	vst v63  }
0x502: {  	s24 =	simm.s32 $0x6000;
	v3 =	vadd.s32 v1, v3  }
0x503: {  	[tilespmem:s24], [sflag:$0x1] =	stream.indirect_vreg.gather [hbm4b:s6+s3], $0x80, v4, vm0, $0xb8;
	[tilespmem:$0x1D000] =	vst v63  }
0x504: {  	s26 =	simm.s32 $0x6800  }
0x505: {  	[tilespmem:s26], [sflag:$0x1] =	stream.indirect_vreg.gather [hbm4b:s7+s3], $0x80, v4, vm0, $0xb8;
	[tilespmem:$0x1D000] =	vst v63  }
0x506: {  	_ = 	snop  }
0x507: {  	[tilespmem:s10], [sflag:$0x1] =	stream.indirect_vreg.gather [hbm4b:s2+s3], $0x80, v3, vm0, $0xb8;
	[tilespmem:$0x1D000] =	vst v63  }
0x508: {  	_ = 	snop  }
0x509: {  	[tilespmem:s11], [sflag:$0x1] =	stream.indirect_vreg.gather [hbm4b:s5+s3], $0x80, v3, vm0, $0xb8;
	[tilespmem:$0x1D000] =	vst v63  }
0x50a: {  	_ = 	snop  }
0x50b: {  	[tilespmem:s19], [sflag:$0x1] =	stream.indirect_vreg.gather [hbm4b:s6+s3], $0x80, v3, vm0, $0xb8;
	[tilespmem:$0x1D000] =	vst v63  }
0x50c: {  	_ = 	snop  }
0x50d: {  	[tilespmem:s12], [sflag:$0x1] =	stream.indirect_vreg.gather [hbm4b:s7+s3], $0x80, v3, vm0, $0xb8;
	[tilespmem:$0x1D000] =	vst v63  }
0x50e: {  	v3 =	vld [tilespmem:$0x720];
	_ =	sdelay $0x4  }
0x50f: {  	v50 =	vshll.u32 v3, $0x3  }
0x510: {  	v3 =	vand.u32 $0x7, v3;
	v4 =	vand.u32 $0xFFFFFFC0, v50  }
0x511: {  	v3 =	vor.u32 v3, v4  }
0x512: {  	v4 =	vperm.xlane v3, v0;
	_ =	sdelay $0x1  }
0x513: {  	v4 =	vadd.s32 v1, v4;
	_ =	sdelay $0x4  }
0x514: {  	[tilespmem:s17], [sflag:$0x1] =	stream.indirect_vreg.gather [hbm4b:s2+s3], $0x80, v4, vm0, $0xb8;
	[tilespmem:$0x1D000] =	vst v63  }
0x515: {  	v3 =	vperm.xlane v3, v2  }
0x516: {  	[tilespmem:s18], [sflag:$0x1] =	stream.indirect_vreg.gather [hbm4b:s5+s3], $0x80, v4, vm0, $0xb8;
	[tilespmem:$0x1D000] =	vst v63  }
0x517: {  	v3 =	vadd.s32 v1, v3  }
0x518: {  	[tilespmem:s20], [sflag:$0x1] =	stream.indirect_vreg.gather [hbm4b:s6+s3], $0x80, v4, vm0, $0xb8;
	[tilespmem:$0x1D000] =	vst v63  }
0x519: {  	_ = 	snop  }
0x51a: {  	[tilespmem:s22], [sflag:$0x1] =	stream.indirect_vreg.gather [hbm4b:s7+s3], $0x80, v4, vm0, $0xb8;
	[tilespmem:$0x1D000] =	vst v63  }
0x51b: {  	s11 =	simm.s32 $0xB000  }
0x51c: {  	[tilespmem:s11], [sflag:$0x1] =	stream.indirect_vreg.gather [hbm4b:s2+s3], $0x80, v3, vm0, $0xb8;
	[tilespmem:$0x1D000] =	vst v63  }
0x51d: {  	s12 =	simm.s32 $0xB800  }
0x51e: {  	[tilespmem:s12], [sflag:$0x1] =	stream.indirect_vreg.gather [hbm4b:s5+s3], $0x80, v3, vm0, $0xb8;
	[tilespmem:$0x1D000] =	vst v63  }
0x51f: {  	s15 =	simm.s32 $0xC000  }
0x520: {  	[tilespmem:s15], [sflag:$0x1] =	stream.indirect_vreg.gather [hbm4b:s6+s3], $0x80, v3, vm0, $0xb8;
	[tilespmem:$0x1D000] =	vst v63  }
0x521: {  	s8 =	simm.s32 $0xC800  }
0x522: {  	[tilespmem:s8], [sflag:$0x1] =	stream.indirect_vreg.gather [hbm4b:s7+s3], $0x80, v3, vm0, $0xb8;
	[tilespmem:$0x1D000] =	vst v63  }
0x523: {  	v3 =	vld.msk [tilespmem:$0x730], $0x3;
	_ =	sdelay $0x4  }
0x524: {  	v51 =	vshll.u32 v3, $0x3  }
0x525: {  	v3 =	vand.u32 $0x7, v3;
	v4 =	vand.u32 $0xFFFFFFC0, v51  }
0x526: {  	v3 =	vor.u32 v3, v4  }
0x527: {  	v3 =	vperm.xlane v3, v0;
	_ =	sdelay $0x1  }
0x528: {  	v3 =	vadd.s32 v1, v3;
	_ =	sdelay $0x3  }
0x529: {  	s10 =	simm.s32 $0xD000  }
0x52a: {  	[tilespmem:s10], [sflag:$0x1] =	stream.indirect_vreg.gather [hbm4b:s2+s3], $0x80, v3, vm1, $0xb8;
	[tilespmem:$0x1D000] =	vst v63  }
0x52b: {  	s12 =	simm.s32 $0xD800  }
0x52c: {  	[tilespmem:s12], [sflag:$0x1] =	stream.indirect_vreg.gather [hbm4b:s5+s3], $0x80, v3, vm1, $0xb8;
	[tilespmem:$0x1D000] =	vst v63  }
0x52d: {  	s15 =	simm.s32 $0xE000  }
0x52e: {  	[tilespmem:s15], [sflag:$0x1] =	stream.indirect_vreg.gather [hbm4b:s6+s3], $0x80, v3, vm1, $0xb8;
	[tilespmem:$0x1D000] =	vst v63  }
0x52f: {  	s18 =	simm.s32 $0xE800  }
0x530: {  	[tilespmem:s18], [sflag:$0x1] =	stream.indirect_vreg.gather [hbm4b:s7+s3], $0x80, v3, vm1, $0xb8;
	[tilespmem:$0x1D000] =	vst v63  }
0x531: {  	s19 =	simm.s32 $0xF000;
	s17 =	rddreg [dreg:$0x11]  }
0x532: {  	[hbm4b:s17+s3] =	stream.linear.scatter [tilespmem:s19], [sflag:$0x2], $0xE000, $0x38;
	[tilespmem:$0x1D000] =	vst v63  }
0x533: {  	_ =	swait.ge [sflag:s9], $0xE000  }
0x534: {  	[sflag:s9] =	ssyncset.done $0x0  }
0x535: {  	[sflag:s9] =	ssyncadd.s32 $0xFFFF2000  }
0x536: {  	_ =	swait.ge [sflag:s14], $0xC800  }
0x537: {  	[sflag:s14] =	ssyncset.done $0x0  }
0x538: {  	[sflag:s14] =	ssyncadd.s32 $0xFFFF3800  }
0x539: {  	v3 =	vld [tilespmem:$0x780];
	_ =	sdelay $0x4  }
0x53a: {  	v52 =	vshll.u32 v3, $0x3  }
0x53b: {  	v3 =	vand.u32 $0x7, v3;
	v4 =	vand.u32 $0xFFFFFFC0, v52  }
0x53c: {  	v3 =	vor.u32 v3, v4  }
0x53d: {  	v4 =	vperm.xlane v3, v0;
	_ =	sdelay $0x1  }
0x53e: {  	v4 =	vadd.s32 v1, v4;
	_ =	sdelay $0x4  }
0x53f: {  	[tilespmem:s19], [sflag:$0x1] =	stream.indirect_vreg.gather [hbm4b:s2+s3], $0x80, v4, vm0, $0xb8;
	[tilespmem:$0x1D000] =	vst v63  }
0x540: {  	s20 =	simm.s32 $0xF800;
	v3 =	vperm.xlane v3, v2  }
0x541: {  	[tilespmem:s20], [sflag:$0x1] =	stream.indirect_vreg.gather [hbm4b:s5+s3], $0x80, v4, vm0, $0xb8;
	[tilespmem:$0x1D000] =	vst v63  }
0x542: {  	s17 =	simm.s32 $0x10000;
	v3 =	vadd.s32 v1, v3  }
0x543: {  	[tilespmem:s17], [sflag:$0x1] =	stream.indirect_vreg.gather [hbm4b:s6+s3], $0x80, v4, vm0, $0xb8;
	[tilespmem:$0x1D000] =	vst v63  }
0x544: {  	s18 =	simm.s32 $0x10800  }
0x545: {  	[tilespmem:s18], [sflag:$0x1] =	stream.indirect_vreg.gather [hbm4b:s7+s3], $0x80, v4, vm0, $0xb8;
	[tilespmem:$0x1D000] =	vst v63  }
0x546: {  	s19 =	simm.s32 $0x11000  }
0x547: {  	[tilespmem:s19], [sflag:$0x1] =	stream.indirect_vreg.gather [hbm4b:s2+s3], $0x80, v3, vm0, $0xb8;
	[tilespmem:$0x1D000] =	vst v63  }
0x548: {  	s20 =	simm.s32 $0x11800  }
0x549: {  	[tilespmem:s20], [sflag:$0x1] =	stream.indirect_vreg.gather [hbm4b:s5+s3], $0x80, v3, vm0, $0xb8;
	[tilespmem:$0x1D000] =	vst v63  }
0x54a: {  	s22 =	simm.s32 $0x12000  }
0x54b: {  	[tilespmem:s22], [sflag:$0x1] =	stream.indirect_vreg.gather [hbm4b:s6+s3], $0x80, v3, vm0, $0xb8;
	[tilespmem:$0x1D000] =	vst v63  }
0x54c: {  	_ = 	snop  }
0x54d: {  	[tilespmem:s0], [sflag:$0x1] =	stream.indirect_vreg.gather [hbm4b:s7+s3], $0x80, v3, vm0, $0xb8;
	[tilespmem:$0x1D000] =	vst v63  }
0x54e: {  	v3 =	vld [tilespmem:$0x790];
	_ =	sdelay $0x4  }
0x54f: {  	v53 =	vshll.u32 v3, $0x3  }
0x550: {  	v3 =	vand.u32 $0x7, v3;
	v4 =	vand.u32 $0xFFFFFFC0, v53  }
0x551: {  	v3 =	vor.u32 v3, v4  }
0x552: {  	v4 =	vperm.xlane v3, v0;
	_ =	sdelay $0x1  }
0x553: {  	v4 =	vadd.s32 v1, v4;
	_ =	sdelay $0x4  }
0x554: {  	[tilespmem:s31], [sflag:$0x1] =	stream.indirect_vreg.gather [hbm4b:s2+s3], $0x80, v4, vm0, $0xb8;
	[tilespmem:$0x1D000] =	vst v63  }
0x555: {  	v3 =	vperm.xlane v3, v2  }
0x556: {  	[tilespmem:s13], [sflag:$0x1] =	stream.indirect_vreg.gather [hbm4b:s5+s3], $0x80, v4, vm0, $0xb8;
	[tilespmem:$0x1D000] =	vst v63  }
0x557: {  	v3 =	vadd.s32 v1, v3;
	s13 =	simm.s32 $0x14000  }
0x558: {  	[tilespmem:s13], [sflag:$0x1] =	stream.indirect_vreg.gather [hbm4b:s6+s3], $0x80, v4, vm0, $0xb8;
	[tilespmem:$0x1D000] =	vst v63  }
0x559: {  	s24 =	simm.s32 $0x14800  }
0x55a: {  	[tilespmem:s24], [sflag:$0x1] =	stream.indirect_vreg.gather [hbm4b:s7+s3], $0x80, v4, vm0, $0xb8;
	[tilespmem:$0x1D000] =	vst v63  }
0x55b: {  	s26 =	simm.s32 $0x15000  }
0x55c: {  	[tilespmem:s26], [sflag:$0x1] =	stream.indirect_vreg.gather [hbm4b:s2+s3], $0x80, v3, vm0, $0xb8;
	[tilespmem:$0x1D000] =	vst v63  }
0x55d: {  	s31 =	simm.s32 $0x15800  }
0x55e: {  	[tilespmem:s31], [sflag:$0x1] =	stream.indirect_vreg.gather [hbm4b:s5+s3], $0x80, v3, vm0, $0xb8;
	[tilespmem:$0x1D000] =	vst v63  }
0x55f: {  	s21 =	simm.s32 $0x16000  }
0x560: {  	[tilespmem:s21], [sflag:$0x1] =	stream.indirect_vreg.gather [hbm4b:s6+s3], $0x80, v3, vm0, $0xb8;
	[tilespmem:$0x1D000] =	vst v63  }
0x561: {  	_ = 	snop  }
0x562: {  	[tilespmem:s1], [sflag:$0x1] =	stream.indirect_vreg.gather [hbm4b:s7+s3], $0x80, v3, vm0, $0xb8;
	[tilespmem:$0x1D000] =	vst v63  }
0x563: {  	v3 =	vld [tilespmem:$0x7A0];
	_ =	sdelay $0x4  }
0x564: {  	v54 =	vshll.u32 v3, $0x3  }
0x565: {  	v3 =	vand.u32 $0x7, v3;
	v4 =	vand.u32 $0xFFFFFFC0, v54  }
0x566: {  	v3 =	vor.u32 v3, v4  }
0x567: {  	v4 =	vperm.xlane v3, v0;
	_ =	sdelay $0x1  }
0x568: {  	v4 =	vadd.s32 v1, v4;
	_ =	sdelay $0x4  }
0x569: {  	[tilespmem:s29], [sflag:$0x1] =	stream.indirect_vreg.gather [hbm4b:s2+s3], $0x80, v4, vm0, $0xb8;
	[tilespmem:$0x1D000] =	vst v63  }
0x56a: {  	v3 =	vperm.xlane v3, v2  }
0x56b: {  	[tilespmem:s30], [sflag:$0x1] =	stream.indirect_vreg.gather [hbm4b:s5+s3], $0x80, v4, vm0, $0xb8;
	[tilespmem:$0x1D000] =	vst v63  }
0x56c: {  	v3 =	vadd.s32 v1, v3;
	s29 =	simm.s32 $0x18000  }
0x56d: {  	[tilespmem:s29], [sflag:$0x1] =	stream.indirect_vreg.gather [hbm4b:s6+s3], $0x80, v4, vm0, $0xb8;
	[tilespmem:$0x1D000] =	vst v63  }
0x56e: {  	s30 =	simm.s32 $0x18800  }
0x56f: {  	[tilespmem:s30], [sflag:$0x1] =	stream.indirect_vreg.gather [hbm4b:s7+s3], $0x80, v4, vm0, $0xb8;
	[tilespmem:$0x1D000] =	vst v63  }
0x570: {  	s11 =	simm.s32 $0x19000  }
0x571: {  	[tilespmem:s11], [sflag:$0x1] =	stream.indirect_vreg.gather [hbm4b:s2+s3], $0x80, v3, vm0, $0xb8;
	[tilespmem:$0x1D000] =	vst v63  }
0x572: {  	s21 =	simm.s32 $0x19800  }
0x573: {  	[tilespmem:s21], [sflag:$0x1] =	stream.indirect_vreg.gather [hbm4b:s5+s3], $0x80, v3, vm0, $0xb8;
	[tilespmem:$0x1D000] =	vst v63  }
0x574: {  	s1 =	simm.s32 $0x1A000  }
0x575: {  	[tilespmem:s1], [sflag:$0x1] =	stream.indirect_vreg.gather [hbm4b:s6+s3], $0x80, v3, vm0, $0xb8;
	[tilespmem:$0x1D000] =	vst v63  }
0x576: {  	_ = 	snop  }
0x577: {  	[tilespmem:s4], [sflag:$0x1] =	stream.indirect_vreg.gather [hbm4b:s7+s3], $0x80, v3, vm0, $0xb8;
	[tilespmem:$0x1D000] =	vst v63  }
0x578: {  	v3 =	vld.msk [tilespmem:$0x7B0], $0x3;
	_ =	sdelay $0x4  }
0x579: {  	v55 =	vshll.u32 v3, $0x3  }
0x57a: {  	v3 =	vand.u32 $0x7, v3;
	v4 =	vand.u32 $0xFFFFFFC0, v55  }
0x57b: {  	v3 =	vor.u32 v3, v4  }
0x57c: {  	v3 =	vperm.xlane v3, v0;
	_ =	sdelay $0x1  }
0x57d: {  	v3 =	vadd.s32 v1, v3;
	_ =	sdelay $0x3  }
0x57e: {  	s11 =	simm.s32 $0x1B000  }
0x57f: {  	[tilespmem:s11], [sflag:$0x1] =	stream.indirect_vreg.gather [hbm4b:s2+s3], $0x80, v3, vm1, $0xb8;
	[tilespmem:$0x1D000] =	vst v63  }
0x580: {  	s21 =	simm.s32 $0x1B800  }
0x581: {  	[tilespmem:s21], [sflag:$0x1] =	stream.indirect_vreg.gather [hbm4b:s5+s3], $0x80, v3, vm1, $0xb8;
	[tilespmem:$0x1D000] =	vst v63  }
0x582: {  	_ = 	snop  }
0x583: {  	[tilespmem:s28], [sflag:$0x1] =	stream.indirect_vreg.gather [hbm4b:s6+s3], $0x80, v3, vm1, $0xb8;
	[tilespmem:$0x1D000] =	vst v63  }
0x584: {  	_ = 	snop  }
0x585: {  	[tilespmem:s25], [sflag:$0x1] =	stream.indirect_vreg.gather [hbm4b:s7+s3], $0x80, v3, vm1, $0xb8;
	[tilespmem:$0x1D000] =	vst v63  }
0x586: {  	s0 =	rddreg [dreg:$0x12];
	s1 =	simm.s32 $0x1000  }
0x587: {  	[hbm4b:s0+s3] =	stream.linear.scatter [tilespmem:s1], [sflag:$0x2], $0xE000, $0x38;
	[tilespmem:$0x1D000] =	vst v63  }
0x588: {  	_ =	swait.ge [sflag:s9], $0xE000  }
0x589: {  	[sflag:s9] =	ssyncset.done $0x0  }
0x58a: {  	[sflag:s9] =	ssyncadd.s32 $0xFFFF2000  }
0x58b: {  	_ =	swait.ge [sflag:s14], $0xC800  }
0x58c: {  	[sflag:s14] =	ssyncset.done $0x0  }
0x58d: {  	[sflag:s14] =	ssyncadd.s32 $0xFFFF3800  }
0x58e: {  	v3 =	vld [tilespmem:$0x800];
	_ =	sdelay $0x4  }
0x58f: {  	v56 =	vshll.u32 v3, $0x3  }
0x590: {  	v3 =	vand.u32 $0x7, v3;
	v4 =	vand.u32 $0xFFFFFFC0, v56  }
0x591: {  	v3 =	vor.u32 v3, v4  }
0x592: {  	v4 =	vperm.xlane v3, v0;
	_ =	sdelay $0x1  }
0x593: {  	v4 =	vadd.s32 v1, v4;
	_ =	sdelay $0x4  }
0x594: {  	[tilespmem:s1], [sflag:$0x1] =	stream.indirect_vreg.gather [hbm4b:s2+s3], $0x80, v4, vm0, $0xb8;
	[tilespmem:$0x1D000] =	vst v63  }
0x595: {  	s4 =	simm.s32 $0x1800;
	v3 =	vperm.xlane v3, v2  }
0x596: {  	[tilespmem:s4], [sflag:$0x1] =	stream.indirect_vreg.gather [hbm4b:s5+s3], $0x80, v4, vm0, $0xb8;
	[tilespmem:$0x1D000] =	vst v63  }
0x597: {  	s25 =	simm.s32 $0x2000;
	v3 =	vadd.s32 v1, v3  }
0x598: {  	[tilespmem:s25], [sflag:$0x1] =	stream.indirect_vreg.gather [hbm4b:s6+s3], $0x80, v4, vm0, $0xb8;
	[tilespmem:$0x1D000] =	vst v63  }
0x599: {  	s11 =	simm.s32 $0x2800  }
0x59a: {  	[tilespmem:s11], [sflag:$0x1] =	stream.indirect_vreg.gather [hbm4b:s7+s3], $0x80, v4, vm0, $0xb8;
	[tilespmem:$0x1D000] =	vst v63  }
0x59b: {  	s21 =	simm.s32 $0x3000  }
0x59c: {  	[tilespmem:s21], [sflag:$0x1] =	stream.indirect_vreg.gather [hbm4b:s2+s3], $0x80, v3, vm0, $0xb8;
	[tilespmem:$0x1D000] =	vst v63  }
0x59d: {  	s11 =	simm.s32 $0x3800  }
0x59e: {  	[tilespmem:s11], [sflag:$0x1] =	stream.indirect_vreg.gather [hbm4b:s5+s3], $0x80, v3, vm0, $0xb8;
	[tilespmem:$0x1D000] =	vst v63  }
0x59f: {  	s28 =	simm.s32 $0x4000  }
0x5a0: {  	[tilespmem:s28], [sflag:$0x1] =	stream.indirect_vreg.gather [hbm4b:s6+s3], $0x80, v3, vm0, $0xb8;
	[tilespmem:$0x1D000] =	vst v63  }
0x5a1: {  	s1 =	simm.s32 $0x4800  }
0x5a2: {  	[tilespmem:s1], [sflag:$0x1] =	stream.indirect_vreg.gather [hbm4b:s7+s3], $0x80, v3, vm0, $0xb8;
	[tilespmem:$0x1D000] =	vst v63  }
0x5a3: {  	v3 =	vld [tilespmem:$0x810];
	_ =	sdelay $0x4  }
0x5a4: {  	v57 =	vshll.u32 v3, $0x3  }
0x5a5: {  	v3 =	vand.u32 $0x7, v3;
	v4 =	vand.u32 $0xFFFFFFC0, v57  }
0x5a6: {  	v3 =	vor.u32 v3, v4  }
0x5a7: {  	v4 =	vperm.xlane v3, v0;
	_ =	sdelay $0x1  }
0x5a8: {  	v4 =	vadd.s32 v1, v4;
	_ =	sdelay $0x4  }
0x5a9: {  	[tilespmem:s16], [sflag:$0x1] =	stream.indirect_vreg.gather [hbm4b:s2+s3], $0x80, v4, vm0, $0xb8;
	[tilespmem:$0x1D000] =	vst v63  }
0x5aa: {  	v3 =	vperm.xlane v3, v2  }
0x5ab: {  	[tilespmem:s23], [sflag:$0x1] =	stream.indirect_vreg.gather [hbm4b:s5+s3], $0x80, v4, vm0, $0xb8;
	[tilespmem:$0x1D000] =	vst v63  }
0x5ac: {  	s4 =	simm.s32 $0x6000;
	v3 =	vadd.s32 v1, v3  }
0x5ad: {  	[tilespmem:s4], [sflag:$0x1] =	stream.indirect_vreg.gather [hbm4b:s6+s3], $0x80, v4, vm0, $0xb8;
	[tilespmem:$0x1D000] =	vst v63  }
0x5ae: {  	s21 =	simm.s32 $0x6800  }
0x5af: {  	[tilespmem:s21], [sflag:$0x1] =	stream.indirect_vreg.gather [hbm4b:s7+s3], $0x80, v4, vm0, $0xb8;
	[tilespmem:$0x1D000] =	vst v63  }
0x5b0: {  	s28 =	simm.s32 $0x7000  }
0x5b1: {  	[tilespmem:s28], [sflag:$0x1] =	stream.indirect_vreg.gather [hbm4b:s2+s3], $0x80, v3, vm0, $0xb8;
	[tilespmem:$0x1D000] =	vst v63  }
0x5b2: {  	s1 =	simm.s32 $0x7800  }
0x5b3: {  	[tilespmem:s1], [sflag:$0x1] =	stream.indirect_vreg.gather [hbm4b:s5+s3], $0x80, v3, vm0, $0xb8;
	[tilespmem:$0x1D000] =	vst v63  }
0x5b4: {  	s4 =	simm.s32 $0x8000  }
0x5b5: {  	[tilespmem:s4], [sflag:$0x1] =	stream.indirect_vreg.gather [hbm4b:s6+s3], $0x80, v3, vm0, $0xb8;
	[tilespmem:$0x1D000] =	vst v63  }
0x5b6: {  	s21 =	simm.s32 $0x8800  }
0x5b7: {  	[tilespmem:s21], [sflag:$0x1] =	stream.indirect_vreg.gather [hbm4b:s7+s3], $0x80, v3, vm0, $0xb8;
	[tilespmem:$0x1D000] =	vst v63  }
0x5b8: {  	v3 =	vld [tilespmem:$0x820];
	_ =	sdelay $0x4  }
0x5b9: {  	v58 =	vshll.u32 v3, $0x3  }
0x5ba: {  	v3 =	vand.u32 $0x7, v3;
	v4 =	vand.u32 $0xFFFFFFC0, v58  }
0x5bb: {  	v3 =	vor.u32 v3, v4  }
0x5bc: {  	v4 =	vperm.xlane v3, v0;
	_ =	sdelay $0x1  }
0x5bd: {  	v4 =	vadd.s32 v1, v4;
	_ =	sdelay $0x3  }
0x5be: {  	s28 =	simm.s32 $0x9000  }
0x5bf: {  	[tilespmem:s28], [sflag:$0x1] =	stream.indirect_vreg.gather [hbm4b:s2+s3], $0x80, v4, vm0, $0xb8;
	[tilespmem:$0x1D000] =	vst v63  }
0x5c0: {  	s1 =	simm.s32 $0x9800;
	v3 =	vperm.xlane v3, v2  }
0x5c1: {  	[tilespmem:s1], [sflag:$0x1] =	stream.indirect_vreg.gather [hbm4b:s5+s3], $0x80, v4, vm0, $0xb8;
	[tilespmem:$0x1D000] =	vst v63  }
0x5c2: {  	s4 =	simm.s32 $0xA000;
	v3 =	vadd.s32 v1, v3  }
0x5c3: {  	[tilespmem:s4], [sflag:$0x1] =	stream.indirect_vreg.gather [hbm4b:s6+s3], $0x80, v4, vm0, $0xb8;
	[tilespmem:$0x1D000] =	vst v63  }
0x5c4: {  	s21 =	simm.s32 $0xA800  }
0x5c5: {  	[tilespmem:s21], [sflag:$0x1] =	stream.indirect_vreg.gather [hbm4b:s7+s3], $0x80, v4, vm0, $0xb8;
	[tilespmem:$0x1D000] =	vst v63  }
0x5c6: {  	s28 =	simm.s32 $0xB000  }
0x5c7: {  	[tilespmem:s28], [sflag:$0x1] =	stream.indirect_vreg.gather [hbm4b:s2+s3], $0x80, v3, vm0, $0xb8;
	[tilespmem:$0x1D000] =	vst v63  }
0x5c8: {  	s1 =	simm.s32 $0xB800  }
0x5c9: {  	[tilespmem:s1], [sflag:$0x1] =	stream.indirect_vreg.gather [hbm4b:s5+s3], $0x80, v3, vm0, $0xb8;
	[tilespmem:$0x1D000] =	vst v63  }
0x5ca: {  	s4 =	simm.s32 $0xC000  }
0x5cb: {  	[tilespmem:s4], [sflag:$0x1] =	stream.indirect_vreg.gather [hbm4b:s6+s3], $0x80, v3, vm0, $0xb8;
	[tilespmem:$0x1D000] =	vst v63  }
0x5cc: {  	_ = 	snop  }
0x5cd: {  	[tilespmem:s8], [sflag:$0x1] =	stream.indirect_vreg.gather [hbm4b:s7+s3], $0x80, v3, vm0, $0xb8;
	[tilespmem:$0x1D000] =	vst v63  }
0x5ce: {  	v3 =	vld.msk [tilespmem:$0x830], $0x3;
	_ =	sdelay $0x4  }
0x5cf: {  	v59 =	vshll.u32 v3, $0x3  }
0x5d0: {  	v3 =	vand.u32 $0x7, v3;
	v4 =	vand.u32 $0xFFFFFFC0, v59  }
0x5d1: {  	v3 =	vor.u32 v3, v4  }
0x5d2: {  	v3 =	vperm.xlane v3, v0;
	_ =	sdelay $0x1  }
0x5d3: {  	v3 =	vadd.s32 v1, v3;
	_ =	sdelay $0x4  }
0x5d4: {  	[tilespmem:s10], [sflag:$0x1] =	stream.indirect_vreg.gather [hbm4b:s2+s3], $0x80, v3, vm1, $0xb8;
	[tilespmem:$0x1D000] =	vst v63  }
0x5d5: {  	_ = 	snop  }
0x5d6: {  	[tilespmem:s12], [sflag:$0x1] =	stream.indirect_vreg.gather [hbm4b:s5+s3], $0x80, v3, vm1, $0xb8;
	[tilespmem:$0x1D000] =	vst v63  }
0x5d7: {  	_ = 	snop  }
0x5d8: {  	[tilespmem:s15], [sflag:$0x1] =	stream.indirect_vreg.gather [hbm4b:s6+s3], $0x80, v3, vm1, $0xb8;
	[tilespmem:$0x1D000] =	vst v63  }
0x5d9: {  	s12 =	simm.s32 $0xE800  }
0x5da: {  	[tilespmem:s12], [sflag:$0x1] =	stream.indirect_vreg.gather [hbm4b:s7+s3], $0x80, v3, vm1, $0xb8;
	[tilespmem:$0x1D000] =	vst v63  }
0x5db: {  	s10 =	rddreg [dreg:$0x13];
	s15 =	simm.s32 $0xF000  }
0x5dc: {  	[hbm4b:s10+s3] =	stream.linear.scatter [tilespmem:s15], [sflag:$0x2], $0xE000, $0x38;
	[tilespmem:$0x1D000] =	vst v63  }
0x5dd: {  	_ =	swait.ge [sflag:s9], $0xE000  }
0x5de: {  	[sflag:s9] =	ssyncset.done $0x0  }
0x5df: {  	[sflag:s9] =	ssyncadd.s32 $0xFFFF2000  }
0x5e0: {  	_ =	swait.ge [sflag:s14], $0xC800  }
0x5e1: {  	[sflag:s14] =	ssyncset.done $0x0  }
0x5e2: {  	[sflag:s14] =	ssyncadd.s32 $0xFFFF3800  }
0x5e3: {  	v3 =	vld [tilespmem:$0x880];
	_ =	sdelay $0x4  }
0x5e4: {  	v60 =	vshll.u32 v3, $0x3  }
0x5e5: {  	v3 =	vand.u32 $0x7, v3;
	v4 =	vand.u32 $0xFFFFFFC0, v60  }
0x5e6: {  	v3 =	vor.u32 v3, v4  }
0x5e7: {  	v4 =	vperm.xlane v3, v0;
	_ =	sdelay $0x1  }
0x5e8: {  	v4 =	vadd.s32 v1, v4;
	_ =	sdelay $0x4  }
0x5e9: {  	[tilespmem:s15], [sflag:$0x1] =	stream.indirect_vreg.gather [hbm4b:s2+s3], $0x80, v4, vm0, $0xb8;
	[tilespmem:$0x1D000] =	vst v63  }
0x5ea: {  	s8 =	simm.s32 $0xF800;
	v3 =	vperm.xlane v3, v2  }
0x5eb: {  	[tilespmem:s8], [sflag:$0x1] =	stream.indirect_vreg.gather [hbm4b:s5+s3], $0x80, v4, vm0, $0xb8;
	[tilespmem:$0x1D000] =	vst v63  }
0x5ec: {  	v3 =	vadd.s32 v1, v3  }
0x5ed: {  	[tilespmem:s17], [sflag:$0x1] =	stream.indirect_vreg.gather [hbm4b:s6+s3], $0x80, v4, vm0, $0xb8;
	[tilespmem:$0x1D000] =	vst v63  }
0x5ee: {  	_ = 	snop  }
0x5ef: {  	[tilespmem:s18], [sflag:$0x1] =	stream.indirect_vreg.gather [hbm4b:s7+s3], $0x80, v4, vm0, $0xb8;
	[tilespmem:$0x1D000] =	vst v63  }
0x5f0: {  	_ = 	snop  }
0x5f1: {  	[tilespmem:s19], [sflag:$0x1] =	stream.indirect_vreg.gather [hbm4b:s2+s3], $0x80, v3, vm0, $0xb8;
	[tilespmem:$0x1D000] =	vst v63  }
0x5f2: {  	_ = 	snop  }
0x5f3: {  	[tilespmem:s20], [sflag:$0x1] =	stream.indirect_vreg.gather [hbm4b:s5+s3], $0x80, v3, vm0, $0xb8;
	[tilespmem:$0x1D000] =	vst v63  }
0x5f4: {  	_ = 	snop  }
0x5f5: {  	[tilespmem:s22], [sflag:$0x1] =	stream.indirect_vreg.gather [hbm4b:s6+s3], $0x80, v3, vm0, $0xb8;
	[tilespmem:$0x1D000] =	vst v63  }
0x5f6: {  	s0 =	simm.s32 $0x12800  }
0x5f7: {  	[tilespmem:s0], [sflag:$0x1] =	stream.indirect_vreg.gather [hbm4b:s7+s3], $0x80, v3, vm0, $0xb8;
	[tilespmem:$0x1D000] =	vst v63  }
0x5f8: {  	v3 =	vld [tilespmem:$0x890];
	_ =	sdelay $0x4  }
0x5f9: {  	v61 =	vshll.u32 v3, $0x3  }
0x5fa: {  	v3 =	vand.u32 $0x7, v3;
	v4 =	vand.u32 $0xFFFFFFC0, v61  }
0x5fb: {  	v3 =	vor.u32 v3, v4  }
0x5fc: {  	v4 =	vperm.xlane v3, v0;
	_ =	sdelay $0x1  }
0x5fd: {  	v4 =	vadd.s32 v1, v4;
	_ =	sdelay $0x3  }
0x5fe: {  	s28 =	simm.s32 $0x13000  }
0x5ff: {  	[tilespmem:s28], [sflag:$0x1] =	stream.indirect_vreg.gather [hbm4b:s2+s3], $0x80, v4, vm0, $0xb8;
	[tilespmem:$0x1D000] =	vst v63  }
0x600: {  	s22 =	simm.s32 $0x13800;
	v3 =	vperm.xlane v3, v2  }
0x601: {  	[tilespmem:s22], [sflag:$0x1] =	stream.indirect_vreg.gather [hbm4b:s5+s3], $0x80, v4, vm0, $0xb8;
	[tilespmem:$0x1D000] =	vst v63  }
0x602: {  	v3 =	vadd.s32 v1, v3  }
0x603: {  	[tilespmem:s13], [sflag:$0x1] =	stream.indirect_vreg.gather [hbm4b:s6+s3], $0x80, v4, vm0, $0xb8;
	[tilespmem:$0x1D000] =	vst v63  }
0x604: {  	_ = 	snop  }
0x605: {  	[tilespmem:s24], [sflag:$0x1] =	stream.indirect_vreg.gather [hbm4b:s7+s3], $0x80, v4, vm0, $0xb8;
	[tilespmem:$0x1D000] =	vst v63  }
0x606: {  	_ = 	snop  }
0x607: {  	[tilespmem:s26], [sflag:$0x1] =	stream.indirect_vreg.gather [hbm4b:s2+s3], $0x80, v3, vm0, $0xb8;
	[tilespmem:$0x1D000] =	vst v63  }
0x608: {  	_ = 	snop  }
0x609: {  	[tilespmem:s31], [sflag:$0x1] =	stream.indirect_vreg.gather [hbm4b:s5+s3], $0x80, v3, vm0, $0xb8;
	[tilespmem:$0x1D000] =	vst v63  }
0x60a: {  	s4 =	simm.s32 $0x16000  }
0x60b: {  	[tilespmem:s4], [sflag:$0x1] =	stream.indirect_vreg.gather [hbm4b:s6+s3], $0x80, v3, vm0, $0xb8;
	[tilespmem:$0x1D000] =	vst v63  }
0x60c: {  	s1 =	simm.s32 $0x16800  }
0x60d: {  	[tilespmem:s1], [sflag:$0x1] =	stream.indirect_vreg.gather [hbm4b:s7+s3], $0x80, v3, vm0, $0xb8;
	[tilespmem:$0x1D000] =	vst v63  }
0x60e: {  	v3 =	vld [tilespmem:$0x8A0];
	_ =	sdelay $0x4  }
0x60f: {  	v62 =	vshll.u32 v3, $0x3  }
0x610: {  	v3 =	vand.u32 $0x7, v3;
	v4 =	vand.u32 $0xFFFFFFC0, v62  }
0x611: {  	v3 =	vor.u32 v3, v4  }
0x612: {  	v4 =	vperm.xlane v3, v0;
	_ =	sdelay $0x1  }
0x613: {  	v4 =	vadd.s32 v1, v4;
	_ =	sdelay $0x3  }
0x614: {  	s10 =	simm.s32 $0x17000  }
0x615: {  	[tilespmem:s10], [sflag:$0x1] =	stream.indirect_vreg.gather [hbm4b:s2+s3], $0x80, v4, vm0, $0xb8;
	[tilespmem:$0x1D000] =	vst v63  }
0x616: {  	s12 =	simm.s32 $0x17800;
	v3 =	vperm.xlane v3, v2  }
0x617: {  	[tilespmem:s12], [sflag:$0x1] =	stream.indirect_vreg.gather [hbm4b:s5+s3], $0x80, v4, vm0, $0xb8;
	[tilespmem:$0x1D000] =	vst v63  }
0x618: {  	v3 =	vadd.s32 v1, v3  }
0x619: {  	[tilespmem:s29], [sflag:$0x1] =	stream.indirect_vreg.gather [hbm4b:s6+s3], $0x80, v4, vm0, $0xb8;
	[tilespmem:$0x1D000] =	vst v63  }
0x61a: {  	_ = 	snop  }
0x61b: {  	[tilespmem:s30], [sflag:$0x1] =	stream.indirect_vreg.gather [hbm4b:s7+s3], $0x80, v4, vm0, $0xb8;
	[tilespmem:$0x1D000] =	vst v63  }
0x61c: {  	s13 =	simm.s32 $0x19000  }
0x61d: {  	[tilespmem:s13], [sflag:$0x1] =	stream.indirect_vreg.gather [hbm4b:s2+s3], $0x80, v3, vm0, $0xb8;
	[tilespmem:$0x1D000] =	vst v63  }
0x61e: {  	s15 =	simm.s32 $0x19800  }
0x61f: {  	[tilespmem:s15], [sflag:$0x1] =	stream.indirect_vreg.gather [hbm4b:s5+s3], $0x80, v3, vm0, $0xb8;
	[tilespmem:$0x1D000] =	vst v63  }
0x620: {  	s17 =	simm.s32 $0x1A000  }
0x621: {  	[tilespmem:s17], [sflag:$0x1] =	stream.indirect_vreg.gather [hbm4b:s6+s3], $0x80, v3, vm0, $0xb8;
	[tilespmem:$0x1D000] =	vst v63  }
0x622: {  	s4 =	simm.s32 $0x1A800  }
0x623: {  	[tilespmem:s4], [sflag:$0x1] =	stream.indirect_vreg.gather [hbm4b:s7+s3], $0x80, v3, vm0, $0xb8;
	[tilespmem:$0x1D000] =	vst v63  }
0x624: {  	v3 =	vld.msk [tilespmem:$0x8B0], $0x3;
	_ =	sdelay $0x4  }
0x625: {  	v63 =	vshll.u32 v3, $0x3  }
0x626: {  	v3 =	vand.u32 $0x7, v3;
	v4 =	vand.u32 $0xFFFFFFC0, v63  }
0x627: {  	v3 =	vor.u32 v3, v4  }
0x628: {  	v3 =	vperm.xlane v3, v0;
	_ =	sdelay $0x1  }
0x629: {  	v3 =	vadd.s32 v1, v3;
	_ =	sdelay $0x3  }
0x62a: {  	s18 =	simm.s32 $0x1B000  }
0x62b: {  	[tilespmem:s18], [sflag:$0x1] =	stream.indirect_vreg.gather [hbm4b:s2+s3], $0x80, v3, vm1, $0xb8;
	[tilespmem:$0x1D000] =	vst v63  }
0x62c: {  	s19 =	simm.s32 $0x1B800  }
0x62d: {  	[tilespmem:s19], [sflag:$0x1] =	stream.indirect_vreg.gather [hbm4b:s5+s3], $0x80, v3, vm1, $0xb8;
	[tilespmem:$0x1D000] =	vst v63  }
0x62e: {  	s31 =	simm.s32 $0x1C000  }
0x62f: {  	[tilespmem:s31], [sflag:$0x1] =	stream.indirect_vreg.gather [hbm4b:s6+s3], $0x80, v3, vm1, $0xb8;
	[tilespmem:$0x1D000] =	vst v63  }
0x630: {  	s22 =	simm.s32 $0x1C800  }
0x631: {  	[tilespmem:s22], [sflag:$0x1] =	stream.indirect_vreg.gather [hbm4b:s7+s3], $0x80, v3, vm1, $0xb8;
	[tilespmem:$0x1D000] =	vst v63  }
0x632: {  	s20 =	rddreg [dreg:$0x14];
	s24 =	simm.s32 $0x1000  }
0x633: {  	[hbm4b:s20+s3] =	stream.linear.scatter [tilespmem:s24], [sflag:$0x2], $0xE000, $0x38;
	[tilespmem:$0x1D000] =	vst v63  }
0x634: {  	_ =	swait.ge [sflag:s9], $0xE000  }
0x635: {  	[sflag:s9] =	ssyncset.done $0x0  }
0x636: {  	[sflag:s9] =	ssyncadd.s32 $0xFFFF2000  }
0x637: {  	_ =	swait.ge [sflag:s14], $0xC800  }
0x638: {  	[sflag:s14] =	ssyncset.done $0x0  }
0x639: {  	[sflag:s14] =	ssyncadd.s32 $0xFFFF3800  }
0x63a: {  	v3 =	vld [tilespmem:$0x900];
	_ =	sdelay $0x4  }
0x63b: {  	v8 =	vshll.u32 v3, $0x3  }
0x63c: {  	v3 =	vand.u32 $0x7, v3;
	v4 =	vand.u32 $0xFFFFFFC0, v8  }
0x63d: {  	v3 =	vor.u32 v3, v4  }
0x63e: {  	v4 =	vperm.xlane v3, v0;
	_ =	sdelay $0x1  }
0x63f: {  	v4 =	vadd.s32 v1, v4;
	_ =	sdelay $0x4  }
0x640: {  	[tilespmem:s24], [sflag:$0x1] =	stream.indirect_vreg.gather [hbm4b:s2+s3], $0x80, v4, vm0, $0xb8;
	[tilespmem:$0x1D000] =	vst v63  }
0x641: {  	s12 =	simm.s32 $0x1800;
	v3 =	vperm.xlane v3, v2  }
0x642: {  	[tilespmem:s12], [sflag:$0x1] =	stream.indirect_vreg.gather [hbm4b:s5+s3], $0x80, v4, vm0, $0xb8;
	[tilespmem:$0x1D000] =	vst v63  }
0x643: {  	v3 =	vadd.s32 v1, v3  }
0x644: {  	[tilespmem:s25], [sflag:$0x1] =	stream.indirect_vreg.gather [hbm4b:s6+s3], $0x80, v4, vm0, $0xb8;
	[tilespmem:$0x1D000] =	vst v63  }
0x645: {  	s26 =	simm.s32 $0x2800  }
0x646: {  	[tilespmem:s26], [sflag:$0x1] =	stream.indirect_vreg.gather [hbm4b:s7+s3], $0x80, v4, vm0, $0xb8;
	[tilespmem:$0x1D000] =	vst v63  }
0x647: {  	s29 =	simm.s32 $0x3000  }
0x648: {  	[tilespmem:s29], [sflag:$0x1] =	stream.indirect_vreg.gather [hbm4b:s2+s3], $0x80, v3, vm0, $0xb8;
	[tilespmem:$0x1D000] =	vst v63  }
0x649: {  	_ = 	snop  }
0x64a: {  	[tilespmem:s11], [sflag:$0x1] =	stream.indirect_vreg.gather [hbm4b:s5+s3], $0x80, v3, vm0, $0xb8;
	[tilespmem:$0x1D000] =	vst v63  }
0x64b: {  	s11 =	simm.s32 $0x4000  }
0x64c: {  	[tilespmem:s11], [sflag:$0x1] =	stream.indirect_vreg.gather [hbm4b:s6+s3], $0x80, v3, vm0, $0xb8;
	[tilespmem:$0x1D000] =	vst v63  }
0x64d: {  	s13 =	simm.s32 $0x4800  }
0x64e: {  	[tilespmem:s13], [sflag:$0x1] =	stream.indirect_vreg.gather [hbm4b:s7+s3], $0x80, v3, vm0, $0xb8;
	[tilespmem:$0x1D000] =	vst v63  }
0x64f: {  	v3 =	vld [tilespmem:$0x910];
	_ =	sdelay $0x4  }
0x650: {  	v9 =	vshll.u32 v3, $0x3  }
0x651: {  	v3 =	vand.u32 $0x7, v3;
	v4 =	vand.u32 $0xFFFFFFC0, v9  }
0x652: {  	v3 =	vor.u32 v3, v4  }
0x653: {  	v4 =	vperm.xlane v3, v0;
	_ =	sdelay $0x1  }
0x654: {  	v4 =	vadd.s32 v1, v4;
	_ =	sdelay $0x3  }
0x655: {  	s16 =	simm.s32 $0x5000  }
0x656: {  	[tilespmem:s16], [sflag:$0x1] =	stream.indirect_vreg.gather [hbm4b:s2+s3], $0x80, v4, vm0, $0xb8;
	[tilespmem:$0x1D000] =	vst v63  }
0x657: {  	s23 =	simm.s32 $0x5800;
	v3 =	vperm.xlane v3, v2  }
0x658: {  	[tilespmem:s23], [sflag:$0x1] =	stream.indirect_vreg.gather [hbm4b:s5+s3], $0x80, v4, vm0, $0xb8;
	[tilespmem:$0x1D000] =	vst v63  }
0x659: {  	s25 =	simm.s32 $0x6000;
	v3 =	vadd.s32 v1, v3  }
0x65a: {  	[tilespmem:s25], [sflag:$0x1] =	stream.indirect_vreg.gather [hbm4b:s6+s3], $0x80, v4, vm0, $0xb8;
	[tilespmem:$0x1D000] =	vst v63  }
0x65b: {  	s26 =	simm.s32 $0x6800  }
0x65c: {  	[tilespmem:s26], [sflag:$0x1] =	stream.indirect_vreg.gather [hbm4b:s7+s3], $0x80, v4, vm0, $0xb8;
	[tilespmem:$0x1D000] =	vst v63  }
0x65d: {  	s29 =	simm.s32 $0x7000  }
0x65e: {  	[tilespmem:s29], [sflag:$0x1] =	stream.indirect_vreg.gather [hbm4b:s2+s3], $0x80, v3, vm0, $0xb8;
	[tilespmem:$0x1D000] =	vst v63  }
0x65f: {  	s10 =	simm.s32 $0x7800  }
0x660: {  	[tilespmem:s10], [sflag:$0x1] =	stream.indirect_vreg.gather [hbm4b:s5+s3], $0x80, v3, vm0, $0xb8;
	[tilespmem:$0x1D000] =	vst v63  }
0x661: {  	s18 =	simm.s32 $0x8000  }
0x662: {  	[tilespmem:s18], [sflag:$0x1] =	stream.indirect_vreg.gather [hbm4b:s6+s3], $0x80, v3, vm0, $0xb8;
	[tilespmem:$0x1D000] =	vst v63  }
0x663: {  	s15 =	simm.s32 $0x8800  }
0x664: {  	[tilespmem:s15], [sflag:$0x1] =	stream.indirect_vreg.gather [hbm4b:s7+s3], $0x80, v3, vm0, $0xb8;
	[tilespmem:$0x1D000] =	vst v63  }
0x665: {  	v3 =	vld [tilespmem:$0x920];
	_ =	sdelay $0x4  }
0x666: {  	v10 =	vshll.u32 v3, $0x3  }
0x667: {  	v3 =	vand.u32 $0x7, v3;
	v4 =	vand.u32 $0xFFFFFFC0, v10  }
0x668: {  	v3 =	vor.u32 v3, v4  }
0x669: {  	v4 =	vperm.xlane v3, v0;
	_ =	sdelay $0x1  }
0x66a: {  	v4 =	vadd.s32 v1, v4;
	_ =	sdelay $0x3  }
0x66b: {  	s16 =	simm.s32 $0x9000  }
0x66c: {  	[tilespmem:s16], [sflag:$0x1] =	stream.indirect_vreg.gather [hbm4b:s2+s3], $0x80, v4, vm0, $0xb8;
	[tilespmem:$0x1D000] =	vst v63  }
0x66d: {  	s17 =	simm.s32 $0x9800;
	v3 =	vperm.xlane v3, v2  }
0x66e: {  	[tilespmem:s17], [sflag:$0x1] =	stream.indirect_vreg.gather [hbm4b:s5+s3], $0x80, v4, vm0, $0xb8;
	[tilespmem:$0x1D000] =	vst v63  }
0x66f: {  	s19 =	simm.s32 $0xA000;
	v3 =	vadd.s32 v1, v3  }
0x670: {  	[tilespmem:s19], [sflag:$0x1] =	stream.indirect_vreg.gather [hbm4b:s6+s3], $0x80, v4, vm0, $0xb8;
	[tilespmem:$0x1D000] =	vst v63  }
0x671: {  	s20 =	simm.s32 $0xA800  }
0x672: {  	[tilespmem:s20], [sflag:$0x1] =	stream.indirect_vreg.gather [hbm4b:s7+s3], $0x80, v4, vm0, $0xb8;
	[tilespmem:$0x1D000] =	vst v63  }
0x673: {  	s22 =	simm.s32 $0xB000  }
0x674: {  	[tilespmem:s22], [sflag:$0x1] =	stream.indirect_vreg.gather [hbm4b:s2+s3], $0x80, v3, vm0, $0xb8;
	[tilespmem:$0x1D000] =	vst v63  }
0x675: {  	s23 =	simm.s32 $0xB800  }
0x676: {  	[tilespmem:s23], [sflag:$0x1] =	stream.indirect_vreg.gather [hbm4b:s5+s3], $0x80, v3, vm0, $0xb8;
	[tilespmem:$0x1D000] =	vst v63  }
0x677: {  	s24 =	simm.s32 $0xC000  }
0x678: {  	[tilespmem:s24], [sflag:$0x1] =	stream.indirect_vreg.gather [hbm4b:s6+s3], $0x80, v3, vm0, $0xb8;
	[tilespmem:$0x1D000] =	vst v63  }
0x679: {  	s30 =	simm.s32 $0xC800  }
0x67a: {  	[tilespmem:s30], [sflag:$0x1] =	stream.indirect_vreg.gather [hbm4b:s7+s3], $0x80, v3, vm0, $0xb8;
	[tilespmem:$0x1D000] =	vst v63  }
0x67b: {  	v3 =	vld.msk [tilespmem:$0x930], $0x3;
	_ =	sdelay $0x4  }
0x67c: {  	v11 =	vshll.u32 v3, $0x3  }
0x67d: {  	v3 =	vand.u32 $0x7, v3;
	v4 =	vand.u32 $0xFFFFFFC0, v11  }
0x67e: {  	v3 =	vor.u32 v3, v4  }
0x67f: {  	v3 =	vperm.xlane v3, v0;
	_ =	sdelay $0x1  }
0x680: {  	v3 =	vadd.s32 v1, v3;
	_ =	sdelay $0x3  }
0x681: {  	s30 =	simm.s32 $0xD000  }
0x682: {  	[tilespmem:s30], [sflag:$0x1] =	stream.indirect_vreg.gather [hbm4b:s2+s3], $0x80, v3, vm1, $0xb8;
	[tilespmem:$0x1D000] =	vst v63  }
0x683: {  	s30 =	simm.s32 $0xD800  }
0x684: {  	[tilespmem:s30], [sflag:$0x1] =	stream.indirect_vreg.gather [hbm4b:s5+s3], $0x80, v3, vm1, $0xb8;
	[tilespmem:$0x1D000] =	vst v63  }
0x685: {  	s30 =	simm.s32 $0xE000  }
0x686: {  	[tilespmem:s30], [sflag:$0x1] =	stream.indirect_vreg.gather [hbm4b:s6+s3], $0x80, v3, vm1, $0xb8;
	[tilespmem:$0x1D000] =	vst v63  }
0x687: {  	s30 =	simm.s32 $0xE800  }
0x688: {  	[tilespmem:s30], [sflag:$0x1] =	stream.indirect_vreg.gather [hbm4b:s7+s3], $0x80, v3, vm1, $0xb8;
	[tilespmem:$0x1D000] =	vst v63  }
0x689: {  	s21 =	rddreg [dreg:$0x15];
	s30 =	simm.s32 $0xF000  }
0x68a: {  	[hbm4b:s21+s3] =	stream.linear.scatter [tilespmem:s30], [sflag:$0x2], $0xE000, $0x38;
	[tilespmem:$0x1D000] =	vst v63  }
0x68b: {  	_ =	swait.ge [sflag:s9], $0xE000  }
0x68c: {  	[sflag:s9] =	ssyncset.done $0x0  }
0x68d: {  	[sflag:s9] =	ssyncadd.s32 $0xFFFF2000  }
0x68e: {  	_ =	swait.ge [sflag:s14], $0xC800  }
0x68f: {  	[sflag:s14] =	ssyncset.done $0x0  }
0x690: {  	[sflag:s14] =	ssyncadd.s32 $0xFFFF3800  }
0x691: {  	v3 =	vld [tilespmem:$0x980];
	_ =	sdelay $0x4  }
0x692: {  	v12 =	vshll.u32 v3, $0x3  }
0x693: {  	v3 =	vand.u32 $0x7, v3;
	v4 =	vand.u32 $0xFFFFFFC0, v12  }
0x694: {  	v3 =	vor.u32 v3, v4  }
0x695: {  	v4 =	vperm.xlane v3, v0;
	_ =	sdelay $0x1  }
0x696: {  	v4 =	vadd.s32 v1, v4;
	_ =	sdelay $0x4  }
0x697: {  	[tilespmem:s30], [sflag:$0x1] =	stream.indirect_vreg.gather [hbm4b:s2+s3], $0x80, v4, vm0, $0xb8;
	[tilespmem:$0x1D000] =	vst v63  }
0x698: {  	v3 =	vperm.xlane v3, v2  }
0x699: {  	[tilespmem:s8], [sflag:$0x1] =	stream.indirect_vreg.gather [hbm4b:s5+s3], $0x80, v4, vm0, $0xb8;
	[tilespmem:$0x1D000] =	vst v63  }
0x69a: {  	v3 =	vadd.s32 v1, v3;
	s8 =	simm.s32 $0x10000  }
0x69b: {  	[tilespmem:s8], [sflag:$0x1] =	stream.indirect_vreg.gather [hbm4b:s6+s3], $0x80, v4, vm0, $0xb8;
	[tilespmem:$0x1D000] =	vst v63  }
0x69c: {  	s30 =	simm.s32 $0x10800  }
0x69d: {  	[tilespmem:s30], [sflag:$0x1] =	stream.indirect_vreg.gather [hbm4b:s7+s3], $0x80, v4, vm0, $0xb8;
	[tilespmem:$0x1D000] =	vst v63  }
0x69e: {  	s21 =	simm.s32 $0x11000  }
0x69f: {  	[tilespmem:s21], [sflag:$0x1] =	stream.indirect_vreg.gather [hbm4b:s2+s3], $0x80, v3, vm0, $0xb8;
	[tilespmem:$0x1D000] =	vst v63  }
0x6a0: {  	s21 =	simm.s32 $0x11800  }
0x6a1: {  	[tilespmem:s21], [sflag:$0x1] =	stream.indirect_vreg.gather [hbm4b:s5+s3], $0x80, v3, vm0, $0xb8;
	[tilespmem:$0x1D000] =	vst v63  }
0x6a2: {  	s21 =	simm.s32 $0x12000  }
0x6a3: {  	[tilespmem:s21], [sflag:$0x1] =	stream.indirect_vreg.gather [hbm4b:s6+s3], $0x80, v3, vm0, $0xb8;
	[tilespmem:$0x1D000] =	vst v63  }
0x6a4: {  	_ = 	snop  }
0x6a5: {  	[tilespmem:s0], [sflag:$0x1] =	stream.indirect_vreg.gather [hbm4b:s7+s3], $0x80, v3, vm0, $0xb8;
	[tilespmem:$0x1D000] =	vst v63  }
0x6a6: {  	v3 =	vld [tilespmem:$0x990];
	_ =	sdelay $0x4  }
0x6a7: {  	v13 =	vshll.u32 v3, $0x3  }
0x6a8: {  	v3 =	vand.u32 $0x7, v3;
	v4 =	vand.u32 $0xFFFFFFC0, v13  }
0x6a9: {  	v3 =	vor.u32 v3, v4  }
0x6aa: {  	v4 =	vperm.xlane v3, v0;
	_ =	sdelay $0x1  }
0x6ab: {  	v4 =	vadd.s32 v1, v4;
	_ =	sdelay $0x4  }
0x6ac: {  	[tilespmem:s28], [sflag:$0x1] =	stream.indirect_vreg.gather [hbm4b:s2+s3], $0x80, v4, vm0, $0xb8;
	[tilespmem:$0x1D000] =	vst v63  }
0x6ad: {  	v3 =	vperm.xlane v3, v2;
	s28 =	simm.s32 $0x13800  }
0x6ae: {  	[tilespmem:s28], [sflag:$0x1] =	stream.indirect_vreg.gather [hbm4b:s5+s3], $0x80, v4, vm0, $0xb8;
	[tilespmem:$0x1D000] =	vst v63  }
0x6af: {  	v3 =	vadd.s32 v1, v3;
	s28 =	simm.s32 $0x14000  }
0x6b0: {  	[tilespmem:s28], [sflag:$0x1] =	stream.indirect_vreg.gather [hbm4b:s6+s3], $0x80, v4, vm0, $0xb8;
	[tilespmem:$0x1D000] =	vst v63  }
0x6b1: {  	s21 =	simm.s32 $0x14800  }
0x6b2: {  	[tilespmem:s21], [sflag:$0x1] =	stream.indirect_vreg.gather [hbm4b:s7+s3], $0x80, v4, vm0, $0xb8;
	[tilespmem:$0x1D000] =	vst v63  }
0x6b3: {  	s21 =	simm.s32 $0x15000  }
0x6b4: {  	[tilespmem:s21], [sflag:$0x1] =	stream.indirect_vreg.gather [hbm4b:s2+s3], $0x80, v3, vm0, $0xb8;
	[tilespmem:$0x1D000] =	vst v63  }
0x6b5: {  	s21 =	simm.s32 $0x15800  }
0x6b6: {  	[tilespmem:s21], [sflag:$0x1] =	stream.indirect_vreg.gather [hbm4b:s5+s3], $0x80, v3, vm0, $0xb8;
	[tilespmem:$0x1D000] =	vst v63  }
0x6b7: {  	s21 =	simm.s32 $0x16000  }
0x6b8: {  	[tilespmem:s21], [sflag:$0x1] =	stream.indirect_vreg.gather [hbm4b:s6+s3], $0x80, v3, vm0, $0xb8;
	[tilespmem:$0x1D000] =	vst v63  }
0x6b9: {  	_ = 	snop  }
0x6ba: {  	[tilespmem:s1], [sflag:$0x1] =	stream.indirect_vreg.gather [hbm4b:s7+s3], $0x80, v3, vm0, $0xb8;
	[tilespmem:$0x1D000] =	vst v63  }
0x6bb: {  	v3 =	vld [tilespmem:$0x9A0];
	_ =	sdelay $0x4  }
0x6bc: {  	v14 =	vshll.u32 v3, $0x3  }
0x6bd: {  	v3 =	vand.u32 $0x7, v3;
	v4 =	vand.u32 $0xFFFFFFC0, v14  }
0x6be: {  	v3 =	vor.u32 v3, v4  }
0x6bf: {  	v4 =	vperm.xlane v3, v0;
	_ =	sdelay $0x1  }
0x6c0: {  	v4 =	vadd.s32 v1, v4;
	_ =	sdelay $0x3  }
0x6c1: {  	s21 =	simm.s32 $0x17000  }
0x6c2: {  	[tilespmem:s21], [sflag:$0x1] =	stream.indirect_vreg.gather [hbm4b:s2+s3], $0x80, v4, vm0, $0xb8;
	[tilespmem:$0x1D000] =	vst v63  }
0x6c3: {  	s1 =	simm.s32 $0x17800;
	v3 =	vperm.xlane v3, v2  }
0x6c4: {  	[tilespmem:s1], [sflag:$0x1] =	stream.indirect_vreg.gather [hbm4b:s5+s3], $0x80, v4, vm0, $0xb8;
	[tilespmem:$0x1D000] =	vst v63  }
0x6c5: {  	v3 =	vadd.s32 v1, v3;
	s1 =	simm.s32 $0x18000  }
0x6c6: {  	[tilespmem:s1], [sflag:$0x1] =	stream.indirect_vreg.gather [hbm4b:s6+s3], $0x80, v4, vm0, $0xb8;
	[tilespmem:$0x1D000] =	vst v63  }
0x6c7: {  	s21 =	simm.s32 $0x18800  }
0x6c8: {  	[tilespmem:s21], [sflag:$0x1] =	stream.indirect_vreg.gather [hbm4b:s7+s3], $0x80, v4, vm0, $0xb8;
	[tilespmem:$0x1D000] =	vst v63  }
0x6c9: {  	s21 =	simm.s32 $0x19000  }
0x6ca: {  	[tilespmem:s21], [sflag:$0x1] =	stream.indirect_vreg.gather [hbm4b:s2+s3], $0x80, v3, vm0, $0xb8;
	[tilespmem:$0x1D000] =	vst v63  }
0x6cb: {  	s21 =	simm.s32 $0x19800  }
0x6cc: {  	[tilespmem:s21], [sflag:$0x1] =	stream.indirect_vreg.gather [hbm4b:s5+s3], $0x80, v3, vm0, $0xb8;
	[tilespmem:$0x1D000] =	vst v63  }
0x6cd: {  	s21 =	simm.s32 $0x1A000  }
0x6ce: {  	[tilespmem:s21], [sflag:$0x1] =	stream.indirect_vreg.gather [hbm4b:s6+s3], $0x80, v3, vm0, $0xb8;
	[tilespmem:$0x1D000] =	vst v63  }
0x6cf: {  	_ = 	snop  }
0x6d0: {  	[tilespmem:s4], [sflag:$0x1] =	stream.indirect_vreg.gather [hbm4b:s7+s3], $0x80, v3, vm0, $0xb8;
	[tilespmem:$0x1D000] =	vst v63  }
0x6d1: {  	v3 =	vld.msk [tilespmem:$0x9B0], $0x3;
	_ =	sdelay $0x4  }
0x6d2: {  	v15 =	vshll.u32 v3, $0x3  }
0x6d3: {  	v3 =	vand.u32 $0x7, v3;
	v4 =	vand.u32 $0xFFFFFFC0, v15  }
0x6d4: {  	v3 =	vor.u32 v3, v4  }
0x6d5: {  	v3 =	vperm.xlane v3, v0;
	_ =	sdelay $0x1  }
0x6d6: {  	v3 =	vadd.s32 v1, v3;
	_ =	sdelay $0x3  }
0x6d7: {  	s4 =	simm.s32 $0x1B000  }
0x6d8: {  	[tilespmem:s4], [sflag:$0x1] =	stream.indirect_vreg.gather [hbm4b:s2+s3], $0x80, v3, vm1, $0xb8;
	[tilespmem:$0x1D000] =	vst v63  }
0x6d9: {  	s21 =	simm.s32 $0x1B800  }
0x6da: {  	[tilespmem:s21], [sflag:$0x1] =	stream.indirect_vreg.gather [hbm4b:s5+s3], $0x80, v3, vm1, $0xb8;
	[tilespmem:$0x1D000] =	vst v63  }
0x6db: {  	_ = 	snop  }
0x6dc: {  	[tilespmem:s31], [sflag:$0x1] =	stream.indirect_vreg.gather [hbm4b:s6+s3], $0x80, v3, vm1, $0xb8;
	[tilespmem:$0x1D000] =	vst v63  }
0x6dd: {  	s31 =	simm.s32 $0x1C800  }
0x6de: {  	[tilespmem:s31], [sflag:$0x1] =	stream.indirect_vreg.gather [hbm4b:s7+s3], $0x80, v3, vm1, $0xb8;
	[tilespmem:$0x1D000] =	vst v63  }
0x6df: {  	s0 =	simm.s32 $0x1000;
	s21 =	rddreg [dreg:$0x16]  }
0x6e0: {  	[hbm4b:s21+s3] =	stream.linear.scatter [tilespmem:s0], [sflag:$0x2], $0xE000, $0x38;
	[tilespmem:$0x1D000] =	vst v63  }
0x6e1: {  	_ =	swait.ge [sflag:s9], $0xE000  }
0x6e2: {  	[sflag:s9] =	ssyncset.done $0x0  }
0x6e3: {  	[sflag:s9] =	ssyncadd.s32 $0xFFFF2000  }
0x6e4: {  	_ =	swait.ge [sflag:s14], $0xC800  }
0x6e5: {  	[sflag:s14] =	ssyncset.done $0x0  }
0x6e6: {  	[sflag:s14] =	ssyncadd.s32 $0xFFFF3800  }
0x6e7: {  	v3 =	vld [tilespmem:$0xA00];
	_ =	sdelay $0x4  }
0x6e8: {  	v16 =	vshll.u32 v3, $0x3  }
0x6e9: {  	v3 =	vand.u32 $0x7, v3;
	v4 =	vand.u32 $0xFFFFFFC0, v16  }
0x6ea: {  	v3 =	vor.u32 v3, v4  }
0x6eb: {  	v4 =	vperm.xlane v3, v0;
	_ =	sdelay $0x1  }
0x6ec: {  	v4 =	vadd.s32 v1, v4;
	_ =	sdelay $0x4  }
0x6ed: {  	[tilespmem:s0], [sflag:$0x1] =	stream.indirect_vreg.gather [hbm4b:s2+s3], $0x80, v4, vm0, $0xb8;
	[tilespmem:$0x1D000] =	vst v63  }
0x6ee: {  	v3 =	vperm.xlane v3, v2  }
0x6ef: {  	[tilespmem:s12], [sflag:$0x1] =	stream.indirect_vreg.gather [hbm4b:s5+s3], $0x80, v4, vm0, $0xb8;
	[tilespmem:$0x1D000] =	vst v63  }
0x6f0: {  	v3 =	vadd.s32 v1, v3;
	s12 =	simm.s32 $0x2000  }
0x6f1: {  	[tilespmem:s12], [sflag:$0x1] =	stream.indirect_vreg.gather [hbm4b:s6+s3], $0x80, v4, vm0, $0xb8;
	[tilespmem:$0x1D000] =	vst v63  }
0x6f2: {  	s21 =	simm.s32 $0x2800  }
0x6f3: {  	[tilespmem:s21], [sflag:$0x1] =	stream.indirect_vreg.gather [hbm4b:s7+s3], $0x80, v4, vm0, $0xb8;
	[tilespmem:$0x1D000] =	vst v63  }
0x6f4: {  	s12 =	simm.s32 $0x3000  }
0x6f5: {  	[tilespmem:s12], [sflag:$0x1] =	stream.indirect_vreg.gather [hbm4b:s2+s3], $0x80, v3, vm0, $0xb8;
	[tilespmem:$0x1D000] =	vst v63  }
0x6f6: {  	s21 =	simm.s32 $0x3800  }
0x6f7: {  	[tilespmem:s21], [sflag:$0x1] =	stream.indirect_vreg.gather [hbm4b:s5+s3], $0x80, v3, vm0, $0xb8;
	[tilespmem:$0x1D000] =	vst v63  }
0x6f8: {  	_ = 	snop  }
0x6f9: {  	[tilespmem:s11], [sflag:$0x1] =	stream.indirect_vreg.gather [hbm4b:s6+s3], $0x80, v3, vm0, $0xb8;
	[tilespmem:$0x1D000] =	vst v63  }
0x6fa: {  	_ = 	snop  }
0x6fb: {  	[tilespmem:s13], [sflag:$0x1] =	stream.indirect_vreg.gather [hbm4b:s7+s3], $0x80, v3, vm0, $0xb8;
	[tilespmem:$0x1D000] =	vst v63  }
0x6fc: {  	v3 =	vld [tilespmem:$0xA10];
	_ =	sdelay $0x4  }
0x6fd: {  	v17 =	vshll.u32 v3, $0x3  }
0x6fe: {  	v3 =	vand.u32 $0x7, v3;
	v4 =	vand.u32 $0xFFFFFFC0, v17  }
0x6ff: {  	v3 =	vor.u32 v3, v4  }
0x700: {  	v4 =	vperm.xlane v3, v0;
	_ =	sdelay $0x1  }
0x701: {  	v4 =	vadd.s32 v1, v4;
	_ =	sdelay $0x3  }
0x702: {  	s11 =	simm.s32 $0x5000  }
0x703: {  	[tilespmem:s11], [sflag:$0x1] =	stream.indirect_vreg.gather [hbm4b:s2+s3], $0x80, v4, vm0, $0xb8;
	[tilespmem:$0x1D000] =	vst v63  }
0x704: {  	v3 =	vperm.xlane v3, v2;
	s11 =	simm.s32 $0x5800  }
0x705: {  	[tilespmem:s11], [sflag:$0x1] =	stream.indirect_vreg.gather [hbm4b:s5+s3], $0x80, v4, vm0, $0xb8;
	[tilespmem:$0x1D000] =	vst v63  }
0x706: {  	v3 =	vadd.s32 v1, v3  }
0x707: {  	[tilespmem:s25], [sflag:$0x1] =	stream.indirect_vreg.gather [hbm4b:s6+s3], $0x80, v4, vm0, $0xb8;
	[tilespmem:$0x1D000] =	vst v63  }
0x708: {  	_ = 	snop  }
0x709: {  	[tilespmem:s26], [sflag:$0x1] =	stream.indirect_vreg.gather [hbm4b:s7+s3], $0x80, v4, vm0, $0xb8;
	[tilespmem:$0x1D000] =	vst v63  }
0x70a: {  	_ = 	snop  }
0x70b: {  	[tilespmem:s29], [sflag:$0x1] =	stream.indirect_vreg.gather [hbm4b:s2+s3], $0x80, v3, vm0, $0xb8;
	[tilespmem:$0x1D000] =	vst v63  }
0x70c: {  	_ = 	snop  }
0x70d: {  	[tilespmem:s10], [sflag:$0x1] =	stream.indirect_vreg.gather [hbm4b:s5+s3], $0x80, v3, vm0, $0xb8;
	[tilespmem:$0x1D000] =	vst v63  }
0x70e: {  	_ = 	snop  }
0x70f: {  	[tilespmem:s18], [sflag:$0x1] =	stream.indirect_vreg.gather [hbm4b:s6+s3], $0x80, v3, vm0, $0xb8;
	[tilespmem:$0x1D000] =	vst v63  }
0x710: {  	_ = 	snop  }
0x711: {  	[tilespmem:s15], [sflag:$0x1] =	stream.indirect_vreg.gather [hbm4b:s7+s3], $0x80, v3, vm0, $0xb8;
	[tilespmem:$0x1D000] =	vst v63  }
0x712: {  	v3 =	vld [tilespmem:$0xA20];
	_ =	sdelay $0x4  }
0x713: {  	v18 =	vshll.u32 v3, $0x3  }
0x714: {  	v3 =	vand.u32 $0x7, v3;
	v4 =	vand.u32 $0xFFFFFFC0, v18  }
0x715: {  	v3 =	vor.u32 v3, v4  }
0x716: {  	v4 =	vperm.xlane v3, v0;
	_ =	sdelay $0x1  }
0x717: {  	v4 =	vadd.s32 v1, v4;
	_ =	sdelay $0x4  }
0x718: {  	[tilespmem:s16], [sflag:$0x1] =	stream.indirect_vreg.gather [hbm4b:s2+s3], $0x80, v4, vm0, $0xb8;
	[tilespmem:$0x1D000] =	vst v63  }
0x719: {  	v3 =	vperm.xlane v3, v2  }
0x71a: {  	[tilespmem:s17], [sflag:$0x1] =	stream.indirect_vreg.gather [hbm4b:s5+s3], $0x80, v4, vm0, $0xb8;
	[tilespmem:$0x1D000] =	vst v63  }
0x71b: {  	v3 =	vadd.s32 v1, v3  }
0x71c: {  	[tilespmem:s19], [sflag:$0x1] =	stream.indirect_vreg.gather [hbm4b:s6+s3], $0x80, v4, vm0, $0xb8;
	[tilespmem:$0x1D000] =	vst v63  }
0x71d: {  	_ = 	snop  }
0x71e: {  	[tilespmem:s20], [sflag:$0x1] =	stream.indirect_vreg.gather [hbm4b:s7+s3], $0x80, v4, vm0, $0xb8;
	[tilespmem:$0x1D000] =	vst v63  }
0x71f: {  	_ = 	snop  }
0x720: {  	[tilespmem:s22], [sflag:$0x1] =	stream.indirect_vreg.gather [hbm4b:s2+s3], $0x80, v3, vm0, $0xb8;
	[tilespmem:$0x1D000] =	vst v63  }
0x721: {  	_ = 	snop  }
0x722: {  	[tilespmem:s23], [sflag:$0x1] =	stream.indirect_vreg.gather [hbm4b:s5+s3], $0x80, v3, vm0, $0xb8;
	[tilespmem:$0x1D000] =	vst v63  }
0x723: {  	_ = 	snop  }
0x724: {  	[tilespmem:s24], [sflag:$0x1] =	stream.indirect_vreg.gather [hbm4b:s6+s3], $0x80, v3, vm0, $0xb8;
	[tilespmem:$0x1D000] =	vst v63  }
0x725: {  	s0 =	simm.s32 $0xC800  }
0x726: {  	[tilespmem:s0], [sflag:$0x1] =	stream.indirect_vreg.gather [hbm4b:s7+s3], $0x80, v3, vm0, $0xb8;
	[tilespmem:$0x1D000] =	vst v63  }
0x727: {  	v3 =	vld.msk [tilespmem:$0xA30], $0x3;
	_ =	sdelay $0x4  }
0x728: {  	v19 =	vshll.u32 v3, $0x3  }
0x729: {  	v3 =	vand.u32 $0x7, v3;
	v4 =	vand.u32 $0xFFFFFFC0, v19  }
0x72a: {  	v3 =	vor.u32 v3, v4  }
0x72b: {  	v3 =	vperm.xlane v3, v0;
	_ =	sdelay $0x1  }
0x72c: {  	v3 =	vadd.s32 v1, v3;
	_ =	sdelay $0x3  }
0x72d: {  	s25 =	simm.s32 $0xD000  }
0x72e: {  	[tilespmem:s25], [sflag:$0x1] =	stream.indirect_vreg.gather [hbm4b:s2+s3], $0x80, v3, vm1, $0xb8;
	[tilespmem:$0x1D000] =	vst v63  }
0x72f: {  	s26 =	simm.s32 $0xD800  }
0x730: {  	[tilespmem:s26], [sflag:$0x1] =	stream.indirect_vreg.gather [hbm4b:s5+s3], $0x80, v3, vm1, $0xb8;
	[tilespmem:$0x1D000] =	vst v63  }
0x731: {  	s29 =	simm.s32 $0xE000  }
0x732: {  	[tilespmem:s29], [sflag:$0x1] =	stream.indirect_vreg.gather [hbm4b:s6+s3], $0x80, v3, vm1, $0xb8;
	[tilespmem:$0x1D000] =	vst v63  }
0x733: {  	s13 =	simm.s32 $0xE800  }
0x734: {  	[tilespmem:s13], [sflag:$0x1] =	stream.indirect_vreg.gather [hbm4b:s7+s3], $0x80, v3, vm1, $0xb8;
	[tilespmem:$0x1D000] =	vst v63  }
0x735: {  	s12 =	rddreg [dreg:$0x17];
	s15 =	simm.s32 $0xF000  }
0x736: {  	[hbm4b:s12+s3] =	stream.linear.scatter [tilespmem:s15], [sflag:$0x2], $0xE000, $0x38;
	[tilespmem:$0x1D000] =	vst v63  }
0x737: {  	_ =	swait.ge [sflag:s9], $0xE000  }
0x738: {  	[sflag:s9] =	ssyncset.done $0x0  }
0x739: {  	[sflag:s9] =	ssyncadd.s32 $0xFFFF2000  }
0x73a: {  	_ =	swait.ge [sflag:s14], $0xC800  }
0x73b: {  	[sflag:s14] =	ssyncset.done $0x0  }
0x73c: {  	[sflag:s14] =	ssyncadd.s32 $0xFFFF3800  }
0x73d: {  	v3 =	vld [tilespmem:$0xA80];
	_ =	sdelay $0x4  }
0x73e: {  	v20 =	vshll.u32 v3, $0x3  }
0x73f: {  	v3 =	vand.u32 $0x7, v3;
	v4 =	vand.u32 $0xFFFFFFC0, v20  }
0x740: {  	v3 =	vor.u32 v3, v4  }
0x741: {  	v4 =	vperm.xlane v3, v0;
	_ =	sdelay $0x1  }
0x742: {  	v4 =	vadd.s32 v1, v4;
	_ =	sdelay $0x4  }
0x743: {  	[tilespmem:s15], [sflag:$0x1] =	stream.indirect_vreg.gather [hbm4b:s2+s3], $0x80, v4, vm0, $0xb8;
	[tilespmem:$0x1D000] =	vst v63  }
0x744: {  	s13 =	simm.s32 $0xF800;
	v3 =	vperm.xlane v3, v2  }
0x745: {  	[tilespmem:s13], [sflag:$0x1] =	stream.indirect_vreg.gather [hbm4b:s5+s3], $0x80, v4, vm0, $0xb8;
	[tilespmem:$0x1D000] =	vst v63  }
0x746: {  	v3 =	vadd.s32 v1, v3  }
0x747: {  	[tilespmem:s8], [sflag:$0x1] =	stream.indirect_vreg.gather [hbm4b:s6+s3], $0x80, v4, vm0, $0xb8;
	[tilespmem:$0x1D000] =	vst v63  }
0x748: {  	_ = 	snop  }
0x749: {  	[tilespmem:s30], [sflag:$0x1] =	stream.indirect_vreg.gather [hbm4b:s7+s3], $0x80, v4, vm0, $0xb8;
	[tilespmem:$0x1D000] =	vst v63  }
0x74a: {  	s16 =	simm.s32 $0x11000  }
0x74b: {  	[tilespmem:s16], [sflag:$0x1] =	stream.indirect_vreg.gather [hbm4b:s2+s3], $0x80, v3, vm0, $0xb8;
	[tilespmem:$0x1D000] =	vst v63  }
0x74c: {  	s17 =	simm.s32 $0x11800  }
0x74d: {  	[tilespmem:s17], [sflag:$0x1] =	stream.indirect_vreg.gather [hbm4b:s5+s3], $0x80, v3, vm0, $0xb8;
	[tilespmem:$0x1D000] =	vst v63  }
0x74e: {  	s18 =	simm.s32 $0x12000  }
0x74f: {  	[tilespmem:s18], [sflag:$0x1] =	stream.indirect_vreg.gather [hbm4b:s6+s3], $0x80, v3, vm0, $0xb8;
	[tilespmem:$0x1D000] =	vst v63  }
0x750: {  	s15 =	simm.s32 $0x12800  }
0x751: {  	[tilespmem:s15], [sflag:$0x1] =	stream.indirect_vreg.gather [hbm4b:s7+s3], $0x80, v3, vm0, $0xb8;
	[tilespmem:$0x1D000] =	vst v63  }
0x752: {  	v3 =	vld [tilespmem:$0xA90];
	_ =	sdelay $0x4  }
0x753: {  	v21 =	vshll.u32 v3, $0x3  }
0x754: {  	v3 =	vand.u32 $0x7, v3;
	v4 =	vand.u32 $0xFFFFFFC0, v21  }
0x755: {  	v3 =	vor.u32 v3, v4  }
0x756: {  	v4 =	vperm.xlane v3, v0;
	_ =	sdelay $0x1  }
0x757: {  	v4 =	vadd.s32 v1, v4;
	_ =	sdelay $0x3  }
0x758: {  	s16 =	simm.s32 $0x13000  }
0x759: {  	[tilespmem:s16], [sflag:$0x1] =	stream.indirect_vreg.gather [hbm4b:s2+s3], $0x80, v4, vm0, $0xb8;
	[tilespmem:$0x1D000] =	vst v63  }
0x75a: {  	s17 =	simm.s32 $0x13800;
	v3 =	vperm.xlane v3, v2  }
0x75b: {  	[tilespmem:s17], [sflag:$0x1] =	stream.indirect_vreg.gather [hbm4b:s5+s3], $0x80, v4, vm0, $0xb8;
	[tilespmem:$0x1D000] =	vst v63  }
0x75c: {  	v3 =	vadd.s32 v1, v3  }
0x75d: {  	[tilespmem:s28], [sflag:$0x1] =	stream.indirect_vreg.gather [hbm4b:s6+s3], $0x80, v4, vm0, $0xb8;
	[tilespmem:$0x1D000] =	vst v63  }
0x75e: {  	s19 =	simm.s32 $0x14800  }
0x75f: {  	[tilespmem:s19], [sflag:$0x1] =	stream.indirect_vreg.gather [hbm4b:s7+s3], $0x80, v4, vm0, $0xb8;
	[tilespmem:$0x1D000] =	vst v63  }
0x760: {  	s20 =	simm.s32 $0x15000  }
0x761: {  	[tilespmem:s20], [sflag:$0x1] =	stream.indirect_vreg.gather [hbm4b:s2+s3], $0x80, v3, vm0, $0xb8;
	[tilespmem:$0x1D000] =	vst v63  }
0x762: {  	s21 =	simm.s32 $0x15800  }
0x763: {  	[tilespmem:s21], [sflag:$0x1] =	stream.indirect_vreg.gather [hbm4b:s5+s3], $0x80, v3, vm0, $0xb8;
	[tilespmem:$0x1D000] =	vst v63  }
0x764: {  	s22 =	simm.s32 $0x16000  }
0x765: {  	[tilespmem:s22], [sflag:$0x1] =	stream.indirect_vreg.gather [hbm4b:s6+s3], $0x80, v3, vm0, $0xb8;
	[tilespmem:$0x1D000] =	vst v63  }
0x766: {  	s18 =	simm.s32 $0x16800  }
0x767: {  	[tilespmem:s18], [sflag:$0x1] =	stream.indirect_vreg.gather [hbm4b:s7+s3], $0x80, v3, vm0, $0xb8;
	[tilespmem:$0x1D000] =	vst v63  }
0x768: {  	v3 =	vld [tilespmem:$0xAA0];
	_ =	sdelay $0x4  }
0x769: {  	v22 =	vshll.u32 v3, $0x3  }
0x76a: {  	v3 =	vand.u32 $0x7, v3;
	v4 =	vand.u32 $0xFFFFFFC0, v22  }
0x76b: {  	v3 =	vor.u32 v3, v4  }
0x76c: {  	v4 =	vperm.xlane v3, v0;
	_ =	sdelay $0x1  }
0x76d: {  	v4 =	vadd.s32 v1, v4;
	_ =	sdelay $0x3  }
0x76e: {  	s19 =	simm.s32 $0x17000  }
0x76f: {  	[tilespmem:s19], [sflag:$0x1] =	stream.indirect_vreg.gather [hbm4b:s2+s3], $0x80, v4, vm0, $0xb8;
	[tilespmem:$0x1D000] =	vst v63  }
0x770: {  	s20 =	simm.s32 $0x17800;
	v3 =	vperm.xlane v3, v2  }
0x771: {  	[tilespmem:s20], [sflag:$0x1] =	stream.indirect_vreg.gather [hbm4b:s5+s3], $0x80, v4, vm0, $0xb8;
	[tilespmem:$0x1D000] =	vst v63  }
0x772: {  	v3 =	vadd.s32 v1, v3  }
0x773: {  	[tilespmem:s1], [sflag:$0x1] =	stream.indirect_vreg.gather [hbm4b:s6+s3], $0x80, v4, vm0, $0xb8;
	[tilespmem:$0x1D000] =	vst v63  }
0x774: {  	s23 =	simm.s32 $0x18800  }
0x775: {  	[tilespmem:s23], [sflag:$0x1] =	stream.indirect_vreg.gather [hbm4b:s7+s3], $0x80, v4, vm0, $0xb8;
	[tilespmem:$0x1D000] =	vst v63  }
0x776: {  	s24 =	simm.s32 $0x19000  }
0x777: {  	[tilespmem:s24], [sflag:$0x1] =	stream.indirect_vreg.gather [hbm4b:s2+s3], $0x80, v3, vm0, $0xb8;
	[tilespmem:$0x1D000] =	vst v63  }
0x778: {  	s28 =	simm.s32 $0x19800  }
0x779: {  	[tilespmem:s28], [sflag:$0x1] =	stream.indirect_vreg.gather [hbm4b:s5+s3], $0x80, v3, vm0, $0xb8;
	[tilespmem:$0x1D000] =	vst v63  }
0x77a: {  	s30 =	simm.s32 $0x1A000  }
0x77b: {  	[tilespmem:s30], [sflag:$0x1] =	stream.indirect_vreg.gather [hbm4b:s6+s3], $0x80, v3, vm0, $0xb8;
	[tilespmem:$0x1D000] =	vst v63  }
0x77c: {  	s22 =	simm.s32 $0x1A800  }
0x77d: {  	[tilespmem:s22], [sflag:$0x1] =	stream.indirect_vreg.gather [hbm4b:s7+s3], $0x80, v3, vm0, $0xb8;
	[tilespmem:$0x1D000] =	vst v63  }
0x77e: {  	v3 =	vld.msk [tilespmem:$0xAB0], $0x3;
	_ =	sdelay $0x4  }
0x77f: {  	v23 =	vshll.u32 v3, $0x3  }
0x780: {  	v3 =	vand.u32 $0x7, v3;
	v4 =	vand.u32 $0xFFFFFFC0, v23  }
0x781: {  	v3 =	vor.u32 v3, v4  }
0x782: {  	v3 =	vperm.xlane v3, v0;
	_ =	sdelay $0x1  }
0x783: {  	v3 =	vadd.s32 v1, v3;
	_ =	sdelay $0x4  }
0x784: {  	[tilespmem:s4], [sflag:$0x1] =	stream.indirect_vreg.gather [hbm4b:s2+s3], $0x80, v3, vm1, $0xb8;
	[tilespmem:$0x1D000] =	vst v63  }
0x785: {  	s4 =	simm.s32 $0x1B800  }
0x786: {  	[tilespmem:s4], [sflag:$0x1] =	stream.indirect_vreg.gather [hbm4b:s5+s3], $0x80, v3, vm1, $0xb8;
	[tilespmem:$0x1D000] =	vst v63  }
0x787: {  	s12 =	simm.s32 $0x1C000  }
0x788: {  	[tilespmem:s12], [sflag:$0x1] =	stream.indirect_vreg.gather [hbm4b:s6+s3], $0x80, v3, vm1, $0xb8;
	[tilespmem:$0x1D000] =	vst v63  }
0x789: {  	_ = 	snop  }
0x78a: {  	[tilespmem:s31], [sflag:$0x1] =	stream.indirect_vreg.gather [hbm4b:s7+s3], $0x80, v3, vm1, $0xb8;
	[tilespmem:$0x1D000] =	vst v63  }
0x78b: {  	s10 =	simm.s32 $0x1000;
	s8 =	rddreg [dreg:$0x18]  }
0x78c: {  	[hbm4b:s8+s3] =	stream.linear.scatter [tilespmem:s10], [sflag:$0x2], $0xE000, $0x38;
	[tilespmem:$0x1D000] =	vst v63  }
0x78d: {  	_ =	swait.ge [sflag:s9], $0xE000  }
0x78e: {  	[sflag:s9] =	ssyncset.done $0x0  }
0x78f: {  	[sflag:s9] =	ssyncadd.s32 $0xFFFF2000  }
0x790: {  	_ =	swait.ge [sflag:s14], $0xC800  }
0x791: {  	[sflag:s14] =	ssyncset.done $0x0  }
0x792: {  	[sflag:s14] =	ssyncadd.s32 $0xFFFF3800  }
0x793: {  	v3 =	vld [tilespmem:$0xB00];
	_ =	sdelay $0x4  }
0x794: {  	v24 =	vshll.u32 v3, $0x3  }
0x795: {  	v3 =	vand.u32 $0x7, v3;
	v4 =	vand.u32 $0xFFFFFFC0, v24  }
0x796: {  	v3 =	vor.u32 v3, v4  }
0x797: {  	v4 =	vperm.xlane v3, v0;
	_ =	sdelay $0x1  }
0x798: {  	v4 =	vadd.s32 v1, v4;
	_ =	sdelay $0x4  }
0x799: {  	[tilespmem:s10], [sflag:$0x1] =	stream.indirect_vreg.gather [hbm4b:s2+s3], $0x80, v4, vm0, $0xb8;
	[tilespmem:$0x1D000] =	vst v63  }
0x79a: {  	s23 =	simm.s32 $0x1800;
	v3 =	vperm.xlane v3, v2  }
0x79b: {  	[tilespmem:s23], [sflag:$0x1] =	stream.indirect_vreg.gather [hbm4b:s5+s3], $0x80, v4, vm0, $0xb8;
	[tilespmem:$0x1D000] =	vst v63  }
0x79c: {  	s31 =	simm.s32 $0x2000;
	v3 =	vadd.s32 v1, v3  }
0x79d: {  	[tilespmem:s31], [sflag:$0x1] =	stream.indirect_vreg.gather [hbm4b:s6+s3], $0x80, v4, vm0, $0xb8;
	[tilespmem:$0x1D000] =	vst v63  }
0x79e: {  	s1 =	simm.s32 $0x2800  }
0x79f: {  	[tilespmem:s1], [sflag:$0x1] =	stream.indirect_vreg.gather [hbm4b:s7+s3], $0x80, v4, vm0, $0xb8;
	[tilespmem:$0x1D000] =	vst v63  }
0x7a0: {  	s4 =	simm.s32 $0x3000  }
0x7a1: {  	[tilespmem:s4], [sflag:$0x1] =	stream.indirect_vreg.gather [hbm4b:s2+s3], $0x80, v3, vm0, $0xb8;
	[tilespmem:$0x1D000] =	vst v63  }
0x7a2: {  	s8 =	simm.s32 $0x3800  }
0x7a3: {  	[tilespmem:s8], [sflag:$0x1] =	stream.indirect_vreg.gather [hbm4b:s5+s3], $0x80, v3, vm0, $0xb8;
	[tilespmem:$0x1D000] =	vst v63  }
0x7a4: {  	s23 =	simm.s32 $0x4000  }
0x7a5: {  	[tilespmem:s23], [sflag:$0x1] =	stream.indirect_vreg.gather [hbm4b:s6+s3], $0x80, v3, vm0, $0xb8;
	[tilespmem:$0x1D000] =	vst v63  }
0x7a6: {  	s24 =	simm.s32 $0x4800  }
0x7a7: {  	[tilespmem:s24], [sflag:$0x1] =	stream.indirect_vreg.gather [hbm4b:s7+s3], $0x80, v3, vm0, $0xb8;
	[tilespmem:$0x1D000] =	vst v63  }
0x7a8: {  	v3 =	vld [tilespmem:$0xB10];
	_ =	sdelay $0x4  }
0x7a9: {  	v25 =	vshll.u32 v3, $0x3  }
0x7aa: {  	v3 =	vand.u32 $0x7, v3;
	v4 =	vand.u32 $0xFFFFFFC0, v25  }
0x7ab: {  	v3 =	vor.u32 v3, v4  }
0x7ac: {  	v4 =	vperm.xlane v3, v0;
	_ =	sdelay $0x1  }
0x7ad: {  	v4 =	vadd.s32 v1, v4;
	_ =	sdelay $0x3  }
0x7ae: {  	s10 =	simm.s32 $0x5000  }
0x7af: {  	[tilespmem:s10], [sflag:$0x1] =	stream.indirect_vreg.gather [hbm4b:s2+s3], $0x80, v4, vm0, $0xb8;
	[tilespmem:$0x1D000] =	vst v63  }
0x7b0: {  	v3 =	vperm.xlane v3, v2  }
0x7b1: {  	[tilespmem:s11], [sflag:$0x1] =	stream.indirect_vreg.gather [hbm4b:s5+s3], $0x80, v4, vm0, $0xb8;
	[tilespmem:$0x1D000] =	vst v63  }
0x7b2: {  	v3 =	vadd.s32 v1, v3;
	s11 =	simm.s32 $0x6000  }
0x7b3: {  	[tilespmem:s11], [sflag:$0x1] =	stream.indirect_vreg.gather [hbm4b:s6+s3], $0x80, v4, vm0, $0xb8;
	[tilespmem:$0x1D000] =	vst v63  }
0x7b4: {  	s24 =	simm.s32 $0x6800  }
0x7b5: {  	[tilespmem:s24], [sflag:$0x1] =	stream.indirect_vreg.gather [hbm4b:s7+s3], $0x80, v4, vm0, $0xb8;
	[tilespmem:$0x1D000] =	vst v63  }
0x7b6: {  	s28 =	simm.s32 $0x7000  }
0x7b7: {  	[tilespmem:s28], [sflag:$0x1] =	stream.indirect_vreg.gather [hbm4b:s2+s3], $0x80, v3, vm0, $0xb8;
	[tilespmem:$0x1D000] =	vst v63  }
0x7b8: {  	s30 =	simm.s32 $0x7800  }
0x7b9: {  	[tilespmem:s30], [sflag:$0x1] =	stream.indirect_vreg.gather [hbm4b:s5+s3], $0x80, v3, vm0, $0xb8;
	[tilespmem:$0x1D000] =	vst v63  }
0x7ba: {  	s28 =	simm.s32 $0x8000  }
0x7bb: {  	[tilespmem:s28], [sflag:$0x1] =	stream.indirect_vreg.gather [hbm4b:s6+s3], $0x80, v3, vm0, $0xb8;
	[tilespmem:$0x1D000] =	vst v63  }
0x7bc: {  	s30 =	simm.s32 $0x8800  }
0x7bd: {  	[tilespmem:s30], [sflag:$0x1] =	stream.indirect_vreg.gather [hbm4b:s7+s3], $0x80, v3, vm0, $0xb8;
	[tilespmem:$0x1D000] =	vst v63  }
0x7be: {  	v3 =	vld [tilespmem:$0xB20];
	_ =	sdelay $0x4  }
0x7bf: {  	v26 =	vshll.u32 v3, $0x3  }
0x7c0: {  	v3 =	vand.u32 $0x7, v3;
	v4 =	vand.u32 $0xFFFFFFC0, v26  }
0x7c1: {  	v3 =	vor.u32 v3, v4  }
0x7c2: {  	v4 =	vperm.xlane v3, v0;
	_ =	sdelay $0x1  }
0x7c3: {  	v4 =	vadd.s32 v1, v4;
	_ =	sdelay $0x3  }
0x7c4: {  	s28 =	simm.s32 $0x9000  }
0x7c5: {  	[tilespmem:s28], [sflag:$0x1] =	stream.indirect_vreg.gather [hbm4b:s2+s3], $0x80, v4, vm0, $0xb8;
	[tilespmem:$0x1D000] =	vst v63  }
0x7c6: {  	s30 =	simm.s32 $0x9800;
	v3 =	vperm.xlane v3, v2  }
0x7c7: {  	[tilespmem:s30], [sflag:$0x1] =	stream.indirect_vreg.gather [hbm4b:s5+s3], $0x80, v4, vm0, $0xb8;
	[tilespmem:$0x1D000] =	vst v63  }
0x7c8: {  	v3 =	vadd.s32 v1, v3;
	s28 =	simm.s32 $0xA000  }
0x7c9: {  	[tilespmem:s28], [sflag:$0x1] =	stream.indirect_vreg.gather [hbm4b:s6+s3], $0x80, v4, vm0, $0xb8;
	[tilespmem:$0x1D000] =	vst v63  }
0x7ca: {  	s30 =	simm.s32 $0xA800  }
0x7cb: {  	[tilespmem:s30], [sflag:$0x1] =	stream.indirect_vreg.gather [hbm4b:s7+s3], $0x80, v4, vm0, $0xb8;
	[tilespmem:$0x1D000] =	vst v63  }
0x7cc: {  	s28 =	simm.s32 $0xB000  }
0x7cd: {  	[tilespmem:s28], [sflag:$0x1] =	stream.indirect_vreg.gather [hbm4b:s2+s3], $0x80, v3, vm0, $0xb8;
	[tilespmem:$0x1D000] =	vst v63  }
0x7ce: {  	s30 =	simm.s32 $0xB800  }
0x7cf: {  	[tilespmem:s30], [sflag:$0x1] =	stream.indirect_vreg.gather [hbm4b:s5+s3], $0x80, v3, vm0, $0xb8;
	[tilespmem:$0x1D000] =	vst v63  }
0x7d0: {  	s28 =	simm.s32 $0xC000  }
0x7d1: {  	[tilespmem:s28], [sflag:$0x1] =	stream.indirect_vreg.gather [hbm4b:s6+s3], $0x80, v3, vm0, $0xb8;
	[tilespmem:$0x1D000] =	vst v63  }
0x7d2: {  	_ = 	snop  }
0x7d3: {  	[tilespmem:s0], [sflag:$0x1] =	stream.indirect_vreg.gather [hbm4b:s7+s3], $0x80, v3, vm0, $0xb8;
	[tilespmem:$0x1D000] =	vst v63  }
0x7d4: {  	v3 =	vld.msk [tilespmem:$0xB30], $0x3;
	_ =	sdelay $0x4  }
0x7d5: {  	v27 =	vshll.u32 v3, $0x3  }
0x7d6: {  	v3 =	vand.u32 $0x7, v3;
	v4 =	vand.u32 $0xFFFFFFC0, v27  }
0x7d7: {  	v3 =	vor.u32 v3, v4  }
0x7d8: {  	v3 =	vperm.xlane v3, v0;
	_ =	sdelay $0x1  }
0x7d9: {  	v3 =	vadd.s32 v1, v3;
	_ =	sdelay $0x4  }
0x7da: {  	[tilespmem:s25], [sflag:$0x1] =	stream.indirect_vreg.gather [hbm4b:s2+s3], $0x80, v3, vm1, $0xb8;
	[tilespmem:$0x1D000] =	vst v63  }
0x7db: {  	_ = 	snop  }
0x7dc: {  	[tilespmem:s26], [sflag:$0x1] =	stream.indirect_vreg.gather [hbm4b:s5+s3], $0x80, v3, vm1, $0xb8;
	[tilespmem:$0x1D000] =	vst v63  }
0x7dd: {  	_ = 	snop  }
0x7de: {  	[tilespmem:s29], [sflag:$0x1] =	stream.indirect_vreg.gather [hbm4b:s6+s3], $0x80, v3, vm1, $0xb8;
	[tilespmem:$0x1D000] =	vst v63  }
0x7df: {  	s26 =	simm.s32 $0xE800  }
0x7e0: {  	[tilespmem:s26], [sflag:$0x1] =	stream.indirect_vreg.gather [hbm4b:s7+s3], $0x80, v3, vm1, $0xb8;
	[tilespmem:$0x1D000] =	vst v63  }
0x7e1: {  	s30 =	rddreg [dreg:$0x19];
	s0 =	simm.s32 $0xF000  }
0x7e2: {  	[hbm4b:s30+s3] =	stream.linear.scatter [tilespmem:s0], [sflag:$0x2], $0xE000, $0x38;
	[tilespmem:$0x1D000] =	vst v63  }
0x7e3: {  	_ =	swait.ge [sflag:s9], $0xE000  }
0x7e4: {  	[sflag:s9] =	ssyncset.done $0x0  }
0x7e5: {  	[sflag:s9] =	ssyncadd.s32 $0xFFFF2000  }
0x7e6: {  	_ =	swait.ge [sflag:s14], $0xC800  }
0x7e7: {  	[sflag:s14] =	ssyncset.done $0x0  }
0x7e8: {  	[sflag:s14] =	ssyncadd.s32 $0xFFFF3800  }
0x7e9: {  	v3 =	vld [tilespmem:$0xB80];
	_ =	sdelay $0x4  }
0x7ea: {  	v28 =	vshll.u32 v3, $0x3  }
0x7eb: {  	v3 =	vand.u32 $0x7, v3;
	v4 =	vand.u32 $0xFFFFFFC0, v28  }
0x7ec: {  	v3 =	vor.u32 v3, v4  }
0x7ed: {  	v4 =	vperm.xlane v3, v0;
	_ =	sdelay $0x1  }
0x7ee: {  	v4 =	vadd.s32 v1, v4;
	_ =	sdelay $0x4  }
0x7ef: {  	[tilespmem:s0], [sflag:$0x1] =	stream.indirect_vreg.gather [hbm4b:s2+s3], $0x80, v4, vm0, $0xb8;
	[tilespmem:$0x1D000] =	vst v63  }
0x7f0: {  	v3 =	vperm.xlane v3, v2  }
0x7f1: {  	[tilespmem:s13], [sflag:$0x1] =	stream.indirect_vreg.gather [hbm4b:s5+s3], $0x80, v4, vm0, $0xb8;
	[tilespmem:$0x1D000] =	vst v63  }
0x7f2: {  	s25 =	simm.s32 $0x10000;
	v3 =	vadd.s32 v1, v3  }
0x7f3: {  	[tilespmem:s25], [sflag:$0x1] =	stream.indirect_vreg.gather [hbm4b:s6+s3], $0x80, v4, vm0, $0xb8;
	[tilespmem:$0x1D000] =	vst v63  }
0x7f4: {  	s28 =	simm.s32 $0x10800  }
0x7f5: {  	[tilespmem:s28], [sflag:$0x1] =	stream.indirect_vreg.gather [hbm4b:s7+s3], $0x80, v4, vm0, $0xb8;
	[tilespmem:$0x1D000] =	vst v63  }
0x7f6: {  	s29 =	simm.s32 $0x11000  }
0x7f7: {  	[tilespmem:s29], [sflag:$0x1] =	stream.indirect_vreg.gather [hbm4b:s2+s3], $0x80, v3, vm0, $0xb8;
	[tilespmem:$0x1D000] =	vst v63  }
0x7f8: {  	s30 =	simm.s32 $0x11800  }
0x7f9: {  	[tilespmem:s30], [sflag:$0x1] =	stream.indirect_vreg.gather [hbm4b:s5+s3], $0x80, v3, vm0, $0xb8;
	[tilespmem:$0x1D000] =	vst v63  }
0x7fa: {  	s13 =	simm.s32 $0x12000  }
0x7fb: {  	[tilespmem:s13], [sflag:$0x1] =	stream.indirect_vreg.gather [hbm4b:s6+s3], $0x80, v3, vm0, $0xb8;
	[tilespmem:$0x1D000] =	vst v63  }
0x7fc: {  	_ = 	snop  }
0x7fd: {  	[tilespmem:s15], [sflag:$0x1] =	stream.indirect_vreg.gather [hbm4b:s7+s3], $0x80, v3, vm0, $0xb8;
	[tilespmem:$0x1D000] =	vst v63  }
0x7fe: {  	v3 =	vld [tilespmem:$0xB90];
	_ =	sdelay $0x4  }
0x7ff: {  	v29 =	vshll.u32 v3, $0x3  }
0x800: {  	v3 =	vand.u32 $0x7, v3;
	v4 =	vand.u32 $0xFFFFFFC0, v29  }
0x801: {  	v3 =	vor.u32 v3, v4  }
0x802: {  	v4 =	vperm.xlane v3, v0;
	_ =	sdelay $0x1  }
0x803: {  	v4 =	vadd.s32 v1, v4;
	_ =	sdelay $0x4  }
0x804: {  	[tilespmem:s16], [sflag:$0x1] =	stream.indirect_vreg.gather [hbm4b:s2+s3], $0x80, v4, vm0, $0xb8;
	[tilespmem:$0x1D000] =	vst v63  }
0x805: {  	v3 =	vperm.xlane v3, v2  }
0x806: {  	[tilespmem:s17], [sflag:$0x1] =	stream.indirect_vreg.gather [hbm4b:s5+s3], $0x80, v4, vm0, $0xb8;
	[tilespmem:$0x1D000] =	vst v63  }
0x807: {  	v3 =	vadd.s32 v1, v3;
	s17 =	simm.s32 $0x14000  }
0x808: {  	[tilespmem:s17], [sflag:$0x1] =	stream.indirect_vreg.gather [hbm4b:s6+s3], $0x80, v4, vm0, $0xb8;
	[tilespmem:$0x1D000] =	vst v63  }
0x809: {  	s21 =	simm.s32 $0x14800  }
0x80a: {  	[tilespmem:s21], [sflag:$0x1] =	stream.indirect_vreg.gather [hbm4b:s7+s3], $0x80, v4, vm0, $0xb8;
	[tilespmem:$0x1D000] =	vst v63  }
0x80b: {  	s13 =	simm.s32 $0x15000  }
0x80c: {  	[tilespmem:s13], [sflag:$0x1] =	stream.indirect_vreg.gather [hbm4b:s2+s3], $0x80, v3, vm0, $0xb8;
	[tilespmem:$0x1D000] =	vst v63  }
0x80d: {  	s15 =	simm.s32 $0x15800  }
0x80e: {  	[tilespmem:s15], [sflag:$0x1] =	stream.indirect_vreg.gather [hbm4b:s5+s3], $0x80, v3, vm0, $0xb8;
	[tilespmem:$0x1D000] =	vst v63  }
0x80f: {  	s16 =	simm.s32 $0x16000  }
0x810: {  	[tilespmem:s16], [sflag:$0x1] =	stream.indirect_vreg.gather [hbm4b:s6+s3], $0x80, v3, vm0, $0xb8;
	[tilespmem:$0x1D000] =	vst v63  }
0x811: {  	_ = 	snop  }
0x812: {  	[tilespmem:s18], [sflag:$0x1] =	stream.indirect_vreg.gather [hbm4b:s7+s3], $0x80, v3, vm0, $0xb8;
	[tilespmem:$0x1D000] =	vst v63  }
0x813: {  	v3 =	vld [tilespmem:$0xBA0];
	_ =	sdelay $0x4  }
0x814: {  	v30 =	vshll.u32 v3, $0x3  }
0x815: {  	v3 =	vand.u32 $0x7, v3;
	v4 =	vand.u32 $0xFFFFFFC0, v30  }
0x816: {  	v3 =	vor.u32 v3, v4  }
0x817: {  	v4 =	vperm.xlane v3, v0;
	_ =	sdelay $0x1  }
0x818: {  	v4 =	vadd.s32 v1, v4;
	_ =	sdelay $0x4  }
0x819: {  	[tilespmem:s19], [sflag:$0x1] =	stream.indirect_vreg.gather [hbm4b:s2+s3], $0x80, v4, vm0, $0xb8;
	[tilespmem:$0x1D000] =	vst v63  }
0x81a: {  	v3 =	vperm.xlane v3, v2  }
0x81b: {  	[tilespmem:s20], [sflag:$0x1] =	stream.indirect_vreg.gather [hbm4b:s5+s3], $0x80, v4, vm0, $0xb8;
	[tilespmem:$0x1D000] =	vst v63  }
0x81c: {  	v3 =	vadd.s32 v1, v3;
	s19 =	simm.s32 $0x18000  }
0x81d: {  	[tilespmem:s19], [sflag:$0x1] =	stream.indirect_vreg.gather [hbm4b:s6+s3], $0x80, v4, vm0, $0xb8;
	[tilespmem:$0x1D000] =	vst v63  }
0x81e: {  	s20 =	simm.s32 $0x18800  }
0x81f: {  	[tilespmem:s20], [sflag:$0x1] =	stream.indirect_vreg.gather [hbm4b:s7+s3], $0x80, v4, vm0, $0xb8;
	[tilespmem:$0x1D000] =	vst v63  }
0x820: {  	s17 =	simm.s32 $0x19000  }
0x821: {  	[tilespmem:s17], [sflag:$0x1] =	stream.indirect_vreg.gather [hbm4b:s2+s3], $0x80, v3, vm0, $0xb8;
	[tilespmem:$0x1D000] =	vst v63  }
0x822: {  	s18 =	simm.s32 $0x19800  }
0x823: {  	[tilespmem:s18], [sflag:$0x1] =	stream.indirect_vreg.gather [hbm4b:s5+s3], $0x80, v3, vm0, $0xb8;
	[tilespmem:$0x1D000] =	vst v63  }
0x824: {  	s21 =	simm.s32 $0x1A000  }
0x825: {  	[tilespmem:s21], [sflag:$0x1] =	stream.indirect_vreg.gather [hbm4b:s6+s3], $0x80, v3, vm0, $0xb8;
	[tilespmem:$0x1D000] =	vst v63  }
0x826: {  	_ = 	snop  }
0x827: {  	[tilespmem:s22], [sflag:$0x1] =	stream.indirect_vreg.gather [hbm4b:s7+s3], $0x80, v3, vm0, $0xb8;
	[tilespmem:$0x1D000] =	vst v63  }
0x828: {  	v3 =	vld.msk [tilespmem:$0xBB0], $0x3;
	_ =	sdelay $0x4  }
0x829: {  	v31 =	vshll.u32 v3, $0x3  }
0x82a: {  	v3 =	vand.u32 $0x7, v3;
	v4 =	vand.u32 $0xFFFFFFC0, v31  }
0x82b: {  	v3 =	vor.u32 v3, v4  }
0x82c: {  	v3 =	vperm.xlane v3, v0;
	_ =	sdelay $0x1  }
0x82d: {  	v3 =	vadd.s32 v1, v3;
	_ =	sdelay $0x3  }
0x82e: {  	s22 =	simm.s32 $0x1B000  }
0x82f: {  	[tilespmem:s22], [sflag:$0x1] =	stream.indirect_vreg.gather [hbm4b:s2+s3], $0x80, v3, vm1, $0xb8;
	[tilespmem:$0x1D000] =	vst v63  }
0x830: {  	s13 =	simm.s32 $0x1B800  }
0x831: {  	[tilespmem:s13], [sflag:$0x1] =	stream.indirect_vreg.gather [hbm4b:s5+s3], $0x80, v3, vm1, $0xb8;
	[tilespmem:$0x1D000] =	vst v63  }
0x832: {  	_ = 	snop  }
0x833: {  	[tilespmem:s12], [sflag:$0x1] =	stream.indirect_vreg.gather [hbm4b:s6+s3], $0x80, v3, vm1, $0xb8;
	[tilespmem:$0x1D000] =	vst v63  }
0x834: {  	s16 =	simm.s32 $0x1C800  }
0x835: {  	[tilespmem:s16], [sflag:$0x1] =	stream.indirect_vreg.gather [hbm4b:s7+s3], $0x80, v3, vm1, $0xb8;
	[tilespmem:$0x1D000] =	vst v63  }
0x836: {  	s15 =	rddreg [dreg:$0x1a];
	s17 =	simm.s32 $0x1000  }
0x837: {  	[hbm4b:s15+s3] =	stream.linear.scatter [tilespmem:s17], [sflag:$0x2], $0xE000, $0x38;
	[tilespmem:$0x1D000] =	vst v63  }
0x838: {  	_ =	swait.ge [sflag:s9], $0xE000  }
0x839: {  	[sflag:s9] =	ssyncset.done $0x0  }
0x83a: {  	[sflag:s9] =	ssyncadd.s32 $0xFFFF2000  }
0x83b: {  	_ =	swait.ge [sflag:s14], $0xC800  }
0x83c: {  	[sflag:s14] =	ssyncset.done $0x0  }
0x83d: {  	[sflag:s14] =	ssyncadd.s32 $0xFFFF3800  }
0x83e: {  	v3 =	vld [tilespmem:$0xC00];
	_ =	sdelay $0x4  }
0x83f: {  	v32 =	vshll.u32 v3, $0x3  }
0x840: {  	v3 =	vand.u32 $0x7, v3;
	v4 =	vand.u32 $0xFFFFFFC0, v32  }
0x841: {  	v3 =	vor.u32 v3, v4  }
0x842: {  	v4 =	vperm.xlane v3, v0;
	_ =	sdelay $0x1  }
0x843: {  	v4 =	vadd.s32 v1, v4;
	_ =	sdelay $0x4  }
0x844: {  	[tilespmem:s17], [sflag:$0x1] =	stream.indirect_vreg.gather [hbm4b:s2+s3], $0x80, v4, vm0, $0xb8;
	[tilespmem:$0x1D000] =	vst v63  }
0x845: {  	s12 =	simm.s32 $0x1800;
	v3 =	vperm.xlane v3, v2  }
0x846: {  	[tilespmem:s12], [sflag:$0x1] =	stream.indirect_vreg.gather [hbm4b:s5+s3], $0x80, v4, vm0, $0xb8;
	[tilespmem:$0x1D000] =	vst v63  }
0x847: {  	v3 =	vadd.s32 v1, v3  }
0x848: {  	[tilespmem:s31], [sflag:$0x1] =	stream.indirect_vreg.gather [hbm4b:s6+s3], $0x80, v4, vm0, $0xb8;
	[tilespmem:$0x1D000] =	vst v63  }
0x849: {  	_ = 	snop  }
0x84a: {  	[tilespmem:s1], [sflag:$0x1] =	stream.indirect_vreg.gather [hbm4b:s7+s3], $0x80, v4, vm0, $0xb8;
	[tilespmem:$0x1D000] =	vst v63  }
0x84b: {  	_ = 	snop  }
0x84c: {  	[tilespmem:s4], [sflag:$0x1] =	stream.indirect_vreg.gather [hbm4b:s2+s3], $0x80, v3, vm0, $0xb8;
	[tilespmem:$0x1D000] =	vst v63  }
0x84d: {  	_ = 	snop  }
0x84e: {  	[tilespmem:s8], [sflag:$0x1] =	stream.indirect_vreg.gather [hbm4b:s5+s3], $0x80, v3, vm0, $0xb8;
	[tilespmem:$0x1D000] =	vst v63  }
0x84f: {  	_ = 	snop  }
0x850: {  	[tilespmem:s23], [sflag:$0x1] =	stream.indirect_vreg.gather [hbm4b:s6+s3], $0x80, v3, vm0, $0xb8;
	[tilespmem:$0x1D000] =	vst v63  }
0x851: {  	s0 =	simm.s32 $0x4800  }
0x852: {  	[tilespmem:s0], [sflag:$0x1] =	stream.indirect_vreg.gather [hbm4b:s7+s3], $0x80, v3, vm0, $0xb8;
	[tilespmem:$0x1D000] =	vst v63  }
0x853: {  	v3 =	vld [tilespmem:$0xC10];
	_ =	sdelay $0x4  }
0x854: {  	v33 =	vshll.u32 v3, $0x3  }
0x855: {  	v3 =	vand.u32 $0x7, v3;
	v4 =	vand.u32 $0xFFFFFFC0, v33  }
0x856: {  	v3 =	vor.u32 v3, v4  }
0x857: {  	v4 =	vperm.xlane v3, v0;
	_ =	sdelay $0x1  }
0x858: {  	v4 =	vadd.s32 v1, v4;
	_ =	sdelay $0x4  }
0x859: {  	[tilespmem:s10], [sflag:$0x1] =	stream.indirect_vreg.gather [hbm4b:s2+s3], $0x80, v4, vm0, $0xb8;
	[tilespmem:$0x1D000] =	vst v63  }
0x85a: {  	s18 =	simm.s32 $0x5800;
	v3 =	vperm.xlane v3, v2  }
0x85b: {  	[tilespmem:s18], [sflag:$0x1] =	stream.indirect_vreg.gather [hbm4b:s5+s3], $0x80, v4, vm0, $0xb8;
	[tilespmem:$0x1D000] =	vst v63  }
0x85c: {  	v3 =	vadd.s32 v1, v3  }
0x85d: {  	[tilespmem:s11], [sflag:$0x1] =	stream.indirect_vreg.gather [hbm4b:s6+s3], $0x80, v4, vm0, $0xb8;
	[tilespmem:$0x1D000] =	vst v63  }
0x85e: {  	_ = 	snop  }
0x85f: {  	[tilespmem:s24], [sflag:$0x1] =	stream.indirect_vreg.gather [hbm4b:s7+s3], $0x80, v4, vm0, $0xb8;
	[tilespmem:$0x1D000] =	vst v63  }
0x860: {  	s24 =	simm.s32 $0x7000  }
0x861: {  	[tilespmem:s24], [sflag:$0x1] =	stream.indirect_vreg.gather [hbm4b:s2+s3], $0x80, v3, vm0, $0xb8;
	[tilespmem:$0x1D000] =	vst v63  }
0x862: {  	s31 =	simm.s32 $0x7800  }
0x863: {  	[tilespmem:s31], [sflag:$0x1] =	stream.indirect_vreg.gather [hbm4b:s5+s3], $0x80, v3, vm0, $0xb8;
	[tilespmem:$0x1D000] =	vst v63  }
0x864: {  	s13 =	simm.s32 $0x8000  }
0x865: {  	[tilespmem:s13], [sflag:$0x1] =	stream.indirect_vreg.gather [hbm4b:s6+s3], $0x80, v3, vm0, $0xb8;
	[tilespmem:$0x1D000] =	vst v63  }
0x866: {  	s21 =	simm.s32 $0x8800  }
0x867: {  	[tilespmem:s21], [sflag:$0x1] =	stream.indirect_vreg.gather [hbm4b:s7+s3], $0x80, v3, vm0, $0xb8;
	[tilespmem:$0x1D000] =	vst v63  }
0x868: {  	v3 =	vld [tilespmem:$0xC20];
	_ =	sdelay $0x4  }
0x869: {  	v34 =	vshll.u32 v3, $0x3  }
0x86a: {  	v3 =	vand.u32 $0x7, v3;
	v4 =	vand.u32 $0xFFFFFFC0, v34  }
0x86b: {  	v3 =	vor.u32 v3, v4  }
0x86c: {  	v4 =	vperm.xlane v3, v0;
	_ =	sdelay $0x1  }
0x86d: {  	v4 =	vadd.s32 v1, v4;
	_ =	sdelay $0x3  }
0x86e: {  	s23 =	simm.s32 $0x9000  }
0x86f: {  	[tilespmem:s23], [sflag:$0x1] =	stream.indirect_vreg.gather [hbm4b:s2+s3], $0x80, v4, vm0, $0xb8;
	[tilespmem:$0x1D000] =	vst v63  }
0x870: {  	s10 =	simm.s32 $0x9800;
	v3 =	vperm.xlane v3, v2  }
0x871: {  	[tilespmem:s10], [sflag:$0x1] =	stream.indirect_vreg.gather [hbm4b:s5+s3], $0x80, v4, vm0, $0xb8;
	[tilespmem:$0x1D000] =	vst v63  }
0x872: {  	s11 =	simm.s32 $0xA000;
	v3 =	vadd.s32 v1, v3  }
0x873: {  	[tilespmem:s11], [sflag:$0x1] =	stream.indirect_vreg.gather [hbm4b:s6+s3], $0x80, v4, vm0, $0xb8;
	[tilespmem:$0x1D000] =	vst v63  }
0x874: {  	s15 =	simm.s32 $0xA800  }
0x875: {  	[tilespmem:s15], [sflag:$0x1] =	stream.indirect_vreg.gather [hbm4b:s7+s3], $0x80, v4, vm0, $0xb8;
	[tilespmem:$0x1D000] =	vst v63  }
0x876: {  	s16 =	simm.s32 $0xB000  }
0x877: {  	[tilespmem:s16], [sflag:$0x1] =	stream.indirect_vreg.gather [hbm4b:s2+s3], $0x80, v3, vm0, $0xb8;
	[tilespmem:$0x1D000] =	vst v63  }
0x878: {  	s17 =	simm.s32 $0xB800  }
0x879: {  	[tilespmem:s17], [sflag:$0x1] =	stream.indirect_vreg.gather [hbm4b:s5+s3], $0x80, v3, vm0, $0xb8;
	[tilespmem:$0x1D000] =	vst v63  }
0x87a: {  	s18 =	simm.s32 $0xC000  }
0x87b: {  	[tilespmem:s18], [sflag:$0x1] =	stream.indirect_vreg.gather [hbm4b:s6+s3], $0x80, v3, vm0, $0xb8;
	[tilespmem:$0x1D000] =	vst v63  }
0x87c: {  	s4 =	simm.s32 $0xC800  }
0x87d: {  	[tilespmem:s4], [sflag:$0x1] =	stream.indirect_vreg.gather [hbm4b:s7+s3], $0x80, v3, vm0, $0xb8;
	[tilespmem:$0x1D000] =	vst v63  }
0x87e: {  	v3 =	vld.msk [tilespmem:$0xC30], $0x3;
	_ =	sdelay $0x4  }
0x87f: {  	v35 =	vshll.u32 v3, $0x3  }
0x880: {  	v3 =	vand.u32 $0x7, v3;
	v4 =	vand.u32 $0xFFFFFFC0, v35  }
0x881: {  	v3 =	vor.u32 v3, v4  }
0x882: {  	v3 =	vperm.xlane v3, v0;
	_ =	sdelay $0x1  }
0x883: {  	v3 =	vadd.s32 v1, v3;
	_ =	sdelay $0x3  }
0x884: {  	s8 =	simm.s32 $0xD000  }
0x885: {  	[tilespmem:s8], [sflag:$0x1] =	stream.indirect_vreg.gather [hbm4b:s2+s3], $0x80, v3, vm1, $0xb8;
	[tilespmem:$0x1D000] =	vst v63  }
0x886: {  	s21 =	simm.s32 $0xD800  }
0x887: {  	[tilespmem:s21], [sflag:$0x1] =	stream.indirect_vreg.gather [hbm4b:s5+s3], $0x80, v3, vm1, $0xb8;
	[tilespmem:$0x1D000] =	vst v63  }
0x888: {  	s23 =	simm.s32 $0xE000  }
0x889: {  	[tilespmem:s23], [sflag:$0x1] =	stream.indirect_vreg.gather [hbm4b:s6+s3], $0x80, v3, vm1, $0xb8;
	[tilespmem:$0x1D000] =	vst v63  }
0x88a: {  	_ = 	snop  }
0x88b: {  	[tilespmem:s26], [sflag:$0x1] =	stream.indirect_vreg.gather [hbm4b:s7+s3], $0x80, v3, vm1, $0xb8;
	[tilespmem:$0x1D000] =	vst v63  }
0x88c: {  	s4 =	rddreg [dreg:$0x1b];
	s8 =	simm.s32 $0xF000  }
0x88d: {  	[hbm4b:s4+s3] =	stream.linear.scatter [tilespmem:s8], [sflag:$0x2], $0xE000, $0x38;
	[tilespmem:$0x1D000] =	vst v63  }
0x88e: {  	_ =	swait.ge [sflag:s9], $0xE000  }
0x88f: {  	[sflag:s9] =	ssyncset.done $0x0  }
0x890: {  	[sflag:s9] =	ssyncadd.s32 $0xFFFF2000  }
0x891: {  	_ =	swait.ge [sflag:s14], $0xC800  }
0x892: {  	[sflag:s14] =	ssyncset.done $0x0  }
0x893: {  	[sflag:s14] =	ssyncadd.s32 $0xFFFF3800  }
0x894: {  	v3 =	vld [tilespmem:$0xC80];
	_ =	sdelay $0x4  }
0x895: {  	v36 =	vshll.u32 v3, $0x3  }
0x896: {  	v3 =	vand.u32 $0x7, v3;
	v4 =	vand.u32 $0xFFFFFFC0, v36  }
0x897: {  	v3 =	vor.u32 v3, v4  }
0x898: {  	v4 =	vperm.xlane v3, v0;
	_ =	sdelay $0x1  }
0x899: {  	v4 =	vadd.s32 v1, v4;
	_ =	sdelay $0x4  }
0x89a: {  	[tilespmem:s8], [sflag:$0x1] =	stream.indirect_vreg.gather [hbm4b:s2+s3], $0x80, v4, vm0, $0xb8;
	[tilespmem:$0x1D000] =	vst v63  }
0x89b: {  	s23 =	simm.s32 $0xF800;
	v3 =	vperm.xlane v3, v2  }
0x89c: {  	[tilespmem:s23], [sflag:$0x1] =	stream.indirect_vreg.gather [hbm4b:s5+s3], $0x80, v4, vm0, $0xb8;
	[tilespmem:$0x1D000] =	vst v63  }
0x89d: {  	v3 =	vadd.s32 v1, v3  }
0x89e: {  	[tilespmem:s25], [sflag:$0x1] =	stream.indirect_vreg.gather [hbm4b:s6+s3], $0x80, v4, vm0, $0xb8;
	[tilespmem:$0x1D000] =	vst v63  }
0x89f: {  	_ = 	snop  }
0x8a0: {  	[tilespmem:s28], [sflag:$0x1] =	stream.indirect_vreg.gather [hbm4b:s7+s3], $0x80, v4, vm0, $0xb8;
	[tilespmem:$0x1D000] =	vst v63  }
0x8a1: {  	_ = 	snop  }
0x8a2: {  	[tilespmem:s29], [sflag:$0x1] =	stream.indirect_vreg.gather [hbm4b:s2+s3], $0x80, v3, vm0, $0xb8;
	[tilespmem:$0x1D000] =	vst v63  }
0x8a3: {  	_ = 	snop  }
0x8a4: {  	[tilespmem:s30], [sflag:$0x1] =	stream.indirect_vreg.gather [hbm4b:s5+s3], $0x80, v3, vm0, $0xb8;
	[tilespmem:$0x1D000] =	vst v63  }
0x8a5: {  	s26 =	simm.s32 $0x12000  }
0x8a6: {  	[tilespmem:s26], [sflag:$0x1] =	stream.indirect_vreg.gather [hbm4b:s6+s3], $0x80, v3, vm0, $0xb8;
	[tilespmem:$0x1D000] =	vst v63  }
0x8a7: {  	s1 =	simm.s32 $0x12800  }
0x8a8: {  	[tilespmem:s1], [sflag:$0x1] =	stream.indirect_vreg.gather [hbm4b:s7+s3], $0x80, v3, vm0, $0xb8;
	[tilespmem:$0x1D000] =	vst v63  }
0x8a9: {  	v3 =	vld [tilespmem:$0xC90];
	_ =	sdelay $0x4  }
0x8aa: {  	v37 =	vshll.u32 v3, $0x3  }
0x8ab: {  	v3 =	vand.u32 $0x7, v3;
	v4 =	vand.u32 $0xFFFFFFC0, v37  }
0x8ac: {  	v3 =	vor.u32 v3, v4  }
0x8ad: {  	v4 =	vperm.xlane v3, v0;
	_ =	sdelay $0x1  }
0x8ae: {  	v4 =	vadd.s32 v1, v4;
	_ =	sdelay $0x3  }
0x8af: {  	s25 =	simm.s32 $0x13000  }
0x8b0: {  	[tilespmem:s25], [sflag:$0x1] =	stream.indirect_vreg.gather [hbm4b:s2+s3], $0x80, v4, vm0, $0xb8;
	[tilespmem:$0x1D000] =	vst v63  }
0x8b1: {  	s26 =	simm.s32 $0x13800;
	v3 =	vperm.xlane v3, v2  }
0x8b2: {  	[tilespmem:s26], [sflag:$0x1] =	stream.indirect_vreg.gather [hbm4b:s5+s3], $0x80, v4, vm0, $0xb8;
	[tilespmem:$0x1D000] =	vst v63  }
0x8b3: {  	s28 =	simm.s32 $0x14000;
	v3 =	vadd.s32 v1, v3  }
0x8b4: {  	[tilespmem:s28], [sflag:$0x1] =	stream.indirect_vreg.gather [hbm4b:s6+s3], $0x80, v4, vm0, $0xb8;
	[tilespmem:$0x1D000] =	vst v63  }
0x8b5: {  	s29 =	simm.s32 $0x14800  }
0x8b6: {  	[tilespmem:s29], [sflag:$0x1] =	stream.indirect_vreg.gather [hbm4b:s7+s3], $0x80, v4, vm0, $0xb8;
	[tilespmem:$0x1D000] =	vst v63  }
0x8b7: {  	s30 =	simm.s32 $0x15000  }
0x8b8: {  	[tilespmem:s30], [sflag:$0x1] =	stream.indirect_vreg.gather [hbm4b:s2+s3], $0x80, v3, vm0, $0xb8;
	[tilespmem:$0x1D000] =	vst v63  }
0x8b9: {  	s8 =	simm.s32 $0x15800  }
0x8ba: {  	[tilespmem:s8], [sflag:$0x1] =	stream.indirect_vreg.gather [hbm4b:s5+s3], $0x80, v3, vm0, $0xb8;
	[tilespmem:$0x1D000] =	vst v63  }
0x8bb: {  	s21 =	simm.s32 $0x16000  }
0x8bc: {  	[tilespmem:s21], [sflag:$0x1] =	stream.indirect_vreg.gather [hbm4b:s6+s3], $0x80, v3, vm0, $0xb8;
	[tilespmem:$0x1D000] =	vst v63  }
0x8bd: {  	s4 =	simm.s32 $0x16800  }
0x8be: {  	[tilespmem:s4], [sflag:$0x1] =	stream.indirect_vreg.gather [hbm4b:s7+s3], $0x80, v3, vm0, $0xb8;
	[tilespmem:$0x1D000] =	vst v63  }
0x8bf: {  	v3 =	vld [tilespmem:$0xCA0];
	_ =	sdelay $0x4  }
0x8c0: {  	v38 =	vshll.u32 v3, $0x3  }
0x8c1: {  	v3 =	vand.u32 $0x7, v3;
	v4 =	vand.u32 $0xFFFFFFC0, v38  }
0x8c2: {  	v3 =	vor.u32 v3, v4  }
0x8c3: {  	v4 =	vperm.xlane v3, v0;
	_ =	sdelay $0x1  }
0x8c4: {  	v4 =	vadd.s32 v1, v4;
	_ =	sdelay $0x3  }
0x8c5: {  	s29 =	simm.s32 $0x17000  }
0x8c6: {  	[tilespmem:s29], [sflag:$0x1] =	stream.indirect_vreg.gather [hbm4b:s2+s3], $0x80, v4, vm0, $0xb8;
	[tilespmem:$0x1D000] =	vst v63  }
0x8c7: {  	s30 =	simm.s32 $0x17800;
	v3 =	vperm.xlane v3, v2  }
0x8c8: {  	[tilespmem:s30], [sflag:$0x1] =	stream.indirect_vreg.gather [hbm4b:s5+s3], $0x80, v4, vm0, $0xb8;
	[tilespmem:$0x1D000] =	vst v63  }
0x8c9: {  	v3 =	vadd.s32 v1, v3  }
0x8ca: {  	[tilespmem:s19], [sflag:$0x1] =	stream.indirect_vreg.gather [hbm4b:s6+s3], $0x80, v4, vm0, $0xb8;
	[tilespmem:$0x1D000] =	vst v63  }
0x8cb: {  	_ = 	snop  }
0x8cc: {  	[tilespmem:s20], [sflag:$0x1] =	stream.indirect_vreg.gather [hbm4b:s7+s3], $0x80, v4, vm0, $0xb8;
	[tilespmem:$0x1D000] =	vst v63  }
0x8cd: {  	s28 =	simm.s32 $0x19000  }
0x8ce: {  	[tilespmem:s28], [sflag:$0x1] =	stream.indirect_vreg.gather [hbm4b:s2+s3], $0x80, v3, vm0, $0xb8;
	[tilespmem:$0x1D000] =	vst v63  }
0x8cf: {  	s19 =	simm.s32 $0x19800  }
0x8d0: {  	[tilespmem:s19], [sflag:$0x1] =	stream.indirect_vreg.gather [hbm4b:s5+s3], $0x80, v3, vm0, $0xb8;
	[tilespmem:$0x1D000] =	vst v63  }
0x8d1: {  	s20 =	simm.s32 $0x1A000  }
0x8d2: {  	[tilespmem:s20], [sflag:$0x1] =	stream.indirect_vreg.gather [hbm4b:s6+s3], $0x80, v3, vm0, $0xb8;
	[tilespmem:$0x1D000] =	vst v63  }
0x8d3: {  	s8 =	simm.s32 $0x1A800  }
0x8d4: {  	[tilespmem:s8], [sflag:$0x1] =	stream.indirect_vreg.gather [hbm4b:s7+s3], $0x80, v3, vm0, $0xb8;
	[tilespmem:$0x1D000] =	vst v63  }
0x8d5: {  	v3 =	vld.msk [tilespmem:$0xCB0], $0x3;
	_ =	sdelay $0x4  }
0x8d6: {  	v39 =	vshll.u32 v3, $0x3  }
0x8d7: {  	v3 =	vand.u32 $0x7, v3;
	v4 =	vand.u32 $0xFFFFFFC0, v39  }
0x8d8: {  	v3 =	vor.u32 v3, v4  }
0x8d9: {  	v3 =	vperm.xlane v3, v0;
	_ =	sdelay $0x1  }
0x8da: {  	v3 =	vadd.s32 v1, v3;
	_ =	sdelay $0x4  }
0x8db: {  	[tilespmem:s22], [sflag:$0x1] =	stream.indirect_vreg.gather [hbm4b:s2+s3], $0x80, v3, vm1, $0xb8;
	[tilespmem:$0x1D000] =	vst v63  }
0x8dc: {  	s21 =	simm.s32 $0x1B800  }
0x8dd: {  	[tilespmem:s21], [sflag:$0x1] =	stream.indirect_vreg.gather [hbm4b:s5+s3], $0x80, v3, vm1, $0xb8;
	[tilespmem:$0x1D000] =	vst v63  }
0x8de: {  	s28 =	simm.s32 $0x1C000  }
0x8df: {  	[tilespmem:s28], [sflag:$0x1] =	stream.indirect_vreg.gather [hbm4b:s6+s3], $0x80, v3, vm1, $0xb8;
	[tilespmem:$0x1D000] =	vst v63  }
0x8e0: {  	s22 =	simm.s32 $0x1C800  }
0x8e1: {  	[tilespmem:s22], [sflag:$0x1] =	stream.indirect_vreg.gather [hbm4b:s7+s3], $0x80, v3, vm1, $0xb8;
	[tilespmem:$0x1D000] =	vst v63  }
0x8e2: {  	s20 =	simm.s32 $0x1000;
	s21 =	rddreg [dreg:$0x1c]  }
0x8e3: {  	[hbm4b:s21+s3] =	stream.linear.scatter [tilespmem:s20], [sflag:$0x2], $0xE000, $0x38;
	[tilespmem:$0x1D000] =	vst v63  }
0x8e4: {  	_ =	swait.ge [sflag:s9], $0xE000  }
0x8e5: {  	[sflag:s9] =	ssyncset.done $0x0  }
0x8e6: {  	[sflag:s9] =	ssyncadd.s32 $0xFFFF2000  }
0x8e7: {  	_ =	swait.ge [sflag:s14], $0xC800  }
0x8e8: {  	[sflag:s14] =	ssyncset.done $0x0  }
0x8e9: {  	[sflag:s14] =	ssyncadd.s32 $0xFFFF3800  }
0x8ea: {  	v3 =	vld [tilespmem:$0xD00];
	_ =	sdelay $0x4  }
0x8eb: {  	v40 =	vshll.u32 v3, $0x3  }
0x8ec: {  	v3 =	vand.u32 $0x7, v3;
	v4 =	vand.u32 $0xFFFFFFC0, v40  }
0x8ed: {  	v3 =	vor.u32 v3, v4  }
0x8ee: {  	v4 =	vperm.xlane v3, v0;
	_ =	sdelay $0x1  }
0x8ef: {  	v4 =	vadd.s32 v1, v4;
	_ =	sdelay $0x4  }
0x8f0: {  	[tilespmem:s20], [sflag:$0x1] =	stream.indirect_vreg.gather [hbm4b:s2+s3], $0x80, v4, vm0, $0xb8;
	[tilespmem:$0x1D000] =	vst v63  }
0x8f1: {  	v3 =	vperm.xlane v3, v2  }
0x8f2: {  	[tilespmem:s12], [sflag:$0x1] =	stream.indirect_vreg.gather [hbm4b:s5+s3], $0x80, v4, vm0, $0xb8;
	[tilespmem:$0x1D000] =	vst v63  }
0x8f3: {  	v3 =	vadd.s32 v1, v3;
	s12 =	simm.s32 $0x2000  }
0x8f4: {  	[tilespmem:s12], [sflag:$0x1] =	stream.indirect_vreg.gather [hbm4b:s6+s3], $0x80, v4, vm0, $0xb8;
	[tilespmem:$0x1D000] =	vst v63  }
0x8f5: {  	s19 =	simm.s32 $0x2800  }
0x8f6: {  	[tilespmem:s19], [sflag:$0x1] =	stream.indirect_vreg.gather [hbm4b:s7+s3], $0x80, v4, vm0, $0xb8;
	[tilespmem:$0x1D000] =	vst v63  }
0x8f7: {  	s20 =	simm.s32 $0x3000  }
0x8f8: {  	[tilespmem:s20], [sflag:$0x1] =	stream.indirect_vreg.gather [hbm4b:s2+s3], $0x80, v3, vm0, $0xb8;
	[tilespmem:$0x1D000] =	vst v63  }
0x8f9: {  	s22 =	simm.s32 $0x3800  }
0x8fa: {  	[tilespmem:s22], [sflag:$0x1] =	stream.indirect_vreg.gather [hbm4b:s5+s3], $0x80, v3, vm0, $0xb8;
	[tilespmem:$0x1D000] =	vst v63  }
0x8fb: {  	s21 =	simm.s32 $0x4000  }
0x8fc: {  	[tilespmem:s21], [sflag:$0x1] =	stream.indirect_vreg.gather [hbm4b:s6+s3], $0x80, v3, vm0, $0xb8;
	[tilespmem:$0x1D000] =	vst v63  }
0x8fd: {  	_ = 	snop  }
0x8fe: {  	[tilespmem:s0], [sflag:$0x1] =	stream.indirect_vreg.gather [hbm4b:s7+s3], $0x80, v3, vm0, $0xb8;
	[tilespmem:$0x1D000] =	vst v63  }
0x8ff: {  	v3 =	vld [tilespmem:$0xD10];
	_ =	sdelay $0x4  }
0x900: {  	v41 =	vshll.u32 v3, $0x3  }
0x901: {  	v3 =	vand.u32 $0x7, v3;
	v4 =	vand.u32 $0xFFFFFFC0, v41  }
0x902: {  	v3 =	vor.u32 v3, v4  }
0x903: {  	v4 =	vperm.xlane v3, v0;
	_ =	sdelay $0x1  }
0x904: {  	v4 =	vadd.s32 v1, v4;
	_ =	sdelay $0x3  }
0x905: {  	s21 =	simm.s32 $0x5000  }
0x906: {  	[tilespmem:s21], [sflag:$0x1] =	stream.indirect_vreg.gather [hbm4b:s2+s3], $0x80, v4, vm0, $0xb8;
	[tilespmem:$0x1D000] =	vst v63  }
0x907: {  	v3 =	vperm.xlane v3, v2;
	s21 =	simm.s32 $0x5800  }
0x908: {  	[tilespmem:s21], [sflag:$0x1] =	stream.indirect_vreg.gather [hbm4b:s5+s3], $0x80, v4, vm0, $0xb8;
	[tilespmem:$0x1D000] =	vst v63  }
0x909: {  	v3 =	vadd.s32 v1, v3;
	s21 =	simm.s32 $0x6000  }
0x90a: {  	[tilespmem:s21], [sflag:$0x1] =	stream.indirect_vreg.gather [hbm4b:s6+s3], $0x80, v4, vm0, $0xb8;
	[tilespmem:$0x1D000] =	vst v63  }
0x90b: {  	s21 =	simm.s32 $0x6800  }
0x90c: {  	[tilespmem:s21], [sflag:$0x1] =	stream.indirect_vreg.gather [hbm4b:s7+s3], $0x80, v4, vm0, $0xb8;
	[tilespmem:$0x1D000] =	vst v63  }
0x90d: {  	_ = 	snop  }
0x90e: {  	[tilespmem:s24], [sflag:$0x1] =	stream.indirect_vreg.gather [hbm4b:s2+s3], $0x80, v3, vm0, $0xb8;
	[tilespmem:$0x1D000] =	vst v63  }
0x90f: {  	_ = 	snop  }
0x910: {  	[tilespmem:s31], [sflag:$0x1] =	stream.indirect_vreg.gather [hbm4b:s5+s3], $0x80, v3, vm0, $0xb8;
	[tilespmem:$0x1D000] =	vst v63  }
0x911: {  	_ = 	snop  }
0x912: {  	[tilespmem:s13], [sflag:$0x1] =	stream.indirect_vreg.gather [hbm4b:s6+s3], $0x80, v3, vm0, $0xb8;
	[tilespmem:$0x1D000] =	vst v63  }
0x913: {  	s31 =	simm.s32 $0x8800  }
0x914: {  	[tilespmem:s31], [sflag:$0x1] =	stream.indirect_vreg.gather [hbm4b:s7+s3], $0x80, v3, vm0, $0xb8;
	[tilespmem:$0x1D000] =	vst v63  }
0x915: {  	v3 =	vld [tilespmem:$0xD20];
	_ =	sdelay $0x4  }
0x916: {  	v42 =	vshll.u32 v3, $0x3  }
0x917: {  	v3 =	vand.u32 $0x7, v3;
	v4 =	vand.u32 $0xFFFFFFC0, v42  }
0x918: {  	v3 =	vor.u32 v3, v4  }
0x919: {  	v4 =	vperm.xlane v3, v0;
	_ =	sdelay $0x1  }
0x91a: {  	v4 =	vadd.s32 v1, v4;
	_ =	sdelay $0x3  }
0x91b: {  	s13 =	simm.s32 $0x9000  }
0x91c: {  	[tilespmem:s13], [sflag:$0x1] =	stream.indirect_vreg.gather [hbm4b:s2+s3], $0x80, v4, vm0, $0xb8;
	[tilespmem:$0x1D000] =	vst v63  }
0x91d: {  	v3 =	vperm.xlane v3, v2  }
0x91e: {  	[tilespmem:s10], [sflag:$0x1] =	stream.indirect_vreg.gather [hbm4b:s5+s3], $0x80, v4, vm0, $0xb8;
	[tilespmem:$0x1D000] =	vst v63  }
0x91f: {  	v3 =	vadd.s32 v1, v3  }
0x920: {  	[tilespmem:s11], [sflag:$0x1] =	stream.indirect_vreg.gather [hbm4b:s6+s3], $0x80, v4, vm0, $0xb8;
	[tilespmem:$0x1D000] =	vst v63  }
0x921: {  	_ = 	snop  }
0x922: {  	[tilespmem:s15], [sflag:$0x1] =	stream.indirect_vreg.gather [hbm4b:s7+s3], $0x80, v4, vm0, $0xb8;
	[tilespmem:$0x1D000] =	vst v63  }
0x923: {  	_ = 	snop  }
0x924: {  	[tilespmem:s16], [sflag:$0x1] =	stream.indirect_vreg.gather [hbm4b:s2+s3], $0x80, v3, vm0, $0xb8;
	[tilespmem:$0x1D000] =	vst v63  }
0x925: {  	_ = 	snop  }
0x926: {  	[tilespmem:s17], [sflag:$0x1] =	stream.indirect_vreg.gather [hbm4b:s5+s3], $0x80, v3, vm0, $0xb8;
	[tilespmem:$0x1D000] =	vst v63  }
0x927: {  	_ = 	snop  }
0x928: {  	[tilespmem:s18], [sflag:$0x1] =	stream.indirect_vreg.gather [hbm4b:s6+s3], $0x80, v3, vm0, $0xb8;
	[tilespmem:$0x1D000] =	vst v63  }
0x929: {  	s0 =	simm.s32 $0xC800  }
0x92a: {  	[tilespmem:s0], [sflag:$0x1] =	stream.indirect_vreg.gather [hbm4b:s7+s3], $0x80, v3, vm0, $0xb8;
	[tilespmem:$0x1D000] =	vst v63  }
0x92b: {  	v3 =	vld.msk [tilespmem:$0xD30], $0x3;
	_ =	sdelay $0x4  }
0x92c: {  	v43 =	vshll.u32 v3, $0x3  }
0x92d: {  	v3 =	vand.u32 $0x7, v3;
	v4 =	vand.u32 $0xFFFFFFC0, v43  }
0x92e: {  	v3 =	vor.u32 v3, v4  }
0x92f: {  	v3 =	vperm.xlane v3, v0;
	_ =	sdelay $0x1  }
0x930: {  	v3 =	vadd.s32 v1, v3;
	_ =	sdelay $0x3  }
0x931: {  	s18 =	simm.s32 $0xD000  }
0x932: {  	[tilespmem:s18], [sflag:$0x1] =	stream.indirect_vreg.gather [hbm4b:s2+s3], $0x80, v3, vm1, $0xb8;
	[tilespmem:$0x1D000] =	vst v63  }
0x933: {  	s10 =	simm.s32 $0xD800  }
0x934: {  	[tilespmem:s10], [sflag:$0x1] =	stream.indirect_vreg.gather [hbm4b:s5+s3], $0x80, v3, vm1, $0xb8;
	[tilespmem:$0x1D000] =	vst v63  }
0x935: {  	s31 =	simm.s32 $0xE000  }
0x936: {  	[tilespmem:s31], [sflag:$0x1] =	stream.indirect_vreg.gather [hbm4b:s6+s3], $0x80, v3, vm1, $0xb8;
	[tilespmem:$0x1D000] =	vst v63  }
0x937: {  	s13 =	simm.s32 $0xE800  }
0x938: {  	[tilespmem:s13], [sflag:$0x1] =	stream.indirect_vreg.gather [hbm4b:s7+s3], $0x80, v3, vm1, $0xb8;
	[tilespmem:$0x1D000] =	vst v63  }
0x939: {  	s16 =	rddreg [dreg:$0x1d];
	s17 =	simm.s32 $0xF000  }
0x93a: {  	[hbm4b:s16+s3] =	stream.linear.scatter [tilespmem:s17], [sflag:$0x2], $0xE000, $0x38;
	[tilespmem:$0x1D000] =	vst v63  }
0x93b: {  	_ =	swait.ge [sflag:s9], $0xE000  }
0x93c: {  	[sflag:s9] =	ssyncset.done $0x0  }
0x93d: {  	[sflag:s9] =	ssyncadd.s32 $0xFFFF2000  }
0x93e: {  	_ =	swait.ge [sflag:s14], $0xC800  }
0x93f: {  	[sflag:s14] =	ssyncset.done $0x0  }
0x940: {  	[sflag:s14] =	ssyncadd.s32 $0xFFFF3800  }
0x941: {  	v3 =	vld [tilespmem:$0xD80];
	_ =	sdelay $0x4  }
0x942: {  	v44 =	vshll.u32 v3, $0x3  }
0x943: {  	v3 =	vand.u32 $0x7, v3;
	v4 =	vand.u32 $0xFFFFFFC0, v44  }
0x944: {  	v3 =	vor.u32 v3, v4  }
0x945: {  	v4 =	vperm.xlane v3, v0;
	_ =	sdelay $0x1  }
0x946: {  	v4 =	vadd.s32 v1, v4;
	_ =	sdelay $0x4  }
0x947: {  	[tilespmem:s17], [sflag:$0x1] =	stream.indirect_vreg.gather [hbm4b:s2+s3], $0x80, v4, vm0, $0xb8;
	[tilespmem:$0x1D000] =	vst v63  }
0x948: {  	v3 =	vperm.xlane v3, v2  }
0x949: {  	[tilespmem:s23], [sflag:$0x1] =	stream.indirect_vreg.gather [hbm4b:s5+s3], $0x80, v4, vm0, $0xb8;
	[tilespmem:$0x1D000] =	vst v63  }
0x94a: {  	s11 =	simm.s32 $0x10000;
	v3 =	vadd.s32 v1, v3  }
0x94b: {  	[tilespmem:s11], [sflag:$0x1] =	stream.indirect_vreg.gather [hbm4b:s6+s3], $0x80, v4, vm0, $0xb8;
	[tilespmem:$0x1D000] =	vst v63  }
0x94c: {  	s15 =	simm.s32 $0x10800  }
0x94d: {  	[tilespmem:s15], [sflag:$0x1] =	stream.indirect_vreg.gather [hbm4b:s7+s3], $0x80, v4, vm0, $0xb8;
	[tilespmem:$0x1D000] =	vst v63  }
0x94e: {  	s16 =	simm.s32 $0x11000  }
0x94f: {  	[tilespmem:s16], [sflag:$0x1] =	stream.indirect_vreg.gather [hbm4b:s2+s3], $0x80, v3, vm0, $0xb8;
	[tilespmem:$0x1D000] =	vst v63  }
0x950: {  	s17 =	simm.s32 $0x11800  }
0x951: {  	[tilespmem:s17], [sflag:$0x1] =	stream.indirect_vreg.gather [hbm4b:s5+s3], $0x80, v3, vm0, $0xb8;
	[tilespmem:$0x1D000] =	vst v63  }
0x952: {  	s23 =	simm.s32 $0x12000  }
0x953: {  	[tilespmem:s23], [sflag:$0x1] =	stream.indirect_vreg.gather [hbm4b:s6+s3], $0x80, v3, vm0, $0xb8;
	[tilespmem:$0x1D000] =	vst v63  }
0x954: {  	_ = 	snop  }
0x955: {  	[tilespmem:s1], [sflag:$0x1] =	stream.indirect_vreg.gather [hbm4b:s7+s3], $0x80, v3, vm0, $0xb8;
	[tilespmem:$0x1D000] =	vst v63  }
0x956: {  	v3 =	vld [tilespmem:$0xD90];
	_ =	sdelay $0x4  }
0x957: {  	v45 =	vshll.u32 v3, $0x3  }
0x958: {  	v3 =	vand.u32 $0x7, v3;
	v4 =	vand.u32 $0xFFFFFFC0, v45  }
0x959: {  	v3 =	vor.u32 v3, v4  }
0x95a: {  	v4 =	vperm.xlane v3, v0;
	_ =	sdelay $0x1  }
0x95b: {  	v4 =	vadd.s32 v1, v4;
	_ =	sdelay $0x4  }
0x95c: {  	[tilespmem:s25], [sflag:$0x1] =	stream.indirect_vreg.gather [hbm4b:s2+s3], $0x80, v4, vm0, $0xb8;
	[tilespmem:$0x1D000] =	vst v63  }
0x95d: {  	v3 =	vperm.xlane v3, v2  }
0x95e: {  	[tilespmem:s26], [sflag:$0x1] =	stream.indirect_vreg.gather [hbm4b:s5+s3], $0x80, v4, vm0, $0xb8;
	[tilespmem:$0x1D000] =	vst v63  }
0x95f: {  	s24 =	simm.s32 $0x14000;
	v3 =	vadd.s32 v1, v3  }
0x960: {  	[tilespmem:s24], [sflag:$0x1] =	stream.indirect_vreg.gather [hbm4b:s6+s3], $0x80, v4, vm0, $0xb8;
	[tilespmem:$0x1D000] =	vst v63  }
0x961: {  	s25 =	simm.s32 $0x14800  }
0x962: {  	[tilespmem:s25], [sflag:$0x1] =	stream.indirect_vreg.gather [hbm4b:s7+s3], $0x80, v4, vm0, $0xb8;
	[tilespmem:$0x1D000] =	vst v63  }
0x963: {  	s26 =	simm.s32 $0x15000  }
0x964: {  	[tilespmem:s26], [sflag:$0x1] =	stream.indirect_vreg.gather [hbm4b:s2+s3], $0x80, v3, vm0, $0xb8;
	[tilespmem:$0x1D000] =	vst v63  }
0x965: {  	s21 =	simm.s32 $0x15800  }
0x966: {  	[tilespmem:s21], [sflag:$0x1] =	stream.indirect_vreg.gather [hbm4b:s5+s3], $0x80, v3, vm0, $0xb8;
	[tilespmem:$0x1D000] =	vst v63  }
0x967: {  	s21 =	simm.s32 $0x16000  }
0x968: {  	[tilespmem:s21], [sflag:$0x1] =	stream.indirect_vreg.gather [hbm4b:s6+s3], $0x80, v3, vm0, $0xb8;
	[tilespmem:$0x1D000] =	vst v63  }
0x969: {  	_ = 	snop  }
0x96a: {  	[tilespmem:s4], [sflag:$0x1] =	stream.indirect_vreg.gather [hbm4b:s7+s3], $0x80, v3, vm0, $0xb8;
	[tilespmem:$0x1D000] =	vst v63  }
0x96b: {  	v3 =	vld [tilespmem:$0xDA0];
	_ =	sdelay $0x4  }
0x96c: {  	v46 =	vshll.u32 v3, $0x3  }
0x96d: {  	v3 =	vand.u32 $0x7, v3;
	v4 =	vand.u32 $0xFFFFFFC0, v46  }
0x96e: {  	v3 =	vor.u32 v3, v4  }
0x96f: {  	v4 =	vperm.xlane v3, v0;
	_ =	sdelay $0x1  }
0x970: {  	v4 =	vadd.s32 v1, v4;
	_ =	sdelay $0x4  }
0x971: {  	[tilespmem:s29], [sflag:$0x1] =	stream.indirect_vreg.gather [hbm4b:s2+s3], $0x80, v4, vm0, $0xb8;
	[tilespmem:$0x1D000] =	vst v63  }
0x972: {  	v3 =	vperm.xlane v3, v2  }
0x973: {  	[tilespmem:s30], [sflag:$0x1] =	stream.indirect_vreg.gather [hbm4b:s5+s3], $0x80, v4, vm0, $0xb8;
	[tilespmem:$0x1D000] =	vst v63  }
0x974: {  	s4 =	simm.s32 $0x18000;
	v3 =	vadd.s32 v1, v3  }
0x975: {  	[tilespmem:s4], [sflag:$0x1] =	stream.indirect_vreg.gather [hbm4b:s6+s3], $0x80, v4, vm0, $0xb8;
	[tilespmem:$0x1D000] =	vst v63  }
0x976: {  	s29 =	simm.s32 $0x18800  }
0x977: {  	[tilespmem:s29], [sflag:$0x1] =	stream.indirect_vreg.gather [hbm4b:s7+s3], $0x80, v4, vm0, $0xb8;
	[tilespmem:$0x1D000] =	vst v63  }
0x978: {  	s30 =	simm.s32 $0x19000  }
0x979: {  	[tilespmem:s30], [sflag:$0x1] =	stream.indirect_vreg.gather [hbm4b:s2+s3], $0x80, v3, vm0, $0xb8;
	[tilespmem:$0x1D000] =	vst v63  }
0x97a: {  	s21 =	simm.s32 $0x19800  }
0x97b: {  	[tilespmem:s21], [sflag:$0x1] =	stream.indirect_vreg.gather [hbm4b:s5+s3], $0x80, v3, vm0, $0xb8;
	[tilespmem:$0x1D000] =	vst v63  }
0x97c: {  	s21 =	simm.s32 $0x1A000  }
0x97d: {  	[tilespmem:s21], [sflag:$0x1] =	stream.indirect_vreg.gather [hbm4b:s6+s3], $0x80, v3, vm0, $0xb8;
	[tilespmem:$0x1D000] =	vst v63  }
0x97e: {  	_ = 	snop  }
0x97f: {  	[tilespmem:s8], [sflag:$0x1] =	stream.indirect_vreg.gather [hbm4b:s7+s3], $0x80, v3, vm0, $0xb8;
	[tilespmem:$0x1D000] =	vst v63  }
0x980: {  	v3 =	vld.msk [tilespmem:$0xDB0], $0x3;
	_ =	sdelay $0x4  }
0x981: {  	v47 =	vshll.u32 v3, $0x3  }
0x982: {  	v3 =	vand.u32 $0x7, v3;
	v4 =	vand.u32 $0xFFFFFFC0, v47  }
0x983: {  	v3 =	vor.u32 v3, v4  }
0x984: {  	v3 =	vperm.xlane v3, v0;
	_ =	sdelay $0x1  }
0x985: {  	v3 =	vadd.s32 v1, v3;
	_ =	sdelay $0x3  }
0x986: {  	s8 =	simm.s32 $0x1B000  }
0x987: {  	[tilespmem:s8], [sflag:$0x1] =	stream.indirect_vreg.gather [hbm4b:s2+s3], $0x80, v3, vm1, $0xb8;
	[tilespmem:$0x1D000] =	vst v63  }
0x988: {  	s21 =	simm.s32 $0x1B800  }
0x989: {  	[tilespmem:s21], [sflag:$0x1] =	stream.indirect_vreg.gather [hbm4b:s5+s3], $0x80, v3, vm1, $0xb8;
	[tilespmem:$0x1D000] =	vst v63  }
0x98a: {  	_ = 	snop  }
0x98b: {  	[tilespmem:s28], [sflag:$0x1] =	stream.indirect_vreg.gather [hbm4b:s6+s3], $0x80, v3, vm1, $0xb8;
	[tilespmem:$0x1D000] =	vst v63  }
0x98c: {  	s28 =	simm.s32 $0x1C800  }
0x98d: {  	[tilespmem:s28], [sflag:$0x1] =	stream.indirect_vreg.gather [hbm4b:s7+s3], $0x80, v3, vm1, $0xb8;
	[tilespmem:$0x1D000] =	vst v63  }
0x98e: {  	s1 =	simm.s32 $0x1000;
	s21 =	rddreg [dreg:$0x1e]  }
0x98f: {  	[hbm4b:s21+s3] =	stream.linear.scatter [tilespmem:s1], [sflag:$0x2], $0xE000, $0x38;
	[tilespmem:$0x1D000] =	vst v63  }
0x990: {  	_ =	swait.ge [sflag:s9], $0xE000  }
0x991: {  	[sflag:s9] =	ssyncset.done $0x0  }
0x992: {  	[sflag:s9] =	ssyncadd.s32 $0xFFFF2000  }
0x993: {  	_ =	swait.ge [sflag:s14], $0xC800  }
0x994: {  	[sflag:s14] =	ssyncset.done $0x0  }
0x995: {  	[sflag:s14] =	ssyncadd.s32 $0xFFFF3800  }
0x996: {  	v3 =	vld [tilespmem:$0xE00];
	_ =	sdelay $0x4  }
0x997: {  	v48 =	vshll.u32 v3, $0x3  }
0x998: {  	v3 =	vand.u32 $0x7, v3;
	v4 =	vand.u32 $0xFFFFFFC0, v48  }
0x999: {  	v3 =	vor.u32 v3, v4  }
0x99a: {  	v4 =	vperm.xlane v3, v0;
	_ =	sdelay $0x1  }
0x99b: {  	v4 =	vadd.s32 v1, v4;
	_ =	sdelay $0x4  }
0x99c: {  	[tilespmem:s1], [sflag:$0x1] =	stream.indirect_vreg.gather [hbm4b:s2+s3], $0x80, v4, vm0, $0xb8;
	[tilespmem:$0x1D000] =	vst v63  }
0x99d: {  	s21 =	simm.s32 $0x1800;
	v3 =	vperm.xlane v3, v2  }
0x99e: {  	[tilespmem:s21], [sflag:$0x1] =	stream.indirect_vreg.gather [hbm4b:s5+s3], $0x80, v4, vm0, $0xb8;
	[tilespmem:$0x1D000] =	vst v63  }
0x99f: {  	v3 =	vadd.s32 v1, v3  }
0x9a0: {  	[tilespmem:s12], [sflag:$0x1] =	stream.indirect_vreg.gather [hbm4b:s6+s3], $0x80, v4, vm0, $0xb8;
	[tilespmem:$0x1D000] =	vst v63  }
0x9a1: {  	_ = 	snop  }
0x9a2: {  	[tilespmem:s19], [sflag:$0x1] =	stream.indirect_vreg.gather [hbm4b:s7+s3], $0x80, v4, vm0, $0xb8;
	[tilespmem:$0x1D000] =	vst v63  }
0x9a3: {  	_ = 	snop  }
0x9a4: {  	[tilespmem:s20], [sflag:$0x1] =	stream.indirect_vreg.gather [hbm4b:s2+s3], $0x80, v3, vm0, $0xb8;
	[tilespmem:$0x1D000] =	vst v63  }
0x9a5: {  	_ = 	snop  }
0x9a6: {  	[tilespmem:s22], [sflag:$0x1] =	stream.indirect_vreg.gather [hbm4b:s5+s3], $0x80, v3, vm0, $0xb8;
	[tilespmem:$0x1D000] =	vst v63  }
0x9a7: {  	s22 =	simm.s32 $0x4000  }
0x9a8: {  	[tilespmem:s22], [sflag:$0x1] =	stream.indirect_vreg.gather [hbm4b:s6+s3], $0x80, v3, vm0, $0xb8;
	[tilespmem:$0x1D000] =	vst v63  }
0x9a9: {  	s21 =	simm.s32 $0x4800  }
0x9aa: {  	[tilespmem:s21], [sflag:$0x1] =	stream.indirect_vreg.gather [hbm4b:s7+s3], $0x80, v3, vm0, $0xb8;
	[tilespmem:$0x1D000] =	vst v63  }
0x9ab: {  	v3 =	vld [tilespmem:$0xE10];
	_ =	sdelay $0x4  }
0x9ac: {  	v49 =	vshll.u32 v3, $0x3  }
0x9ad: {  	v3 =	vand.u32 $0x7, v3;
	v4 =	vand.u32 $0xFFFFFFC0, v49  }
0x9ae: {  	v3 =	vor.u32 v3, v4  }
0x9af: {  	v4 =	vperm.xlane v3, v0;
	_ =	sdelay $0x1  }
0x9b0: {  	v4 =	vadd.s32 v1, v4;
	_ =	sdelay $0x3  }
0x9b1: {  	s22 =	simm.s32 $0x5000  }
0x9b2: {  	[tilespmem:s22], [sflag:$0x1] =	stream.indirect_vreg.gather [hbm4b:s2+s3], $0x80, v4, vm0, $0xb8;
	[tilespmem:$0x1D000] =	vst v63  }
0x9b3: {  	s21 =	simm.s32 $0x5800;
	v3 =	vperm.xlane v3, v2  }
0x9b4: {  	[tilespmem:s21], [sflag:$0x1] =	stream.indirect_vreg.gather [hbm4b:s5+s3], $0x80, v4, vm0, $0xb8;
	[tilespmem:$0x1D000] =	vst v63  }
0x9b5: {  	v3 =	vadd.s32 v1, v3;
	s21 =	simm.s32 $0x6000  }
0x9b6: {  	[tilespmem:s21], [sflag:$0x1] =	stream.indirect_vreg.gather [hbm4b:s6+s3], $0x80, v4, vm0, $0xb8;
	[tilespmem:$0x1D000] =	vst v63  }
0x9b7: {  	s21 =	simm.s32 $0x6800  }
0x9b8: {  	[tilespmem:s21], [sflag:$0x1] =	stream.indirect_vreg.gather [hbm4b:s7+s3], $0x80, v4, vm0, $0xb8;
	[tilespmem:$0x1D000] =	vst v63  }
0x9b9: {  	s1 =	simm.s32 $0x7000  }
0x9ba: {  	[tilespmem:s1], [sflag:$0x1] =	stream.indirect_vreg.gather [hbm4b:s2+s3], $0x80, v3, vm0, $0xb8;
	[tilespmem:$0x1D000] =	vst v63  }
0x9bb: {  	s21 =	simm.s32 $0x7800  }
0x9bc: {  	[tilespmem:s21], [sflag:$0x1] =	stream.indirect_vreg.gather [hbm4b:s5+s3], $0x80, v3, vm0, $0xb8;
	[tilespmem:$0x1D000] =	vst v63  }
0x9bd: {  	s21 =	simm.s32 $0x8000  }
0x9be: {  	[tilespmem:s21], [sflag:$0x1] =	stream.indirect_vreg.gather [hbm4b:s6+s3], $0x80, v3, vm0, $0xb8;
	[tilespmem:$0x1D000] =	vst v63  }
0x9bf: {  	s21 =	simm.s32 $0x8800  }
0x9c0: {  	[tilespmem:s21], [sflag:$0x1] =	stream.indirect_vreg.gather [hbm4b:s7+s3], $0x80, v3, vm0, $0xb8;
	[tilespmem:$0x1D000] =	vst v63  }
0x9c1: {  	v3 =	vld [tilespmem:$0xE20];
	_ =	sdelay $0x4  }
0x9c2: {  	v50 =	vshll.u32 v3, $0x3  }
0x9c3: {  	v3 =	vand.u32 $0x7, v3;
	v4 =	vand.u32 $0xFFFFFFC0, v50  }
0x9c4: {  	v3 =	vor.u32 v3, v4  }
0x9c5: {  	v4 =	vperm.xlane v3, v0;
	_ =	sdelay $0x1  }
0x9c6: {  	v4 =	vadd.s32 v1, v4;
	_ =	sdelay $0x3  }
0x9c7: {  	s21 =	simm.s32 $0x9000  }
0x9c8: {  	[tilespmem:s21], [sflag:$0x1] =	stream.indirect_vreg.gather [hbm4b:s2+s3], $0x80, v4, vm0, $0xb8;
	[tilespmem:$0x1D000] =	vst v63  }
0x9c9: {  	v3 =	vperm.xlane v3, v2;
	s21 =	simm.s32 $0x9800  }
0x9ca: {  	[tilespmem:s21], [sflag:$0x1] =	stream.indirect_vreg.gather [hbm4b:s5+s3], $0x80, v4, vm0, $0xb8;
	[tilespmem:$0x1D000] =	vst v63  }
0x9cb: {  	v3 =	vadd.s32 v1, v3;
	s21 =	simm.s32 $0xA000  }
0x9cc: {  	[tilespmem:s21], [sflag:$0x1] =	stream.indirect_vreg.gather [hbm4b:s6+s3], $0x80, v4, vm0, $0xb8;
	[tilespmem:$0x1D000] =	vst v63  }
0x9cd: {  	s21 =	simm.s32 $0xA800  }
0x9ce: {  	[tilespmem:s21], [sflag:$0x1] =	stream.indirect_vreg.gather [hbm4b:s7+s3], $0x80, v4, vm0, $0xb8;
	[tilespmem:$0x1D000] =	vst v63  }
0x9cf: {  	s21 =	simm.s32 $0xB000  }
0x9d0: {  	[tilespmem:s21], [sflag:$0x1] =	stream.indirect_vreg.gather [hbm4b:s2+s3], $0x80, v3, vm0, $0xb8;
	[tilespmem:$0x1D000] =	vst v63  }
0x9d1: {  	s21 =	simm.s32 $0xB800  }
0x9d2: {  	[tilespmem:s21], [sflag:$0x1] =	stream.indirect_vreg.gather [hbm4b:s5+s3], $0x80, v3, vm0, $0xb8;
	[tilespmem:$0x1D000] =	vst v63  }
0x9d3: {  	s21 =	simm.s32 $0xC000  }
0x9d4: {  	[tilespmem:s21], [sflag:$0x1] =	stream.indirect_vreg.gather [hbm4b:s6+s3], $0x80, v3, vm0, $0xb8;
	[tilespmem:$0x1D000] =	vst v63  }
0x9d5: {  	_ = 	snop  }
0x9d6: {  	[tilespmem:s0], [sflag:$0x1] =	stream.indirect_vreg.gather [hbm4b:s7+s3], $0x80, v3, vm0, $0xb8;
	[tilespmem:$0x1D000] =	vst v63  }
0x9d7: {  	v3 =	vld.msk [tilespmem:$0xE30], $0x3;
	_ =	sdelay $0x4  }
0x9d8: {  	v51 =	vshll.u32 v3, $0x3  }
0x9d9: {  	v3 =	vand.u32 $0x7, v3;
	v4 =	vand.u32 $0xFFFFFFC0, v51  }
0x9da: {  	v3 =	vor.u32 v3, v4  }
0x9db: {  	v3 =	vperm.xlane v3, v0;
	_ =	sdelay $0x1  }
0x9dc: {  	v3 =	vadd.s32 v1, v3;
	_ =	sdelay $0x4  }
0x9dd: {  	[tilespmem:s18], [sflag:$0x1] =	stream.indirect_vreg.gather [hbm4b:s2+s3], $0x80, v3, vm1, $0xb8;
	[tilespmem:$0x1D000] =	vst v63  }
0x9de: {  	_ = 	snop  }
0x9df: {  	[tilespmem:s10], [sflag:$0x1] =	stream.indirect_vreg.gather [hbm4b:s5+s3], $0x80, v3, vm1, $0xb8;
	[tilespmem:$0x1D000] =	vst v63  }
0x9e0: {  	_ = 	snop  }
0x9e1: {  	[tilespmem:s31], [sflag:$0x1] =	stream.indirect_vreg.gather [hbm4b:s6+s3], $0x80, v3, vm1, $0xb8;
	[tilespmem:$0x1D000] =	vst v63  }
0x9e2: {  	_ = 	snop  }
0x9e3: {  	[tilespmem:s13], [sflag:$0x1] =	stream.indirect_vreg.gather [hbm4b:s7+s3], $0x80, v3, vm1, $0xb8;
	[tilespmem:$0x1D000] =	vst v63  }
0x9e4: {  	s10 =	rddreg [dreg:$0x1f];
	s13 =	simm.s32 $0xF000  }
0x9e5: {  	[hbm4b:s10+s3] =	stream.linear.scatter [tilespmem:s13], [sflag:$0x2], $0xE000, $0x38;
	[tilespmem:$0x1D000] =	vst v63  }
0x9e6: {  	_ =	swait.ge [sflag:s9], $0xE000  }
0x9e7: {  	[sflag:s9] =	ssyncset.done $0x0  }
0x9e8: {  	[sflag:s9] =	ssyncadd.s32 $0xFFFF2000  }
0x9e9: {  	_ =	swait.ge [sflag:s14], $0xC800  }
0x9ea: {  	[sflag:s14] =	ssyncset.done $0x0  }
0x9eb: {  	[sflag:s14] =	ssyncadd.s32 $0xFFFF3800  }
0x9ec: {  	v3 =	vld [tilespmem:$0xE80];
	_ =	sdelay $0x4  }
0x9ed: {  	v52 =	vshll.u32 v3, $0x3  }
0x9ee: {  	v3 =	vand.u32 $0x7, v3;
	v4 =	vand.u32 $0xFFFFFFC0, v52  }
0x9ef: {  	v3 =	vor.u32 v3, v4  }
0x9f0: {  	v4 =	vperm.xlane v3, v0;
	_ =	sdelay $0x1  }
0x9f1: {  	v4 =	vadd.s32 v1, v4;
	_ =	sdelay $0x4  }
0x9f2: {  	[tilespmem:s13], [sflag:$0x1] =	stream.indirect_vreg.gather [hbm4b:s2+s3], $0x80, v4, vm0, $0xb8;
	[tilespmem:$0x1D000] =	vst v63  }
0x9f3: {  	s21 =	simm.s32 $0xF800;
	v3 =	vperm.xlane v3, v2  }
0x9f4: {  	[tilespmem:s21], [sflag:$0x1] =	stream.indirect_vreg.gather [hbm4b:s5+s3], $0x80, v4, vm0, $0xb8;
	[tilespmem:$0x1D000] =	vst v63  }
0x9f5: {  	v3 =	vadd.s32 v1, v3  }
0x9f6: {  	[tilespmem:s11], [sflag:$0x1] =	stream.indirect_vreg.gather [hbm4b:s6+s3], $0x80, v4, vm0, $0xb8;
	[tilespmem:$0x1D000] =	vst v63  }
0x9f7: {  	_ = 	snop  }
0x9f8: {  	[tilespmem:s15], [sflag:$0x1] =	stream.indirect_vreg.gather [hbm4b:s7+s3], $0x80, v4, vm0, $0xb8;
	[tilespmem:$0x1D000] =	vst v63  }
0x9f9: {  	_ = 	snop  }
0x9fa: {  	[tilespmem:s16], [sflag:$0x1] =	stream.indirect_vreg.gather [hbm4b:s2+s3], $0x80, v3, vm0, $0xb8;
	[tilespmem:$0x1D000] =	vst v63  }
0x9fb: {  	_ = 	snop  }
0x9fc: {  	[tilespmem:s17], [sflag:$0x1] =	stream.indirect_vreg.gather [hbm4b:s5+s3], $0x80, v3, vm0, $0xb8;
	[tilespmem:$0x1D000] =	vst v63  }
0x9fd: {  	_ = 	snop  }
0x9fe: {  	[tilespmem:s23], [sflag:$0x1] =	stream.indirect_vreg.gather [hbm4b:s6+s3], $0x80, v3, vm0, $0xb8;
	[tilespmem:$0x1D000] =	vst v63  }
0x9ff: {  	s31 =	simm.s32 $0x12800  }
0xa00: {  	[tilespmem:s31], [sflag:$0x1] =	stream.indirect_vreg.gather [hbm4b:s7+s3], $0x80, v3, vm0, $0xb8;
	[tilespmem:$0x1D000] =	vst v63  }
0xa01: {  	v3 =	vld [tilespmem:$0xE90];
	_ =	sdelay $0x4  }
0xa02: {  	v53 =	vshll.u32 v3, $0x3  }
0xa03: {  	v3 =	vand.u32 $0x7, v3;
	v4 =	vand.u32 $0xFFFFFFC0, v53  }
0xa04: {  	v3 =	vor.u32 v3, v4  }
0xa05: {  	v4 =	vperm.xlane v3, v0;
	_ =	sdelay $0x1  }
0xa06: {  	v4 =	vadd.s32 v1, v4;
	_ =	sdelay $0x3  }
0xa07: {  	s21 =	simm.s32 $0x13000  }
0xa08: {  	[tilespmem:s21], [sflag:$0x1] =	stream.indirect_vreg.gather [hbm4b:s2+s3], $0x80, v4, vm0, $0xb8;
	[tilespmem:$0x1D000] =	vst v63  }
0xa09: {  	s23 =	simm.s32 $0x13800;
	v3 =	vperm.xlane v3, v2  }
0xa0a: {  	[tilespmem:s23], [sflag:$0x1] =	stream.indirect_vreg.gather [hbm4b:s5+s3], $0x80, v4, vm0, $0xb8;
	[tilespmem:$0x1D000] =	vst v63  }
0xa0b: {  	v3 =	vadd.s32 v1, v3  }
0xa0c: {  	[tilespmem:s24], [sflag:$0x1] =	stream.indirect_vreg.gather [hbm4b:s6+s3], $0x80, v4, vm0, $0xb8;
	[tilespmem:$0x1D000] =	vst v63  }
0xa0d: {  	_ = 	snop  }
0xa0e: {  	[tilespmem:s25], [sflag:$0x1] =	stream.indirect_vreg.gather [hbm4b:s7+s3], $0x80, v4, vm0, $0xb8;
	[tilespmem:$0x1D000] =	vst v63  }
0xa0f: {  	_ = 	snop  }
0xa10: {  	[tilespmem:s26], [sflag:$0x1] =	stream.indirect_vreg.gather [hbm4b:s2+s3], $0x80, v3, vm0, $0xb8;
	[tilespmem:$0x1D000] =	vst v63  }
0xa11: {  	s31 =	simm.s32 $0x15800  }
0xa12: {  	[tilespmem:s31], [sflag:$0x1] =	stream.indirect_vreg.gather [hbm4b:s5+s3], $0x80, v3, vm0, $0xb8;
	[tilespmem:$0x1D000] =	vst v63  }
0xa13: {  	s0 =	simm.s32 $0x16000  }
0xa14: {  	[tilespmem:s0], [sflag:$0x1] =	stream.indirect_vreg.gather [hbm4b:s6+s3], $0x80, v3, vm0, $0xb8;
	[tilespmem:$0x1D000] =	vst v63  }
0xa15: {  	s21 =	simm.s32 $0x16800  }
0xa16: {  	[tilespmem:s21], [sflag:$0x1] =	stream.indirect_vreg.gather [hbm4b:s7+s3], $0x80, v3, vm0, $0xb8;
	[tilespmem:$0x1D000] =	vst v63  }
0xa17: {  	v3 =	vld [tilespmem:$0xEA0];
	_ =	sdelay $0x4  }
0xa18: {  	v54 =	vshll.u32 v3, $0x3  }
0xa19: {  	v3 =	vand.u32 $0x7, v3;
	v4 =	vand.u32 $0xFFFFFFC0, v54  }
0xa1a: {  	v3 =	vor.u32 v3, v4  }
0xa1b: {  	v4 =	vperm.xlane v3, v0;
	_ =	sdelay $0x1  }
0xa1c: {  	v4 =	vadd.s32 v1, v4;
	_ =	sdelay $0x3  }
0xa1d: {  	s21 =	simm.s32 $0x17000  }
0xa1e: {  	[tilespmem:s21], [sflag:$0x1] =	stream.indirect_vreg.gather [hbm4b:s2+s3], $0x80, v4, vm0, $0xb8;
	[tilespmem:$0x1D000] =	vst v63  }
0xa1f: {  	v3 =	vperm.xlane v3, v2;
	s21 =	simm.s32 $0x17800  }
0xa20: {  	[tilespmem:s21], [sflag:$0x1] =	stream.indirect_vreg.gather [hbm4b:s5+s3], $0x80, v4, vm0, $0xb8;
	[tilespmem:$0x1D000] =	vst v63  }
0xa21: {  	v3 =	vadd.s32 v1, v3  }
0xa22: {  	[tilespmem:s4], [sflag:$0x1] =	stream.indirect_vreg.gather [hbm4b:s6+s3], $0x80, v4, vm0, $0xb8;
	[tilespmem:$0x1D000] =	vst v63  }
0xa23: {  	_ = 	snop  }
0xa24: {  	[tilespmem:s29], [sflag:$0x1] =	stream.indirect_vreg.gather [hbm4b:s7+s3], $0x80, v4, vm0, $0xb8;
	[tilespmem:$0x1D000] =	vst v63  }
0xa25: {  	_ = 	snop  }
0xa26: {  	[tilespmem:s30], [sflag:$0x1] =	stream.indirect_vreg.gather [hbm4b:s2+s3], $0x80, v3, vm0, $0xb8;
	[tilespmem:$0x1D000] =	vst v63  }
0xa27: {  	s0 =	simm.s32 $0x19800  }
0xa28: {  	[tilespmem:s0], [sflag:$0x1] =	stream.indirect_vreg.gather [hbm4b:s5+s3], $0x80, v3, vm0, $0xb8;
	[tilespmem:$0x1D000] =	vst v63  }
0xa29: {  	s4 =	simm.s32 $0x1A000  }
0xa2a: {  	[tilespmem:s4], [sflag:$0x1] =	stream.indirect_vreg.gather [hbm4b:s6+s3], $0x80, v3, vm0, $0xb8;
	[tilespmem:$0x1D000] =	vst v63  }
0xa2b: {  	s21 =	simm.s32 $0x1A800  }
0xa2c: {  	[tilespmem:s21], [sflag:$0x1] =	stream.indirect_vreg.gather [hbm4b:s7+s3], $0x80, v3, vm0, $0xb8;
	[tilespmem:$0x1D000] =	vst v63  }
0xa2d: {  	v3 =	vld.msk [tilespmem:$0xEB0], $0x3;
	_ =	sdelay $0x4  }
0xa2e: {  	v55 =	vshll.u32 v3, $0x3  }
0xa2f: {  	v3 =	vand.u32 $0x7, v3;
	v4 =	vand.u32 $0xFFFFFFC0, v55  }
0xa30: {  	v3 =	vor.u32 v3, v4  }
0xa31: {  	v3 =	vperm.xlane v3, v0;
	_ =	sdelay $0x1  }
0xa32: {  	v3 =	vadd.s32 v1, v3;
	_ =	sdelay $0x4  }
0xa33: {  	[tilespmem:s8], [sflag:$0x1] =	stream.indirect_vreg.gather [hbm4b:s2+s3], $0x80, v3, vm1, $0xb8;
	[tilespmem:$0x1D000] =	vst v63  }
0xa34: {  	s4 =	simm.s32 $0x1B800  }
0xa35: {  	[tilespmem:s4], [sflag:$0x1] =	stream.indirect_vreg.gather [hbm4b:s5+s3], $0x80, v3, vm1, $0xb8;
	[tilespmem:$0x1D000] =	vst v63  }
0xa36: {  	s0 =	simm.s32 $0x1C000  }
0xa37: {  	[tilespmem:s0], [sflag:$0x1] =	stream.indirect_vreg.gather [hbm4b:s6+s3], $0x80, v3, vm1, $0xb8;
	[tilespmem:$0x1D000] =	vst v63  }
0xa38: {  	s21 =	sld [smem:$0x7FA]  }
0xa39: {  	[tilespmem:s28], [sflag:$0x1] =	stream.indirect_vreg.gather [hbm4b:s7+s3], $0x80, v3, vm1, $0xb8;
	[tilespmem:$0x1D000] =	vst v63  }
0xa3a: {  	s4 =	simm.s32 $0x1000  }
0xa3b: {  	[hbm4b:s21+s3] =	stream.linear.scatter [tilespmem:s4], [sflag:$0x2], $0xE000, $0x38;
	[tilespmem:$0x1D000] =	vst v63  }
0xa3c: {  	_ =	swait.ge [sflag:s9], $0xE000  }
0xa3d: {  	[sflag:s9] =	ssyncset.done $0x0  }
0xa3e: {  	[sflag:s9] =	ssyncadd.s32 $0xFFFF2000  }
0xa3f: {  	_ =	swait.ge [sflag:s14], $0xC800  }
0xa40: {  	[sflag:s14] =	ssyncset.done $0x0  }
0xa41: {  	[sflag:s14] =	ssyncadd.s32 $0xFFFF3800  }
0xa42: {  	v3 =	vld [tilespmem:$0xF00];
	_ =	sdelay $0x4  }
0xa43: {  	v56 =	vshll.u32 v3, $0x3  }
0xa44: {  	v3 =	vand.u32 $0x7, v3;
	v4 =	vand.u32 $0xFFFFFFC0, v56  }
0xa45: {  	v3 =	vor.u32 v3, v4  }
0xa46: {  	v4 =	vperm.xlane v3, v0;
	_ =	sdelay $0x1  }
0xa47: {  	v4 =	vadd.s32 v1, v4;
	_ =	sdelay $0x4  }
0xa48: {  	[tilespmem:s4], [sflag:$0x1] =	stream.indirect_vreg.gather [hbm4b:s2+s3], $0x80, v4, vm0, $0xb8;
	[tilespmem:$0x1D000] =	vst v63  }
0xa49: {  	s21 =	simm.s32 $0x1800;
	v3 =	vperm.xlane v3, v2  }
0xa4a: {  	[tilespmem:s21], [sflag:$0x1] =	stream.indirect_vreg.gather [hbm4b:s5+s3], $0x80, v4, vm0, $0xb8;
	[tilespmem:$0x1D000] =	vst v63  }
0xa4b: {  	v3 =	vadd.s32 v1, v3;
	s21 =	simm.s32 $0x2000  }
0xa4c: {  	[tilespmem:s21], [sflag:$0x1] =	stream.indirect_vreg.gather [hbm4b:s6+s3], $0x80, v4, vm0, $0xb8;
	[tilespmem:$0x1D000] =	vst v63  }
0xa4d: {  	s12 =	simm.s32 $0x2800  }
0xa4e: {  	[tilespmem:s12], [sflag:$0x1] =	stream.indirect_vreg.gather [hbm4b:s7+s3], $0x80, v4, vm0, $0xb8;
	[tilespmem:$0x1D000] =	vst v63  }
0xa4f: {  	s19 =	simm.s32 $0x3000  }
0xa50: {  	[tilespmem:s19], [sflag:$0x1] =	stream.indirect_vreg.gather [hbm4b:s2+s3], $0x80, v3, vm0, $0xb8;
	[tilespmem:$0x1D000] =	vst v63  }
0xa51: {  	s20 =	simm.s32 $0x3800  }
0xa52: {  	[tilespmem:s20], [sflag:$0x1] =	stream.indirect_vreg.gather [hbm4b:s5+s3], $0x80, v3, vm0, $0xb8;
	[tilespmem:$0x1D000] =	vst v63  }
0xa53: {  	s21 =	simm.s32 $0x4000  }
0xa54: {  	[tilespmem:s21], [sflag:$0x1] =	stream.indirect_vreg.gather [hbm4b:s6+s3], $0x80, v3, vm0, $0xb8;
	[tilespmem:$0x1D000] =	vst v63  }
0xa55: {  	s19 =	simm.s32 $0x4800  }
0xa56: {  	[tilespmem:s19], [sflag:$0x1] =	stream.indirect_vreg.gather [hbm4b:s7+s3], $0x80, v3, vm0, $0xb8;
	[tilespmem:$0x1D000] =	vst v63  }
0xa57: {  	v3 =	vld [tilespmem:$0xF10];
	_ =	sdelay $0x4  }
0xa58: {  	v57 =	vshll.u32 v3, $0x3  }
0xa59: {  	v3 =	vand.u32 $0x7, v3;
	v4 =	vand.u32 $0xFFFFFFC0, v57  }
0xa5a: {  	v3 =	vor.u32 v3, v4  }
0xa5b: {  	v4 =	vperm.xlane v3, v0;
	_ =	sdelay $0x1  }
0xa5c: {  	v4 =	vadd.s32 v1, v4;
	_ =	sdelay $0x3  }
0xa5d: {  	s22 =	simm.s32 $0x5000  }
0xa5e: {  	[tilespmem:s22], [sflag:$0x1] =	stream.indirect_vreg.gather [hbm4b:s2+s3], $0x80, v4, vm0, $0xb8;
	[tilespmem:$0x1D000] =	vst v63  }
0xa5f: {  	s20 =	simm.s32 $0x5800;
	v3 =	vperm.xlane v3, v2  }
0xa60: {  	[tilespmem:s20], [sflag:$0x1] =	stream.indirect_vreg.gather [hbm4b:s5+s3], $0x80, v4, vm0, $0xb8;
	[tilespmem:$0x1D000] =	vst v63  }
0xa61: {  	s21 =	simm.s32 $0x6000;
	v3 =	vadd.s32 v1, v3  }
0xa62: {  	[tilespmem:s21], [sflag:$0x1] =	stream.indirect_vreg.gather [hbm4b:s6+s3], $0x80, v4, vm0, $0xb8;
	[tilespmem:$0x1D000] =	vst v63  }
0xa63: {  	s22 =	simm.s32 $0x6800  }
0xa64: {  	[tilespmem:s22], [sflag:$0x1] =	stream.indirect_vreg.gather [hbm4b:s7+s3], $0x80, v4, vm0, $0xb8;
	[tilespmem:$0x1D000] =	vst v63  }
0xa65: {  	_ = 	snop  }
0xa66: {  	[tilespmem:s1], [sflag:$0x1] =	stream.indirect_vreg.gather [hbm4b:s2+s3], $0x80, v3, vm0, $0xb8;
	[tilespmem:$0x1D000] =	vst v63  }
0xa67: {  	s12 =	simm.s32 $0x7800  }
0xa68: {  	[tilespmem:s12], [sflag:$0x1] =	stream.indirect_vreg.gather [hbm4b:s5+s3], $0x80, v3, vm0, $0xb8;
	[tilespmem:$0x1D000] =	vst v63  }
0xa69: {  	s19 =	simm.s32 $0x8000  }
0xa6a: {  	[tilespmem:s19], [sflag:$0x1] =	stream.indirect_vreg.gather [hbm4b:s6+s3], $0x80, v3, vm0, $0xb8;
	[tilespmem:$0x1D000] =	vst v63  }
0xa6b: {  	s20 =	simm.s32 $0x8800  }
0xa6c: {  	[tilespmem:s20], [sflag:$0x1] =	stream.indirect_vreg.gather [hbm4b:s7+s3], $0x80, v3, vm0, $0xb8;
	[tilespmem:$0x1D000] =	vst v63  }
0xa6d: {  	v3 =	vld [tilespmem:$0xF20];
	_ =	sdelay $0x4  }
0xa6e: {  	v58 =	vshll.u32 v3, $0x3  }
0xa6f: {  	v3 =	vand.u32 $0x7, v3;
	v4 =	vand.u32 $0xFFFFFFC0, v58  }
0xa70: {  	v3 =	vor.u32 v3, v4  }
0xa71: {  	v4 =	vperm.xlane v3, v0;
	_ =	sdelay $0x1  }
0xa72: {  	v4 =	vadd.s32 v1, v4;
	_ =	sdelay $0x3  }
0xa73: {  	s21 =	simm.s32 $0x9000  }
0xa74: {  	[tilespmem:s21], [sflag:$0x1] =	stream.indirect_vreg.gather [hbm4b:s2+s3], $0x80, v4, vm0, $0xb8;
	[tilespmem:$0x1D000] =	vst v63  }
0xa75: {  	s22 =	simm.s32 $0x9800;
	v3 =	vperm.xlane v3, v2  }
0xa76: {  	[tilespmem:s22], [sflag:$0x1] =	stream.indirect_vreg.gather [hbm4b:s5+s3], $0x80, v4, vm0, $0xb8;
	[tilespmem:$0x1D000] =	vst v63  }
0xa77: {  	s12 =	simm.s32 $0xA000;
	v3 =	vadd.s32 v1, v3  }
0xa78: {  	[tilespmem:s12], [sflag:$0x1] =	stream.indirect_vreg.gather [hbm4b:s6+s3], $0x80, v4, vm0, $0xb8;
	[tilespmem:$0x1D000] =	vst v63  }
0xa79: {  	s19 =	simm.s32 $0xA800  }
0xa7a: {  	[tilespmem:s19], [sflag:$0x1] =	stream.indirect_vreg.gather [hbm4b:s7+s3], $0x80, v4, vm0, $0xb8;
	[tilespmem:$0x1D000] =	vst v63  }
0xa7b: {  	s20 =	simm.s32 $0xB000  }
0xa7c: {  	[tilespmem:s20], [sflag:$0x1] =	stream.indirect_vreg.gather [hbm4b:s2+s3], $0x80, v3, vm0, $0xb8;
	[tilespmem:$0x1D000] =	vst v63  }
0xa7d: {  	s21 =	simm.s32 $0xB800  }
0xa7e: {  	[tilespmem:s21], [sflag:$0x1] =	stream.indirect_vreg.gather [hbm4b:s5+s3], $0x80, v3, vm0, $0xb8;
	[tilespmem:$0x1D000] =	vst v63  }
0xa7f: {  	s22 =	simm.s32 $0xC000  }
0xa80: {  	[tilespmem:s22], [sflag:$0x1] =	stream.indirect_vreg.gather [hbm4b:s6+s3], $0x80, v3, vm0, $0xb8;
	[tilespmem:$0x1D000] =	vst v63  }
0xa81: {  	s12 =	simm.s32 $0xC800  }
0xa82: {  	[tilespmem:s12], [sflag:$0x1] =	stream.indirect_vreg.gather [hbm4b:s7+s3], $0x80, v3, vm0, $0xb8;
	[tilespmem:$0x1D000] =	vst v63  }
0xa83: {  	v3 =	vld.msk [tilespmem:$0xF30], $0x3;
	_ =	sdelay $0x4  }
0xa84: {  	v59 =	vshll.u32 v3, $0x3  }
0xa85: {  	v3 =	vand.u32 $0x7, v3;
	v4 =	vand.u32 $0xFFFFFFC0, v59  }
0xa86: {  	v3 =	vor.u32 v3, v4  }
0xa87: {  	v3 =	vperm.xlane v3, v0;
	_ =	sdelay $0x1  }
0xa88: {  	v3 =	vadd.s32 v1, v3;
	_ =	sdelay $0x3  }
0xa89: {  	s18 =	simm.s32 $0xD000  }
0xa8a: {  	[tilespmem:s18], [sflag:$0x1] =	stream.indirect_vreg.gather [hbm4b:s2+s3], $0x80, v3, vm1, $0xb8;
	[tilespmem:$0x1D000] =	vst v63  }
0xa8b: {  	s18 =	simm.s32 $0xD800  }
0xa8c: {  	[tilespmem:s18], [sflag:$0x1] =	stream.indirect_vreg.gather [hbm4b:s5+s3], $0x80, v3, vm1, $0xb8;
	[tilespmem:$0x1D000] =	vst v63  }
0xa8d: {  	s19 =	simm.s32 $0xE000  }
0xa8e: {  	[tilespmem:s19], [sflag:$0x1] =	stream.indirect_vreg.gather [hbm4b:s6+s3], $0x80, v3, vm1, $0xb8;
	[tilespmem:$0x1D000] =	vst v63  }
0xa8f: {  	s20 =	sld [smem:$0x7FB];
	s22 =	simm.s32 $0xE800  }
0xa90: {  	[tilespmem:s22], [sflag:$0x1] =	stream.indirect_vreg.gather [hbm4b:s7+s3], $0x80, v3, vm1, $0xb8;
	[tilespmem:$0x1D000] =	vst v63  }
0xa91: {  	s10 =	simm.s32 $0xF000  }
0xa92: {  	[hbm4b:s20+s3] =	stream.linear.scatter [tilespmem:s10], [sflag:$0x2], $0xE000, $0x38;
	[tilespmem:$0x1D000] =	vst v63  }
0xa93: {  	_ =	swait.ge [sflag:s9], $0xE000  }
0xa94: {  	[sflag:s9] =	ssyncset.done $0x0  }
0xa95: {  	[sflag:s9] =	ssyncadd.s32 $0xFFFF2000  }
0xa96: {  	_ =	swait.ge [sflag:s14], $0xC800  }
0xa97: {  	[sflag:s14] =	ssyncset.done $0x0  }
0xa98: {  	[sflag:s14] =	ssyncadd.s32 $0xFFFF3800  }
0xa99: {  	v3 =	vld [tilespmem:$0xF80];
	_ =	sdelay $0x4  }
0xa9a: {  	v60 =	vshll.u32 v3, $0x3  }
0xa9b: {  	v3 =	vand.u32 $0x7, v3;
	v4 =	vand.u32 $0xFFFFFFC0, v60  }
0xa9c: {  	v3 =	vor.u32 v3, v4  }
0xa9d: {  	v4 =	vperm.xlane v3, v0;
	_ =	sdelay $0x1  }
0xa9e: {  	v4 =	vadd.s32 v1, v4;
	_ =	sdelay $0x4  }
0xa9f: {  	[tilespmem:s10], [sflag:$0x1] =	stream.indirect_vreg.gather [hbm4b:s2+s3], $0x80, v4, vm0, $0xb8;
	[tilespmem:$0x1D000] =	vst v63  }
0xaa0: {  	s12 =	simm.s32 $0xF800;
	v3 =	vperm.xlane v3, v2  }
0xaa1: {  	[tilespmem:s12], [sflag:$0x1] =	stream.indirect_vreg.gather [hbm4b:s5+s3], $0x80, v4, vm0, $0xb8;
	[tilespmem:$0x1D000] =	vst v63  }
0xaa2: {  	s11 =	simm.s32 $0x10000;
	v3 =	vadd.s32 v1, v3  }
0xaa3: {  	[tilespmem:s11], [sflag:$0x1] =	stream.indirect_vreg.gather [hbm4b:s6+s3], $0x80, v4, vm0, $0xb8;
	[tilespmem:$0x1D000] =	vst v63  }
0xaa4: {  	s13 =	simm.s32 $0x10800  }
0xaa5: {  	[tilespmem:s13], [sflag:$0x1] =	stream.indirect_vreg.gather [hbm4b:s7+s3], $0x80, v4, vm0, $0xb8;
	[tilespmem:$0x1D000] =	vst v63  }
0xaa6: {  	s15 =	simm.s32 $0x11000  }
0xaa7: {  	[tilespmem:s15], [sflag:$0x1] =	stream.indirect_vreg.gather [hbm4b:s2+s3], $0x80, v3, vm0, $0xb8;
	[tilespmem:$0x1D000] =	vst v63  }
0xaa8: {  	s16 =	simm.s32 $0x11800  }
0xaa9: {  	[tilespmem:s16], [sflag:$0x1] =	stream.indirect_vreg.gather [hbm4b:s5+s3], $0x80, v3, vm0, $0xb8;
	[tilespmem:$0x1D000] =	vst v63  }
0xaaa: {  	s17 =	simm.s32 $0x12000  }
0xaab: {  	[tilespmem:s17], [sflag:$0x1] =	stream.indirect_vreg.gather [hbm4b:s6+s3], $0x80, v3, vm0, $0xb8;
	[tilespmem:$0x1D000] =	vst v63  }
0xaac: {  	s16 =	simm.s32 $0x12800  }
0xaad: {  	[tilespmem:s16], [sflag:$0x1] =	stream.indirect_vreg.gather [hbm4b:s7+s3], $0x80, v3, vm0, $0xb8;
	[tilespmem:$0x1D000] =	vst v63  }
0xaae: {  	v3 =	vld [tilespmem:$0xF90];
	_ =	sdelay $0x4  }
0xaaf: {  	v61 =	vshll.u32 v3, $0x3  }
0xab0: {  	v3 =	vand.u32 $0x7, v3;
	v4 =	vand.u32 $0xFFFFFFC0, v61  }
0xab1: {  	v3 =	vor.u32 v3, v4  }
0xab2: {  	v4 =	vperm.xlane v3, v0;
	_ =	sdelay $0x1  }
0xab3: {  	v4 =	vadd.s32 v1, v4;
	_ =	sdelay $0x3  }
0xab4: {  	s17 =	simm.s32 $0x13000  }
0xab5: {  	[tilespmem:s17], [sflag:$0x1] =	stream.indirect_vreg.gather [hbm4b:s2+s3], $0x80, v4, vm0, $0xb8;
	[tilespmem:$0x1D000] =	vst v63  }
0xab6: {  	s18 =	simm.s32 $0x13800;
	v3 =	vperm.xlane v3, v2  }
0xab7: {  	[tilespmem:s18], [sflag:$0x1] =	stream.indirect_vreg.gather [hbm4b:s5+s3], $0x80, v4, vm0, $0xb8;
	[tilespmem:$0x1D000] =	vst v63  }
0xab8: {  	s23 =	simm.s32 $0x14000;
	v3 =	vadd.s32 v1, v3  }
0xab9: {  	[tilespmem:s23], [sflag:$0x1] =	stream.indirect_vreg.gather [hbm4b:s6+s3], $0x80, v4, vm0, $0xb8;
	[tilespmem:$0x1D000] =	vst v63  }
0xaba: {  	s24 =	simm.s32 $0x14800  }
0xabb: {  	[tilespmem:s24], [sflag:$0x1] =	stream.indirect_vreg.gather [hbm4b:s7+s3], $0x80, v4, vm0, $0xb8;
	[tilespmem:$0x1D000] =	vst v63  }
0xabc: {  	s25 =	simm.s32 $0x15000  }
0xabd: {  	[tilespmem:s25], [sflag:$0x1] =	stream.indirect_vreg.gather [hbm4b:s2+s3], $0x80, v3, vm0, $0xb8;
	[tilespmem:$0x1D000] =	vst v63  }
0xabe: {  	s26 =	simm.s32 $0x15800  }
0xabf: {  	[tilespmem:s26], [sflag:$0x1] =	stream.indirect_vreg.gather [hbm4b:s5+s3], $0x80, v3, vm0, $0xb8;
	[tilespmem:$0x1D000] =	vst v63  }
0xac0: {  	s31 =	simm.s32 $0x16000  }
0xac1: {  	[tilespmem:s31], [sflag:$0x1] =	stream.indirect_vreg.gather [hbm4b:s6+s3], $0x80, v3, vm0, $0xb8;
	[tilespmem:$0x1D000] =	vst v63  }
0xac2: {  	s19 =	simm.s32 $0x16800  }
0xac3: {  	[tilespmem:s19], [sflag:$0x1] =	stream.indirect_vreg.gather [hbm4b:s7+s3], $0x80, v3, vm0, $0xb8;
	[tilespmem:$0x1D000] =	vst v63  }
0xac4: {  	v3 =	vld [tilespmem:$0xFA0];
	_ =	sdelay $0x4  }
0xac5: {  	v62 =	vshll.u32 v3, $0x3  }
0xac6: {  	v3 =	vand.u32 $0x7, v3;
	v4 =	vand.u32 $0xFFFFFFC0, v62  }
0xac7: {  	v3 =	vor.u32 v3, v4  }
0xac8: {  	v4 =	vperm.xlane v3, v0;
	_ =	sdelay $0x1  }
0xac9: {  	v4 =	vadd.s32 v1, v4;
	_ =	sdelay $0x3  }
0xaca: {  	s20 =	simm.s32 $0x17000  }
0xacb: {  	[tilespmem:s20], [sflag:$0x1] =	stream.indirect_vreg.gather [hbm4b:s2+s3], $0x80, v4, vm0, $0xb8;
	[tilespmem:$0x1D000] =	vst v63  }
0xacc: {  	s21 =	simm.s32 $0x17800;
	v3 =	vperm.xlane v3, v2  }
0xacd: {  	[tilespmem:s21], [sflag:$0x1] =	stream.indirect_vreg.gather [hbm4b:s5+s3], $0x80, v4, vm0, $0xb8;
	[tilespmem:$0x1D000] =	vst v63  }
0xace: {  	s22 =	simm.s32 $0x18000;
	v3 =	vadd.s32 v1, v3  }
0xacf: {  	[tilespmem:s22], [sflag:$0x1] =	stream.indirect_vreg.gather [hbm4b:s6+s3], $0x80, v4, vm0, $0xb8;
	[tilespmem:$0x1D000] =	vst v63  }
0xad0: {  	s29 =	simm.s32 $0x18800  }
0xad1: {  	[tilespmem:s29], [sflag:$0x1] =	stream.indirect_vreg.gather [hbm4b:s7+s3], $0x80, v4, vm0, $0xb8;
	[tilespmem:$0x1D000] =	vst v63  }
0xad2: {  	s30 =	simm.s32 $0x19000  }
0xad3: {  	[tilespmem:s30], [sflag:$0x1] =	stream.indirect_vreg.gather [hbm4b:s2+s3], $0x80, v3, vm0, $0xb8;
	[tilespmem:$0x1D000] =	vst v63  }
0xad4: {  	s23 =	simm.s32 $0x19800  }
0xad5: {  	[tilespmem:s23], [sflag:$0x1] =	stream.indirect_vreg.gather [hbm4b:s5+s3], $0x80, v3, vm0, $0xb8;
	[tilespmem:$0x1D000] =	vst v63  }
0xad6: {  	s24 =	simm.s32 $0x1A000  }
0xad7: {  	[tilespmem:s24], [sflag:$0x1] =	stream.indirect_vreg.gather [hbm4b:s6+s3], $0x80, v3, vm0, $0xb8;
	[tilespmem:$0x1D000] =	vst v63  }
0xad8: {  	s25 =	simm.s32 $0x1A800  }
0xad9: {  	[tilespmem:s25], [sflag:$0x1] =	stream.indirect_vreg.gather [hbm4b:s7+s3], $0x80, v3, vm0, $0xb8;
	[tilespmem:$0x1D000] =	vst v63  }
0xada: {  	v3 =	vld.msk [tilespmem:$0xFB0], $0x3;
	_ =	sdelay $0x4  }
0xadb: {  	v63 =	vshll.u32 v3, $0x3  }
0xadc: {  	v3 =	vand.u32 $0x7, v3;
	v4 =	vand.u32 $0xFFFFFFC0, v63  }
0xadd: {  	v3 =	vor.u32 v3, v4  }
0xade: {  	v3 =	vperm.xlane v3, v0;
	_ =	sdelay $0x1  }
0xadf: {  	v3 =	vadd.s32 v1, v3;
	_ =	sdelay $0x3  }
0xae0: {  	s8 =	simm.s32 $0x1B000  }
0xae1: {  	[tilespmem:s8], [sflag:$0x1] =	stream.indirect_vreg.gather [hbm4b:s2+s3], $0x80, v3, vm1, $0xb8;
	[tilespmem:$0x1D000] =	vst v63  }
0xae2: {  	s26 =	simm.s32 $0x1B800  }
0xae3: {  	[tilespmem:s26], [sflag:$0x1] =	stream.indirect_vreg.gather [hbm4b:s5+s3], $0x80, v3, vm1, $0xb8;
	[tilespmem:$0x1D000] =	vst v63  }
0xae4: {  	_ = 	snop  }
0xae5: {  	[tilespmem:s0], [sflag:$0x1] =	stream.indirect_vreg.gather [hbm4b:s6+s3], $0x80, v3, vm1, $0xb8;
	[tilespmem:$0x1D000] =	vst v63  }
0xae6: {  	s28 =	simm.s32 $0x1C800;
	s29 =	sld [smem:$0x7FC]  }
0xae7: {  	[tilespmem:s28], [sflag:$0x1] =	stream.indirect_vreg.gather [hbm4b:s7+s3], $0x80, v3, vm1, $0xb8;
	[tilespmem:$0x1D000] =	vst v63  }
0xae8: {  	s4 =	simm.s32 $0x1000  }
0xae9: {  	[hbm4b:s29+s3] =	stream.linear.scatter [tilespmem:s4], [sflag:$0x2], $0xE000, $0x38;
	[tilespmem:$0x1D000] =	vst v63  }
0xaea: {  	_ =	swait.ge [sflag:s9], $0xE000  }
0xaeb: {  	[sflag:s9] =	ssyncset.done $0x0  }
0xaec: {  	[sflag:s9] =	ssyncadd.s32 $0xFFFF2000  }
0xaed: {  	_ =	swait.ge [sflag:s14], $0xC800  }
0xaee: {  	s31 =	sld [smem:$0x7F8];
	_ =	sdelay $0x1  }
0xaef: {  	s30 =	sld [smem:$0x7FD]  }
0xaf0: {  	[sflag:s14] =	ssyncset.done $0x0;
	p0 =	sne.s32 s31, $0x1  }
.Ltmp0:
0xaf1: {  	[sflag:s14] =	ssyncadd.s32 $0xFFFF3800;
	(pc) =	sbr.rel @p0 .LBB2_1-.Ltmp0, $4  }
0xaf2: {  	[hbm4b:s30+s3] =	stream.linear.scatter [tilespmem:s10], [sflag:$0x2], $0xE000, $0x38;
	[tilespmem:$0x1D000] =	vst v63  }
0xaf3: {  	_ =	swait.ge [sflag:s9], $0xE000  }
0xaf4: {  	[sflag:s9] =	ssyncset.done $0x0  }
0xaf5: {  	s21 =	sadd.s32 $0xFFFFFFFF, s31;
	[sflag:s9] =	ssyncadd.s32 $0xFFFF2000  }
0xaf6: {  	_ =	sfence.sel $0x180000  }
0xaf7: {  	[bflag:$0x0] =	sbarrier.arrive $0xFFFF  }
0xaf8: {  	_ =	strace $0x90000047  }
0xaf9: {  	s0 =	stileid.u32;
	[bflag:$0x2] =	sbarrier.arrive $0xFFFF  }
0xafa: {  	p0 =	sne.s32 s0, $0x0;
	s0 =	rddreg [dreg:$0x3]  }
0xafb: {  	s0 =	sadd.s32 @!p0 $0x100000, s0  }
0xafc: {  	[sflag:s0] =	ssyncadd.tile.s32 @!p0 $0x1;
	_ =	shalt  }
.Lfunc_end2:
_tile_overlayer_lowered:
.L_overlay_start_2:
0xafd: {  	(tag) =	ssettag $0x2  }
0xafe: {  	s0 =	rddreg [dreg:$0x0];
	s2 =	stileid.u32  }
0xaff: {  	s1 =	rddreg [dreg:$0x1];
	p0 =	sne.s32 s2, $0x0  }
0xb00: {  	s3 =	rddreg [dreg:$0x2];
	[bflag:$0x3] =	sbarrier.arrive $0xFFFF;
	s2 =	simm.s32 @!p0 $0x1C02  }
0xb01: {  	[timem:s3], [sflag:s2] =	dma.local @!p0 [hbm:s0], s1  }
0xb02: {  	s0 =	simm.s32 @!p0 $0x2  }
0xb03: {  	_ =	swait.ge @!p0 [sflag:s0], s1  }
0xb04: {  	s1 =	ssub.s32 @!p0 $0x0, s1;
	[sflag:s0] =	ssyncset.done @!p0 $0x0  }
0xb05: {  	[sflag:s0] =	ssyncadd.s32 @!p0 s1  }
0xb06: {  	[bflag:$0x3] =	sbarrier.arrive $0xFFFF  }
0xb07: {  	_ =	shalt  }

</sc_bundles>
